<compile_context>
chip_gen: v7x
topology: tpu7x:2x2x1
jax: 0.10.2.dev20260603
libtpu: 0.0.44.dev20260713+nightly
codegen_flags: <defaults>
</compile_context>

<pallas_src>
import functools

import numpy as np

import jax
import jax.numpy as jnp
from jax import lax
from jax.experimental import pallas as pl
from jax.experimental.pallas import tpu as pltpu
from jax.experimental.pallas import tpu_sc as plsc

D = 16
IGNORE_VALUE = -1000.0
BIG = float(np.finfo(np.float32).max)
ABS_TRUNC_MASK = np.uint32(0x7FFFFFF0)

NUM_CORES = 2
NUM_SUBCORES = 16
NUM_WORKERS = NUM_CORES * NUM_SUBCORES
CHUNK_ROWS = 2048


def _sc_body(rows_per_worker, n_chunks, out_hbm, tgt_hbm, loss_hbm,
             o_v, t_v, acc_v):
    cid = lax.axis_index("c")
    sid = lax.axis_index("s")
    wid = sid * NUM_CORES + cid
    row0 = wid * rows_per_worker
    iota = lax.iota(jnp.int32, 16)
    tiles_per_chunk = CHUNK_ROWS // 16

    def chunk_body(c, acc):
        ebase = (row0 + c * CHUNK_ROWS) * 16
        pltpu.sync_copy(out_hbm.at[pl.ds(ebase, CHUNK_ROWS * 16)], o_v)
        pltpu.sync_copy(tgt_hbm.at[pl.ds(ebase, CHUNK_ROWS * 16)], t_v)

        def tile_body(t, acc):
            base = t * 256 + iota * 16
            o = [plsc.load_gather(o_v, [base + j]) for j in range(D)]
            for i in range(D):
                sel = plsc.load_gather(t_v, [base + i])
                keys = [
                    (lax.bitcast_convert_type(o[j] - sel, jnp.uint32)
                     & ABS_TRUNC_MASK) | np.uint32(j)
                    for j in range(D)
                ]
                k = keys
                while len(k) > 1:
                    k = [jnp.minimum(k[2 * a], k[2 * a + 1])
                         for a in range(len(k) // 2)]
                curkey = k[0]
                for j in range(D):
                    o[j] = jnp.where(keys[j] == curkey, BIG, o[j])
                dmin = lax.bitcast_convert_type(
                    curkey & ABS_TRUNC_MASK, jnp.float32)
                acc = acc + jnp.where(sel != IGNORE_VALUE,
                                      dmin * dmin, 0.0)
            return acc

        return lax.fori_loop(0, tiles_per_chunk, tile_body, acc)

    acc = lax.fori_loop(0, n_chunks, chunk_body,
                        jnp.zeros((16,), jnp.float32))
    acc_v[...] = acc
    pltpu.sync_copy(acc_v, loss_hbm.at[wid])


def kernel(outputs, targets):
    B, Dn = outputs.shape
    assert Dn == D and B % (NUM_WORKERS * CHUNK_ROWS) == 0
    rows_per_worker = B // NUM_WORKERS
    n_chunks = rows_per_worker // CHUNK_ROWS

    mesh = plsc.VectorSubcoreMesh(
        core_axis_name="c", subcore_axis_name="s",
        num_cores=NUM_CORES, num_subcores=NUM_SUBCORES)
    partials = pl.kernel(
        functools.partial(_sc_body, rows_per_worker, n_chunks),
        out_type=jax.ShapeDtypeStruct((NUM_WORKERS, 16), jnp.float32),
        mesh=mesh,
        compiler_params=pltpu.CompilerParams(needs_layout_passes=False),
        scratch_types=[
            pltpu.VMEM((CHUNK_ROWS * 16,), jnp.float32),
            pltpu.VMEM((CHUNK_ROWS * 16,), jnp.float32),
            pltpu.VMEM((16,), jnp.float32),
        ],
    )(outputs.reshape(-1), targets.reshape(-1))
    return jnp.sum(partials) / (B * D)

# --- scband reference (transcript-rebuilt; emitter-appended) ---
"""Pipeline reference for scband-multi-depth-limited-mseloss-1941325218285 (READ-ONLY COPY).

The authoritative reference and input builder live on the scoring server;
editing this copy changes nothing except your own understanding.
"""

import jax, jax.numpy as jnp
import numpy as np

B = 524288
D = 16
IGNORE_VALUE = -1000.0


def setup_inputs(seed: int = 0) -> dict:
    key = jax.random.key(seed)
    k1, k2 = jax.random.split(key)
    outputs = jax.random.normal(k1, (B, D), dtype=jnp.float32)
    targets = jax.random.normal(k2, (B, D), dtype=jnp.float32)
    return {"outputs": outputs, "targets": targets}


def reference(outputs, targets):
    Bn, Dn = outputs.shape
    outputs_cpy = outputs
    resort_indices = jnp.zeros((Bn, Dn), dtype=jnp.int32)
    rows = jnp.arange(Bn)
    big = jnp.finfo(outputs.dtype).max
    for i in range(Dn):
        # sel_targets = targets[..., i] broadcast across last dim (torch: reshape+repeat)
        sel_targets = targets[:, i][:, None]
        diff2 = jnp.abs(outputs_cpy - sel_targets)
        ids = jnp.argmin(diff2, axis=-1)  # [B]
        # torch scatter_ along dim 1 with finfo.max to mask out the matched slot
        outputs_cpy = outputs_cpy.at[rows, ids].set(big)
        resort_indices = resort_indices.at[:, i].set(ids.astype(jnp.int32))
    # gather outputs along dim 1 with the greedy-match permutation
    outputs_shfled = jnp.take_along_axis(outputs, resort_indices, axis=1)
    seltargets = jnp.where(targets != IGNORE_VALUE, targets, outputs_shfled)
    return jnp.mean((outputs_shfled - seltargets) ** 2)

if __name__ == "__main__":
    import jax
    _d = setup_inputs()
    print(jax.jit(kernel)(*tuple(_d.values())))

</pallas_src>

<mosaic_0001>
#map = affine_map<(d0, d1) -> (0)>
#map1 = affine_map<(d0, d1) -> (0, 0)>
module attributes {stable_mosaic.version = 14 : i64} {
  func.func @_sc_body(%arg0: i32, %arg1: i32, %arg2: memref<8388608xf32, #tpu.memory_space<hbm>>, %arg3: memref<8388608xf32, #tpu.memory_space<hbm>>, %arg4: memref<32x16xf32, #tpu.memory_space<hbm>>, %arg5: memref<32768xf32, #tpu.memory_space<vmem>>, %arg6: memref<32768xf32, #tpu.memory_space<vmem>>, %arg7: memref<16xf32, #tpu.memory_space<vmem>>) attributes {dimension_semantics = [#tpu.dimension_semantics<core_parallel>, #tpu.dimension_semantics<subcore_parallel>], iteration_bounds = array<i64: 2, 16>, scalar_prefetch = 0 : i64, scratch_operands = 3 : i64, tpu.core_type = #tpu.core_type<sc_vector_subcore>, window_params = [{transform_indices = #map}, {transform_indices = #map}, {transform_indices = #map1}]} {
    %mul3A = arith.constant 2 : i32
    %mul3A_0 = arith.muli %arg1, %mul3A : i32
    %add3A = arith.addi %mul3A_0, %arg0 : i32
    %mul3A_1 = arith.constant 16384 : i32
    %mul3A_2 = arith.muli %add3A, %mul3A_1 : i32
    %iota3A = tpu.iota {dimensions = array<i32: 0>} : vector<16xi32>
    %broadcast_in_dim3A = arith.constant 0.000000e+00 : f32
    %broadcast_in_dim3A_3 = vector.broadcast %broadcast_in_dim3A : f32 to vector<16xf32>
    %scan3A = arith.constant 0 : i32
    %scan3A_4 = arith.constant 8 : i32
    %scan3A_5 = arith.addi %scan3A, %scan3A_4 : i32
    %scan3A_6 = arith.constant 1 : i32
    %scan3A_7 = scf.for %scan3A_10 = %scan3A to %scan3A_5 step %scan3A_6 iter_args(%scan3A_11 = %broadcast_in_dim3A_3) -> (vector<16xf32>)  : i32 {
      %mul3A_12 = arith.constant 2048 : i32
      %mul3A_13 = arith.muli %scan3A_10, %mul3A_12 : i32
      %add3A_14 = arith.addi %mul3A_2, %mul3A_13 : i32
      %mul3A_15 = arith.constant 16 : i32
      %mul3A_16 = arith.muli %add3A_14, %mul3A_15 : i32
      "tpu.region"() ({
        %run_scoped3A = tpu.sem_alloc : memref<!tpu.dma_semaphore, #tpu.memory_space<semaphore_mem>>
        %dma_start3A = tpu.memref_slice %arg2[%mul3A_16] : memref<8388608xf32, #tpu.memory_space<hbm>> -> memref<32768xf32, #tpu.memory_space<hbm>>
        %dma_start3A_23 = tpu.memref_slice %arg2[%mul3A_16] : memref<8388608xf32, #tpu.memory_space<hbm>> -> memref<32768xf32, #tpu.memory_space<hbm>>
        tpu.enqueue_dma source(%dma_start3A_23 : memref<32768xf32, #tpu.memory_space<hbm>>) target(%arg5 : memref<32768xf32, #tpu.memory_space<vmem>>) target_semaphore(%run_scoped3A : memref<!tpu.dma_semaphore, #tpu.memory_space<semaphore_mem>>)
        %dma_wait3A = tpu.memref_slice %arg2[%mul3A_16] : memref<8388608xf32, #tpu.memory_space<hbm>> -> memref<32768xf32, #tpu.memory_space<hbm>>
        %dma_wait3A_24 = tpu.memref_slice %arg2[%mul3A_16] : memref<8388608xf32, #tpu.memory_space<hbm>> -> memref<32768xf32, #tpu.memory_space<hbm>>
        tpu.wait_dma2 semaphore(%run_scoped3A : memref<!tpu.dma_semaphore, #tpu.memory_space<semaphore_mem>>) src(%dma_wait3A_24 : memref<32768xf32, #tpu.memory_space<hbm>>) dst(%arg5 : memref<32768xf32, #tpu.memory_space<vmem>>)
        tpu.yield
      }) : () -> ()
      "tpu.region"() ({
        %run_scoped3A = tpu.sem_alloc : memref<!tpu.dma_semaphore, #tpu.memory_space<semaphore_mem>>
        %dma_start3A = tpu.memref_slice %arg3[%mul3A_16] : memref<8388608xf32, #tpu.memory_space<hbm>> -> memref<32768xf32, #tpu.memory_space<hbm>>
        %dma_start3A_23 = tpu.memref_slice %arg3[%mul3A_16] : memref<8388608xf32, #tpu.memory_space<hbm>> -> memref<32768xf32, #tpu.memory_space<hbm>>
        tpu.enqueue_dma source(%dma_start3A_23 : memref<32768xf32, #tpu.memory_space<hbm>>) target(%arg6 : memref<32768xf32, #tpu.memory_space<vmem>>) target_semaphore(%run_scoped3A : memref<!tpu.dma_semaphore, #tpu.memory_space<semaphore_mem>>)
        %dma_wait3A = tpu.memref_slice %arg3[%mul3A_16] : memref<8388608xf32, #tpu.memory_space<hbm>> -> memref<32768xf32, #tpu.memory_space<hbm>>
        %dma_wait3A_24 = tpu.memref_slice %arg3[%mul3A_16] : memref<8388608xf32, #tpu.memory_space<hbm>> -> memref<32768xf32, #tpu.memory_space<hbm>>
        tpu.wait_dma2 semaphore(%run_scoped3A : memref<!tpu.dma_semaphore, #tpu.memory_space<semaphore_mem>>) src(%dma_wait3A_24 : memref<32768xf32, #tpu.memory_space<hbm>>) dst(%arg6 : memref<32768xf32, #tpu.memory_space<vmem>>)
        tpu.yield
      }) : () -> ()
      %scan3A_17 = arith.constant 0 : i32
      %scan3A_18 = arith.constant 128 : i32
      %scan3A_19 = arith.addi %scan3A_17, %scan3A_18 : i32
      %scan3A_20 = arith.constant 1 : i32
      %scan3A_21 = scf.for %scan3A_23 = %scan3A_17 to %scan3A_19 step %scan3A_20 iter_args(%scan3A_24 = %scan3A_11) -> (vector<16xf32>)  : i32 {
        %mul3A_25 = arith.constant 256 : i32
        %mul3A_26 = arith.muli %scan3A_23, %mul3A_25 : i32
        %mul3A_27 = arith.constant 16 : i32
        %mul3A_28 = vector.broadcast %mul3A_27 : i32 to vector<16xi32>
        %mul3A_29 = arith.muli %iota3A, %mul3A_28 : vector<16xi32>
        %add3A_30 = vector.broadcast %mul3A_26 : i32 to vector<16xi32>
        %add3A_31 = arith.addi %add3A_30, %mul3A_29 : vector<16xi32>
        %add3A_32 = arith.constant 0 : i32
        %add3A_33 = vector.broadcast %add3A_32 : i32 to vector<16xi32>
        %add3A_34 = arith.addi %add3A_31, %add3A_33 : vector<16xi32>
        %gather3A = tpu.vector_load_idx %arg5[%add3A_34] : memref<32768xf32, #tpu.memory_space<vmem>>[vector<16xi32>], vector<16xf32>,
        %add3A_35 = arith.constant 1 : i32
        %add3A_36 = vector.broadcast %add3A_35 : i32 to vector<16xi32>
        %add3A_37 = arith.addi %add3A_31, %add3A_36 : vector<16xi32>
        %gather3A_38 = tpu.vector_load_idx %arg5[%add3A_37] : memref<32768xf32, #tpu.memory_space<vmem>>[vector<16xi32>], vector<16xf32>,
        %add3A_39 = arith.constant 2 : i32
        %add3A_40 = vector.broadcast %add3A_39 : i32 to vector<16xi32>
        %add3A_41 = arith.addi %add3A_31, %add3A_40 : vector<16xi32>
        %gather3A_42 = tpu.vector_load_idx %arg5[%add3A_41] : memref<32768xf32, #tpu.memory_space<vmem>>[vector<16xi32>], vector<16xf32>,
        %add3A_43 = arith.constant 3 : i32
        %add3A_44 = vector.broadcast %add3A_43 : i32 to vector<16xi32>
        %add3A_45 = arith.addi %add3A_31, %add3A_44 : vector<16xi32>
        %gather3A_46 = tpu.vector_load_idx %arg5[%add3A_45] : memref<32768xf32, #tpu.memory_space<vmem>>[vector<16xi32>], vector<16xf32>,
        %add3A_47 = arith.constant 4 : i32
        %add3A_48 = vector.broadcast %add3A_47 : i32 to vector<16xi32>
        %add3A_49 = arith.addi %add3A_31, %add3A_48 : vector<16xi32>
        %gather3A_50 = tpu.vector_load_idx %arg5[%add3A_49] : memref<32768xf32, #tpu.memory_space<vmem>>[vector<16xi32>], vector<16xf32>,
        %add3A_51 = arith.constant 5 : i32
        %add3A_52 = vector.broadcast %add3A_51 : i32 to vector<16xi32>
        %add3A_53 = arith.addi %add3A_31, %add3A_52 : vector<16xi32>
        %gather3A_54 = tpu.vector_load_idx %arg5[%add3A_53] : memref<32768xf32, #tpu.memory_space<vmem>>[vector<16xi32>], vector<16xf32>,
        %add3A_55 = arith.constant 6 : i32
        %add3A_56 = vector.broadcast %add3A_55 : i32 to vector<16xi32>
        %add3A_57 = arith.addi %add3A_31, %add3A_56 : vector<16xi32>
        %gather3A_58 = tpu.vector_load_idx %arg5[%add3A_57] : memref<32768xf32, #tpu.memory_space<vmem>>[vector<16xi32>], vector<16xf32>,
        %add3A_59 = arith.constant 7 : i32
        %add3A_60 = vector.broadcast %add3A_59 : i32 to vector<16xi32>
        %add3A_61 = arith.addi %add3A_31, %add3A_60 : vector<16xi32>
        %gather3A_62 = tpu.vector_load_idx %arg5[%add3A_61] : memref<32768xf32, #tpu.memory_space<vmem>>[vector<16xi32>], vector<16xf32>,
        %add3A_63 = arith.constant 8 : i32
        %add3A_64 = vector.broadcast %add3A_63 : i32 to vector<16xi32>
        %add3A_65 = arith.addi %add3A_31, %add3A_64 : vector<16xi32>
        %gather3A_66 = tpu.vector_load_idx %arg5[%add3A_65] : memref<32768xf32, #tpu.memory_space<vmem>>[vector<16xi32>], vector<16xf32>,
        %add3A_67 = arith.constant 9 : i32
        %add3A_68 = vector.broadcast %add3A_67 : i32 to vector<16xi32>
        %add3A_69 = arith.addi %add3A_31, %add3A_68 : vector<16xi32>
        %gather3A_70 = tpu.vector_load_idx %arg5[%add3A_69] : memref<32768xf32, #tpu.memory_space<vmem>>[vector<16xi32>], vector<16xf32>,
        %add3A_71 = arith.constant 10 : i32
        %add3A_72 = vector.broadcast %add3A_71 : i32 to vector<16xi32>
        %add3A_73 = arith.addi %add3A_31, %add3A_72 : vector<16xi32>
        %gather3A_74 = tpu.vector_load_idx %arg5[%add3A_73] : memref<32768xf32, #tpu.memory_space<vmem>>[vector<16xi32>], vector<16xf32>,
        %add3A_75 = arith.constant 11 : i32
        %add3A_76 = vector.broadcast %add3A_75 : i32 to vector<16xi32>
        %add3A_77 = arith.addi %add3A_31, %add3A_76 : vector<16xi32>
        %gather3A_78 = tpu.vector_load_idx %arg5[%add3A_77] : memref<32768xf32, #tpu.memory_space<vmem>>[vector<16xi32>], vector<16xf32>,
        %add3A_79 = arith.constant 12 : i32
        %add3A_80 = vector.broadcast %add3A_79 : i32 to vector<16xi32>
        %add3A_81 = arith.addi %add3A_31, %add3A_80 : vector<16xi32>
        %gather3A_82 = tpu.vector_load_idx %arg5[%add3A_81] : memref<32768xf32, #tpu.memory_space<vmem>>[vector<16xi32>], vector<16xf32>,
        %add3A_83 = arith.constant 13 : i32
        %add3A_84 = vector.broadcast %add3A_83 : i32 to vector<16xi32>
        %add3A_85 = arith.addi %add3A_31, %add3A_84 : vector<16xi32>
        %gather3A_86 = tpu.vector_load_idx %arg5[%add3A_85] : memref<32768xf32, #tpu.memory_space<vmem>>[vector<16xi32>], vector<16xf32>,
        %add3A_87 = arith.constant 14 : i32
        %add3A_88 = vector.broadcast %add3A_87 : i32 to vector<16xi32>
        %add3A_89 = arith.addi %add3A_31, %add3A_88 : vector<16xi32>
        %gather3A_90 = tpu.vector_load_idx %arg5[%add3A_89] : memref<32768xf32, #tpu.memory_space<vmem>>[vector<16xi32>], vector<16xf32>,
        %add3A_91 = arith.constant 15 : i32
        %add3A_92 = vector.broadcast %add3A_91 : i32 to vector<16xi32>
        %add3A_93 = arith.addi %add3A_31, %add3A_92 : vector<16xi32>
        %gather3A_94 = tpu.vector_load_idx %arg5[%add3A_93] : memref<32768xf32, #tpu.memory_space<vmem>>[vector<16xi32>], vector<16xf32>,
        %add3A_95 = arith.constant 0 : i32
        %add3A_96 = vector.broadcast %add3A_95 : i32 to vector<16xi32>
        %add3A_97 = arith.addi %add3A_31, %add3A_96 : vector<16xi32>
        %gather3A_98 = tpu.vector_load_idx %arg6[%add3A_97] : memref<32768xf32, #tpu.memory_space<vmem>>[vector<16xi32>], vector<16xf32>,
        %sub3A = arith.subf %gather3A, %gather3A_98 : vector<16xf32>
        %bitcast_convert_type3A = tpu.bitcast %sub3A : vector<16xf32> -> vector<16xi32>
        %and3A = arith.constant 2147483632 : i32
        %and3A_99 = vector.broadcast %and3A : i32 to vector<16xi32>
        %and3A_100 = arith.andi %bitcast_convert_type3A, %and3A_99 : vector<16xi32>
        %or3A = arith.constant 0 : i32
        %or3A_101 = vector.broadcast %or3A : i32 to vector<16xi32>
        %or3A_102 = arith.ori %and3A_100, %or3A_101 : vector<16xi32>
        %sub3A_103 = arith.subf %gather3A_38, %gather3A_98 : vector<16xf32>
        %bitcast_convert_type3A_104 = tpu.bitcast %sub3A_103 : vector<16xf32> -> vector<16xi32>
        %and3A_105 = arith.constant 2147483632 : i32
        %and3A_106 = vector.broadcast %and3A_105 : i32 to vector<16xi32>
        %and3A_107 = arith.andi %bitcast_convert_type3A_104, %and3A_106 : vector<16xi32>
        %or3A_108 = arith.constant 1 : i32
        %or3A_109 = vector.broadcast %or3A_108 : i32 to vector<16xi32>
        %or3A_110 = arith.ori %and3A_107, %or3A_109 : vector<16xi32>
        %sub3A_111 = arith.subf %gather3A_42, %gather3A_98 : vector<16xf32>
        %bitcast_convert_type3A_112 = tpu.bitcast %sub3A_111 : vector<16xf32> -> vector<16xi32>
        %and3A_113 = arith.constant 2147483632 : i32
        %and3A_114 = vector.broadcast %and3A_113 : i32 to vector<16xi32>
        %and3A_115 = arith.andi %bitcast_convert_type3A_112, %and3A_114 : vector<16xi32>
        %or3A_116 = arith.constant 2 : i32
        %or3A_117 = vector.broadcast %or3A_116 : i32 to vector<16xi32>
        %or3A_118 = arith.ori %and3A_115, %or3A_117 : vector<16xi32>
        %sub3A_119 = arith.subf %gather3A_46, %gather3A_98 : vector<16xf32>
        %bitcast_convert_type3A_120 = tpu.bitcast %sub3A_119 : vector<16xf32> -> vector<16xi32>
        %and3A_121 = arith.constant 2147483632 : i32
        %and3A_122 = vector.broadcast %and3A_121 : i32 to vector<16xi32>
        %and3A_123 = arith.andi %bitcast_convert_type3A_120, %and3A_122 : vector<16xi32>
        %or3A_124 = arith.constant 3 : i32
        %or3A_125 = vector.broadcast %or3A_124 : i32 to vector<16xi32>
        %or3A_126 = arith.ori %and3A_123, %or3A_125 : vector<16xi32>
        %sub3A_127 = arith.subf %gather3A_50, %gather3A_98 : vector<16xf32>
        %bitcast_convert_type3A_128 = tpu.bitcast %sub3A_127 : vector<16xf32> -> vector<16xi32>
        %and3A_129 = arith.constant 2147483632 : i32
        %and3A_130 = vector.broadcast %and3A_129 : i32 to vector<16xi32>
        %and3A_131 = arith.andi %bitcast_convert_type3A_128, %and3A_130 : vector<16xi32>
        %or3A_132 = arith.constant 4 : i32
        %or3A_133 = vector.broadcast %or3A_132 : i32 to vector<16xi32>
        %or3A_134 = arith.ori %and3A_131, %or3A_133 : vector<16xi32>
        %sub3A_135 = arith.subf %gather3A_54, %gather3A_98 : vector<16xf32>
        %bitcast_convert_type3A_136 = tpu.bitcast %sub3A_135 : vector<16xf32> -> vector<16xi32>
        %and3A_137 = arith.constant 2147483632 : i32
        %and3A_138 = vector.broadcast %and3A_137 : i32 to vector<16xi32>
        %and3A_139 = arith.andi %bitcast_convert_type3A_136, %and3A_138 : vector<16xi32>
        %or3A_140 = arith.constant 5 : i32
        %or3A_141 = vector.broadcast %or3A_140 : i32 to vector<16xi32>
        %or3A_142 = arith.ori %and3A_139, %or3A_141 : vector<16xi32>
        %sub3A_143 = arith.subf %gather3A_58, %gather3A_98 : vector<16xf32>
        %bitcast_convert_type3A_144 = tpu.bitcast %sub3A_143 : vector<16xf32> -> vector<16xi32>
        %and3A_145 = arith.constant 2147483632 : i32
        %and3A_146 = vector.broadcast %and3A_145 : i32 to vector<16xi32>
        %and3A_147 = arith.andi %bitcast_convert_type3A_144, %and3A_146 : vector<16xi32>
        %or3A_148 = arith.constant 6 : i32
        %or3A_149 = vector.broadcast %or3A_148 : i32 to vector<16xi32>
        %or3A_150 = arith.ori %and3A_147, %or3A_149 : vector<16xi32>
        %sub3A_151 = arith.subf %gather3A_62, %gather3A_98 : vector<16xf32>
        %bitcast_convert_type3A_152 = tpu.bitcast %sub3A_151 : vector<16xf32> -> vector<16xi32>
        %and3A_153 = arith.constant 2147483632 : i32
        %and3A_154 = vector.broadcast %and3A_153 : i32 to vector<16xi32>
        %and3A_155 = arith.andi %bitcast_convert_type3A_152, %and3A_154 : vector<16xi32>
        %or3A_156 = arith.constant 7 : i32
        %or3A_157 = vector.broadcast %or3A_156 : i32 to vector<16xi32>
        %or3A_158 = arith.ori %and3A_155, %or3A_157 : vector<16xi32>
        %sub3A_159 = arith.subf %gather3A_66, %gather3A_98 : vector<16xf32>
        %bitcast_convert_type3A_160 = tpu.bitcast %sub3A_159 : vector<16xf32> -> vector<16xi32>
        %and3A_161 = arith.constant 2147483632 : i32
        %and3A_162 = vector.broadcast %and3A_161 : i32 to vector<16xi32>
        %and3A_163 = arith.andi %bitcast_convert_type3A_160, %and3A_162 : vector<16xi32>
        %or3A_164 = arith.constant 8 : i32
        %or3A_165 = vector.broadcast %or3A_164 : i32 to vector<16xi32>
        %or3A_166 = arith.ori %and3A_163, %or3A_165 : vector<16xi32>
        %sub3A_167 = arith.subf %gather3A_70, %gather3A_98 : vector<16xf32>
        %bitcast_convert_type3A_168 = tpu.bitcast %sub3A_167 : vector<16xf32> -> vector<16xi32>
        %and3A_169 = arith.constant 2147483632 : i32
        %and3A_170 = vector.broadcast %and3A_169 : i32 to vector<16xi32>
        %and3A_171 = arith.andi %bitcast_convert_type3A_168, %and3A_170 : vector<16xi32>
        %or3A_172 = arith.constant 9 : i32
        %or3A_173 = vector.broadcast %or3A_172 : i32 to vector<16xi32>
        %or3A_174 = arith.ori %and3A_171, %or3A_173 : vector<16xi32>
        %sub3A_175 = arith.subf %gather3A_74, %gather3A_98 : vector<16xf32>
        %bitcast_convert_type3A_176 = tpu.bitcast %sub3A_175 : vector<16xf32> -> vector<16xi32>
        %and3A_177 = arith.constant 2147483632 : i32
        %and3A_178 = vector.broadcast %and3A_177 : i32 to vector<16xi32>
        %and3A_179 = arith.andi %bitcast_convert_type3A_176, %and3A_178 : vector<16xi32>
        %or3A_180 = arith.constant 10 : i32
        %or3A_181 = vector.broadcast %or3A_180 : i32 to vector<16xi32>
        %or3A_182 = arith.ori %and3A_179, %or3A_181 : vector<16xi32>
        %sub3A_183 = arith.subf %gather3A_78, %gather3A_98 : vector<16xf32>
        %bitcast_convert_type3A_184 = tpu.bitcast %sub3A_183 : vector<16xf32> -> vector<16xi32>
        %and3A_185 = arith.constant 2147483632 : i32
        %and3A_186 = vector.broadcast %and3A_185 : i32 to vector<16xi32>
        %and3A_187 = arith.andi %bitcast_convert_type3A_184, %and3A_186 : vector<16xi32>
        %or3A_188 = arith.constant 11 : i32
        %or3A_189 = vector.broadcast %or3A_188 : i32 to vector<16xi32>
        %or3A_190 = arith.ori %and3A_187, %or3A_189 : vector<16xi32>
        %sub3A_191 = arith.subf %gather3A_82, %gather3A_98 : vector<16xf32>
        %bitcast_convert_type3A_192 = tpu.bitcast %sub3A_191 : vector<16xf32> -> vector<16xi32>
        %and3A_193 = arith.constant 2147483632 : i32
        %and3A_194 = vector.broadcast %and3A_193 : i32 to vector<16xi32>
        %and3A_195 = arith.andi %bitcast_convert_type3A_192, %and3A_194 : vector<16xi32>
        %or3A_196 = arith.constant 12 : i32
        %or3A_197 = vector.broadcast %or3A_196 : i32 to vector<16xi32>
        %or3A_198 = arith.ori %and3A_195, %or3A_197 : vector<16xi32>
        %sub3A_199 = arith.subf %gather3A_86, %gather3A_98 : vector<16xf32>
        %bitcast_convert_type3A_200 = tpu.bitcast %sub3A_199 : vector<16xf32> -> vector<16xi32>
        %and3A_201 = arith.constant 2147483632 : i32
        %and3A_202 = vector.broadcast %and3A_201 : i32 to vector<16xi32>
        %and3A_203 = arith.andi %bitcast_convert_type3A_200, %and3A_202 : vector<16xi32>
        %or3A_204 = arith.constant 13 : i32
        %or3A_205 = vector.broadcast %or3A_204 : i32 to vector<16xi32>
        %or3A_206 = arith.ori %and3A_203, %or3A_205 : vector<16xi32>
        %sub3A_207 = arith.subf %gather3A_90, %gather3A_98 : vector<16xf32>
        %bitcast_convert_type3A_208 = tpu.bitcast %sub3A_207 : vector<16xf32> -> vector<16xi32>
        %and3A_209 = arith.constant 2147483632 : i32
        %and3A_210 = vector.broadcast %and3A_209 : i32 to vector<16xi32>
        %and3A_211 = arith.andi %bitcast_convert_type3A_208, %and3A_210 : vector<16xi32>
        %or3A_212 = arith.constant 14 : i32
        %or3A_213 = vector.broadcast %or3A_212 : i32 to vector<16xi32>
        %or3A_214 = arith.ori %and3A_211, %or3A_213 : vector<16xi32>
        %sub3A_215 = arith.subf %gather3A_94, %gather3A_98 : vector<16xf32>
        %bitcast_convert_type3A_216 = tpu.bitcast %sub3A_215 : vector<16xf32> -> vector<16xi32>
        %and3A_217 = arith.constant 2147483632 : i32
        %and3A_218 = vector.broadcast %and3A_217 : i32 to vector<16xi32>
        %and3A_219 = arith.andi %bitcast_convert_type3A_216, %and3A_218 : vector<16xi32>
        %or3A_220 = arith.constant 15 : i32
        %or3A_221 = vector.broadcast %or3A_220 : i32 to vector<16xi32>
        %or3A_222 = arith.ori %and3A_219, %or3A_221 : vector<16xi32>
        %min3A = arith.minui %or3A_102, %or3A_110 : vector<16xi32>
        %min3A_223 = arith.minui %or3A_118, %or3A_126 : vector<16xi32>
        %min3A_224 = arith.minui %or3A_134, %or3A_142 : vector<16xi32>
        %min3A_225 = arith.minui %or3A_150, %or3A_158 : vector<16xi32>
        %min3A_226 = arith.minui %or3A_166, %or3A_174 : vector<16xi32>
        %min3A_227 = arith.minui %or3A_182, %or3A_190 : vector<16xi32>
        %min3A_228 = arith.minui %or3A_198, %or3A_206 : vector<16xi32>
        %min3A_229 = arith.minui %or3A_214, %or3A_222 : vector<16xi32>
        %min3A_230 = arith.minui %min3A, %min3A_223 : vector<16xi32>
        %min3A_231 = arith.minui %min3A_224, %min3A_225 : vector<16xi32>
        %min3A_232 = arith.minui %min3A_226, %min3A_227 : vector<16xi32>
        %min3A_233 = arith.minui %min3A_228, %min3A_229 : vector<16xi32>
        %min3A_234 = arith.minui %min3A_230, %min3A_231 : vector<16xi32>
        %min3A_235 = arith.minui %min3A_232, %min3A_233 : vector<16xi32>
        %min3A_236 = arith.minui %min3A_234, %min3A_235 : vector<16xi32>
        %eq3A = arith.cmpi eq, %or3A_102, %min3A_236 : vector<16xi32>
        %jit3A = arith.constant 3.40282347E+38 : f32
        %broadcast_in_dim3A_237 = vector.broadcast %jit3A : f32 to vector<16xf32>
        %select_n3A = arith.select %eq3A, %broadcast_in_dim3A_237, %gather3A : vector<16xi1>, vector<16xf32>
        %eq3A_238 = arith.cmpi eq, %or3A_110, %min3A_236 : vector<16xi32>
        %jit3A_239 = arith.constant 3.40282347E+38 : f32
        %broadcast_in_dim3A_240 = vector.broadcast %jit3A_239 : f32 to vector<16xf32>
        %select_n3A_241 = arith.select %eq3A_238, %broadcast_in_dim3A_240, %gather3A_38 : vector<16xi1>, vector<16xf32>
        %eq3A_242 = arith.cmpi eq, %or3A_118, %min3A_236 : vector<16xi32>
        %jit3A_243 = arith.constant 3.40282347E+38 : f32
        %broadcast_in_dim3A_244 = vector.broadcast %jit3A_243 : f32 to vector<16xf32>
        %select_n3A_245 = arith.select %eq3A_242, %broadcast_in_dim3A_244, %gather3A_42 : vector<16xi1>, vector<16xf32>
        %eq3A_246 = arith.cmpi eq, %or3A_126, %min3A_236 : vector<16xi32>
        %jit3A_247 = arith.constant 3.40282347E+38 : f32
        %broadcast_in_dim3A_248 = vector.broadcast %jit3A_247 : f32 to vector<16xf32>
        %select_n3A_249 = arith.select %eq3A_246, %broadcast_in_dim3A_248, %gather3A_46 : vector<16xi1>, vector<16xf32>
        %eq3A_250 = arith.cmpi eq, %or3A_134, %min3A_236 : vector<16xi32>
        %jit3A_251 = arith.constant 3.40282347E+38 : f32
        %broadcast_in_dim3A_252 = vector.broadcast %jit3A_251 : f32 to vector<16xf32>
        %select_n3A_253 = arith.select %eq3A_250, %broadcast_in_dim3A_252, %gather3A_50 : vector<16xi1>, vector<16xf32>
        %eq3A_254 = arith.cmpi eq, %or3A_142, %min3A_236 : vector<16xi32>
        %jit3A_255 = arith.constant 3.40282347E+38 : f32
        %broadcast_in_dim3A_256 = vector.broadcast %jit3A_255 : f32 to vector<16xf32>
        %select_n3A_257 = arith.select %eq3A_254, %broadcast_in_dim3A_256, %gather3A_54 : vector<16xi1>, vector<16xf32>
        %eq3A_258 = arith.cmpi eq, %or3A_150, %min3A_236 : vector<16xi32>
        %jit3A_259 = arith.constant 3.40282347E+38 : f32
        %broadcast_in_dim3A_260 = vector.broadcast %jit3A_259 : f32 to vector<16xf32>
        %select_n3A_261 = arith.select %eq3A_258, %broadcast_in_dim3A_260, %gather3A_58 : vector<16xi1>, vector<16xf32>
        %eq3A_262 = arith.cmpi eq, %or3A_158, %min3A_236 : vector<16xi32>
        %jit3A_263 = arith.constant 3.40282347E+38 : f32
        %broadcast_in_dim3A_264 = vector.broadcast %jit3A_263 : f32 to vector<16xf32>
        %select_n3A_265 = arith.select %eq3A_262, %broadcast_in_dim3A_264, %gather3A_62 : vector<16xi1>, vector<16xf32>
        %eq3A_266 = arith.cmpi eq, %or3A_166, %min3A_236 : vector<16xi32>
        %jit3A_267 = arith.constant 3.40282347E+38 : f32
        %broadcast_in_dim3A_268 = vector.broadcast %jit3A_267 : f32 to vector<16xf32>
        %select_n3A_269 = arith.select %eq3A_266, %broadcast_in_dim3A_268, %gather3A_66 : vector<16xi1>, vector<16xf32>
        %eq3A_270 = arith.cmpi eq, %or3A_174, %min3A_236 : vector<16xi32>
        %jit3A_271 = arith.constant 3.40282347E+38 : f32
        %broadcast_in_dim3A_272 = vector.broadcast %jit3A_271 : f32 to vector<16xf32>
        %select_n3A_273 = arith.select %eq3A_270, %broadcast_in_dim3A_272, %gather3A_70 : vector<16xi1>, vector<16xf32>
        %eq3A_274 = arith.cmpi eq, %or3A_182, %min3A_236 : vector<16xi32>
        %jit3A_275 = arith.constant 3.40282347E+38 : f32
        %broadcast_in_dim3A_276 = vector.broadcast %jit3A_275 : f32 to vector<16xf32>
        %select_n3A_277 = arith.select %eq3A_274, %broadcast_in_dim3A_276, %gather3A_74 : vector<16xi1>, vector<16xf32>
        %eq3A_278 = arith.cmpi eq, %or3A_190, %min3A_236 : vector<16xi32>
        %jit3A_279 = arith.constant 3.40282347E+38 : f32
        %broadcast_in_dim3A_280 = vector.broadcast %jit3A_279 : f32 to vector<16xf32>
        %select_n3A_281 = arith.select %eq3A_278, %broadcast_in_dim3A_280, %gather3A_78 : vector<16xi1>, vector<16xf32>
        %eq3A_282 = arith.cmpi eq, %or3A_198, %min3A_236 : vector<16xi32>
        %jit3A_283 = arith.constant 3.40282347E+38 : f32
        %broadcast_in_dim3A_284 = vector.broadcast %jit3A_283 : f32 to vector<16xf32>
        %select_n3A_285 = arith.select %eq3A_282, %broadcast_in_dim3A_284, %gather3A_82 : vector<16xi1>, vector<16xf32>
        %eq3A_286 = arith.cmpi eq, %or3A_206, %min3A_236 : vector<16xi32>
        %jit3A_287 = arith.constant 3.40282347E+38 : f32
        %broadcast_in_dim3A_288 = vector.broadcast %jit3A_287 : f32 to vector<16xf32>
        %select_n3A_289 = arith.select %eq3A_286, %broadcast_in_dim3A_288, %gather3A_86 : vector<16xi1>, vector<16xf32>
        %eq3A_290 = arith.cmpi eq, %or3A_214, %min3A_236 : vector<16xi32>
        %jit3A_291 = arith.constant 3.40282347E+38 : f32
        %broadcast_in_dim3A_292 = vector.broadcast %jit3A_291 : f32 to vector<16xf32>
        %select_n3A_293 = arith.select %eq3A_290, %broadcast_in_dim3A_292, %gather3A_90 : vector<16xi1>, vector<16xf32>
        %eq3A_294 = arith.cmpi eq, %or3A_222, %min3A_236 : vector<16xi32>
        %jit3A_295 = arith.constant 3.40282347E+38 : f32
        %broadcast_in_dim3A_296 = vector.broadcast %jit3A_295 : f32 to vector<16xf32>
        %select_n3A_297 = arith.select %eq3A_294, %broadcast_in_dim3A_296, %gather3A_94 : vector<16xi1>, vector<16xf32>
        %and3A_298 = arith.constant 2147483632 : i32
        %and3A_299 = vector.broadcast %and3A_298 : i32 to vector<16xi32>
        %and3A_300 = arith.andi %min3A_236, %and3A_299 : vector<16xi32>
        %bitcast_convert_type3A_301 = tpu.bitcast %and3A_300 : vector<16xi32> -> vector<16xf32>
        %ne3A = arith.constant -1.000000e+03 : f32
        %ne3A_302 = vector.broadcast %ne3A : f32 to vector<16xf32>
        %ne3A_303 = arith.cmpf one, %gather3A_98, %ne3A_302 : vector<16xf32>
        %mul3A_304 = arith.mulf %bitcast_convert_type3A_301, %bitcast_convert_type3A_301 : vector<16xf32>
        %jit3A_305 = arith.constant 0.000000e+00 : f32
        %broadcast_in_dim3A_306 = vector.broadcast %jit3A_305 : f32 to vector<16xf32>
        %select_n3A_307 = arith.select %ne3A_303, %mul3A_304, %broadcast_in_dim3A_306 : vector<16xi1>, vector<16xf32>
        %add3A_308 = arith.addf %scan3A_24, %select_n3A_307 : vector<16xf32>
        %add3A_309 = arith.constant 1 : i32
        %add3A_310 = vector.broadcast %add3A_309 : i32 to vector<16xi32>
        %add3A_311 = arith.addi %add3A_31, %add3A_310 : vector<16xi32>
        %gather3A_312 = tpu.vector_load_idx %arg6[%add3A_311] : memref<32768xf32, #tpu.memory_space<vmem>>[vector<16xi32>], vector<16xf32>,
        %sub3A_313 = arith.subf %select_n3A, %gather3A_312 : vector<16xf32>
        %bitcast_convert_type3A_314 = tpu.bitcast %sub3A_313 : vector<16xf32> -> vector<16xi32>
        %and3A_315 = arith.constant 2147483632 : i32
        %and3A_316 = vector.broadcast %and3A_315 : i32 to vector<16xi32>
        %and3A_317 = arith.andi %bitcast_convert_type3A_314, %and3A_316 : vector<16xi32>
        %or3A_318 = arith.constant 0 : i32
        %or3A_319 = vector.broadcast %or3A_318 : i32 to vector<16xi32>
        %or3A_320 = arith.ori %and3A_317, %or3A_319 : vector<16xi32>
        %sub3A_321 = arith.subf %select_n3A_241, %gather3A_312 : vector<16xf32>
        %bitcast_convert_type3A_322 = tpu.bitcast %sub3A_321 : vector<16xf32> -> vector<16xi32>
        %and3A_323 = arith.constant 2147483632 : i32
        %and3A_324 = vector.broadcast %and3A_323 : i32 to vector<16xi32>
        %and3A_325 = arith.andi %bitcast_convert_type3A_322, %and3A_324 : vector<16xi32>
        %or3A_326 = arith.constant 1 : i32
        %or3A_327 = vector.broadcast %or3A_326 : i32 to vector<16xi32>
        %or3A_328 = arith.ori %and3A_325, %or3A_327 : vector<16xi32>
        %sub3A_329 = arith.subf %select_n3A_245, %gather3A_312 : vector<16xf32>
        %bitcast_convert_type3A_330 = tpu.bitcast %sub3A_329 : vector<16xf32> -> vector<16xi32>
        %and3A_331 = arith.constant 2147483632 : i32
        %and3A_332 = vector.broadcast %and3A_331 : i32 to vector<16xi32>
        %and3A_333 = arith.andi %bitcast_convert_type3A_330, %and3A_332 : vector<16xi32>
        %or3A_334 = arith.constant 2 : i32
        %or3A_335 = vector.broadcast %or3A_334 : i32 to vector<16xi32>
        %or3A_336 = arith.ori %and3A_333, %or3A_335 : vector<16xi32>
        %sub3A_337 = arith.subf %select_n3A_249, %gather3A_312 : vector<16xf32>
        %bitcast_convert_type3A_338 = tpu.bitcast %sub3A_337 : vector<16xf32> -> vector<16xi32>
        %and3A_339 = arith.constant 2147483632 : i32
        %and3A_340 = vector.broadcast %and3A_339 : i32 to vector<16xi32>
        %and3A_341 = arith.andi %bitcast_convert_type3A_338, %and3A_340 : vector<16xi32>
        %or3A_342 = arith.constant 3 : i32
        %or3A_343 = vector.broadcast %or3A_342 : i32 to vector<16xi32>
        %or3A_344 = arith.ori %and3A_341, %or3A_343 : vector<16xi32>
        %sub3A_345 = arith.subf %select_n3A_253, %gather3A_312 : vector<16xf32>
        %bitcast_convert_type3A_346 = tpu.bitcast %sub3A_345 : vector<16xf32> -> vector<16xi32>
        %and3A_347 = arith.constant 2147483632 : i32
        %and3A_348 = vector.broadcast %and3A_347 : i32 to vector<16xi32>
        %and3A_349 = arith.andi %bitcast_convert_type3A_346, %and3A_348 : vector<16xi32>
        %or3A_350 = arith.constant 4 : i32
        %or3A_351 = vector.broadcast %or3A_350 : i32 to vector<16xi32>
        %or3A_352 = arith.ori %and3A_349, %or3A_351 : vector<16xi32>
        %sub3A_353 = arith.subf %select_n3A_257, %gather3A_312 : vector<16xf32>
        %bitcast_convert_type3A_354 = tpu.bitcast %sub3A_353 : vector<16xf32> -> vector<16xi32>
        %and3A_355 = arith.constant 2147483632 : i32
        %and3A_356 = vector.broadcast %and3A_355 : i32 to vector<16xi32>
        %and3A_357 = arith.andi %bitcast_convert_type3A_354, %and3A_356 : vector<16xi32>
        %or3A_358 = arith.constant 5 : i32
        %or3A_359 = vector.broadcast %or3A_358 : i32 to vector<16xi32>
        %or3A_360 = arith.ori %and3A_357, %or3A_359 : vector<16xi32>
        %sub3A_361 = arith.subf %select_n3A_261, %gather3A_312 : vector<16xf32>
        %bitcast_convert_type3A_362 = tpu.bitcast %sub3A_361 : vector<16xf32> -> vector<16xi32>
        %and3A_363 = arith.constant 2147483632 : i32
        %and3A_364 = vector.broadcast %and3A_363 : i32 to vector<16xi32>
        %and3A_365 = arith.andi %bitcast_convert_type3A_362, %and3A_364 : vector<16xi32>
        %or3A_366 = arith.constant 6 : i32
        %or3A_367 = vector.broadcast %or3A_366 : i32 to vector<16xi32>
        %or3A_368 = arith.ori %and3A_365, %or3A_367 : vector<16xi32>
        %sub3A_369 = arith.subf %select_n3A_265, %gather3A_312 : vector<16xf32>
        %bitcast_convert_type3A_370 = tpu.bitcast %sub3A_369 : vector<16xf32> -> vector<16xi32>
        %and3A_371 = arith.constant 2147483632 : i32
        %and3A_372 = vector.broadcast %and3A_371 : i32 to vector<16xi32>
        %and3A_373 = arith.andi %bitcast_convert_type3A_370, %and3A_372 : vector<16xi32>
        %or3A_374 = arith.constant 7 : i32
        %or3A_375 = vector.broadcast %or3A_374 : i32 to vector<16xi32>
        %or3A_376 = arith.ori %and3A_373, %or3A_375 : vector<16xi32>
        %sub3A_377 = arith.subf %select_n3A_269, %gather3A_312 : vector<16xf32>
        %bitcast_convert_type3A_378 = tpu.bitcast %sub3A_377 : vector<16xf32> -> vector<16xi32>
        %and3A_379 = arith.constant 2147483632 : i32
        %and3A_380 = vector.broadcast %and3A_379 : i32 to vector<16xi32>
        %and3A_381 = arith.andi %bitcast_convert_type3A_378, %and3A_380 : vector<16xi32>
        %or3A_382 = arith.constant 8 : i32
        %or3A_383 = vector.broadcast %or3A_382 : i32 to vector<16xi32>
        %or3A_384 = arith.ori %and3A_381, %or3A_383 : vector<16xi32>
        %sub3A_385 = arith.subf %select_n3A_273, %gather3A_312 : vector<16xf32>
        %bitcast_convert_type3A_386 = tpu.bitcast %sub3A_385 : vector<16xf32> -> vector<16xi32>
        %and3A_387 = arith.constant 2147483632 : i32
        %and3A_388 = vector.broadcast %and3A_387 : i32 to vector<16xi32>
        %and3A_389 = arith.andi %bitcast_convert_type3A_386, %and3A_388 : vector<16xi32>
        %or3A_390 = arith.constant 9 : i32
        %or3A_391 = vector.broadcast %or3A_390 : i32 to vector<16xi32>
        %or3A_392 = arith.ori %and3A_389, %or3A_391 : vector<16xi32>
        %sub3A_393 = arith.subf %select_n3A_277, %gather3A_312 : vector<16xf32>
        %bitcast_convert_type3A_394 = tpu.bitcast %sub3A_393 : vector<16xf32> -> vector<16xi32>
        %and3A_395 = arith.constant 2147483632 : i32
        %and3A_396 = vector.broadcast %and3A_395 : i32 to vector<16xi32>
        %and3A_397 = arith.andi %bitcast_convert_type3A_394, %and3A_396 : vector<16xi32>
        %or3A_398 = arith.constant 10 : i32
        %or3A_399 = vector.broadcast %or3A_398 : i32 to vector<16xi32>
        %or3A_400 = arith.ori %and3A_397, %or3A_399 : vector<16xi32>
        %sub3A_401 = arith.subf %select_n3A_281, %gather3A_312 : vector<16xf32>
        %bitcast_convert_type3A_402 = tpu.bitcast %sub3A_401 : vector<16xf32> -> vector<16xi32>
        %and3A_403 = arith.constant 2147483632 : i32
        %and3A_404 = vector.broadcast %and3A_403 : i32 to vector<16xi32>
        %and3A_405 = arith.andi %bitcast_convert_type3A_402, %and3A_404 : vector<16xi32>
        %or3A_406 = arith.constant 11 : i32
        %or3A_407 = vector.broadcast %or3A_406 : i32 to vector<16xi32>
        %or3A_408 = arith.ori %and3A_405, %or3A_407 : vector<16xi32>
        %sub3A_409 = arith.subf %select_n3A_285, %gather3A_312 : vector<16xf32>
        %bitcast_convert_type3A_410 = tpu.bitcast %sub3A_409 : vector<16xf32> -> vector<16xi32>
        %and3A_411 = arith.constant 2147483632 : i32
        %and3A_412 = vector.broadcast %and3A_411 : i32 to vector<16xi32>
        %and3A_413 = arith.andi %bitcast_convert_type3A_410, %and3A_412 : vector<16xi32>
        %or3A_414 = arith.constant 12 : i32
        %or3A_415 = vector.broadcast %or3A_414 : i32 to vector<16xi32>
        %or3A_416 = arith.ori %and3A_413, %or3A_415 : vector<16xi32>
        %sub3A_417 = arith.subf %select_n3A_289, %gather3A_312 : vector<16xf32>
        %bitcast_convert_type3A_418 = tpu.bitcast %sub3A_417 : vector<16xf32> -> vector<16xi32>
        %and3A_419 = arith.constant 2147483632 : i32
        %and3A_420 = vector.broadcast %and3A_419 : i32 to vector<16xi32>
        %and3A_421 = arith.andi %bitcast_convert_type3A_418, %and3A_420 : vector<16xi32>
        %or3A_422 = arith.constant 13 : i32
        %or3A_423 = vector.broadcast %or3A_422 : i32 to vector<16xi32>
        %or3A_424 = arith.ori %and3A_421, %or3A_423 : vector<16xi32>
        %sub3A_425 = arith.subf %select_n3A_293, %gather3A_312 : vector<16xf32>
        %bitcast_convert_type3A_426 = tpu.bitcast %sub3A_425 : vector<16xf32> -> vector<16xi32>
        %and3A_427 = arith.constant 2147483632 : i32
        %and3A_428 = vector.broadcast %and3A_427 : i32 to vector<16xi32>
        %and3A_429 = arith.andi %bitcast_convert_type3A_426, %and3A_428 : vector<16xi32>
        %or3A_430 = arith.constant 14 : i32
        %or3A_431 = vector.broadcast %or3A_430 : i32 to vector<16xi32>
        %or3A_432 = arith.ori %and3A_429, %or3A_431 : vector<16xi32>
        %sub3A_433 = arith.subf %select_n3A_297, %gather3A_312 : vector<16xf32>
        %bitcast_convert_type3A_434 = tpu.bitcast %sub3A_433 : vector<16xf32> -> vector<16xi32>
        %and3A_435 = arith.constant 2147483632 : i32
        %and3A_436 = vector.broadcast %and3A_435 : i32 to vector<16xi32>
        %and3A_437 = arith.andi %bitcast_convert_type3A_434, %and3A_436 : vector<16xi32>
        %or3A_438 = arith.constant 15 : i32
        %or3A_439 = vector.broadcast %or3A_438 : i32 to vector<16xi32>
        %or3A_440 = arith.ori %and3A_437, %or3A_439 : vector<16xi32>
        %min3A_441 = arith.minui %or3A_320, %or3A_328 : vector<16xi32>
        %min3A_442 = arith.minui %or3A_336, %or3A_344 : vector<16xi32>
        %min3A_443 = arith.minui %or3A_352, %or3A_360 : vector<16xi32>
        %min3A_444 = arith.minui %or3A_368, %or3A_376 : vector<16xi32>
        %min3A_445 = arith.minui %or3A_384, %or3A_392 : vector<16xi32>
        %min3A_446 = arith.minui %or3A_400, %or3A_408 : vector<16xi32>
        %min3A_447 = arith.minui %or3A_416, %or3A_424 : vector<16xi32>
        %min3A_448 = arith.minui %or3A_432, %or3A_440 : vector<16xi32>
        %min3A_449 = arith.minui %min3A_441, %min3A_442 : vector<16xi32>
        %min3A_450 = arith.minui %min3A_443, %min3A_444 : vector<16xi32>
        %min3A_451 = arith.minui %min3A_445, %min3A_446 : vector<16xi32>
        %min3A_452 = arith.minui %min3A_447, %min3A_448 : vector<16xi32>
        %min3A_453 = arith.minui %min3A_449, %min3A_450 : vector<16xi32>
        %min3A_454 = arith.minui %min3A_451, %min3A_452 : vector<16xi32>
        %min3A_455 = arith.minui %min3A_453, %min3A_454 : vector<16xi32>
        %eq3A_456 = arith.cmpi eq, %or3A_320, %min3A_455 : vector<16xi32>
        %jit3A_457 = arith.constant 3.40282347E+38 : f32
        %broadcast_in_dim3A_458 = vector.broadcast %jit3A_457 : f32 to vector<16xf32>
        %select_n3A_459 = arith.select %eq3A_456, %broadcast_in_dim3A_458, %select_n3A : vector<16xi1>, vector<16xf32>
        %eq3A_460 = arith.cmpi eq, %or3A_328, %min3A_455 : vector<16xi32>
        %jit3A_461 = arith.constant 3.40282347E+38 : f32
        %broadcast_in_dim3A_462 = vector.broadcast %jit3A_461 : f32 to vector<16xf32>
        %select_n3A_463 = arith.select %eq3A_460, %broadcast_in_dim3A_462, %select_n3A_241 : vector<16xi1>, vector<16xf32>
        %eq3A_464 = arith.cmpi eq, %or3A_336, %min3A_455 : vector<16xi32>
        %jit3A_465 = arith.constant 3.40282347E+38 : f32
        %broadcast_in_dim3A_466 = vector.broadcast %jit3A_465 : f32 to vector<16xf32>
        %select_n3A_467 = arith.select %eq3A_464, %broadcast_in_dim3A_466, %select_n3A_245 : vector<16xi1>, vector<16xf32>
        %eq3A_468 = arith.cmpi eq, %or3A_344, %min3A_455 : vector<16xi32>
        %jit3A_469 = arith.constant 3.40282347E+38 : f32
        %broadcast_in_dim3A_470 = vector.broadcast %jit3A_469 : f32 to vector<16xf32>
        %select_n3A_471 = arith.select %eq3A_468, %broadcast_in_dim3A_470, %select_n3A_249 : vector<16xi1>, vector<16xf32>
        %eq3A_472 = arith.cmpi eq, %or3A_352, %min3A_455 : vector<16xi32>
        %jit3A_473 = arith.constant 3.40282347E+38 : f32
        %broadcast_in_dim3A_474 = vector.broadcast %jit3A_473 : f32 to vector<16xf32>
        %select_n3A_475 = arith.select %eq3A_472, %broadcast_in_dim3A_474, %select_n3A_253 : vector<16xi1>, vector<16xf32>
        %eq3A_476 = arith.cmpi eq, %or3A_360, %min3A_455 : vector<16xi32>
        %jit3A_477 = arith.constant 3.40282347E+38 : f32
        %broadcast_in_dim3A_478 = vector.broadcast %jit3A_477 : f32 to vector<16xf32>
        %select_n3A_479 = arith.select %eq3A_476, %broadcast_in_dim3A_478, %select_n3A_257 : vector<16xi1>, vector<16xf32>
        %eq3A_480 = arith.cmpi eq, %or3A_368, %min3A_455 : vector<16xi32>
        %jit3A_481 = arith.constant 3.40282347E+38 : f32
        %broadcast_in_dim3A_482 = vector.broadcast %jit3A_481 : f32 to vector<16xf32>
        %select_n3A_483 = arith.select %eq3A_480, %broadcast_in_dim3A_482, %select_n3A_261 : vector<16xi1>, vector<16xf32>
        %eq3A_484 = arith.cmpi eq, %or3A_376, %min3A_455 : vector<16xi32>
        %jit3A_485 = arith.constant 3.40282347E+38 : f32
        %broadcast_in_dim3A_486 = vector.broadcast %jit3A_485 : f32 to vector<16xf32>
        %select_n3A_487 = arith.select %eq3A_484, %broadcast_in_dim3A_486, %select_n3A_265 : vector<16xi1>, vector<16xf32>
        %eq3A_488 = arith.cmpi eq, %or3A_384, %min3A_455 : vector<16xi32>
        %jit3A_489 = arith.constant 3.40282347E+38 : f32
        %broadcast_in_dim3A_490 = vector.broadcast %jit3A_489 : f32 to vector<16xf32>
        %select_n3A_491 = arith.select %eq3A_488, %broadcast_in_dim3A_490, %select_n3A_269 : vector<16xi1>, vector<16xf32>
        %eq3A_492 = arith.cmpi eq, %or3A_392, %min3A_455 : vector<16xi32>
        %jit3A_493 = arith.constant 3.40282347E+38 : f32
        %broadcast_in_dim3A_494 = vector.broadcast %jit3A_493 : f32 to vector<16xf32>
        %select_n3A_495 = arith.select %eq3A_492, %broadcast_in_dim3A_494, %select_n3A_273 : vector<16xi1>, vector<16xf32>
        %eq3A_496 = arith.cmpi eq, %or3A_400, %min3A_455 : vector<16xi32>
        %jit3A_497 = arith.constant 3.40282347E+38 : f32
        %broadcast_in_dim3A_498 = vector.broadcast %jit3A_497 : f32 to vector<16xf32>
        %select_n3A_499 = arith.select %eq3A_496, %broadcast_in_dim3A_498, %select_n3A_277 : vector<16xi1>, vector<16xf32>
        %eq3A_500 = arith.cmpi eq, %or3A_408, %min3A_455 : vector<16xi32>
        %jit3A_501 = arith.constant 3.40282347E+38 : f32
        %broadcast_in_dim3A_502 = vector.broadcast %jit3A_501 : f32 to vector<16xf32>
        %select_n3A_503 = arith.select %eq3A_500, %broadcast_in_dim3A_502, %select_n3A_281 : vector<16xi1>, vector<16xf32>
        %eq3A_504 = arith.cmpi eq, %or3A_416, %min3A_455 : vector<16xi32>
        %jit3A_505 = arith.constant 3.40282347E+38 : f32
        %broadcast_in_dim3A_506 = vector.broadcast %jit3A_505 : f32 to vector<16xf32>
        %select_n3A_507 = arith.select %eq3A_504, %broadcast_in_dim3A_506, %select_n3A_285 : vector<16xi1>, vector<16xf32>
        %eq3A_508 = arith.cmpi eq, %or3A_424, %min3A_455 : vector<16xi32>
        %jit3A_509 = arith.constant 3.40282347E+38 : f32
        %broadcast_in_dim3A_510 = vector.broadcast %jit3A_509 : f32 to vector<16xf32>
        %select_n3A_511 = arith.select %eq3A_508, %broadcast_in_dim3A_510, %select_n3A_289 : vector<16xi1>, vector<16xf32>
        %eq3A_512 = arith.cmpi eq, %or3A_432, %min3A_455 : vector<16xi32>
        %jit3A_513 = arith.constant 3.40282347E+38 : f32
        %broadcast_in_dim3A_514 = vector.broadcast %jit3A_513 : f32 to vector<16xf32>
        %select_n3A_515 = arith.select %eq3A_512, %broadcast_in_dim3A_514, %select_n3A_293 : vector<16xi1>, vector<16xf32>
        %eq3A_516 = arith.cmpi eq, %or3A_440, %min3A_455 : vector<16xi32>
        %jit3A_517 = arith.constant 3.40282347E+38 : f32
        %broadcast_in_dim3A_518 = vector.broadcast %jit3A_517 : f32 to vector<16xf32>
        %select_n3A_519 = arith.select %eq3A_516, %broadcast_in_dim3A_518, %select_n3A_297 : vector<16xi1>, vector<16xf32>
        %and3A_520 = arith.constant 2147483632 : i32
        %and3A_521 = vector.broadcast %and3A_520 : i32 to vector<16xi32>
        %and3A_522 = arith.andi %min3A_455, %and3A_521 : vector<16xi32>
        %bitcast_convert_type3A_523 = tpu.bitcast %and3A_522 : vector<16xi32> -> vector<16xf32>
        %ne3A_524 = arith.constant -1.000000e+03 : f32
        %ne3A_525 = vector.broadcast %ne3A_524 : f32 to vector<16xf32>
        %ne3A_526 = arith.cmpf one, %gather3A_312, %ne3A_525 : vector<16xf32>
        %mul3A_527 = arith.mulf %bitcast_convert_type3A_523, %bitcast_convert_type3A_523 : vector<16xf32>
        %jit3A_528 = arith.constant 0.000000e+00 : f32
        %broadcast_in_dim3A_529 = vector.broadcast %jit3A_528 : f32 to vector<16xf32>
        %select_n3A_530 = arith.select %ne3A_526, %mul3A_527, %broadcast_in_dim3A_529 : vector<16xi1>, vector<16xf32>
        %add3A_531 = arith.addf %add3A_308, %select_n3A_530 : vector<16xf32>
        %add3A_532 = arith.constant 2 : i32
        %add3A_533 = vector.broadcast %add3A_532 : i32 to vector<16xi32>
        %add3A_534 = arith.addi %add3A_31, %add3A_533 : vector<16xi32>
        %gather3A_535 = tpu.vector_load_idx %arg6[%add3A_534] : memref<32768xf32, #tpu.memory_space<vmem>>[vector<16xi32>], vector<16xf32>,
        %sub3A_536 = arith.subf %select_n3A_459, %gather3A_535 : vector<16xf32>
        %bitcast_convert_type3A_537 = tpu.bitcast %sub3A_536 : vector<16xf32> -> vector<16xi32>
        %and3A_538 = arith.constant 2147483632 : i32
        %and3A_539 = vector.broadcast %and3A_538 : i32 to vector<16xi32>
        %and3A_540 = arith.andi %bitcast_convert_type3A_537, %and3A_539 : vector<16xi32>
        %or3A_541 = arith.constant 0 : i32
        %or3A_542 = vector.broadcast %or3A_541 : i32 to vector<16xi32>
        %or3A_543 = arith.ori %and3A_540, %or3A_542 : vector<16xi32>
        %sub3A_544 = arith.subf %select_n3A_463, %gather3A_535 : vector<16xf32>
        %bitcast_convert_type3A_545 = tpu.bitcast %sub3A_544 : vector<16xf32> -> vector<16xi32>
        %and3A_546 = arith.constant 2147483632 : i32
        %and3A_547 = vector.broadcast %and3A_546 : i32 to vector<16xi32>
        %and3A_548 = arith.andi %bitcast_convert_type3A_545, %and3A_547 : vector<16xi32>
        %or3A_549 = arith.constant 1 : i32
        %or3A_550 = vector.broadcast %or3A_549 : i32 to vector<16xi32>
        %or3A_551 = arith.ori %and3A_548, %or3A_550 : vector<16xi32>
        %sub3A_552 = arith.subf %select_n3A_467, %gather3A_535 : vector<16xf32>
        %bitcast_convert_type3A_553 = tpu.bitcast %sub3A_552 : vector<16xf32> -> vector<16xi32>
        %and3A_554 = arith.constant 2147483632 : i32
        %and3A_555 = vector.broadcast %and3A_554 : i32 to vector<16xi32>
        %and3A_556 = arith.andi %bitcast_convert_type3A_553, %and3A_555 : vector<16xi32>
        %or3A_557 = arith.constant 2 : i32
        %or3A_558 = vector.broadcast %or3A_557 : i32 to vector<16xi32>
        %or3A_559 = arith.ori %and3A_556, %or3A_558 : vector<16xi32>
        %sub3A_560 = arith.subf %select_n3A_471, %gather3A_535 : vector<16xf32>
        %bitcast_convert_type3A_561 = tpu.bitcast %sub3A_560 : vector<16xf32> -> vector<16xi32>
        %and3A_562 = arith.constant 2147483632 : i32
        %and3A_563 = vector.broadcast %and3A_562 : i32 to vector<16xi32>
        %and3A_564 = arith.andi %bitcast_convert_type3A_561, %and3A_563 : vector<16xi32>
        %or3A_565 = arith.constant 3 : i32
        %or3A_566 = vector.broadcast %or3A_565 : i32 to vector<16xi32>
        %or3A_567 = arith.ori %and3A_564, %or3A_566 : vector<16xi32>
        %sub3A_568 = arith.subf %select_n3A_475, %gather3A_535 : vector<16xf32>
        %bitcast_convert_type3A_569 = tpu.bitcast %sub3A_568 : vector<16xf32> -> vector<16xi32>
        %and3A_570 = arith.constant 2147483632 : i32
        %and3A_571 = vector.broadcast %and3A_570 : i32 to vector<16xi32>
        %and3A_572 = arith.andi %bitcast_convert_type3A_569, %and3A_571 : vector<16xi32>
        %or3A_573 = arith.constant 4 : i32
        %or3A_574 = vector.broadcast %or3A_573 : i32 to vector<16xi32>
        %or3A_575 = arith.ori %and3A_572, %or3A_574 : vector<16xi32>
        %sub3A_576 = arith.subf %select_n3A_479, %gather3A_535 : vector<16xf32>
        %bitcast_convert_type3A_577 = tpu.bitcast %sub3A_576 : vector<16xf32> -> vector<16xi32>
        %and3A_578 = arith.constant 2147483632 : i32
        %and3A_579 = vector.broadcast %and3A_578 : i32 to vector<16xi32>
        %and3A_580 = arith.andi %bitcast_convert_type3A_577, %and3A_579 : vector<16xi32>
        %or3A_581 = arith.constant 5 : i32
        %or3A_582 = vector.broadcast %or3A_581 : i32 to vector<16xi32>
        %or3A_583 = arith.ori %and3A_580, %or3A_582 : vector<16xi32>
        %sub3A_584 = arith.subf %select_n3A_483, %gather3A_535 : vector<16xf32>
        %bitcast_convert_type3A_585 = tpu.bitcast %sub3A_584 : vector<16xf32> -> vector<16xi32>
        %and3A_586 = arith.constant 2147483632 : i32
        %and3A_587 = vector.broadcast %and3A_586 : i32 to vector<16xi32>
        %and3A_588 = arith.andi %bitcast_convert_type3A_585, %and3A_587 : vector<16xi32>
        %or3A_589 = arith.constant 6 : i32
        %or3A_590 = vector.broadcast %or3A_589 : i32 to vector<16xi32>
        %or3A_591 = arith.ori %and3A_588, %or3A_590 : vector<16xi32>
        %sub3A_592 = arith.subf %select_n3A_487, %gather3A_535 : vector<16xf32>
        %bitcast_convert_type3A_593 = tpu.bitcast %sub3A_592 : vector<16xf32> -> vector<16xi32>
        %and3A_594 = arith.constant 2147483632 : i32
        %and3A_595 = vector.broadcast %and3A_594 : i32 to vector<16xi32>
        %and3A_596 = arith.andi %bitcast_convert_type3A_593, %and3A_595 : vector<16xi32>
        %or3A_597 = arith.constant 7 : i32
        %or3A_598 = vector.broadcast %or3A_597 : i32 to vector<16xi32>
        %or3A_599 = arith.ori %and3A_596, %or3A_598 : vector<16xi32>
        %sub3A_600 = arith.subf %select_n3A_491, %gather3A_535 : vector<16xf32>
        %bitcast_convert_type3A_601 = tpu.bitcast %sub3A_600 : vector<16xf32> -> vector<16xi32>
        %and3A_602 = arith.constant 2147483632 : i32
        %and3A_603 = vector.broadcast %and3A_602 : i32 to vector<16xi32>
        %and3A_604 = arith.andi %bitcast_convert_type3A_601, %and3A_603 : vector<16xi32>
        %or3A_605 = arith.constant 8 : i32
        %or3A_606 = vector.broadcast %or3A_605 : i32 to vector<16xi32>
        %or3A_607 = arith.ori %and3A_604, %or3A_606 : vector<16xi32>
        %sub3A_608 = arith.subf %select_n3A_495, %gather3A_535 : vector<16xf32>
        %bitcast_convert_type3A_609 = tpu.bitcast %sub3A_608 : vector<16xf32> -> vector<16xi32>
        %and3A_610 = arith.constant 2147483632 : i32
        %and3A_611 = vector.broadcast %and3A_610 : i32 to vector<16xi32>
        %and3A_612 = arith.andi %bitcast_convert_type3A_609, %and3A_611 : vector<16xi32>
        %or3A_613 = arith.constant 9 : i32
        %or3A_614 = vector.broadcast %or3A_613 : i32 to vector<16xi32>
        %or3A_615 = arith.ori %and3A_612, %or3A_614 : vector<16xi32>
        %sub3A_616 = arith.subf %select_n3A_499, %gather3A_535 : vector<16xf32>
        %bitcast_convert_type3A_617 = tpu.bitcast %sub3A_616 : vector<16xf32> -> vector<16xi32>
        %and3A_618 = arith.constant 2147483632 : i32
        %and3A_619 = vector.broadcast %and3A_618 : i32 to vector<16xi32>
        %and3A_620 = arith.andi %bitcast_convert_type3A_617, %and3A_619 : vector<16xi32>
        %or3A_621 = arith.constant 10 : i32
        %or3A_622 = vector.broadcast %or3A_621 : i32 to vector<16xi32>
        %or3A_623 = arith.ori %and3A_620, %or3A_622 : vector<16xi32>
        %sub3A_624 = arith.subf %select_n3A_503, %gather3A_535 : vector<16xf32>
        %bitcast_convert_type3A_625 = tpu.bitcast %sub3A_624 : vector<16xf32> -> vector<16xi32>
        %and3A_626 = arith.constant 2147483632 : i32
        %and3A_627 = vector.broadcast %and3A_626 : i32 to vector<16xi32>
        %and3A_628 = arith.andi %bitcast_convert_type3A_625, %and3A_627 : vector<16xi32>
        %or3A_629 = arith.constant 11 : i32
        %or3A_630 = vector.broadcast %or3A_629 : i32 to vector<16xi32>
        %or3A_631 = arith.ori %and3A_628, %or3A_630 : vector<16xi32>
        %sub3A_632 = arith.subf %select_n3A_507, %gather3A_535 : vector<16xf32>
        %bitcast_convert_type3A_633 = tpu.bitcast %sub3A_632 : vector<16xf32> -> vector<16xi32>
        %and3A_634 = arith.constant 2147483632 : i32
        %and3A_635 = vector.broadcast %and3A_634 : i32 to vector<16xi32>
        %and3A_636 = arith.andi %bitcast_convert_type3A_633, %and3A_635 : vector<16xi32>
        %or3A_637 = arith.constant 12 : i32
        %or3A_638 = vector.broadcast %or3A_637 : i32 to vector<16xi32>
        %or3A_639 = arith.ori %and3A_636, %or3A_638 : vector<16xi32>
        %sub3A_640 = arith.subf %select_n3A_511, %gather3A_535 : vector<16xf32>
        %bitcast_convert_type3A_641 = tpu.bitcast %sub3A_640 : vector<16xf32> -> vector<16xi32>
        %and3A_642 = arith.constant 2147483632 : i32
        %and3A_643 = vector.broadcast %and3A_642 : i32 to vector<16xi32>
        %and3A_644 = arith.andi %bitcast_convert_type3A_641, %and3A_643 : vector<16xi32>
        %or3A_645 = arith.constant 13 : i32
        %or3A_646 = vector.broadcast %or3A_645 : i32 to vector<16xi32>
        %or3A_647 = arith.ori %and3A_644, %or3A_646 : vector<16xi32>
        %sub3A_648 = arith.subf %select_n3A_515, %gather3A_535 : vector<16xf32>
        %bitcast_convert_type3A_649 = tpu.bitcast %sub3A_648 : vector<16xf32> -> vector<16xi32>
        %and3A_650 = arith.constant 2147483632 : i32
        %and3A_651 = vector.broadcast %and3A_650 : i32 to vector<16xi32>
        %and3A_652 = arith.andi %bitcast_convert_type3A_649, %and3A_651 : vector<16xi32>
        %or3A_653 = arith.constant 14 : i32
        %or3A_654 = vector.broadcast %or3A_653 : i32 to vector<16xi32>
        %or3A_655 = arith.ori %and3A_652, %or3A_654 : vector<16xi32>
        %sub3A_656 = arith.subf %select_n3A_519, %gather3A_535 : vector<16xf32>
        %bitcast_convert_type3A_657 = tpu.bitcast %sub3A_656 : vector<16xf32> -> vector<16xi32>
        %and3A_658 = arith.constant 2147483632 : i32
        %and3A_659 = vector.broadcast %and3A_658 : i32 to vector<16xi32>
        %and3A_660 = arith.andi %bitcast_convert_type3A_657, %and3A_659 : vector<16xi32>
        %or3A_661 = arith.constant 15 : i32
        %or3A_662 = vector.broadcast %or3A_661 : i32 to vector<16xi32>
        %or3A_663 = arith.ori %and3A_660, %or3A_662 : vector<16xi32>
        %min3A_664 = arith.minui %or3A_543, %or3A_551 : vector<16xi32>
        %min3A_665 = arith.minui %or3A_559, %or3A_567 : vector<16xi32>
        %min3A_666 = arith.minui %or3A_575, %or3A_583 : vector<16xi32>
        %min3A_667 = arith.minui %or3A_591, %or3A_599 : vector<16xi32>
        %min3A_668 = arith.minui %or3A_607, %or3A_615 : vector<16xi32>
        %min3A_669 = arith.minui %or3A_623, %or3A_631 : vector<16xi32>
        %min3A_670 = arith.minui %or3A_639, %or3A_647 : vector<16xi32>
        %min3A_671 = arith.minui %or3A_655, %or3A_663 : vector<16xi32>
        %min3A_672 = arith.minui %min3A_664, %min3A_665 : vector<16xi32>
        %min3A_673 = arith.minui %min3A_666, %min3A_667 : vector<16xi32>
        %min3A_674 = arith.minui %min3A_668, %min3A_669 : vector<16xi32>
        %min3A_675 = arith.minui %min3A_670, %min3A_671 : vector<16xi32>
        %min3A_676 = arith.minui %min3A_672, %min3A_673 : vector<16xi32>
        %min3A_677 = arith.minui %min3A_674, %min3A_675 : vector<16xi32>
        %min3A_678 = arith.minui %min3A_676, %min3A_677 : vector<16xi32>
        %eq3A_679 = arith.cmpi eq, %or3A_543, %min3A_678 : vector<16xi32>
        %jit3A_680 = arith.constant 3.40282347E+38 : f32
        %broadcast_in_dim3A_681 = vector.broadcast %jit3A_680 : f32 to vector<16xf32>
        %select_n3A_682 = arith.select %eq3A_679, %broadcast_in_dim3A_681, %select_n3A_459 : vector<16xi1>, vector<16xf32>
        %eq3A_683 = arith.cmpi eq, %or3A_551, %min3A_678 : vector<16xi32>
        %jit3A_684 = arith.constant 3.40282347E+38 : f32
        %broadcast_in_dim3A_685 = vector.broadcast %jit3A_684 : f32 to vector<16xf32>
        %select_n3A_686 = arith.select %eq3A_683, %broadcast_in_dim3A_685, %select_n3A_463 : vector<16xi1>, vector<16xf32>
        %eq3A_687 = arith.cmpi eq, %or3A_559, %min3A_678 : vector<16xi32>
        %jit3A_688 = arith.constant 3.40282347E+38 : f32
        %broadcast_in_dim3A_689 = vector.broadcast %jit3A_688 : f32 to vector<16xf32>
        %select_n3A_690 = arith.select %eq3A_687, %broadcast_in_dim3A_689, %select_n3A_467 : vector<16xi1>, vector<16xf32>
        %eq3A_691 = arith.cmpi eq, %or3A_567, %min3A_678 : vector<16xi32>
        %jit3A_692 = arith.constant 3.40282347E+38 : f32
        %broadcast_in_dim3A_693 = vector.broadcast %jit3A_692 : f32 to vector<16xf32>
        %select_n3A_694 = arith.select %eq3A_691, %broadcast_in_dim3A_693, %select_n3A_471 : vector<16xi1>, vector<16xf32>
        %eq3A_695 = arith.cmpi eq, %or3A_575, %min3A_678 : vector<16xi32>
        %jit3A_696 = arith.constant 3.40282347E+38 : f32
        %broadcast_in_dim3A_697 = vector.broadcast %jit3A_696 : f32 to vector<16xf32>
        %select_n3A_698 = arith.select %eq3A_695, %broadcast_in_dim3A_697, %select_n3A_475 : vector<16xi1>, vector<16xf32>
        %eq3A_699 = arith.cmpi eq, %or3A_583, %min3A_678 : vector<16xi32>
        %jit3A_700 = arith.constant 3.40282347E+38 : f32
        %broadcast_in_dim3A_701 = vector.broadcast %jit3A_700 : f32 to vector<16xf32>
        %select_n3A_702 = arith.select %eq3A_699, %broadcast_in_dim3A_701, %select_n3A_479 : vector<16xi1>, vector<16xf32>
        %eq3A_703 = arith.cmpi eq, %or3A_591, %min3A_678 : vector<16xi32>
        %jit3A_704 = arith.constant 3.40282347E+38 : f32
        %broadcast_in_dim3A_705 = vector.broadcast %jit3A_704 : f32 to vector<16xf32>
        %select_n3A_706 = arith.select %eq3A_703, %broadcast_in_dim3A_705, %select_n3A_483 : vector<16xi1>, vector<16xf32>
        %eq3A_707 = arith.cmpi eq, %or3A_599, %min3A_678 : vector<16xi32>
        %jit3A_708 = arith.constant 3.40282347E+38 : f32
        %broadcast_in_dim3A_709 = vector.broadcast %jit3A_708 : f32 to vector<16xf32>
        %select_n3A_710 = arith.select %eq3A_707, %broadcast_in_dim3A_709, %select_n3A_487 : vector<16xi1>, vector<16xf32>
        %eq3A_711 = arith.cmpi eq, %or3A_607, %min3A_678 : vector<16xi32>
        %jit3A_712 = arith.constant 3.40282347E+38 : f32
        %broadcast_in_dim3A_713 = vector.broadcast %jit3A_712 : f32 to vector<16xf32>
        %select_n3A_714 = arith.select %eq3A_711, %broadcast_in_dim3A_713, %select_n3A_491 : vector<16xi1>, vector<16xf32>
        %eq3A_715 = arith.cmpi eq, %or3A_615, %min3A_678 : vector<16xi32>
        %jit3A_716 = arith.constant 3.40282347E+38 : f32
        %broadcast_in_dim3A_717 = vector.broadcast %jit3A_716 : f32 to vector<16xf32>
        %select_n3A_718 = arith.select %eq3A_715, %broadcast_in_dim3A_717, %select_n3A_495 : vector<16xi1>, vector<16xf32>
        %eq3A_719 = arith.cmpi eq, %or3A_623, %min3A_678 : vector<16xi32>
        %jit3A_720 = arith.constant 3.40282347E+38 : f32
        %broadcast_in_dim3A_721 = vector.broadcast %jit3A_720 : f32 to vector<16xf32>
        %select_n3A_722 = arith.select %eq3A_719, %broadcast_in_dim3A_721, %select_n3A_499 : vector<16xi1>, vector<16xf32>
        %eq3A_723 = arith.cmpi eq, %or3A_631, %min3A_678 : vector<16xi32>
        %jit3A_724 = arith.constant 3.40282347E+38 : f32
        %broadcast_in_dim3A_725 = vector.broadcast %jit3A_724 : f32 to vector<16xf32>
        %select_n3A_726 = arith.select %eq3A_723, %broadcast_in_dim3A_725, %select_n3A_503 : vector<16xi1>, vector<16xf32>
        %eq3A_727 = arith.cmpi eq, %or3A_639, %min3A_678 : vector<16xi32>
        %jit3A_728 = arith.constant 3.40282347E+38 : f32
        %broadcast_in_dim3A_729 = vector.broadcast %jit3A_728 : f32 to vector<16xf32>
        %select_n3A_730 = arith.select %eq3A_727, %broadcast_in_dim3A_729, %select_n3A_507 : vector<16xi1>, vector<16xf32>
        %eq3A_731 = arith.cmpi eq, %or3A_647, %min3A_678 : vector<16xi32>
        %jit3A_732 = arith.constant 3.40282347E+38 : f32
        %broadcast_in_dim3A_733 = vector.broadcast %jit3A_732 : f32 to vector<16xf32>
        %select_n3A_734 = arith.select %eq3A_731, %broadcast_in_dim3A_733, %select_n3A_511 : vector<16xi1>, vector<16xf32>
        %eq3A_735 = arith.cmpi eq, %or3A_655, %min3A_678 : vector<16xi32>
        %jit3A_736 = arith.constant 3.40282347E+38 : f32
        %broadcast_in_dim3A_737 = vector.broadcast %jit3A_736 : f32 to vector<16xf32>
        %select_n3A_738 = arith.select %eq3A_735, %broadcast_in_dim3A_737, %select_n3A_515 : vector<16xi1>, vector<16xf32>
        %eq3A_739 = arith.cmpi eq, %or3A_663, %min3A_678 : vector<16xi32>
        %jit3A_740 = arith.constant 3.40282347E+38 : f32
        %broadcast_in_dim3A_741 = vector.broadcast %jit3A_740 : f32 to vector<16xf32>
        %select_n3A_742 = arith.select %eq3A_739, %broadcast_in_dim3A_741, %select_n3A_519 : vector<16xi1>, vector<16xf32>
        %and3A_743 = arith.constant 2147483632 : i32
        %and3A_744 = vector.broadcast %and3A_743 : i32 to vector<16xi32>
        %and3A_745 = arith.andi %min3A_678, %and3A_744 : vector<16xi32>
        %bitcast_convert_type3A_746 = tpu.bitcast %and3A_745 : vector<16xi32> -> vector<16xf32>
        %ne3A_747 = arith.constant -1.000000e+03 : f32
        %ne3A_748 = vector.broadcast %ne3A_747 : f32 to vector<16xf32>
        %ne3A_749 = arith.cmpf one, %gather3A_535, %ne3A_748 : vector<16xf32>
        %mul3A_750 = arith.mulf %bitcast_convert_type3A_746, %bitcast_convert_type3A_746 : vector<16xf32>
        %jit3A_751 = arith.constant 0.000000e+00 : f32
        %broadcast_in_dim3A_752 = vector.broadcast %jit3A_751 : f32 to vector<16xf32>
        %select_n3A_753 = arith.select %ne3A_749, %mul3A_750, %broadcast_in_dim3A_752 : vector<16xi1>, vector<16xf32>
        %add3A_754 = arith.addf %add3A_531, %select_n3A_753 : vector<16xf32>
        %add3A_755 = arith.constant 3 : i32
        %add3A_756 = vector.broadcast %add3A_755 : i32 to vector<16xi32>
        %add3A_757 = arith.addi %add3A_31, %add3A_756 : vector<16xi32>
        %gather3A_758 = tpu.vector_load_idx %arg6[%add3A_757] : memref<32768xf32, #tpu.memory_space<vmem>>[vector<16xi32>], vector<16xf32>,
        %sub3A_759 = arith.subf %select_n3A_682, %gather3A_758 : vector<16xf32>
        %bitcast_convert_type3A_760 = tpu.bitcast %sub3A_759 : vector<16xf32> -> vector<16xi32>
        %and3A_761 = arith.constant 2147483632 : i32
        %and3A_762 = vector.broadcast %and3A_761 : i32 to vector<16xi32>
        %and3A_763 = arith.andi %bitcast_convert_type3A_760, %and3A_762 : vector<16xi32>
        %or3A_764 = arith.constant 0 : i32
        %or3A_765 = vector.broadcast %or3A_764 : i32 to vector<16xi32>
        %or3A_766 = arith.ori %and3A_763, %or3A_765 : vector<16xi32>
        %sub3A_767 = arith.subf %select_n3A_686, %gather3A_758 : vector<16xf32>
        %bitcast_convert_type3A_768 = tpu.bitcast %sub3A_767 : vector<16xf32> -> vector<16xi32>
        %and3A_769 = arith.constant 2147483632 : i32
        %and3A_770 = vector.broadcast %and3A_769 : i32 to vector<16xi32>
        %and3A_771 = arith.andi %bitcast_convert_type3A_768, %and3A_770 : vector<16xi32>
        %or3A_772 = arith.constant 1 : i32
        %or3A_773 = vector.broadcast %or3A_772 : i32 to vector<16xi32>
        %or3A_774 = arith.ori %and3A_771, %or3A_773 : vector<16xi32>
        %sub3A_775 = arith.subf %select_n3A_690, %gather3A_758 : vector<16xf32>
        %bitcast_convert_type3A_776 = tpu.bitcast %sub3A_775 : vector<16xf32> -> vector<16xi32>
        %and3A_777 = arith.constant 2147483632 : i32
        %and3A_778 = vector.broadcast %and3A_777 : i32 to vector<16xi32>
        %and3A_779 = arith.andi %bitcast_convert_type3A_776, %and3A_778 : vector<16xi32>
        %or3A_780 = arith.constant 2 : i32
        %or3A_781 = vector.broadcast %or3A_780 : i32 to vector<16xi32>
        %or3A_782 = arith.ori %and3A_779, %or3A_781 : vector<16xi32>
        %sub3A_783 = arith.subf %select_n3A_694, %gather3A_758 : vector<16xf32>
        %bitcast_convert_type3A_784 = tpu.bitcast %sub3A_783 : vector<16xf32> -> vector<16xi32>
        %and3A_785 = arith.constant 2147483632 : i32
        %and3A_786 = vector.broadcast %and3A_785 : i32 to vector<16xi32>
        %and3A_787 = arith.andi %bitcast_convert_type3A_784, %and3A_786 : vector<16xi32>
        %or3A_788 = arith.constant 3 : i32
        %or3A_789 = vector.broadcast %or3A_788 : i32 to vector<16xi32>
        %or3A_790 = arith.ori %and3A_787, %or3A_789 : vector<16xi32>
        %sub3A_791 = arith.subf %select_n3A_698, %gather3A_758 : vector<16xf32>
        %bitcast_convert_type3A_792 = tpu.bitcast %sub3A_791 : vector<16xf32> -> vector<16xi32>
        %and3A_793 = arith.constant 2147483632 : i32
        %and3A_794 = vector.broadcast %and3A_793 : i32 to vector<16xi32>
        %and3A_795 = arith.andi %bitcast_convert_type3A_792, %and3A_794 : vector<16xi32>
        %or3A_796 = arith.constant 4 : i32
        %or3A_797 = vector.broadcast %or3A_796 : i32 to vector<16xi32>
        %or3A_798 = arith.ori %and3A_795, %or3A_797 : vector<16xi32>
        %sub3A_799 = arith.subf %select_n3A_702, %gather3A_758 : vector<16xf32>
        %bitcast_convert_type3A_800 = tpu.bitcast %sub3A_799 : vector<16xf32> -> vector<16xi32>
        %and3A_801 = arith.constant 2147483632 : i32
        %and3A_802 = vector.broadcast %and3A_801 : i32 to vector<16xi32>
        %and3A_803 = arith.andi %bitcast_convert_type3A_800, %and3A_802 : vector<16xi32>
        %or3A_804 = arith.constant 5 : i32
        %or3A_805 = vector.broadcast %or3A_804 : i32 to vector<16xi32>
        %or3A_806 = arith.ori %and3A_803, %or3A_805 : vector<16xi32>
        %sub3A_807 = arith.subf %select_n3A_706, %gather3A_758 : vector<16xf32>
        %bitcast_convert_type3A_808 = tpu.bitcast %sub3A_807 : vector<16xf32> -> vector<16xi32>
        %and3A_809 = arith.constant 2147483632 : i32
        %and3A_810 = vector.broadcast %and3A_809 : i32 to vector<16xi32>
        %and3A_811 = arith.andi %bitcast_convert_type3A_808, %and3A_810 : vector<16xi32>
        %or3A_812 = arith.constant 6 : i32
        %or3A_813 = vector.broadcast %or3A_812 : i32 to vector<16xi32>
        %or3A_814 = arith.ori %and3A_811, %or3A_813 : vector<16xi32>
        %sub3A_815 = arith.subf %select_n3A_710, %gather3A_758 : vector<16xf32>
        %bitcast_convert_type3A_816 = tpu.bitcast %sub3A_815 : vector<16xf32> -> vector<16xi32>
        %and3A_817 = arith.constant 2147483632 : i32
        %and3A_818 = vector.broadcast %and3A_817 : i32 to vector<16xi32>
        %and3A_819 = arith.andi %bitcast_convert_type3A_816, %and3A_818 : vector<16xi32>
        %or3A_820 = arith.constant 7 : i32
        %or3A_821 = vector.broadcast %or3A_820 : i32 to vector<16xi32>
        %or3A_822 = arith.ori %and3A_819, %or3A_821 : vector<16xi32>
        %sub3A_823 = arith.subf %select_n3A_714, %gather3A_758 : vector<16xf32>
        %bitcast_convert_type3A_824 = tpu.bitcast %sub3A_823 : vector<16xf32> -> vector<16xi32>
        %and3A_825 = arith.constant 2147483632 : i32
        %and3A_826 = vector.broadcast %and3A_825 : i32 to vector<16xi32>
        %and3A_827 = arith.andi %bitcast_convert_type3A_824, %and3A_826 : vector<16xi32>
        %or3A_828 = arith.constant 8 : i32
        %or3A_829 = vector.broadcast %or3A_828 : i32 to vector<16xi32>
        %or3A_830 = arith.ori %and3A_827, %or3A_829 : vector<16xi32>
        %sub3A_831 = arith.subf %select_n3A_718, %gather3A_758 : vector<16xf32>
        %bitcast_convert_type3A_832 = tpu.bitcast %sub3A_831 : vector<16xf32> -> vector<16xi32>
        %and3A_833 = arith.constant 2147483632 : i32
        %and3A_834 = vector.broadcast %and3A_833 : i32 to vector<16xi32>
        %and3A_835 = arith.andi %bitcast_convert_type3A_832, %and3A_834 : vector<16xi32>
        %or3A_836 = arith.constant 9 : i32
        %or3A_837 = vector.broadcast %or3A_836 : i32 to vector<16xi32>
        %or3A_838 = arith.ori %and3A_835, %or3A_837 : vector<16xi32>
        %sub3A_839 = arith.subf %select_n3A_722, %gather3A_758 : vector<16xf32>
        %bitcast_convert_type3A_840 = tpu.bitcast %sub3A_839 : vector<16xf32> -> vector<16xi32>
        %and3A_841 = arith.constant 2147483632 : i32
        %and3A_842 = vector.broadcast %and3A_841 : i32 to vector<16xi32>
        %and3A_843 = arith.andi %bitcast_convert_type3A_840, %and3A_842 : vector<16xi32>
        %or3A_844 = arith.constant 10 : i32
        %or3A_845 = vector.broadcast %or3A_844 : i32 to vector<16xi32>
        %or3A_846 = arith.ori %and3A_843, %or3A_845 : vector<16xi32>
        %sub3A_847 = arith.subf %select_n3A_726, %gather3A_758 : vector<16xf32>
        %bitcast_convert_type3A_848 = tpu.bitcast %sub3A_847 : vector<16xf32> -> vector<16xi32>
        %and3A_849 = arith.constant 2147483632 : i32
        %and3A_850 = vector.broadcast %and3A_849 : i32 to vector<16xi32>
        %and3A_851 = arith.andi %bitcast_convert_type3A_848, %and3A_850 : vector<16xi32>
        %or3A_852 = arith.constant 11 : i32
        %or3A_853 = vector.broadcast %or3A_852 : i32 to vector<16xi32>
        %or3A_854 = arith.ori %and3A_851, %or3A_853 : vector<16xi32>
        %sub3A_855 = arith.subf %select_n3A_730, %gather3A_758 : vector<16xf32>
        %bitcast_convert_type3A_856 = tpu.bitcast %sub3A_855 : vector<16xf32> -> vector<16xi32>
        %and3A_857 = arith.constant 2147483632 : i32
        %and3A_858 = vector.broadcast %and3A_857 : i32 to vector<16xi32>
        %and3A_859 = arith.andi %bitcast_convert_type3A_856, %and3A_858 : vector<16xi32>
        %or3A_860 = arith.constant 12 : i32
        %or3A_861 = vector.broadcast %or3A_860 : i32 to vector<16xi32>
        %or3A_862 = arith.ori %and3A_859, %or3A_861 : vector<16xi32>
        %sub3A_863 = arith.subf %select_n3A_734, %gather3A_758 : vector<16xf32>
        %bitcast_convert_type3A_864 = tpu.bitcast %sub3A_863 : vector<16xf32> -> vector<16xi32>
        %and3A_865 = arith.constant 2147483632 : i32
        %and3A_866 = vector.broadcast %and3A_865 : i32 to vector<16xi32>
        %and3A_867 = arith.andi %bitcast_convert_type3A_864, %and3A_866 : vector<16xi32>
        %or3A_868 = arith.constant 13 : i32
        %or3A_869 = vector.broadcast %or3A_868 : i32 to vector<16xi32>
        %or3A_870 = arith.ori %and3A_867, %or3A_869 : vector<16xi32>
        %sub3A_871 = arith.subf %select_n3A_738, %gather3A_758 : vector<16xf32>
        %bitcast_convert_type3A_872 = tpu.bitcast %sub3A_871 : vector<16xf32> -> vector<16xi32>
        %and3A_873 = arith.constant 2147483632 : i32
        %and3A_874 = vector.broadcast %and3A_873 : i32 to vector<16xi32>
        %and3A_875 = arith.andi %bitcast_convert_type3A_872, %and3A_874 : vector<16xi32>
        %or3A_876 = arith.constant 14 : i32
        %or3A_877 = vector.broadcast %or3A_876 : i32 to vector<16xi32>
        %or3A_878 = arith.ori %and3A_875, %or3A_877 : vector<16xi32>
        %sub3A_879 = arith.subf %select_n3A_742, %gather3A_758 : vector<16xf32>
        %bitcast_convert_type3A_880 = tpu.bitcast %sub3A_879 : vector<16xf32> -> vector<16xi32>
        %and3A_881 = arith.constant 2147483632 : i32
        %and3A_882 = vector.broadcast %and3A_881 : i32 to vector<16xi32>
        %and3A_883 = arith.andi %bitcast_convert_type3A_880, %and3A_882 : vector<16xi32>
        %or3A_884 = arith.constant 15 : i32
        %or3A_885 = vector.broadcast %or3A_884 : i32 to vector<16xi32>
        %or3A_886 = arith.ori %and3A_883, %or3A_885 : vector<16xi32>
        %min3A_887 = arith.minui %or3A_766, %or3A_774 : vector<16xi32>
        %min3A_888 = arith.minui %or3A_782, %or3A_790 : vector<16xi32>
        %min3A_889 = arith.minui %or3A_798, %or3A_806 : vector<16xi32>
        %min3A_890 = arith.minui %or3A_814, %or3A_822 : vector<16xi32>
        %min3A_891 = arith.minui %or3A_830, %or3A_838 : vector<16xi32>
        %min3A_892 = arith.minui %or3A_846, %or3A_854 : vector<16xi32>
        %min3A_893 = arith.minui %or3A_862, %or3A_870 : vector<16xi32>
        %min3A_894 = arith.minui %or3A_878, %or3A_886 : vector<16xi32>
        %min3A_895 = arith.minui %min3A_887, %min3A_888 : vector<16xi32>
        %min3A_896 = arith.minui %min3A_889, %min3A_890 : vector<16xi32>
        %min3A_897 = arith.minui %min3A_891, %min3A_892 : vector<16xi32>
        %min3A_898 = arith.minui %min3A_893, %min3A_894 : vector<16xi32>
        %min3A_899 = arith.minui %min3A_895, %min3A_896 : vector<16xi32>
        %min3A_900 = arith.minui %min3A_897, %min3A_898 : vector<16xi32>
        %min3A_901 = arith.minui %min3A_899, %min3A_900 : vector<16xi32>
        %eq3A_902 = arith.cmpi eq, %or3A_766, %min3A_901 : vector<16xi32>
        %jit3A_903 = arith.constant 3.40282347E+38 : f32
        %broadcast_in_dim3A_904 = vector.broadcast %jit3A_903 : f32 to vector<16xf32>
        %select_n3A_905 = arith.select %eq3A_902, %broadcast_in_dim3A_904, %select_n3A_682 : vector<16xi1>, vector<16xf32>
        %eq3A_906 = arith.cmpi eq, %or3A_774, %min3A_901 : vector<16xi32>
        %jit3A_907 = arith.constant 3.40282347E+38 : f32
        %broadcast_in_dim3A_908 = vector.broadcast %jit3A_907 : f32 to vector<16xf32>
        %select_n3A_909 = arith.select %eq3A_906, %broadcast_in_dim3A_908, %select_n3A_686 : vector<16xi1>, vector<16xf32>
        %eq3A_910 = arith.cmpi eq, %or3A_782, %min3A_901 : vector<16xi32>
        %jit3A_911 = arith.constant 3.40282347E+38 : f32
        %broadcast_in_dim3A_912 = vector.broadcast %jit3A_911 : f32 to vector<16xf32>
        %select_n3A_913 = arith.select %eq3A_910, %broadcast_in_dim3A_912, %select_n3A_690 : vector<16xi1>, vector<16xf32>
        %eq3A_914 = arith.cmpi eq, %or3A_790, %min3A_901 : vector<16xi32>
        %jit3A_915 = arith.constant 3.40282347E+38 : f32
        %broadcast_in_dim3A_916 = vector.broadcast %jit3A_915 : f32 to vector<16xf32>
        %select_n3A_917 = arith.select %eq3A_914, %broadcast_in_dim3A_916, %select_n3A_694 : vector<16xi1>, vector<16xf32>
        %eq3A_918 = arith.cmpi eq, %or3A_798, %min3A_901 : vector<16xi32>
        %jit3A_919 = arith.constant 3.40282347E+38 : f32
        %broadcast_in_dim3A_920 = vector.broadcast %jit3A_919 : f32 to vector<16xf32>
        %select_n3A_921 = arith.select %eq3A_918, %broadcast_in_dim3A_920, %select_n3A_698 : vector<16xi1>, vector<16xf32>
        %eq3A_922 = arith.cmpi eq, %or3A_806, %min3A_901 : vector<16xi32>
        %jit3A_923 = arith.constant 3.40282347E+38 : f32
        %broadcast_in_dim3A_924 = vector.broadcast %jit3A_923 : f32 to vector<16xf32>
        %select_n3A_925 = arith.select %eq3A_922, %broadcast_in_dim3A_924, %select_n3A_702 : vector<16xi1>, vector<16xf32>
        %eq3A_926 = arith.cmpi eq, %or3A_814, %min3A_901 : vector<16xi32>
        %jit3A_927 = arith.constant 3.40282347E+38 : f32
        %broadcast_in_dim3A_928 = vector.broadcast %jit3A_927 : f32 to vector<16xf32>
        %select_n3A_929 = arith.select %eq3A_926, %broadcast_in_dim3A_928, %select_n3A_706 : vector<16xi1>, vector<16xf32>
        %eq3A_930 = arith.cmpi eq, %or3A_822, %min3A_901 : vector<16xi32>
        %jit3A_931 = arith.constant 3.40282347E+38 : f32
        %broadcast_in_dim3A_932 = vector.broadcast %jit3A_931 : f32 to vector<16xf32>
        %select_n3A_933 = arith.select %eq3A_930, %broadcast_in_dim3A_932, %select_n3A_710 : vector<16xi1>, vector<16xf32>
        %eq3A_934 = arith.cmpi eq, %or3A_830, %min3A_901 : vector<16xi32>
        %jit3A_935 = arith.constant 3.40282347E+38 : f32
        %broadcast_in_dim3A_936 = vector.broadcast %jit3A_935 : f32 to vector<16xf32>
        %select_n3A_937 = arith.select %eq3A_934, %broadcast_in_dim3A_936, %select_n3A_714 : vector<16xi1>, vector<16xf32>
        %eq3A_938 = arith.cmpi eq, %or3A_838, %min3A_901 : vector<16xi32>
        %jit3A_939 = arith.constant 3.40282347E+38 : f32
        %broadcast_in_dim3A_940 = vector.broadcast %jit3A_939 : f32 to vector<16xf32>
        %select_n3A_941 = arith.select %eq3A_938, %broadcast_in_dim3A_940, %select_n3A_718 : vector<16xi1>, vector<16xf32>
        %eq3A_942 = arith.cmpi eq, %or3A_846, %min3A_901 : vector<16xi32>
        %jit3A_943 = arith.constant 3.40282347E+38 : f32
        %broadcast_in_dim3A_944 = vector.broadcast %jit3A_943 : f32 to vector<16xf32>
        %select_n3A_945 = arith.select %eq3A_942, %broadcast_in_dim3A_944, %select_n3A_722 : vector<16xi1>, vector<16xf32>
        %eq3A_946 = arith.cmpi eq, %or3A_854, %min3A_901 : vector<16xi32>
        %jit3A_947 = arith.constant 3.40282347E+38 : f32
        %broadcast_in_dim3A_948 = vector.broadcast %jit3A_947 : f32 to vector<16xf32>
        %select_n3A_949 = arith.select %eq3A_946, %broadcast_in_dim3A_948, %select_n3A_726 : vector<16xi1>, vector<16xf32>
        %eq3A_950 = arith.cmpi eq, %or3A_862, %min3A_901 : vector<16xi32>
        %jit3A_951 = arith.constant 3.40282347E+38 : f32
        %broadcast_in_dim3A_952 = vector.broadcast %jit3A_951 : f32 to vector<16xf32>
        %select_n3A_953 = arith.select %eq3A_950, %broadcast_in_dim3A_952, %select_n3A_730 : vector<16xi1>, vector<16xf32>
        %eq3A_954 = arith.cmpi eq, %or3A_870, %min3A_901 : vector<16xi32>
        %jit3A_955 = arith.constant 3.40282347E+38 : f32
        %broadcast_in_dim3A_956 = vector.broadcast %jit3A_955 : f32 to vector<16xf32>
        %select_n3A_957 = arith.select %eq3A_954, %broadcast_in_dim3A_956, %select_n3A_734 : vector<16xi1>, vector<16xf32>
        %eq3A_958 = arith.cmpi eq, %or3A_878, %min3A_901 : vector<16xi32>
        %jit3A_959 = arith.constant 3.40282347E+38 : f32
        %broadcast_in_dim3A_960 = vector.broadcast %jit3A_959 : f32 to vector<16xf32>
        %select_n3A_961 = arith.select %eq3A_958, %broadcast_in_dim3A_960, %select_n3A_738 : vector<16xi1>, vector<16xf32>
        %eq3A_962 = arith.cmpi eq, %or3A_886, %min3A_901 : vector<16xi32>
        %jit3A_963 = arith.constant 3.40282347E+38 : f32
        %broadcast_in_dim3A_964 = vector.broadcast %jit3A_963 : f32 to vector<16xf32>
        %select_n3A_965 = arith.select %eq3A_962, %broadcast_in_dim3A_964, %select_n3A_742 : vector<16xi1>, vector<16xf32>
        %and3A_966 = arith.constant 2147483632 : i32
        %and3A_967 = vector.broadcast %and3A_966 : i32 to vector<16xi32>
        %and3A_968 = arith.andi %min3A_901, %and3A_967 : vector<16xi32>
        %bitcast_convert_type3A_969 = tpu.bitcast %and3A_968 : vector<16xi32> -> vector<16xf32>
        %ne3A_970 = arith.constant -1.000000e+03 : f32
        %ne3A_971 = vector.broadcast %ne3A_970 : f32 to vector<16xf32>
        %ne3A_972 = arith.cmpf one, %gather3A_758, %ne3A_971 : vector<16xf32>
        %mul3A_973 = arith.mulf %bitcast_convert_type3A_969, %bitcast_convert_type3A_969 : vector<16xf32>
        %jit3A_974 = arith.constant 0.000000e+00 : f32
        %broadcast_in_dim3A_975 = vector.broadcast %jit3A_974 : f32 to vector<16xf32>
        %select_n3A_976 = arith.select %ne3A_972, %mul3A_973, %broadcast_in_dim3A_975 : vector<16xi1>, vector<16xf32>
        %add3A_977 = arith.addf %add3A_754, %select_n3A_976 : vector<16xf32>
        %add3A_978 = arith.constant 4 : i32
        %add3A_979 = vector.broadcast %add3A_978 : i32 to vector<16xi32>
        %add3A_980 = arith.addi %add3A_31, %add3A_979 : vector<16xi32>
        %gather3A_981 = tpu.vector_load_idx %arg6[%add3A_980] : memref<32768xf32, #tpu.memory_space<vmem>>[vector<16xi32>], vector<16xf32>,
        %sub3A_982 = arith.subf %select_n3A_905, %gather3A_981 : vector<16xf32>
        %bitcast_convert_type3A_983 = tpu.bitcast %sub3A_982 : vector<16xf32> -> vector<16xi32>
        %and3A_984 = arith.constant 2147483632 : i32
        %and3A_985 = vector.broadcast %and3A_984 : i32 to vector<16xi32>
        %and3A_986 = arith.andi %bitcast_convert_type3A_983, %and3A_985 : vector<16xi32>
        %or3A_987 = arith.constant 0 : i32
        %or3A_988 = vector.broadcast %or3A_987 : i32 to vector<16xi32>
        %or3A_989 = arith.ori %and3A_986, %or3A_988 : vector<16xi32>
        %sub3A_990 = arith.subf %select_n3A_909, %gather3A_981 : vector<16xf32>
        %bitcast_convert_type3A_991 = tpu.bitcast %sub3A_990 : vector<16xf32> -> vector<16xi32>
        %and3A_992 = arith.constant 2147483632 : i32
        %and3A_993 = vector.broadcast %and3A_992 : i32 to vector<16xi32>
        %and3A_994 = arith.andi %bitcast_convert_type3A_991, %and3A_993 : vector<16xi32>
        %or3A_995 = arith.constant 1 : i32
        %or3A_996 = vector.broadcast %or3A_995 : i32 to vector<16xi32>
        %or3A_997 = arith.ori %and3A_994, %or3A_996 : vector<16xi32>
        %sub3A_998 = arith.subf %select_n3A_913, %gather3A_981 : vector<16xf32>
        %bitcast_convert_type3A_999 = tpu.bitcast %sub3A_998 : vector<16xf32> -> vector<16xi32>
        %and3A_1000 = arith.constant 2147483632 : i32
        %and3A_1001 = vector.broadcast %and3A_1000 : i32 to vector<16xi32>
        %and3A_1002 = arith.andi %bitcast_convert_type3A_999, %and3A_1001 : vector<16xi32>
        %or3A_1003 = arith.constant 2 : i32
        %or3A_1004 = vector.broadcast %or3A_1003 : i32 to vector<16xi32>
        %or3A_1005 = arith.ori %and3A_1002, %or3A_1004 : vector<16xi32>
        %sub3A_1006 = arith.subf %select_n3A_917, %gather3A_981 : vector<16xf32>
        %bitcast_convert_type3A_1007 = tpu.bitcast %sub3A_1006 : vector<16xf32> -> vector<16xi32>
        %and3A_1008 = arith.constant 2147483632 : i32
        %and3A_1009 = vector.broadcast %and3A_1008 : i32 to vector<16xi32>
        %and3A_1010 = arith.andi %bitcast_convert_type3A_1007, %and3A_1009 : vector<16xi32>
        %or3A_1011 = arith.constant 3 : i32
        %or3A_1012 = vector.broadcast %or3A_1011 : i32 to vector<16xi32>
        %or3A_1013 = arith.ori %and3A_1010, %or3A_1012 : vector<16xi32>
        %sub3A_1014 = arith.subf %select_n3A_921, %gather3A_981 : vector<16xf32>
        %bitcast_convert_type3A_1015 = tpu.bitcast %sub3A_1014 : vector<16xf32> -> vector<16xi32>
        %and3A_1016 = arith.constant 2147483632 : i32
        %and3A_1017 = vector.broadcast %and3A_1016 : i32 to vector<16xi32>
        %and3A_1018 = arith.andi %bitcast_convert_type3A_1015, %and3A_1017 : vector<16xi32>
        %or3A_1019 = arith.constant 4 : i32
        %or3A_1020 = vector.broadcast %or3A_1019 : i32 to vector<16xi32>
        %or3A_1021 = arith.ori %and3A_1018, %or3A_1020 : vector<16xi32>
        %sub3A_1022 = arith.subf %select_n3A_925, %gather3A_981 : vector<16xf32>
        %bitcast_convert_type3A_1023 = tpu.bitcast %sub3A_1022 : vector<16xf32> -> vector<16xi32>
        %and3A_1024 = arith.constant 2147483632 : i32
        %and3A_1025 = vector.broadcast %and3A_1024 : i32 to vector<16xi32>
        %and3A_1026 = arith.andi %bitcast_convert_type3A_1023, %and3A_1025 : vector<16xi32>
        %or3A_1027 = arith.constant 5 : i32
        %or3A_1028 = vector.broadcast %or3A_1027 : i32 to vector<16xi32>
        %or3A_1029 = arith.ori %and3A_1026, %or3A_1028 : vector<16xi32>
        %sub3A_1030 = arith.subf %select_n3A_929, %gather3A_981 : vector<16xf32>
        %bitcast_convert_type3A_1031 = tpu.bitcast %sub3A_1030 : vector<16xf32> -> vector<16xi32>
        %and3A_1032 = arith.constant 2147483632 : i32
        %and3A_1033 = vector.broadcast %and3A_1032 : i32 to vector<16xi32>
        %and3A_1034 = arith.andi %bitcast_convert_type3A_1031, %and3A_1033 : vector<16xi32>
        %or3A_1035 = arith.constant 6 : i32
        %or3A_1036 = vector.broadcast %or3A_1035 : i32 to vector<16xi32>
        %or3A_1037 = arith.ori %and3A_1034, %or3A_1036 : vector<16xi32>
        %sub3A_1038 = arith.subf %select_n3A_933, %gather3A_981 : vector<16xf32>
        %bitcast_convert_type3A_1039 = tpu.bitcast %sub3A_1038 : vector<16xf32> -> vector<16xi32>
        %and3A_1040 = arith.constant 2147483632 : i32
        %and3A_1041 = vector.broadcast %and3A_1040 : i32 to vector<16xi32>
        %and3A_1042 = arith.andi %bitcast_convert_type3A_1039, %and3A_1041 : vector<16xi32>
        %or3A_1043 = arith.constant 7 : i32
        %or3A_1044 = vector.broadcast %or3A_1043 : i32 to vector<16xi32>
        %or3A_1045 = arith.ori %and3A_1042, %or3A_1044 : vector<16xi32>
        %sub3A_1046 = arith.subf %select_n3A_937, %gather3A_981 : vector<16xf32>
        %bitcast_convert_type3A_1047 = tpu.bitcast %sub3A_1046 : vector<16xf32> -> vector<16xi32>
        %and3A_1048 = arith.constant 2147483632 : i32
        %and3A_1049 = vector.broadcast %and3A_1048 : i32 to vector<16xi32>
        %and3A_1050 = arith.andi %bitcast_convert_type3A_1047, %and3A_1049 : vector<16xi32>
        %or3A_1051 = arith.constant 8 : i32
        %or3A_1052 = vector.broadcast %or3A_1051 : i32 to vector<16xi32>
        %or3A_1053 = arith.ori %and3A_1050, %or3A_1052 : vector<16xi32>
        %sub3A_1054 = arith.subf %select_n3A_941, %gather3A_981 : vector<16xf32>
        %bitcast_convert_type3A_1055 = tpu.bitcast %sub3A_1054 : vector<16xf32> -> vector<16xi32>
        %and3A_1056 = arith.constant 2147483632 : i32
        %and3A_1057 = vector.broadcast %and3A_1056 : i32 to vector<16xi32>
        %and3A_1058 = arith.andi %bitcast_convert_type3A_1055, %and3A_1057 : vector<16xi32>
        %or3A_1059 = arith.constant 9 : i32
        %or3A_1060 = vector.broadcast %or3A_1059 : i32 to vector<16xi32>
        %or3A_1061 = arith.ori %and3A_1058, %or3A_1060 : vector<16xi32>
        %sub3A_1062 = arith.subf %select_n3A_945, %gather3A_981 : vector<16xf32>
        %bitcast_convert_type3A_1063 = tpu.bitcast %sub3A_1062 : vector<16xf32> -> vector<16xi32>
        %and3A_1064 = arith.constant 2147483632 : i32
        %and3A_1065 = vector.broadcast %and3A_1064 : i32 to vector<16xi32>
        %and3A_1066 = arith.andi %bitcast_convert_type3A_1063, %and3A_1065 : vector<16xi32>
        %or3A_1067 = arith.constant 10 : i32
        %or3A_1068 = vector.broadcast %or3A_1067 : i32 to vector<16xi32>
        %or3A_1069 = arith.ori %and3A_1066, %or3A_1068 : vector<16xi32>
        %sub3A_1070 = arith.subf %select_n3A_949, %gather3A_981 : vector<16xf32>
        %bitcast_convert_type3A_1071 = tpu.bitcast %sub3A_1070 : vector<16xf32> -> vector<16xi32>
        %and3A_1072 = arith.constant 2147483632 : i32
        %and3A_1073 = vector.broadcast %and3A_1072 : i32 to vector<16xi32>
        %and3A_1074 = arith.andi %bitcast_convert_type3A_1071, %and3A_1073 : vector<16xi32>
        %or3A_1075 = arith.constant 11 : i32
        %or3A_1076 = vector.broadcast %or3A_1075 : i32 to vector<16xi32>
        %or3A_1077 = arith.ori %and3A_1074, %or3A_1076 : vector<16xi32>
        %sub3A_1078 = arith.subf %select_n3A_953, %gather3A_981 : vector<16xf32>
        %bitcast_convert_type3A_1079 = tpu.bitcast %sub3A_1078 : vector<16xf32> -> vector<16xi32>
        %and3A_1080 = arith.constant 2147483632 : i32
        %and3A_1081 = vector.broadcast %and3A_1080 : i32 to vector<16xi32>
        %and3A_1082 = arith.andi %bitcast_convert_type3A_1079, %and3A_1081 : vector<16xi32>
        %or3A_1083 = arith.constant 12 : i32
        %or3A_1084 = vector.broadcast %or3A_1083 : i32 to vector<16xi32>
        %or3A_1085 = arith.ori %and3A_1082, %or3A_1084 : vector<16xi32>
        %sub3A_1086 = arith.subf %select_n3A_957, %gather3A_981 : vector<16xf32>
        %bitcast_convert_type3A_1087 = tpu.bitcast %sub3A_1086 : vector<16xf32> -> vector<16xi32>
        %and3A_1088 = arith.constant 2147483632 : i32
        %and3A_1089 = vector.broadcast %and3A_1088 : i32 to vector<16xi32>
        %and3A_1090 = arith.andi %bitcast_convert_type3A_1087, %and3A_1089 : vector<16xi32>
        %or3A_1091 = arith.constant 13 : i32
        %or3A_1092 = vector.broadcast %or3A_1091 : i32 to vector<16xi32>
        %or3A_1093 = arith.ori %and3A_1090, %or3A_1092 : vector<16xi32>
        %sub3A_1094 = arith.subf %select_n3A_961, %gather3A_981 : vector<16xf32>
        %bitcast_convert_type3A_1095 = tpu.bitcast %sub3A_1094 : vector<16xf32> -> vector<16xi32>
        %and3A_1096 = arith.constant 2147483632 : i32
        %and3A_1097 = vector.broadcast %and3A_1096 : i32 to vector<16xi32>
        %and3A_1098 = arith.andi %bitcast_convert_type3A_1095, %and3A_1097 : vector<16xi32>
        %or3A_1099 = arith.constant 14 : i32
        %or3A_1100 = vector.broadcast %or3A_1099 : i32 to vector<16xi32>
        %or3A_1101 = arith.ori %and3A_1098, %or3A_1100 : vector<16xi32>
        %sub3A_1102 = arith.subf %select_n3A_965, %gather3A_981 : vector<16xf32>
        %bitcast_convert_type3A_1103 = tpu.bitcast %sub3A_1102 : vector<16xf32> -> vector<16xi32>
        %and3A_1104 = arith.constant 2147483632 : i32
        %and3A_1105 = vector.broadcast %and3A_1104 : i32 to vector<16xi32>
        %and3A_1106 = arith.andi %bitcast_convert_type3A_1103, %and3A_1105 : vector<16xi32>
        %or3A_1107 = arith.constant 15 : i32
        %or3A_1108 = vector.broadcast %or3A_1107 : i32 to vector<16xi32>
        %or3A_1109 = arith.ori %and3A_1106, %or3A_1108 : vector<16xi32>
        %min3A_1110 = arith.minui %or3A_989, %or3A_997 : vector<16xi32>
        %min3A_1111 = arith.minui %or3A_1005, %or3A_1013 : vector<16xi32>
        %min3A_1112 = arith.minui %or3A_1021, %or3A_1029 : vector<16xi32>
        %min3A_1113 = arith.minui %or3A_1037, %or3A_1045 : vector<16xi32>
        %min3A_1114 = arith.minui %or3A_1053, %or3A_1061 : vector<16xi32>
        %min3A_1115 = arith.minui %or3A_1069, %or3A_1077 : vector<16xi32>
        %min3A_1116 = arith.minui %or3A_1085, %or3A_1093 : vector<16xi32>
        %min3A_1117 = arith.minui %or3A_1101, %or3A_1109 : vector<16xi32>
        %min3A_1118 = arith.minui %min3A_1110, %min3A_1111 : vector<16xi32>
        %min3A_1119 = arith.minui %min3A_1112, %min3A_1113 : vector<16xi32>
        %min3A_1120 = arith.minui %min3A_1114, %min3A_1115 : vector<16xi32>
        %min3A_1121 = arith.minui %min3A_1116, %min3A_1117 : vector<16xi32>
        %min3A_1122 = arith.minui %min3A_1118, %min3A_1119 : vector<16xi32>
        %min3A_1123 = arith.minui %min3A_1120, %min3A_1121 : vector<16xi32>
        %min3A_1124 = arith.minui %min3A_1122, %min3A_1123 : vector<16xi32>
        %eq3A_1125 = arith.cmpi eq, %or3A_989, %min3A_1124 : vector<16xi32>
        %jit3A_1126 = arith.constant 3.40282347E+38 : f32
        %broadcast_in_dim3A_1127 = vector.broadcast %jit3A_1126 : f32 to vector<16xf32>
        %select_n3A_1128 = arith.select %eq3A_1125, %broadcast_in_dim3A_1127, %select_n3A_905 : vector<16xi1>, vector<16xf32>
        %eq3A_1129 = arith.cmpi eq, %or3A_997, %min3A_1124 : vector<16xi32>
        %jit3A_1130 = arith.constant 3.40282347E+38 : f32
        %broadcast_in_dim3A_1131 = vector.broadcast %jit3A_1130 : f32 to vector<16xf32>
        %select_n3A_1132 = arith.select %eq3A_1129, %broadcast_in_dim3A_1131, %select_n3A_909 : vector<16xi1>, vector<16xf32>
        %eq3A_1133 = arith.cmpi eq, %or3A_1005, %min3A_1124 : vector<16xi32>
        %jit3A_1134 = arith.constant 3.40282347E+38 : f32
        %broadcast_in_dim3A_1135 = vector.broadcast %jit3A_1134 : f32 to vector<16xf32>
        %select_n3A_1136 = arith.select %eq3A_1133, %broadcast_in_dim3A_1135, %select_n3A_913 : vector<16xi1>, vector<16xf32>
        %eq3A_1137 = arith.cmpi eq, %or3A_1013, %min3A_1124 : vector<16xi32>
        %jit3A_1138 = arith.constant 3.40282347E+38 : f32
        %broadcast_in_dim3A_1139 = vector.broadcast %jit3A_1138 : f32 to vector<16xf32>
        %select_n3A_1140 = arith.select %eq3A_1137, %broadcast_in_dim3A_1139, %select_n3A_917 : vector<16xi1>, vector<16xf32>
        %eq3A_1141 = arith.cmpi eq, %or3A_1021, %min3A_1124 : vector<16xi32>
        %jit3A_1142 = arith.constant 3.40282347E+38 : f32
        %broadcast_in_dim3A_1143 = vector.broadcast %jit3A_1142 : f32 to vector<16xf32>
        %select_n3A_1144 = arith.select %eq3A_1141, %broadcast_in_dim3A_1143, %select_n3A_921 : vector<16xi1>, vector<16xf32>
        %eq3A_1145 = arith.cmpi eq, %or3A_1029, %min3A_1124 : vector<16xi32>
        %jit3A_1146 = arith.constant 3.40282347E+38 : f32
        %broadcast_in_dim3A_1147 = vector.broadcast %jit3A_1146 : f32 to vector<16xf32>
        %select_n3A_1148 = arith.select %eq3A_1145, %broadcast_in_dim3A_1147, %select_n3A_925 : vector<16xi1>, vector<16xf32>
        %eq3A_1149 = arith.cmpi eq, %or3A_1037, %min3A_1124 : vector<16xi32>
        %jit3A_1150 = arith.constant 3.40282347E+38 : f32
        %broadcast_in_dim3A_1151 = vector.broadcast %jit3A_1150 : f32 to vector<16xf32>
        %select_n3A_1152 = arith.select %eq3A_1149, %broadcast_in_dim3A_1151, %select_n3A_929 : vector<16xi1>, vector<16xf32>
        %eq3A_1153 = arith.cmpi eq, %or3A_1045, %min3A_1124 : vector<16xi32>
        %jit3A_1154 = arith.constant 3.40282347E+38 : f32
        %broadcast_in_dim3A_1155 = vector.broadcast %jit3A_1154 : f32 to vector<16xf32>
        %select_n3A_1156 = arith.select %eq3A_1153, %broadcast_in_dim3A_1155, %select_n3A_933 : vector<16xi1>, vector<16xf32>
        %eq3A_1157 = arith.cmpi eq, %or3A_1053, %min3A_1124 : vector<16xi32>
        %jit3A_1158 = arith.constant 3.40282347E+38 : f32
        %broadcast_in_dim3A_1159 = vector.broadcast %jit3A_1158 : f32 to vector<16xf32>
        %select_n3A_1160 = arith.select %eq3A_1157, %broadcast_in_dim3A_1159, %select_n3A_937 : vector<16xi1>, vector<16xf32>
        %eq3A_1161 = arith.cmpi eq, %or3A_1061, %min3A_1124 : vector<16xi32>
        %jit3A_1162 = arith.constant 3.40282347E+38 : f32
        %broadcast_in_dim3A_1163 = vector.broadcast %jit3A_1162 : f32 to vector<16xf32>
        %select_n3A_1164 = arith.select %eq3A_1161, %broadcast_in_dim3A_1163, %select_n3A_941 : vector<16xi1>, vector<16xf32>
        %eq3A_1165 = arith.cmpi eq, %or3A_1069, %min3A_1124 : vector<16xi32>
        %jit3A_1166 = arith.constant 3.40282347E+38 : f32
        %broadcast_in_dim3A_1167 = vector.broadcast %jit3A_1166 : f32 to vector<16xf32>
        %select_n3A_1168 = arith.select %eq3A_1165, %broadcast_in_dim3A_1167, %select_n3A_945 : vector<16xi1>, vector<16xf32>
        %eq3A_1169 = arith.cmpi eq, %or3A_1077, %min3A_1124 : vector<16xi32>
        %jit3A_1170 = arith.constant 3.40282347E+38 : f32
        %broadcast_in_dim3A_1171 = vector.broadcast %jit3A_1170 : f32 to vector<16xf32>
        %select_n3A_1172 = arith.select %eq3A_1169, %broadcast_in_dim3A_1171, %select_n3A_949 : vector<16xi1>, vector<16xf32>
        %eq3A_1173 = arith.cmpi eq, %or3A_1085, %min3A_1124 : vector<16xi32>
        %jit3A_1174 = arith.constant 3.40282347E+38 : f32
        %broadcast_in_dim3A_1175 = vector.broadcast %jit3A_1174 : f32 to vector<16xf32>
        %select_n3A_1176 = arith.select %eq3A_1173, %broadcast_in_dim3A_1175, %select_n3A_953 : vector<16xi1>, vector<16xf32>
        %eq3A_1177 = arith.cmpi eq, %or3A_1093, %min3A_1124 : vector<16xi32>
        %jit3A_1178 = arith.constant 3.40282347E+38 : f32
        %broadcast_in_dim3A_1179 = vector.broadcast %jit3A_1178 : f32 to vector<16xf32>
        %select_n3A_1180 = arith.select %eq3A_1177, %broadcast_in_dim3A_1179, %select_n3A_957 : vector<16xi1>, vector<16xf32>
        %eq3A_1181 = arith.cmpi eq, %or3A_1101, %min3A_1124 : vector<16xi32>
        %jit3A_1182 = arith.constant 3.40282347E+38 : f32
        %broadcast_in_dim3A_1183 = vector.broadcast %jit3A_1182 : f32 to vector<16xf32>
        %select_n3A_1184 = arith.select %eq3A_1181, %broadcast_in_dim3A_1183, %select_n3A_961 : vector<16xi1>, vector<16xf32>
        %eq3A_1185 = arith.cmpi eq, %or3A_1109, %min3A_1124 : vector<16xi32>
        %jit3A_1186 = arith.constant 3.40282347E+38 : f32
        %broadcast_in_dim3A_1187 = vector.broadcast %jit3A_1186 : f32 to vector<16xf32>
        %select_n3A_1188 = arith.select %eq3A_1185, %broadcast_in_dim3A_1187, %select_n3A_965 : vector<16xi1>, vector<16xf32>
        %and3A_1189 = arith.constant 2147483632 : i32
        %and3A_1190 = vector.broadcast %and3A_1189 : i32 to vector<16xi32>
        %and3A_1191 = arith.andi %min3A_1124, %and3A_1190 : vector<16xi32>
        %bitcast_convert_type3A_1192 = tpu.bitcast %and3A_1191 : vector<16xi32> -> vector<16xf32>
        %ne3A_1193 = arith.constant -1.000000e+03 : f32
        %ne3A_1194 = vector.broadcast %ne3A_1193 : f32 to vector<16xf32>
        %ne3A_1195 = arith.cmpf one, %gather3A_981, %ne3A_1194 : vector<16xf32>
        %mul3A_1196 = arith.mulf %bitcast_convert_type3A_1192, %bitcast_convert_type3A_1192 : vector<16xf32>
        %jit3A_1197 = arith.constant 0.000000e+00 : f32
        %broadcast_in_dim3A_1198 = vector.broadcast %jit3A_1197 : f32 to vector<16xf32>
        %select_n3A_1199 = arith.select %ne3A_1195, %mul3A_1196, %broadcast_in_dim3A_1198 : vector<16xi1>, vector<16xf32>
        %add3A_1200 = arith.addf %add3A_977, %select_n3A_1199 : vector<16xf32>
        %add3A_1201 = arith.constant 5 : i32
        %add3A_1202 = vector.broadcast %add3A_1201 : i32 to vector<16xi32>
        %add3A_1203 = arith.addi %add3A_31, %add3A_1202 : vector<16xi32>
        %gather3A_1204 = tpu.vector_load_idx %arg6[%add3A_1203] : memref<32768xf32, #tpu.memory_space<vmem>>[vector<16xi32>], vector<16xf32>,
        %sub3A_1205 = arith.subf %select_n3A_1128, %gather3A_1204 : vector<16xf32>
        %bitcast_convert_type3A_1206 = tpu.bitcast %sub3A_1205 : vector<16xf32> -> vector<16xi32>
        %and3A_1207 = arith.constant 2147483632 : i32
        %and3A_1208 = vector.broadcast %and3A_1207 : i32 to vector<16xi32>
        %and3A_1209 = arith.andi %bitcast_convert_type3A_1206, %and3A_1208 : vector<16xi32>
        %or3A_1210 = arith.constant 0 : i32
        %or3A_1211 = vector.broadcast %or3A_1210 : i32 to vector<16xi32>
        %or3A_1212 = arith.ori %and3A_1209, %or3A_1211 : vector<16xi32>
        %sub3A_1213 = arith.subf %select_n3A_1132, %gather3A_1204 : vector<16xf32>
        %bitcast_convert_type3A_1214 = tpu.bitcast %sub3A_1213 : vector<16xf32> -> vector<16xi32>
        %and3A_1215 = arith.constant 2147483632 : i32
        %and3A_1216 = vector.broadcast %and3A_1215 : i32 to vector<16xi32>
        %and3A_1217 = arith.andi %bitcast_convert_type3A_1214, %and3A_1216 : vector<16xi32>
        %or3A_1218 = arith.constant 1 : i32
        %or3A_1219 = vector.broadcast %or3A_1218 : i32 to vector<16xi32>
        %or3A_1220 = arith.ori %and3A_1217, %or3A_1219 : vector<16xi32>
        %sub3A_1221 = arith.subf %select_n3A_1136, %gather3A_1204 : vector<16xf32>
        %bitcast_convert_type3A_1222 = tpu.bitcast %sub3A_1221 : vector<16xf32> -> vector<16xi32>
        %and3A_1223 = arith.constant 2147483632 : i32
        %and3A_1224 = vector.broadcast %and3A_1223 : i32 to vector<16xi32>
        %and3A_1225 = arith.andi %bitcast_convert_type3A_1222, %and3A_1224 : vector<16xi32>
        %or3A_1226 = arith.constant 2 : i32
        %or3A_1227 = vector.broadcast %or3A_1226 : i32 to vector<16xi32>
        %or3A_1228 = arith.ori %and3A_1225, %or3A_1227 : vector<16xi32>
        %sub3A_1229 = arith.subf %select_n3A_1140, %gather3A_1204 : vector<16xf32>
        %bitcast_convert_type3A_1230 = tpu.bitcast %sub3A_1229 : vector<16xf32> -> vector<16xi32>
        %and3A_1231 = arith.constant 2147483632 : i32
        %and3A_1232 = vector.broadcast %and3A_1231 : i32 to vector<16xi32>
        %and3A_1233 = arith.andi %bitcast_convert_type3A_1230, %and3A_1232 : vector<16xi32>
        %or3A_1234 = arith.constant 3 : i32
        %or3A_1235 = vector.broadcast %or3A_1234 : i32 to vector<16xi32>
        %or3A_1236 = arith.ori %and3A_1233, %or3A_1235 : vector<16xi32>
        %sub3A_1237 = arith.subf %select_n3A_1144, %gather3A_1204 : vector<16xf32>
        %bitcast_convert_type3A_1238 = tpu.bitcast %sub3A_1237 : vector<16xf32> -> vector<16xi32>
        %and3A_1239 = arith.constant 2147483632 : i32
        %and3A_1240 = vector.broadcast %and3A_1239 : i32 to vector<16xi32>
        %and3A_1241 = arith.andi %bitcast_convert_type3A_1238, %and3A_1240 : vector<16xi32>
        %or3A_1242 = arith.constant 4 : i32
        %or3A_1243 = vector.broadcast %or3A_1242 : i32 to vector<16xi32>
        %or3A_1244 = arith.ori %and3A_1241, %or3A_1243 : vector<16xi32>
        %sub3A_1245 = arith.subf %select_n3A_1148, %gather3A_1204 : vector<16xf32>
        %bitcast_convert_type3A_1246 = tpu.bitcast %sub3A_1245 : vector<16xf32> -> vector<16xi32>
        %and3A_1247 = arith.constant 2147483632 : i32
        %and3A_1248 = vector.broadcast %and3A_1247 : i32 to vector<16xi32>
        %and3A_1249 = arith.andi %bitcast_convert_type3A_1246, %and3A_1248 : vector<16xi32>
        %or3A_1250 = arith.constant 5 : i32
        %or3A_1251 = vector.broadcast %or3A_1250 : i32 to vector<16xi32>
        %or3A_1252 = arith.ori %and3A_1249, %or3A_1251 : vector<16xi32>
        %sub3A_1253 = arith.subf %select_n3A_1152, %gather3A_1204 : vector<16xf32>
        %bitcast_convert_type3A_1254 = tpu.bitcast %sub3A_1253 : vector<16xf32> -> vector<16xi32>
        %and3A_1255 = arith.constant 2147483632 : i32
        %and3A_1256 = vector.broadcast %and3A_1255 : i32 to vector<16xi32>
        %and3A_1257 = arith.andi %bitcast_convert_type3A_1254, %and3A_1256 : vector<16xi32>
        %or3A_1258 = arith.constant 6 : i32
        %or3A_1259 = vector.broadcast %or3A_1258 : i32 to vector<16xi32>
        %or3A_1260 = arith.ori %and3A_1257, %or3A_1259 : vector<16xi32>
        %sub3A_1261 = arith.subf %select_n3A_1156, %gather3A_1204 : vector<16xf32>
        %bitcast_convert_type3A_1262 = tpu.bitcast %sub3A_1261 : vector<16xf32> -> vector<16xi32>
        %and3A_1263 = arith.constant 2147483632 : i32
        %and3A_1264 = vector.broadcast %and3A_1263 : i32 to vector<16xi32>
        %and3A_1265 = arith.andi %bitcast_convert_type3A_1262, %and3A_1264 : vector<16xi32>
        %or3A_1266 = arith.constant 7 : i32
        %or3A_1267 = vector.broadcast %or3A_1266 : i32 to vector<16xi32>
        %or3A_1268 = arith.ori %and3A_1265, %or3A_1267 : vector<16xi32>
        %sub3A_1269 = arith.subf %select_n3A_1160, %gather3A_1204 : vector<16xf32>
        %bitcast_convert_type3A_1270 = tpu.bitcast %sub3A_1269 : vector<16xf32> -> vector<16xi32>
        %and3A_1271 = arith.constant 2147483632 : i32
        %and3A_1272 = vector.broadcast %and3A_1271 : i32 to vector<16xi32>
        %and3A_1273 = arith.andi %bitcast_convert_type3A_1270, %and3A_1272 : vector<16xi32>
        %or3A_1274 = arith.constant 8 : i32
        %or3A_1275 = vector.broadcast %or3A_1274 : i32 to vector<16xi32>
        %or3A_1276 = arith.ori %and3A_1273, %or3A_1275 : vector<16xi32>
        %sub3A_1277 = arith.subf %select_n3A_1164, %gather3A_1204 : vector<16xf32>
        %bitcast_convert_type3A_1278 = tpu.bitcast %sub3A_1277 : vector<16xf32> -> vector<16xi32>
        %and3A_1279 = arith.constant 2147483632 : i32
        %and3A_1280 = vector.broadcast %and3A_1279 : i32 to vector<16xi32>
        %and3A_1281 = arith.andi %bitcast_convert_type3A_1278, %and3A_1280 : vector<16xi32>
        %or3A_1282 = arith.constant 9 : i32
        %or3A_1283 = vector.broadcast %or3A_1282 : i32 to vector<16xi32>
        %or3A_1284 = arith.ori %and3A_1281, %or3A_1283 : vector<16xi32>
        %sub3A_1285 = arith.subf %select_n3A_1168, %gather3A_1204 : vector<16xf32>
        %bitcast_convert_type3A_1286 = tpu.bitcast %sub3A_1285 : vector<16xf32> -> vector<16xi32>
        %and3A_1287 = arith.constant 2147483632 : i32
        %and3A_1288 = vector.broadcast %and3A_1287 : i32 to vector<16xi32>
        %and3A_1289 = arith.andi %bitcast_convert_type3A_1286, %and3A_1288 : vector<16xi32>
        %or3A_1290 = arith.constant 10 : i32
        %or3A_1291 = vector.broadcast %or3A_1290 : i32 to vector<16xi32>
        %or3A_1292 = arith.ori %and3A_1289, %or3A_1291 : vector<16xi32>
        %sub3A_1293 = arith.subf %select_n3A_1172, %gather3A_1204 : vector<16xf32>
        %bitcast_convert_type3A_1294 = tpu.bitcast %sub3A_1293 : vector<16xf32> -> vector<16xi32>
        %and3A_1295 = arith.constant 2147483632 : i32
        %and3A_1296 = vector.broadcast %and3A_1295 : i32 to vector<16xi32>
        %and3A_1297 = arith.andi %bitcast_convert_type3A_1294, %and3A_1296 : vector<16xi32>
        %or3A_1298 = arith.constant 11 : i32
        %or3A_1299 = vector.broadcast %or3A_1298 : i32 to vector<16xi32>
        %or3A_1300 = arith.ori %and3A_1297, %or3A_1299 : vector<16xi32>
        %sub3A_1301 = arith.subf %select_n3A_1176, %gather3A_1204 : vector<16xf32>
        %bitcast_convert_type3A_1302 = tpu.bitcast %sub3A_1301 : vector<16xf32> -> vector<16xi32>
        %and3A_1303 = arith.constant 2147483632 : i32
        %and3A_1304 = vector.broadcast %and3A_1303 : i32 to vector<16xi32>
        %and3A_1305 = arith.andi %bitcast_convert_type3A_1302, %and3A_1304 : vector<16xi32>
        %or3A_1306 = arith.constant 12 : i32
        %or3A_1307 = vector.broadcast %or3A_1306 : i32 to vector<16xi32>
        %or3A_1308 = arith.ori %and3A_1305, %or3A_1307 : vector<16xi32>
        %sub3A_1309 = arith.subf %select_n3A_1180, %gather3A_1204 : vector<16xf32>
        %bitcast_convert_type3A_1310 = tpu.bitcast %sub3A_1309 : vector<16xf32> -> vector<16xi32>
        %and3A_1311 = arith.constant 2147483632 : i32
        %and3A_1312 = vector.broadcast %and3A_1311 : i32 to vector<16xi32>
        %and3A_1313 = arith.andi %bitcast_convert_type3A_1310, %and3A_1312 : vector<16xi32>
        %or3A_1314 = arith.constant 13 : i32
        %or3A_1315 = vector.broadcast %or3A_1314 : i32 to vector<16xi32>
        %or3A_1316 = arith.ori %and3A_1313, %or3A_1315 : vector<16xi32>
        %sub3A_1317 = arith.subf %select_n3A_1184, %gather3A_1204 : vector<16xf32>
        %bitcast_convert_type3A_1318 = tpu.bitcast %sub3A_1317 : vector<16xf32> -> vector<16xi32>
        %and3A_1319 = arith.constant 2147483632 : i32
        %and3A_1320 = vector.broadcast %and3A_1319 : i32 to vector<16xi32>
        %and3A_1321 = arith.andi %bitcast_convert_type3A_1318, %and3A_1320 : vector<16xi32>
        %or3A_1322 = arith.constant 14 : i32
        %or3A_1323 = vector.broadcast %or3A_1322 : i32 to vector<16xi32>
        %or3A_1324 = arith.ori %and3A_1321, %or3A_1323 : vector<16xi32>
        %sub3A_1325 = arith.subf %select_n3A_1188, %gather3A_1204 : vector<16xf32>
        %bitcast_convert_type3A_1326 = tpu.bitcast %sub3A_1325 : vector<16xf32> -> vector<16xi32>
        %and3A_1327 = arith.constant 2147483632 : i32
        %and3A_1328 = vector.broadcast %and3A_1327 : i32 to vector<16xi32>
        %and3A_1329 = arith.andi %bitcast_convert_type3A_1326, %and3A_1328 : vector<16xi32>
        %or3A_1330 = arith.constant 15 : i32
        %or3A_1331 = vector.broadcast %or3A_1330 : i32 to vector<16xi32>
        %or3A_1332 = arith.ori %and3A_1329, %or3A_1331 : vector<16xi32>
        %min3A_1333 = arith.minui %or3A_1212, %or3A_1220 : vector<16xi32>
        %min3A_1334 = arith.minui %or3A_1228, %or3A_1236 : vector<16xi32>
        %min3A_1335 = arith.minui %or3A_1244, %or3A_1252 : vector<16xi32>
        %min3A_1336 = arith.minui %or3A_1260, %or3A_1268 : vector<16xi32>
        %min3A_1337 = arith.minui %or3A_1276, %or3A_1284 : vector<16xi32>
        %min3A_1338 = arith.minui %or3A_1292, %or3A_1300 : vector<16xi32>
        %min3A_1339 = arith.minui %or3A_1308, %or3A_1316 : vector<16xi32>
        %min3A_1340 = arith.minui %or3A_1324, %or3A_1332 : vector<16xi32>
        %min3A_1341 = arith.minui %min3A_1333, %min3A_1334 : vector<16xi32>
        %min3A_1342 = arith.minui %min3A_1335, %min3A_1336 : vector<16xi32>
        %min3A_1343 = arith.minui %min3A_1337, %min3A_1338 : vector<16xi32>
        %min3A_1344 = arith.minui %min3A_1339, %min3A_1340 : vector<16xi32>
        %min3A_1345 = arith.minui %min3A_1341, %min3A_1342 : vector<16xi32>
        %min3A_1346 = arith.minui %min3A_1343, %min3A_1344 : vector<16xi32>
        %min3A_1347 = arith.minui %min3A_1345, %min3A_1346 : vector<16xi32>
        %eq3A_1348 = arith.cmpi eq, %or3A_1212, %min3A_1347 : vector<16xi32>
        %jit3A_1349 = arith.constant 3.40282347E+38 : f32
        %broadcast_in_dim3A_1350 = vector.broadcast %jit3A_1349 : f32 to vector<16xf32>
        %select_n3A_1351 = arith.select %eq3A_1348, %broadcast_in_dim3A_1350, %select_n3A_1128 : vector<16xi1>, vector<16xf32>
        %eq3A_1352 = arith.cmpi eq, %or3A_1220, %min3A_1347 : vector<16xi32>
        %jit3A_1353 = arith.constant 3.40282347E+38 : f32
        %broadcast_in_dim3A_1354 = vector.broadcast %jit3A_1353 : f32 to vector<16xf32>
        %select_n3A_1355 = arith.select %eq3A_1352, %broadcast_in_dim3A_1354, %select_n3A_1132 : vector<16xi1>, vector<16xf32>
        %eq3A_1356 = arith.cmpi eq, %or3A_1228, %min3A_1347 : vector<16xi32>
        %jit3A_1357 = arith.constant 3.40282347E+38 : f32
        %broadcast_in_dim3A_1358 = vector.broadcast %jit3A_1357 : f32 to vector<16xf32>
        %select_n3A_1359 = arith.select %eq3A_1356, %broadcast_in_dim3A_1358, %select_n3A_1136 : vector<16xi1>, vector<16xf32>
        %eq3A_1360 = arith.cmpi eq, %or3A_1236, %min3A_1347 : vector<16xi32>
        %jit3A_1361 = arith.constant 3.40282347E+38 : f32
        %broadcast_in_dim3A_1362 = vector.broadcast %jit3A_1361 : f32 to vector<16xf32>
        %select_n3A_1363 = arith.select %eq3A_1360, %broadcast_in_dim3A_1362, %select_n3A_1140 : vector<16xi1>, vector<16xf32>
        %eq3A_1364 = arith.cmpi eq, %or3A_1244, %min3A_1347 : vector<16xi32>
        %jit3A_1365 = arith.constant 3.40282347E+38 : f32
        %broadcast_in_dim3A_1366 = vector.broadcast %jit3A_1365 : f32 to vector<16xf32>
        %select_n3A_1367 = arith.select %eq3A_1364, %broadcast_in_dim3A_1366, %select_n3A_1144 : vector<16xi1>, vector<16xf32>
        %eq3A_1368 = arith.cmpi eq, %or3A_1252, %min3A_1347 : vector<16xi32>
        %jit3A_1369 = arith.constant 3.40282347E+38 : f32
        %broadcast_in_dim3A_1370 = vector.broadcast %jit3A_1369 : f32 to vector<16xf32>
        %select_n3A_1371 = arith.select %eq3A_1368, %broadcast_in_dim3A_1370, %select_n3A_1148 : vector<16xi1>, vector<16xf32>
        %eq3A_1372 = arith.cmpi eq, %or3A_1260, %min3A_1347 : vector<16xi32>
        %jit3A_1373 = arith.constant 3.40282347E+38 : f32
        %broadcast_in_dim3A_1374 = vector.broadcast %jit3A_1373 : f32 to vector<16xf32>
        %select_n3A_1375 = arith.select %eq3A_1372, %broadcast_in_dim3A_1374, %select_n3A_1152 : vector<16xi1>, vector<16xf32>
        %eq3A_1376 = arith.cmpi eq, %or3A_1268, %min3A_1347 : vector<16xi32>
        %jit3A_1377 = arith.constant 3.40282347E+38 : f32
        %broadcast_in_dim3A_1378 = vector.broadcast %jit3A_1377 : f32 to vector<16xf32>
        %select_n3A_1379 = arith.select %eq3A_1376, %broadcast_in_dim3A_1378, %select_n3A_1156 : vector<16xi1>, vector<16xf32>
        %eq3A_1380 = arith.cmpi eq, %or3A_1276, %min3A_1347 : vector<16xi32>
        %jit3A_1381 = arith.constant 3.40282347E+38 : f32
        %broadcast_in_dim3A_1382 = vector.broadcast %jit3A_1381 : f32 to vector<16xf32>
        %select_n3A_1383 = arith.select %eq3A_1380, %broadcast_in_dim3A_1382, %select_n3A_1160 : vector<16xi1>, vector<16xf32>
        %eq3A_1384 = arith.cmpi eq, %or3A_1284, %min3A_1347 : vector<16xi32>
        %jit3A_1385 = arith.constant 3.40282347E+38 : f32
        %broadcast_in_dim3A_1386 = vector.broadcast %jit3A_1385 : f32 to vector<16xf32>
        %select_n3A_1387 = arith.select %eq3A_1384, %broadcast_in_dim3A_1386, %select_n3A_1164 : vector<16xi1>, vector<16xf32>
        %eq3A_1388 = arith.cmpi eq, %or3A_1292, %min3A_1347 : vector<16xi32>
        %jit3A_1389 = arith.constant 3.40282347E+38 : f32
        %broadcast_in_dim3A_1390 = vector.broadcast %jit3A_1389 : f32 to vector<16xf32>
        %select_n3A_1391 = arith.select %eq3A_1388, %broadcast_in_dim3A_1390, %select_n3A_1168 : vector<16xi1>, vector<16xf32>
        %eq3A_1392 = arith.cmpi eq, %or3A_1300, %min3A_1347 : vector<16xi32>
        %jit3A_1393 = arith.constant 3.40282347E+38 : f32
        %broadcast_in_dim3A_1394 = vector.broadcast %jit3A_1393 : f32 to vector<16xf32>
        %select_n3A_1395 = arith.select %eq3A_1392, %broadcast_in_dim3A_1394, %select_n3A_1172 : vector<16xi1>, vector<16xf32>
        %eq3A_1396 = arith.cmpi eq, %or3A_1308, %min3A_1347 : vector<16xi32>
        %jit3A_1397 = arith.constant 3.40282347E+38 : f32
        %broadcast_in_dim3A_1398 = vector.broadcast %jit3A_1397 : f32 to vector<16xf32>
        %select_n3A_1399 = arith.select %eq3A_1396, %broadcast_in_dim3A_1398, %select_n3A_1176 : vector<16xi1>, vector<16xf32>
        %eq3A_1400 = arith.cmpi eq, %or3A_1316, %min3A_1347 : vector<16xi32>
        %jit3A_1401 = arith.constant 3.40282347E+38 : f32
        %broadcast_in_dim3A_1402 = vector.broadcast %jit3A_1401 : f32 to vector<16xf32>
        %select_n3A_1403 = arith.select %eq3A_1400, %broadcast_in_dim3A_1402, %select_n3A_1180 : vector<16xi1>, vector<16xf32>
        %eq3A_1404 = arith.cmpi eq, %or3A_1324, %min3A_1347 : vector<16xi32>
        %jit3A_1405 = arith.constant 3.40282347E+38 : f32
        %broadcast_in_dim3A_1406 = vector.broadcast %jit3A_1405 : f32 to vector<16xf32>
        %select_n3A_1407 = arith.select %eq3A_1404, %broadcast_in_dim3A_1406, %select_n3A_1184 : vector<16xi1>, vector<16xf32>
        %eq3A_1408 = arith.cmpi eq, %or3A_1332, %min3A_1347 : vector<16xi32>
        %jit3A_1409 = arith.constant 3.40282347E+38 : f32
        %broadcast_in_dim3A_1410 = vector.broadcast %jit3A_1409 : f32 to vector<16xf32>
        %select_n3A_1411 = arith.select %eq3A_1408, %broadcast_in_dim3A_1410, %select_n3A_1188 : vector<16xi1>, vector<16xf32>
        %and3A_1412 = arith.constant 2147483632 : i32
        %and3A_1413 = vector.broadcast %and3A_1412 : i32 to vector<16xi32>
        %and3A_1414 = arith.andi %min3A_1347, %and3A_1413 : vector<16xi32>
        %bitcast_convert_type3A_1415 = tpu.bitcast %and3A_1414 : vector<16xi32> -> vector<16xf32>
        %ne3A_1416 = arith.constant -1.000000e+03 : f32
        %ne3A_1417 = vector.broadcast %ne3A_1416 : f32 to vector<16xf32>
        %ne3A_1418 = arith.cmpf one, %gather3A_1204, %ne3A_1417 : vector<16xf32>
        %mul3A_1419 = arith.mulf %bitcast_convert_type3A_1415, %bitcast_convert_type3A_1415 : vector<16xf32>
        %jit3A_1420 = arith.constant 0.000000e+00 : f32
        %broadcast_in_dim3A_1421 = vector.broadcast %jit3A_1420 : f32 to vector<16xf32>
        %select_n3A_1422 = arith.select %ne3A_1418, %mul3A_1419, %broadcast_in_dim3A_1421 : vector<16xi1>, vector<16xf32>
        %add3A_1423 = arith.addf %add3A_1200, %select_n3A_1422 : vector<16xf32>
        %add3A_1424 = arith.constant 6 : i32
        %add3A_1425 = vector.broadcast %add3A_1424 : i32 to vector<16xi32>
        %add3A_1426 = arith.addi %add3A_31, %add3A_1425 : vector<16xi32>
        %gather3A_1427 = tpu.vector_load_idx %arg6[%add3A_1426] : memref<32768xf32, #tpu.memory_space<vmem>>[vector<16xi32>], vector<16xf32>,
        %sub3A_1428 = arith.subf %select_n3A_1351, %gather3A_1427 : vector<16xf32>
        %bitcast_convert_type3A_1429 = tpu.bitcast %sub3A_1428 : vector<16xf32> -> vector<16xi32>
        %and3A_1430 = arith.constant 2147483632 : i32
        %and3A_1431 = vector.broadcast %and3A_1430 : i32 to vector<16xi32>
        %and3A_1432 = arith.andi %bitcast_convert_type3A_1429, %and3A_1431 : vector<16xi32>
        %or3A_1433 = arith.constant 0 : i32
        %or3A_1434 = vector.broadcast %or3A_1433 : i32 to vector<16xi32>
        %or3A_1435 = arith.ori %and3A_1432, %or3A_1434 : vector<16xi32>
        %sub3A_1436 = arith.subf %select_n3A_1355, %gather3A_1427 : vector<16xf32>
        %bitcast_convert_type3A_1437 = tpu.bitcast %sub3A_1436 : vector<16xf32> -> vector<16xi32>
        %and3A_1438 = arith.constant 2147483632 : i32
        %and3A_1439 = vector.broadcast %and3A_1438 : i32 to vector<16xi32>
        %and3A_1440 = arith.andi %bitcast_convert_type3A_1437, %and3A_1439 : vector<16xi32>
        %or3A_1441 = arith.constant 1 : i32
        %or3A_1442 = vector.broadcast %or3A_1441 : i32 to vector<16xi32>
        %or3A_1443 = arith.ori %and3A_1440, %or3A_1442 : vector<16xi32>
        %sub3A_1444 = arith.subf %select_n3A_1359, %gather3A_1427 : vector<16xf32>
        %bitcast_convert_type3A_1445 = tpu.bitcast %sub3A_1444 : vector<16xf32> -> vector<16xi32>
        %and3A_1446 = arith.constant 2147483632 : i32
        %and3A_1447 = vector.broadcast %and3A_1446 : i32 to vector<16xi32>
        %and3A_1448 = arith.andi %bitcast_convert_type3A_1445, %and3A_1447 : vector<16xi32>
        %or3A_1449 = arith.constant 2 : i32
        %or3A_1450 = vector.broadcast %or3A_1449 : i32 to vector<16xi32>
        %or3A_1451 = arith.ori %and3A_1448, %or3A_1450 : vector<16xi32>
        %sub3A_1452 = arith.subf %select_n3A_1363, %gather3A_1427 : vector<16xf32>
        %bitcast_convert_type3A_1453 = tpu.bitcast %sub3A_1452 : vector<16xf32> -> vector<16xi32>
        %and3A_1454 = arith.constant 2147483632 : i32
        %and3A_1455 = vector.broadcast %and3A_1454 : i32 to vector<16xi32>
        %and3A_1456 = arith.andi %bitcast_convert_type3A_1453, %and3A_1455 : vector<16xi32>
        %or3A_1457 = arith.constant 3 : i32
        %or3A_1458 = vector.broadcast %or3A_1457 : i32 to vector<16xi32>
        %or3A_1459 = arith.ori %and3A_1456, %or3A_1458 : vector<16xi32>
        %sub3A_1460 = arith.subf %select_n3A_1367, %gather3A_1427 : vector<16xf32>
        %bitcast_convert_type3A_1461 = tpu.bitcast %sub3A_1460 : vector<16xf32> -> vector<16xi32>
        %and3A_1462 = arith.constant 2147483632 : i32
        %and3A_1463 = vector.broadcast %and3A_1462 : i32 to vector<16xi32>
        %and3A_1464 = arith.andi %bitcast_convert_type3A_1461, %and3A_1463 : vector<16xi32>
        %or3A_1465 = arith.constant 4 : i32
        %or3A_1466 = vector.broadcast %or3A_1465 : i32 to vector<16xi32>
        %or3A_1467 = arith.ori %and3A_1464, %or3A_1466 : vector<16xi32>
        %sub3A_1468 = arith.subf %select_n3A_1371, %gather3A_1427 : vector<16xf32>
        %bitcast_convert_type3A_1469 = tpu.bitcast %sub3A_1468 : vector<16xf32> -> vector<16xi32>
        %and3A_1470 = arith.constant 2147483632 : i32
        %and3A_1471 = vector.broadcast %and3A_1470 : i32 to vector<16xi32>
        %and3A_1472 = arith.andi %bitcast_convert_type3A_1469, %and3A_1471 : vector<16xi32>
        %or3A_1473 = arith.constant 5 : i32
        %or3A_1474 = vector.broadcast %or3A_1473 : i32 to vector<16xi32>
        %or3A_1475 = arith.ori %and3A_1472, %or3A_1474 : vector<16xi32>
        %sub3A_1476 = arith.subf %select_n3A_1375, %gather3A_1427 : vector<16xf32>
        %bitcast_convert_type3A_1477 = tpu.bitcast %sub3A_1476 : vector<16xf32> -> vector<16xi32>
        %and3A_1478 = arith.constant 2147483632 : i32
        %and3A_1479 = vector.broadcast %and3A_1478 : i32 to vector<16xi32>
        %and3A_1480 = arith.andi %bitcast_convert_type3A_1477, %and3A_1479 : vector<16xi32>
        %or3A_1481 = arith.constant 6 : i32
        %or3A_1482 = vector.broadcast %or3A_1481 : i32 to vector<16xi32>
        %or3A_1483 = arith.ori %and3A_1480, %or3A_1482 : vector<16xi32>
        %sub3A_1484 = arith.subf %select_n3A_1379, %gather3A_1427 : vector<16xf32>
        %bitcast_convert_type3A_1485 = tpu.bitcast %sub3A_1484 : vector<16xf32> -> vector<16xi32>
        %and3A_1486 = arith.constant 2147483632 : i32
        %and3A_1487 = vector.broadcast %and3A_1486 : i32 to vector<16xi32>
        %and3A_1488 = arith.andi %bitcast_convert_type3A_1485, %and3A_1487 : vector<16xi32>
        %or3A_1489 = arith.constant 7 : i32
        %or3A_1490 = vector.broadcast %or3A_1489 : i32 to vector<16xi32>
        %or3A_1491 = arith.ori %and3A_1488, %or3A_1490 : vector<16xi32>
        %sub3A_1492 = arith.subf %select_n3A_1383, %gather3A_1427 : vector<16xf32>
        %bitcast_convert_type3A_1493 = tpu.bitcast %sub3A_1492 : vector<16xf32> -> vector<16xi32>
        %and3A_1494 = arith.constant 2147483632 : i32
        %and3A_1495 = vector.broadcast %and3A_1494 : i32 to vector<16xi32>
        %and3A_1496 = arith.andi %bitcast_convert_type3A_1493, %and3A_1495 : vector<16xi32>
        %or3A_1497 = arith.constant 8 : i32
        %or3A_1498 = vector.broadcast %or3A_1497 : i32 to vector<16xi32>
        %or3A_1499 = arith.ori %and3A_1496, %or3A_1498 : vector<16xi32>
        %sub3A_1500 = arith.subf %select_n3A_1387, %gather3A_1427 : vector<16xf32>
        %bitcast_convert_type3A_1501 = tpu.bitcast %sub3A_1500 : vector<16xf32> -> vector<16xi32>
        %and3A_1502 = arith.constant 2147483632 : i32
        %and3A_1503 = vector.broadcast %and3A_1502 : i32 to vector<16xi32>
        %and3A_1504 = arith.andi %bitcast_convert_type3A_1501, %and3A_1503 : vector<16xi32>
        %or3A_1505 = arith.constant 9 : i32
        %or3A_1506 = vector.broadcast %or3A_1505 : i32 to vector<16xi32>
        %or3A_1507 = arith.ori %and3A_1504, %or3A_1506 : vector<16xi32>
        %sub3A_1508 = arith.subf %select_n3A_1391, %gather3A_1427 : vector<16xf32>
        %bitcast_convert_type3A_1509 = tpu.bitcast %sub3A_1508 : vector<16xf32> -> vector<16xi32>
        %and3A_1510 = arith.constant 2147483632 : i32
        %and3A_1511 = vector.broadcast %and3A_1510 : i32 to vector<16xi32>
        %and3A_1512 = arith.andi %bitcast_convert_type3A_1509, %and3A_1511 : vector<16xi32>
        %or3A_1513 = arith.constant 10 : i32
        %or3A_1514 = vector.broadcast %or3A_1513 : i32 to vector<16xi32>
        %or3A_1515 = arith.ori %and3A_1512, %or3A_1514 : vector<16xi32>
        %sub3A_1516 = arith.subf %select_n3A_1395, %gather3A_1427 : vector<16xf32>
        %bitcast_convert_type3A_1517 = tpu.bitcast %sub3A_1516 : vector<16xf32> -> vector<16xi32>
        %and3A_1518 = arith.constant 2147483632 : i32
        %and3A_1519 = vector.broadcast %and3A_1518 : i32 to vector<16xi32>
        %and3A_1520 = arith.andi %bitcast_convert_type3A_1517, %and3A_1519 : vector<16xi32>
        %or3A_1521 = arith.constant 11 : i32
        %or3A_1522 = vector.broadcast %or3A_1521 : i32 to vector<16xi32>
        %or3A_1523 = arith.ori %and3A_1520, %or3A_1522 : vector<16xi32>
        %sub3A_1524 = arith.subf %select_n3A_1399, %gather3A_1427 : vector<16xf32>
        %bitcast_convert_type3A_1525 = tpu.bitcast %sub3A_1524 : vector<16xf32> -> vector<16xi32>
        %and3A_1526 = arith.constant 2147483632 : i32
        %and3A_1527 = vector.broadcast %and3A_1526 : i32 to vector<16xi32>
        %and3A_1528 = arith.andi %bitcast_convert_type3A_1525, %and3A_1527 : vector<16xi32>
        %or3A_1529 = arith.constant 12 : i32
        %or3A_1530 = vector.broadcast %or3A_1529 : i32 to vector<16xi32>
        %or3A_1531 = arith.ori %and3A_1528, %or3A_1530 : vector<16xi32>
        %sub3A_1532 = arith.subf %select_n3A_1403, %gather3A_1427 : vector<16xf32>
        %bitcast_convert_type3A_1533 = tpu.bitcast %sub3A_1532 : vector<16xf32> -> vector<16xi32>
        %and3A_1534 = arith.constant 2147483632 : i32
        %and3A_1535 = vector.broadcast %and3A_1534 : i32 to vector<16xi32>
        %and3A_1536 = arith.andi %bitcast_convert_type3A_1533, %and3A_1535 : vector<16xi32>
        %or3A_1537 = arith.constant 13 : i32
        %or3A_1538 = vector.broadcast %or3A_1537 : i32 to vector<16xi32>
        %or3A_1539 = arith.ori %and3A_1536, %or3A_1538 : vector<16xi32>
        %sub3A_1540 = arith.subf %select_n3A_1407, %gather3A_1427 : vector<16xf32>
        %bitcast_convert_type3A_1541 = tpu.bitcast %sub3A_1540 : vector<16xf32> -> vector<16xi32>
        %and3A_1542 = arith.constant 2147483632 : i32
        %and3A_1543 = vector.broadcast %and3A_1542 : i32 to vector<16xi32>
        %and3A_1544 = arith.andi %bitcast_convert_type3A_1541, %and3A_1543 : vector<16xi32>
        %or3A_1545 = arith.constant 14 : i32
        %or3A_1546 = vector.broadcast %or3A_1545 : i32 to vector<16xi32>
        %or3A_1547 = arith.ori %and3A_1544, %or3A_1546 : vector<16xi32>
        %sub3A_1548 = arith.subf %select_n3A_1411, %gather3A_1427 : vector<16xf32>
        %bitcast_convert_type3A_1549 = tpu.bitcast %sub3A_1548 : vector<16xf32> -> vector<16xi32>
        %and3A_1550 = arith.constant 2147483632 : i32
        %and3A_1551 = vector.broadcast %and3A_1550 : i32 to vector<16xi32>
        %and3A_1552 = arith.andi %bitcast_convert_type3A_1549, %and3A_1551 : vector<16xi32>
        %or3A_1553 = arith.constant 15 : i32
        %or3A_1554 = vector.broadcast %or3A_1553 : i32 to vector<16xi32>
        %or3A_1555 = arith.ori %and3A_1552, %or3A_1554 : vector<16xi32>
        %min3A_1556 = arith.minui %or3A_1435, %or3A_1443 : vector<16xi32>
        %min3A_1557 = arith.minui %or3A_1451, %or3A_1459 : vector<16xi32>
        %min3A_1558 = arith.minui %or3A_1467, %or3A_1475 : vector<16xi32>
        %min3A_1559 = arith.minui %or3A_1483, %or3A_1491 : vector<16xi32>
        %min3A_1560 = arith.minui %or3A_1499, %or3A_1507 : vector<16xi32>
        %min3A_1561 = arith.minui %or3A_1515, %or3A_1523 : vector<16xi32>
        %min3A_1562 = arith.minui %or3A_1531, %or3A_1539 : vector<16xi32>
        %min3A_1563 = arith.minui %or3A_1547, %or3A_1555 : vector<16xi32>
        %min3A_1564 = arith.minui %min3A_1556, %min3A_1557 : vector<16xi32>
        %min3A_1565 = arith.minui %min3A_1558, %min3A_1559 : vector<16xi32>
        %min3A_1566 = arith.minui %min3A_1560, %min3A_1561 : vector<16xi32>
        %min3A_1567 = arith.minui %min3A_1562, %min3A_1563 : vector<16xi32>
        %min3A_1568 = arith.minui %min3A_1564, %min3A_1565 : vector<16xi32>
        %min3A_1569 = arith.minui %min3A_1566, %min3A_1567 : vector<16xi32>
        %min3A_1570 = arith.minui %min3A_1568, %min3A_1569 : vector<16xi32>
        %eq3A_1571 = arith.cmpi eq, %or3A_1435, %min3A_1570 : vector<16xi32>
        %jit3A_1572 = arith.constant 3.40282347E+38 : f32
        %broadcast_in_dim3A_1573 = vector.broadcast %jit3A_1572 : f32 to vector<16xf32>
        %select_n3A_1574 = arith.select %eq3A_1571, %broadcast_in_dim3A_1573, %select_n3A_1351 : vector<16xi1>, vector<16xf32>
        %eq3A_1575 = arith.cmpi eq, %or3A_1443, %min3A_1570 : vector<16xi32>
        %jit3A_1576 = arith.constant 3.40282347E+38 : f32
        %broadcast_in_dim3A_1577 = vector.broadcast %jit3A_1576 : f32 to vector<16xf32>
        %select_n3A_1578 = arith.select %eq3A_1575, %broadcast_in_dim3A_1577, %select_n3A_1355 : vector<16xi1>, vector<16xf32>
        %eq3A_1579 = arith.cmpi eq, %or3A_1451, %min3A_1570 : vector<16xi32>
        %jit3A_1580 = arith.constant 3.40282347E+38 : f32
        %broadcast_in_dim3A_1581 = vector.broadcast %jit3A_1580 : f32 to vector<16xf32>
        %select_n3A_1582 = arith.select %eq3A_1579, %broadcast_in_dim3A_1581, %select_n3A_1359 : vector<16xi1>, vector<16xf32>
        %eq3A_1583 = arith.cmpi eq, %or3A_1459, %min3A_1570 : vector<16xi32>
        %jit3A_1584 = arith.constant 3.40282347E+38 : f32
        %broadcast_in_dim3A_1585 = vector.broadcast %jit3A_1584 : f32 to vector<16xf32>
        %select_n3A_1586 = arith.select %eq3A_1583, %broadcast_in_dim3A_1585, %select_n3A_1363 : vector<16xi1>, vector<16xf32>
        %eq3A_1587 = arith.cmpi eq, %or3A_1467, %min3A_1570 : vector<16xi32>
        %jit3A_1588 = arith.constant 3.40282347E+38 : f32
        %broadcast_in_dim3A_1589 = vector.broadcast %jit3A_1588 : f32 to vector<16xf32>
        %select_n3A_1590 = arith.select %eq3A_1587, %broadcast_in_dim3A_1589, %select_n3A_1367 : vector<16xi1>, vector<16xf32>
        %eq3A_1591 = arith.cmpi eq, %or3A_1475, %min3A_1570 : vector<16xi32>
        %jit3A_1592 = arith.constant 3.40282347E+38 : f32
        %broadcast_in_dim3A_1593 = vector.broadcast %jit3A_1592 : f32 to vector<16xf32>
        %select_n3A_1594 = arith.select %eq3A_1591, %broadcast_in_dim3A_1593, %select_n3A_1371 : vector<16xi1>, vector<16xf32>
        %eq3A_1595 = arith.cmpi eq, %or3A_1483, %min3A_1570 : vector<16xi32>
        %jit3A_1596 = arith.constant 3.40282347E+38 : f32
        %broadcast_in_dim3A_1597 = vector.broadcast %jit3A_1596 : f32 to vector<16xf32>
        %select_n3A_1598 = arith.select %eq3A_1595, %broadcast_in_dim3A_1597, %select_n3A_1375 : vector<16xi1>, vector<16xf32>
        %eq3A_1599 = arith.cmpi eq, %or3A_1491, %min3A_1570 : vector<16xi32>
        %jit3A_1600 = arith.constant 3.40282347E+38 : f32
        %broadcast_in_dim3A_1601 = vector.broadcast %jit3A_1600 : f32 to vector<16xf32>
        %select_n3A_1602 = arith.select %eq3A_1599, %broadcast_in_dim3A_1601, %select_n3A_1379 : vector<16xi1>, vector<16xf32>
        %eq3A_1603 = arith.cmpi eq, %or3A_1499, %min3A_1570 : vector<16xi32>
        %jit3A_1604 = arith.constant 3.40282347E+38 : f32
        %broadcast_in_dim3A_1605 = vector.broadcast %jit3A_1604 : f32 to vector<16xf32>
        %select_n3A_1606 = arith.select %eq3A_1603, %broadcast_in_dim3A_1605, %select_n3A_1383 : vector<16xi1>, vector<16xf32>
        %eq3A_1607 = arith.cmpi eq, %or3A_1507, %min3A_1570 : vector<16xi32>
        %jit3A_1608 = arith.constant 3.40282347E+38 : f32
        %broadcast_in_dim3A_1609 = vector.broadcast %jit3A_1608 : f32 to vector<16xf32>
        %select_n3A_1610 = arith.select %eq3A_1607, %broadcast_in_dim3A_1609, %select_n3A_1387 : vector<16xi1>, vector<16xf32>
        %eq3A_1611 = arith.cmpi eq, %or3A_1515, %min3A_1570 : vector<16xi32>
        %jit3A_1612 = arith.constant 3.40282347E+38 : f32
        %broadcast_in_dim3A_1613 = vector.broadcast %jit3A_1612 : f32 to vector<16xf32>
        %select_n3A_1614 = arith.select %eq3A_1611, %broadcast_in_dim3A_1613, %select_n3A_1391 : vector<16xi1>, vector<16xf32>
        %eq3A_1615 = arith.cmpi eq, %or3A_1523, %min3A_1570 : vector<16xi32>
        %jit3A_1616 = arith.constant 3.40282347E+38 : f32
        %broadcast_in_dim3A_1617 = vector.broadcast %jit3A_1616 : f32 to vector<16xf32>
        %select_n3A_1618 = arith.select %eq3A_1615, %broadcast_in_dim3A_1617, %select_n3A_1395 : vector<16xi1>, vector<16xf32>
        %eq3A_1619 = arith.cmpi eq, %or3A_1531, %min3A_1570 : vector<16xi32>
        %jit3A_1620 = arith.constant 3.40282347E+38 : f32
        %broadcast_in_dim3A_1621 = vector.broadcast %jit3A_1620 : f32 to vector<16xf32>
        %select_n3A_1622 = arith.select %eq3A_1619, %broadcast_in_dim3A_1621, %select_n3A_1399 : vector<16xi1>, vector<16xf32>
        %eq3A_1623 = arith.cmpi eq, %or3A_1539, %min3A_1570 : vector<16xi32>
        %jit3A_1624 = arith.constant 3.40282347E+38 : f32
        %broadcast_in_dim3A_1625 = vector.broadcast %jit3A_1624 : f32 to vector<16xf32>
        %select_n3A_1626 = arith.select %eq3A_1623, %broadcast_in_dim3A_1625, %select_n3A_1403 : vector<16xi1>, vector<16xf32>
        %eq3A_1627 = arith.cmpi eq, %or3A_1547, %min3A_1570 : vector<16xi32>
        %jit3A_1628 = arith.constant 3.40282347E+38 : f32
        %broadcast_in_dim3A_1629 = vector.broadcast %jit3A_1628 : f32 to vector<16xf32>
        %select_n3A_1630 = arith.select %eq3A_1627, %broadcast_in_dim3A_1629, %select_n3A_1407 : vector<16xi1>, vector<16xf32>
        %eq3A_1631 = arith.cmpi eq, %or3A_1555, %min3A_1570 : vector<16xi32>
        %jit3A_1632 = arith.constant 3.40282347E+38 : f32
        %broadcast_in_dim3A_1633 = vector.broadcast %jit3A_1632 : f32 to vector<16xf32>
        %select_n3A_1634 = arith.select %eq3A_1631, %broadcast_in_dim3A_1633, %select_n3A_1411 : vector<16xi1>, vector<16xf32>
        %and3A_1635 = arith.constant 2147483632 : i32
        %and3A_1636 = vector.broadcast %and3A_1635 : i32 to vector<16xi32>
        %and3A_1637 = arith.andi %min3A_1570, %and3A_1636 : vector<16xi32>
        %bitcast_convert_type3A_1638 = tpu.bitcast %and3A_1637 : vector<16xi32> -> vector<16xf32>
        %ne3A_1639 = arith.constant -1.000000e+03 : f32
        %ne3A_1640 = vector.broadcast %ne3A_1639 : f32 to vector<16xf32>
        %ne3A_1641 = arith.cmpf one, %gather3A_1427, %ne3A_1640 : vector<16xf32>
        %mul3A_1642 = arith.mulf %bitcast_convert_type3A_1638, %bitcast_convert_type3A_1638 : vector<16xf32>
        %jit3A_1643 = arith.constant 0.000000e+00 : f32
        %broadcast_in_dim3A_1644 = vector.broadcast %jit3A_1643 : f32 to vector<16xf32>
        %select_n3A_1645 = arith.select %ne3A_1641, %mul3A_1642, %broadcast_in_dim3A_1644 : vector<16xi1>, vector<16xf32>
        %add3A_1646 = arith.addf %add3A_1423, %select_n3A_1645 : vector<16xf32>
        %add3A_1647 = arith.constant 7 : i32
        %add3A_1648 = vector.broadcast %add3A_1647 : i32 to vector<16xi32>
        %add3A_1649 = arith.addi %add3A_31, %add3A_1648 : vector<16xi32>
        %gather3A_1650 = tpu.vector_load_idx %arg6[%add3A_1649] : memref<32768xf32, #tpu.memory_space<vmem>>[vector<16xi32>], vector<16xf32>,
        %sub3A_1651 = arith.subf %select_n3A_1574, %gather3A_1650 : vector<16xf32>
        %bitcast_convert_type3A_1652 = tpu.bitcast %sub3A_1651 : vector<16xf32> -> vector<16xi32>
        %and3A_1653 = arith.constant 2147483632 : i32
        %and3A_1654 = vector.broadcast %and3A_1653 : i32 to vector<16xi32>
        %and3A_1655 = arith.andi %bitcast_convert_type3A_1652, %and3A_1654 : vector<16xi32>
        %or3A_1656 = arith.constant 0 : i32
        %or3A_1657 = vector.broadcast %or3A_1656 : i32 to vector<16xi32>
        %or3A_1658 = arith.ori %and3A_1655, %or3A_1657 : vector<16xi32>
        %sub3A_1659 = arith.subf %select_n3A_1578, %gather3A_1650 : vector<16xf32>
        %bitcast_convert_type3A_1660 = tpu.bitcast %sub3A_1659 : vector<16xf32> -> vector<16xi32>
        %and3A_1661 = arith.constant 2147483632 : i32
        %and3A_1662 = vector.broadcast %and3A_1661 : i32 to vector<16xi32>
        %and3A_1663 = arith.andi %bitcast_convert_type3A_1660, %and3A_1662 : vector<16xi32>
        %or3A_1664 = arith.constant 1 : i32
        %or3A_1665 = vector.broadcast %or3A_1664 : i32 to vector<16xi32>
        %or3A_1666 = arith.ori %and3A_1663, %or3A_1665 : vector<16xi32>
        %sub3A_1667 = arith.subf %select_n3A_1582, %gather3A_1650 : vector<16xf32>
        %bitcast_convert_type3A_1668 = tpu.bitcast %sub3A_1667 : vector<16xf32> -> vector<16xi32>
        %and3A_1669 = arith.constant 2147483632 : i32
        %and3A_1670 = vector.broadcast %and3A_1669 : i32 to vector<16xi32>
        %and3A_1671 = arith.andi %bitcast_convert_type3A_1668, %and3A_1670 : vector<16xi32>
        %or3A_1672 = arith.constant 2 : i32
        %or3A_1673 = vector.broadcast %or3A_1672 : i32 to vector<16xi32>
        %or3A_1674 = arith.ori %and3A_1671, %or3A_1673 : vector<16xi32>
        %sub3A_1675 = arith.subf %select_n3A_1586, %gather3A_1650 : vector<16xf32>
        %bitcast_convert_type3A_1676 = tpu.bitcast %sub3A_1675 : vector<16xf32> -> vector<16xi32>
        %and3A_1677 = arith.constant 2147483632 : i32
        %and3A_1678 = vector.broadcast %and3A_1677 : i32 to vector<16xi32>
        %and3A_1679 = arith.andi %bitcast_convert_type3A_1676, %and3A_1678 : vector<16xi32>
        %or3A_1680 = arith.constant 3 : i32
        %or3A_1681 = vector.broadcast %or3A_1680 : i32 to vector<16xi32>
        %or3A_1682 = arith.ori %and3A_1679, %or3A_1681 : vector<16xi32>
        %sub3A_1683 = arith.subf %select_n3A_1590, %gather3A_1650 : vector<16xf32>
        %bitcast_convert_type3A_1684 = tpu.bitcast %sub3A_1683 : vector<16xf32> -> vector<16xi32>
        %and3A_1685 = arith.constant 2147483632 : i32
        %and3A_1686 = vector.broadcast %and3A_1685 : i32 to vector<16xi32>
        %and3A_1687 = arith.andi %bitcast_convert_type3A_1684, %and3A_1686 : vector<16xi32>
        %or3A_1688 = arith.constant 4 : i32
        %or3A_1689 = vector.broadcast %or3A_1688 : i32 to vector<16xi32>
        %or3A_1690 = arith.ori %and3A_1687, %or3A_1689 : vector<16xi32>
        %sub3A_1691 = arith.subf %select_n3A_1594, %gather3A_1650 : vector<16xf32>
        %bitcast_convert_type3A_1692 = tpu.bitcast %sub3A_1691 : vector<16xf32> -> vector<16xi32>
        %and3A_1693 = arith.constant 2147483632 : i32
        %and3A_1694 = vector.broadcast %and3A_1693 : i32 to vector<16xi32>
        %and3A_1695 = arith.andi %bitcast_convert_type3A_1692, %and3A_1694 : vector<16xi32>
        %or3A_1696 = arith.constant 5 : i32
        %or3A_1697 = vector.broadcast %or3A_1696 : i32 to vector<16xi32>
        %or3A_1698 = arith.ori %and3A_1695, %or3A_1697 : vector<16xi32>
        %sub3A_1699 = arith.subf %select_n3A_1598, %gather3A_1650 : vector<16xf32>
        %bitcast_convert_type3A_1700 = tpu.bitcast %sub3A_1699 : vector<16xf32> -> vector<16xi32>
        %and3A_1701 = arith.constant 2147483632 : i32
        %and3A_1702 = vector.broadcast %and3A_1701 : i32 to vector<16xi32>
        %and3A_1703 = arith.andi %bitcast_convert_type3A_1700, %and3A_1702 : vector<16xi32>
        %or3A_1704 = arith.constant 6 : i32
        %or3A_1705 = vector.broadcast %or3A_1704 : i32 to vector<16xi32>
        %or3A_1706 = arith.ori %and3A_1703, %or3A_1705 : vector<16xi32>
        %sub3A_1707 = arith.subf %select_n3A_1602, %gather3A_1650 : vector<16xf32>
        %bitcast_convert_type3A_1708 = tpu.bitcast %sub3A_1707 : vector<16xf32> -> vector<16xi32>
        %and3A_1709 = arith.constant 2147483632 : i32
        %and3A_1710 = vector.broadcast %and3A_1709 : i32 to vector<16xi32>
        %and3A_1711 = arith.andi %bitcast_convert_type3A_1708, %and3A_1710 : vector<16xi32>
        %or3A_1712 = arith.constant 7 : i32
        %or3A_1713 = vector.broadcast %or3A_1712 : i32 to vector<16xi32>
        %or3A_1714 = arith.ori %and3A_1711, %or3A_1713 : vector<16xi32>
        %sub3A_1715 = arith.subf %select_n3A_1606, %gather3A_1650 : vector<16xf32>
        %bitcast_convert_type3A_1716 = tpu.bitcast %sub3A_1715 : vector<16xf32> -> vector<16xi32>
        %and3A_1717 = arith.constant 2147483632 : i32
        %and3A_1718 = vector.broadcast %and3A_1717 : i32 to vector<16xi32>
        %and3A_1719 = arith.andi %bitcast_convert_type3A_1716, %and3A_1718 : vector<16xi32>
        %or3A_1720 = arith.constant 8 : i32
        %or3A_1721 = vector.broadcast %or3A_1720 : i32 to vector<16xi32>
        %or3A_1722 = arith.ori %and3A_1719, %or3A_1721 : vector<16xi32>
        %sub3A_1723 = arith.subf %select_n3A_1610, %gather3A_1650 : vector<16xf32>
        %bitcast_convert_type3A_1724 = tpu.bitcast %sub3A_1723 : vector<16xf32> -> vector<16xi32>
        %and3A_1725 = arith.constant 2147483632 : i32
        %and3A_1726 = vector.broadcast %and3A_1725 : i32 to vector<16xi32>
        %and3A_1727 = arith.andi %bitcast_convert_type3A_1724, %and3A_1726 : vector<16xi32>
        %or3A_1728 = arith.constant 9 : i32
        %or3A_1729 = vector.broadcast %or3A_1728 : i32 to vector<16xi32>
        %or3A_1730 = arith.ori %and3A_1727, %or3A_1729 : vector<16xi32>
        %sub3A_1731 = arith.subf %select_n3A_1614, %gather3A_1650 : vector<16xf32>
        %bitcast_convert_type3A_1732 = tpu.bitcast %sub3A_1731 : vector<16xf32> -> vector<16xi32>
        %and3A_1733 = arith.constant 2147483632 : i32
        %and3A_1734 = vector.broadcast %and3A_1733 : i32 to vector<16xi32>
        %and3A_1735 = arith.andi %bitcast_convert_type3A_1732, %and3A_1734 : vector<16xi32>
        %or3A_1736 = arith.constant 10 : i32
        %or3A_1737 = vector.broadcast %or3A_1736 : i32 to vector<16xi32>
        %or3A_1738 = arith.ori %and3A_1735, %or3A_1737 : vector<16xi32>
        %sub3A_1739 = arith.subf %select_n3A_1618, %gather3A_1650 : vector<16xf32>
        %bitcast_convert_type3A_1740 = tpu.bitcast %sub3A_1739 : vector<16xf32> -> vector<16xi32>
        %and3A_1741 = arith.constant 2147483632 : i32
        %and3A_1742 = vector.broadcast %and3A_1741 : i32 to vector<16xi32>
        %and3A_1743 = arith.andi %bitcast_convert_type3A_1740, %and3A_1742 : vector<16xi32>
        %or3A_1744 = arith.constant 11 : i32
        %or3A_1745 = vector.broadcast %or3A_1744 : i32 to vector<16xi32>
        %or3A_1746 = arith.ori %and3A_1743, %or3A_1745 : vector<16xi32>
        %sub3A_1747 = arith.subf %select_n3A_1622, %gather3A_1650 : vector<16xf32>
        %bitcast_convert_type3A_1748 = tpu.bitcast %sub3A_1747 : vector<16xf32> -> vector<16xi32>
        %and3A_1749 = arith.constant 2147483632 : i32
        %and3A_1750 = vector.broadcast %and3A_1749 : i32 to vector<16xi32>
        %and3A_1751 = arith.andi %bitcast_convert_type3A_1748, %and3A_1750 : vector<16xi32>
        %or3A_1752 = arith.constant 12 : i32
        %or3A_1753 = vector.broadcast %or3A_1752 : i32 to vector<16xi32>
        %or3A_1754 = arith.ori %and3A_1751, %or3A_1753 : vector<16xi32>
        %sub3A_1755 = arith.subf %select_n3A_1626, %gather3A_1650 : vector<16xf32>
        %bitcast_convert_type3A_1756 = tpu.bitcast %sub3A_1755 : vector<16xf32> -> vector<16xi32>
        %and3A_1757 = arith.constant 2147483632 : i32
        %and3A_1758 = vector.broadcast %and3A_1757 : i32 to vector<16xi32>
        %and3A_1759 = arith.andi %bitcast_convert_type3A_1756, %and3A_1758 : vector<16xi32>
        %or3A_1760 = arith.constant 13 : i32
        %or3A_1761 = vector.broadcast %or3A_1760 : i32 to vector<16xi32>
        %or3A_1762 = arith.ori %and3A_1759, %or3A_1761 : vector<16xi32>
        %sub3A_1763 = arith.subf %select_n3A_1630, %gather3A_1650 : vector<16xf32>
        %bitcast_convert_type3A_1764 = tpu.bitcast %sub3A_1763 : vector<16xf32> -> vector<16xi32>
        %and3A_1765 = arith.constant 2147483632 : i32
        %and3A_1766 = vector.broadcast %and3A_1765 : i32 to vector<16xi32>
        %and3A_1767 = arith.andi %bitcast_convert_type3A_1764, %and3A_1766 : vector<16xi32>
        %or3A_1768 = arith.constant 14 : i32
        %or3A_1769 = vector.broadcast %or3A_1768 : i32 to vector<16xi32>
        %or3A_1770 = arith.ori %and3A_1767, %or3A_1769 : vector<16xi32>
        %sub3A_1771 = arith.subf %select_n3A_1634, %gather3A_1650 : vector<16xf32>
        %bitcast_convert_type3A_1772 = tpu.bitcast %sub3A_1771 : vector<16xf32> -> vector<16xi32>
        %and3A_1773 = arith.constant 2147483632 : i32
        %and3A_1774 = vector.broadcast %and3A_1773 : i32 to vector<16xi32>
        %and3A_1775 = arith.andi %bitcast_convert_type3A_1772, %and3A_1774 : vector<16xi32>
        %or3A_1776 = arith.constant 15 : i32
        %or3A_1777 = vector.broadcast %or3A_1776 : i32 to vector<16xi32>
        %or3A_1778 = arith.ori %and3A_1775, %or3A_1777 : vector<16xi32>
        %min3A_1779 = arith.minui %or3A_1658, %or3A_1666 : vector<16xi32>
        %min3A_1780 = arith.minui %or3A_1674, %or3A_1682 : vector<16xi32>
        %min3A_1781 = arith.minui %or3A_1690, %or3A_1698 : vector<16xi32>
        %min3A_1782 = arith.minui %or3A_1706, %or3A_1714 : vector<16xi32>
        %min3A_1783 = arith.minui %or3A_1722, %or3A_1730 : vector<16xi32>
        %min3A_1784 = arith.minui %or3A_1738, %or3A_1746 : vector<16xi32>
        %min3A_1785 = arith.minui %or3A_1754, %or3A_1762 : vector<16xi32>
        %min3A_1786 = arith.minui %or3A_1770, %or3A_1778 : vector<16xi32>
        %min3A_1787 = arith.minui %min3A_1779, %min3A_1780 : vector<16xi32>
        %min3A_1788 = arith.minui %min3A_1781, %min3A_1782 : vector<16xi32>
        %min3A_1789 = arith.minui %min3A_1783, %min3A_1784 : vector<16xi32>
        %min3A_1790 = arith.minui %min3A_1785, %min3A_1786 : vector<16xi32>
        %min3A_1791 = arith.minui %min3A_1787, %min3A_1788 : vector<16xi32>
        %min3A_1792 = arith.minui %min3A_1789, %min3A_1790 : vector<16xi32>
        %min3A_1793 = arith.minui %min3A_1791, %min3A_1792 : vector<16xi32>
        %eq3A_1794 = arith.cmpi eq, %or3A_1658, %min3A_1793 : vector<16xi32>
        %jit3A_1795 = arith.constant 3.40282347E+38 : f32
        %broadcast_in_dim3A_1796 = vector.broadcast %jit3A_1795 : f32 to vector<16xf32>
        %select_n3A_1797 = arith.select %eq3A_1794, %broadcast_in_dim3A_1796, %select_n3A_1574 : vector<16xi1>, vector<16xf32>
        %eq3A_1798 = arith.cmpi eq, %or3A_1666, %min3A_1793 : vector<16xi32>
        %jit3A_1799 = arith.constant 3.40282347E+38 : f32
        %broadcast_in_dim3A_1800 = vector.broadcast %jit3A_1799 : f32 to vector<16xf32>
        %select_n3A_1801 = arith.select %eq3A_1798, %broadcast_in_dim3A_1800, %select_n3A_1578 : vector<16xi1>, vector<16xf32>
        %eq3A_1802 = arith.cmpi eq, %or3A_1674, %min3A_1793 : vector<16xi32>
        %jit3A_1803 = arith.constant 3.40282347E+38 : f32
        %broadcast_in_dim3A_1804 = vector.broadcast %jit3A_1803 : f32 to vector<16xf32>
        %select_n3A_1805 = arith.select %eq3A_1802, %broadcast_in_dim3A_1804, %select_n3A_1582 : vector<16xi1>, vector<16xf32>
        %eq3A_1806 = arith.cmpi eq, %or3A_1682, %min3A_1793 : vector<16xi32>
        %jit3A_1807 = arith.constant 3.40282347E+38 : f32
        %broadcast_in_dim3A_1808 = vector.broadcast %jit3A_1807 : f32 to vector<16xf32>
        %select_n3A_1809 = arith.select %eq3A_1806, %broadcast_in_dim3A_1808, %select_n3A_1586 : vector<16xi1>, vector<16xf32>
        %eq3A_1810 = arith.cmpi eq, %or3A_1690, %min3A_1793 : vector<16xi32>
        %jit3A_1811 = arith.constant 3.40282347E+38 : f32
        %broadcast_in_dim3A_1812 = vector.broadcast %jit3A_1811 : f32 to vector<16xf32>
        %select_n3A_1813 = arith.select %eq3A_1810, %broadcast_in_dim3A_1812, %select_n3A_1590 : vector<16xi1>, vector<16xf32>
        %eq3A_1814 = arith.cmpi eq, %or3A_1698, %min3A_1793 : vector<16xi32>
        %jit3A_1815 = arith.constant 3.40282347E+38 : f32
        %broadcast_in_dim3A_1816 = vector.broadcast %jit3A_1815 : f32 to vector<16xf32>
        %select_n3A_1817 = arith.select %eq3A_1814, %broadcast_in_dim3A_1816, %select_n3A_1594 : vector<16xi1>, vector<16xf32>
        %eq3A_1818 = arith.cmpi eq, %or3A_1706, %min3A_1793 : vector<16xi32>
        %jit3A_1819 = arith.constant 3.40282347E+38 : f32
        %broadcast_in_dim3A_1820 = vector.broadcast %jit3A_1819 : f32 to vector<16xf32>
        %select_n3A_1821 = arith.select %eq3A_1818, %broadcast_in_dim3A_1820, %select_n3A_1598 : vector<16xi1>, vector<16xf32>
        %eq3A_1822 = arith.cmpi eq, %or3A_1714, %min3A_1793 : vector<16xi32>
        %jit3A_1823 = arith.constant 3.40282347E+38 : f32
        %broadcast_in_dim3A_1824 = vector.broadcast %jit3A_1823 : f32 to vector<16xf32>
        %select_n3A_1825 = arith.select %eq3A_1822, %broadcast_in_dim3A_1824, %select_n3A_1602 : vector<16xi1>, vector<16xf32>
        %eq3A_1826 = arith.cmpi eq, %or3A_1722, %min3A_1793 : vector<16xi32>
        %jit3A_1827 = arith.constant 3.40282347E+38 : f32
        %broadcast_in_dim3A_1828 = vector.broadcast %jit3A_1827 : f32 to vector<16xf32>
        %select_n3A_1829 = arith.select %eq3A_1826, %broadcast_in_dim3A_1828, %select_n3A_1606 : vector<16xi1>, vector<16xf32>
        %eq3A_1830 = arith.cmpi eq, %or3A_1730, %min3A_1793 : vector<16xi32>
        %jit3A_1831 = arith.constant 3.40282347E+38 : f32
        %broadcast_in_dim3A_1832 = vector.broadcast %jit3A_1831 : f32 to vector<16xf32>
        %select_n3A_1833 = arith.select %eq3A_1830, %broadcast_in_dim3A_1832, %select_n3A_1610 : vector<16xi1>, vector<16xf32>
        %eq3A_1834 = arith.cmpi eq, %or3A_1738, %min3A_1793 : vector<16xi32>
        %jit3A_1835 = arith.constant 3.40282347E+38 : f32
        %broadcast_in_dim3A_1836 = vector.broadcast %jit3A_1835 : f32 to vector<16xf32>
        %select_n3A_1837 = arith.select %eq3A_1834, %broadcast_in_dim3A_1836, %select_n3A_1614 : vector<16xi1>, vector<16xf32>
        %eq3A_1838 = arith.cmpi eq, %or3A_1746, %min3A_1793 : vector<16xi32>
        %jit3A_1839 = arith.constant 3.40282347E+38 : f32
        %broadcast_in_dim3A_1840 = vector.broadcast %jit3A_1839 : f32 to vector<16xf32>
        %select_n3A_1841 = arith.select %eq3A_1838, %broadcast_in_dim3A_1840, %select_n3A_1618 : vector<16xi1>, vector<16xf32>
        %eq3A_1842 = arith.cmpi eq, %or3A_1754, %min3A_1793 : vector<16xi32>
        %jit3A_1843 = arith.constant 3.40282347E+38 : f32
        %broadcast_in_dim3A_1844 = vector.broadcast %jit3A_1843 : f32 to vector<16xf32>
        %select_n3A_1845 = arith.select %eq3A_1842, %broadcast_in_dim3A_1844, %select_n3A_1622 : vector<16xi1>, vector<16xf32>
        %eq3A_1846 = arith.cmpi eq, %or3A_1762, %min3A_1793 : vector<16xi32>
        %jit3A_1847 = arith.constant 3.40282347E+38 : f32
        %broadcast_in_dim3A_1848 = vector.broadcast %jit3A_1847 : f32 to vector<16xf32>
        %select_n3A_1849 = arith.select %eq3A_1846, %broadcast_in_dim3A_1848, %select_n3A_1626 : vector<16xi1>, vector<16xf32>
        %eq3A_1850 = arith.cmpi eq, %or3A_1770, %min3A_1793 : vector<16xi32>
        %jit3A_1851 = arith.constant 3.40282347E+38 : f32
        %broadcast_in_dim3A_1852 = vector.broadcast %jit3A_1851 : f32 to vector<16xf32>
        %select_n3A_1853 = arith.select %eq3A_1850, %broadcast_in_dim3A_1852, %select_n3A_1630 : vector<16xi1>, vector<16xf32>
        %eq3A_1854 = arith.cmpi eq, %or3A_1778, %min3A_1793 : vector<16xi32>
        %jit3A_1855 = arith.constant 3.40282347E+38 : f32
        %broadcast_in_dim3A_1856 = vector.broadcast %jit3A_1855 : f32 to vector<16xf32>
        %select_n3A_1857 = arith.select %eq3A_1854, %broadcast_in_dim3A_1856, %select_n3A_1634 : vector<16xi1>, vector<16xf32>
        %and3A_1858 = arith.constant 2147483632 : i32
        %and3A_1859 = vector.broadcast %and3A_1858 : i32 to vector<16xi32>
        %and3A_1860 = arith.andi %min3A_1793, %and3A_1859 : vector<16xi32>
        %bitcast_convert_type3A_1861 = tpu.bitcast %and3A_1860 : vector<16xi32> -> vector<16xf32>
        %ne3A_1862 = arith.constant -1.000000e+03 : f32
        %ne3A_1863 = vector.broadcast %ne3A_1862 : f32 to vector<16xf32>
        %ne3A_1864 = arith.cmpf one, %gather3A_1650, %ne3A_1863 : vector<16xf32>
        %mul3A_1865 = arith.mulf %bitcast_convert_type3A_1861, %bitcast_convert_type3A_1861 : vector<16xf32>
        %jit3A_1866 = arith.constant 0.000000e+00 : f32
        %broadcast_in_dim3A_1867 = vector.broadcast %jit3A_1866 : f32 to vector<16xf32>
        %select_n3A_1868 = arith.select %ne3A_1864, %mul3A_1865, %broadcast_in_dim3A_1867 : vector<16xi1>, vector<16xf32>
        %add3A_1869 = arith.addf %add3A_1646, %select_n3A_1868 : vector<16xf32>
        %add3A_1870 = arith.constant 8 : i32
        %add3A_1871 = vector.broadcast %add3A_1870 : i32 to vector<16xi32>
        %add3A_1872 = arith.addi %add3A_31, %add3A_1871 : vector<16xi32>
        %gather3A_1873 = tpu.vector_load_idx %arg6[%add3A_1872] : memref<32768xf32, #tpu.memory_space<vmem>>[vector<16xi32>], vector<16xf32>,
        %sub3A_1874 = arith.subf %select_n3A_1797, %gather3A_1873 : vector<16xf32>
        %bitcast_convert_type3A_1875 = tpu.bitcast %sub3A_1874 : vector<16xf32> -> vector<16xi32>
        %and3A_1876 = arith.constant 2147483632 : i32
        %and3A_1877 = vector.broadcast %and3A_1876 : i32 to vector<16xi32>
        %and3A_1878 = arith.andi %bitcast_convert_type3A_1875, %and3A_1877 : vector<16xi32>
        %or3A_1879 = arith.constant 0 : i32
        %or3A_1880 = vector.broadcast %or3A_1879 : i32 to vector<16xi32>
        %or3A_1881 = arith.ori %and3A_1878, %or3A_1880 : vector<16xi32>
        %sub3A_1882 = arith.subf %select_n3A_1801, %gather3A_1873 : vector<16xf32>
        %bitcast_convert_type3A_1883 = tpu.bitcast %sub3A_1882 : vector<16xf32> -> vector<16xi32>
        %and3A_1884 = arith.constant 2147483632 : i32
        %and3A_1885 = vector.broadcast %and3A_1884 : i32 to vector<16xi32>
        %and3A_1886 = arith.andi %bitcast_convert_type3A_1883, %and3A_1885 : vector<16xi32>
        %or3A_1887 = arith.constant 1 : i32
        %or3A_1888 = vector.broadcast %or3A_1887 : i32 to vector<16xi32>
        %or3A_1889 = arith.ori %and3A_1886, %or3A_1888 : vector<16xi32>
        %sub3A_1890 = arith.subf %select_n3A_1805, %gather3A_1873 : vector<16xf32>
        %bitcast_convert_type3A_1891 = tpu.bitcast %sub3A_1890 : vector<16xf32> -> vector<16xi32>
        %and3A_1892 = arith.constant 2147483632 : i32
        %and3A_1893 = vector.broadcast %and3A_1892 : i32 to vector<16xi32>
        %and3A_1894 = arith.andi %bitcast_convert_type3A_1891, %and3A_1893 : vector<16xi32>
        %or3A_1895 = arith.constant 2 : i32
        %or3A_1896 = vector.broadcast %or3A_1895 : i32 to vector<16xi32>
        %or3A_1897 = arith.ori %and3A_1894, %or3A_1896 : vector<16xi32>
        %sub3A_1898 = arith.subf %select_n3A_1809, %gather3A_1873 : vector<16xf32>
        %bitcast_convert_type3A_1899 = tpu.bitcast %sub3A_1898 : vector<16xf32> -> vector<16xi32>
        %and3A_1900 = arith.constant 2147483632 : i32
        %and3A_1901 = vector.broadcast %and3A_1900 : i32 to vector<16xi32>
        %and3A_1902 = arith.andi %bitcast_convert_type3A_1899, %and3A_1901 : vector<16xi32>
        %or3A_1903 = arith.constant 3 : i32
        %or3A_1904 = vector.broadcast %or3A_1903 : i32 to vector<16xi32>
        %or3A_1905 = arith.ori %and3A_1902, %or3A_1904 : vector<16xi32>
        %sub3A_1906 = arith.subf %select_n3A_1813, %gather3A_1873 : vector<16xf32>
        %bitcast_convert_type3A_1907 = tpu.bitcast %sub3A_1906 : vector<16xf32> -> vector<16xi32>
        %and3A_1908 = arith.constant 2147483632 : i32
        %and3A_1909 = vector.broadcast %and3A_1908 : i32 to vector<16xi32>
        %and3A_1910 = arith.andi %bitcast_convert_type3A_1907, %and3A_1909 : vector<16xi32>
        %or3A_1911 = arith.constant 4 : i32
        %or3A_1912 = vector.broadcast %or3A_1911 : i32 to vector<16xi32>
        %or3A_1913 = arith.ori %and3A_1910, %or3A_1912 : vector<16xi32>
        %sub3A_1914 = arith.subf %select_n3A_1817, %gather3A_1873 : vector<16xf32>
        %bitcast_convert_type3A_1915 = tpu.bitcast %sub3A_1914 : vector<16xf32> -> vector<16xi32>
        %and3A_1916 = arith.constant 2147483632 : i32
        %and3A_1917 = vector.broadcast %and3A_1916 : i32 to vector<16xi32>
        %and3A_1918 = arith.andi %bitcast_convert_type3A_1915, %and3A_1917 : vector<16xi32>
        %or3A_1919 = arith.constant 5 : i32
        %or3A_1920 = vector.broadcast %or3A_1919 : i32 to vector<16xi32>
        %or3A_1921 = arith.ori %and3A_1918, %or3A_1920 : vector<16xi32>
        %sub3A_1922 = arith.subf %select_n3A_1821, %gather3A_1873 : vector<16xf32>
        %bitcast_convert_type3A_1923 = tpu.bitcast %sub3A_1922 : vector<16xf32> -> vector<16xi32>
        %and3A_1924 = arith.constant 2147483632 : i32
        %and3A_1925 = vector.broadcast %and3A_1924 : i32 to vector<16xi32>
        %and3A_1926 = arith.andi %bitcast_convert_type3A_1923, %and3A_1925 : vector<16xi32>
        %or3A_1927 = arith.constant 6 : i32
        %or3A_1928 = vector.broadcast %or3A_1927 : i32 to vector<16xi32>
        %or3A_1929 = arith.ori %and3A_1926, %or3A_1928 : vector<16xi32>
        %sub3A_1930 = arith.subf %select_n3A_1825, %gather3A_1873 : vector<16xf32>
        %bitcast_convert_type3A_1931 = tpu.bitcast %sub3A_1930 : vector<16xf32> -> vector<16xi32>
        %and3A_1932 = arith.constant 2147483632 : i32
        %and3A_1933 = vector.broadcast %and3A_1932 : i32 to vector<16xi32>
        %and3A_1934 = arith.andi %bitcast_convert_type3A_1931, %and3A_1933 : vector<16xi32>
        %or3A_1935 = arith.constant 7 : i32
        %or3A_1936 = vector.broadcast %or3A_1935 : i32 to vector<16xi32>
        %or3A_1937 = arith.ori %and3A_1934, %or3A_1936 : vector<16xi32>
        %sub3A_1938 = arith.subf %select_n3A_1829, %gather3A_1873 : vector<16xf32>
        %bitcast_convert_type3A_1939 = tpu.bitcast %sub3A_1938 : vector<16xf32> -> vector<16xi32>
        %and3A_1940 = arith.constant 2147483632 : i32
        %and3A_1941 = vector.broadcast %and3A_1940 : i32 to vector<16xi32>
        %and3A_1942 = arith.andi %bitcast_convert_type3A_1939, %and3A_1941 : vector<16xi32>
        %or3A_1943 = arith.constant 8 : i32
        %or3A_1944 = vector.broadcast %or3A_1943 : i32 to vector<16xi32>
        %or3A_1945 = arith.ori %and3A_1942, %or3A_1944 : vector<16xi32>
        %sub3A_1946 = arith.subf %select_n3A_1833, %gather3A_1873 : vector<16xf32>
        %bitcast_convert_type3A_1947 = tpu.bitcast %sub3A_1946 : vector<16xf32> -> vector<16xi32>
        %and3A_1948 = arith.constant 2147483632 : i32
        %and3A_1949 = vector.broadcast %and3A_1948 : i32 to vector<16xi32>
        %and3A_1950 = arith.andi %bitcast_convert_type3A_1947, %and3A_1949 : vector<16xi32>
        %or3A_1951 = arith.constant 9 : i32
        %or3A_1952 = vector.broadcast %or3A_1951 : i32 to vector<16xi32>
        %or3A_1953 = arith.ori %and3A_1950, %or3A_1952 : vector<16xi32>
        %sub3A_1954 = arith.subf %select_n3A_1837, %gather3A_1873 : vector<16xf32>
        %bitcast_convert_type3A_1955 = tpu.bitcast %sub3A_1954 : vector<16xf32> -> vector<16xi32>
        %and3A_1956 = arith.constant 2147483632 : i32
        %and3A_1957 = vector.broadcast %and3A_1956 : i32 to vector<16xi32>
        %and3A_1958 = arith.andi %bitcast_convert_type3A_1955, %and3A_1957 : vector<16xi32>
        %or3A_1959 = arith.constant 10 : i32
        %or3A_1960 = vector.broadcast %or3A_1959 : i32 to vector<16xi32>
        %or3A_1961 = arith.ori %and3A_1958, %or3A_1960 : vector<16xi32>
        %sub3A_1962 = arith.subf %select_n3A_1841, %gather3A_1873 : vector<16xf32>
        %bitcast_convert_type3A_1963 = tpu.bitcast %sub3A_1962 : vector<16xf32> -> vector<16xi32>
        %and3A_1964 = arith.constant 2147483632 : i32
        %and3A_1965 = vector.broadcast %and3A_1964 : i32 to vector<16xi32>
        %and3A_1966 = arith.andi %bitcast_convert_type3A_1963, %and3A_1965 : vector<16xi32>
        %or3A_1967 = arith.constant 11 : i32
        %or3A_1968 = vector.broadcast %or3A_1967 : i32 to vector<16xi32>
        %or3A_1969 = arith.ori %and3A_1966, %or3A_1968 : vector<16xi32>
        %sub3A_1970 = arith.subf %select_n3A_1845, %gather3A_1873 : vector<16xf32>
        %bitcast_convert_type3A_1971 = tpu.bitcast %sub3A_1970 : vector<16xf32> -> vector<16xi32>
        %and3A_1972 = arith.constant 2147483632 : i32
        %and3A_1973 = vector.broadcast %and3A_1972 : i32 to vector<16xi32>
        %and3A_1974 = arith.andi %bitcast_convert_type3A_1971, %and3A_1973 : vector<16xi32>
        %or3A_1975 = arith.constant 12 : i32
        %or3A_1976 = vector.broadcast %or3A_1975 : i32 to vector<16xi32>
        %or3A_1977 = arith.ori %and3A_1974, %or3A_1976 : vector<16xi32>
        %sub3A_1978 = arith.subf %select_n3A_1849, %gather3A_1873 : vector<16xf32>
        %bitcast_convert_type3A_1979 = tpu.bitcast %sub3A_1978 : vector<16xf32> -> vector<16xi32>
        %and3A_1980 = arith.constant 2147483632 : i32
        %and3A_1981 = vector.broadcast %and3A_1980 : i32 to vector<16xi32>
        %and3A_1982 = arith.andi %bitcast_convert_type3A_1979, %and3A_1981 : vector<16xi32>
        %or3A_1983 = arith.constant 13 : i32
        %or3A_1984 = vector.broadcast %or3A_1983 : i32 to vector<16xi32>
        %or3A_1985 = arith.ori %and3A_1982, %or3A_1984 : vector<16xi32>
        %sub3A_1986 = arith.subf %select_n3A_1853, %gather3A_1873 : vector<16xf32>
        %bitcast_convert_type3A_1987 = tpu.bitcast %sub3A_1986 : vector<16xf32> -> vector<16xi32>
        %and3A_1988 = arith.constant 2147483632 : i32
        %and3A_1989 = vector.broadcast %and3A_1988 : i32 to vector<16xi32>
        %and3A_1990 = arith.andi %bitcast_convert_type3A_1987, %and3A_1989 : vector<16xi32>
        %or3A_1991 = arith.constant 14 : i32
        %or3A_1992 = vector.broadcast %or3A_1991 : i32 to vector<16xi32>
        %or3A_1993 = arith.ori %and3A_1990, %or3A_1992 : vector<16xi32>
        %sub3A_1994 = arith.subf %select_n3A_1857, %gather3A_1873 : vector<16xf32>
        %bitcast_convert_type3A_1995 = tpu.bitcast %sub3A_1994 : vector<16xf32> -> vector<16xi32>
        %and3A_1996 = arith.constant 2147483632 : i32
        %and3A_1997 = vector.broadcast %and3A_1996 : i32 to vector<16xi32>
        %and3A_1998 = arith.andi %bitcast_convert_type3A_1995, %and3A_1997 : vector<16xi32>
        %or3A_1999 = arith.constant 15 : i32
        %or3A_2000 = vector.broadcast %or3A_1999 : i32 to vector<16xi32>
        %or3A_2001 = arith.ori %and3A_1998, %or3A_2000 : vector<16xi32>
        %min3A_2002 = arith.minui %or3A_1881, %or3A_1889 : vector<16xi32>
        %min3A_2003 = arith.minui %or3A_1897, %or3A_1905 : vector<16xi32>
        %min3A_2004 = arith.minui %or3A_1913, %or3A_1921 : vector<16xi32>
        %min3A_2005 = arith.minui %or3A_1929, %or3A_1937 : vector<16xi32>
        %min3A_2006 = arith.minui %or3A_1945, %or3A_1953 : vector<16xi32>
        %min3A_2007 = arith.minui %or3A_1961, %or3A_1969 : vector<16xi32>
        %min3A_2008 = arith.minui %or3A_1977, %or3A_1985 : vector<16xi32>
        %min3A_2009 = arith.minui %or3A_1993, %or3A_2001 : vector<16xi32>
        %min3A_2010 = arith.minui %min3A_2002, %min3A_2003 : vector<16xi32>
        %min3A_2011 = arith.minui %min3A_2004, %min3A_2005 : vector<16xi32>
        %min3A_2012 = arith.minui %min3A_2006, %min3A_2007 : vector<16xi32>
        %min3A_2013 = arith.minui %min3A_2008, %min3A_2009 : vector<16xi32>
        %min3A_2014 = arith.minui %min3A_2010, %min3A_2011 : vector<16xi32>
        %min3A_2015 = arith.minui %min3A_2012, %min3A_2013 : vector<16xi32>
        %min3A_2016 = arith.minui %min3A_2014, %min3A_2015 : vector<16xi32>
        %eq3A_2017 = arith.cmpi eq, %or3A_1881, %min3A_2016 : vector<16xi32>
        %jit3A_2018 = arith.constant 3.40282347E+38 : f32
        %broadcast_in_dim3A_2019 = vector.broadcast %jit3A_2018 : f32 to vector<16xf32>
        %select_n3A_2020 = arith.select %eq3A_2017, %broadcast_in_dim3A_2019, %select_n3A_1797 : vector<16xi1>, vector<16xf32>
        %eq3A_2021 = arith.cmpi eq, %or3A_1889, %min3A_2016 : vector<16xi32>
        %jit3A_2022 = arith.constant 3.40282347E+38 : f32
        %broadcast_in_dim3A_2023 = vector.broadcast %jit3A_2022 : f32 to vector<16xf32>
        %select_n3A_2024 = arith.select %eq3A_2021, %broadcast_in_dim3A_2023, %select_n3A_1801 : vector<16xi1>, vector<16xf32>
        %eq3A_2025 = arith.cmpi eq, %or3A_1897, %min3A_2016 : vector<16xi32>
        %jit3A_2026 = arith.constant 3.40282347E+38 : f32
        %broadcast_in_dim3A_2027 = vector.broadcast %jit3A_2026 : f32 to vector<16xf32>
        %select_n3A_2028 = arith.select %eq3A_2025, %broadcast_in_dim3A_2027, %select_n3A_1805 : vector<16xi1>, vector<16xf32>
        %eq3A_2029 = arith.cmpi eq, %or3A_1905, %min3A_2016 : vector<16xi32>
        %jit3A_2030 = arith.constant 3.40282347E+38 : f32
        %broadcast_in_dim3A_2031 = vector.broadcast %jit3A_2030 : f32 to vector<16xf32>
        %select_n3A_2032 = arith.select %eq3A_2029, %broadcast_in_dim3A_2031, %select_n3A_1809 : vector<16xi1>, vector<16xf32>
        %eq3A_2033 = arith.cmpi eq, %or3A_1913, %min3A_2016 : vector<16xi32>
        %jit3A_2034 = arith.constant 3.40282347E+38 : f32
        %broadcast_in_dim3A_2035 = vector.broadcast %jit3A_2034 : f32 to vector<16xf32>
        %select_n3A_2036 = arith.select %eq3A_2033, %broadcast_in_dim3A_2035, %select_n3A_1813 : vector<16xi1>, vector<16xf32>
        %eq3A_2037 = arith.cmpi eq, %or3A_1921, %min3A_2016 : vector<16xi32>
        %jit3A_2038 = arith.constant 3.40282347E+38 : f32
        %broadcast_in_dim3A_2039 = vector.broadcast %jit3A_2038 : f32 to vector<16xf32>
        %select_n3A_2040 = arith.select %eq3A_2037, %broadcast_in_dim3A_2039, %select_n3A_1817 : vector<16xi1>, vector<16xf32>
        %eq3A_2041 = arith.cmpi eq, %or3A_1929, %min3A_2016 : vector<16xi32>
        %jit3A_2042 = arith.constant 3.40282347E+38 : f32
        %broadcast_in_dim3A_2043 = vector.broadcast %jit3A_2042 : f32 to vector<16xf32>
        %select_n3A_2044 = arith.select %eq3A_2041, %broadcast_in_dim3A_2043, %select_n3A_1821 : vector<16xi1>, vector<16xf32>
        %eq3A_2045 = arith.cmpi eq, %or3A_1937, %min3A_2016 : vector<16xi32>
        %jit3A_2046 = arith.constant 3.40282347E+38 : f32
        %broadcast_in_dim3A_2047 = vector.broadcast %jit3A_2046 : f32 to vector<16xf32>
        %select_n3A_2048 = arith.select %eq3A_2045, %broadcast_in_dim3A_2047, %select_n3A_1825 : vector<16xi1>, vector<16xf32>
        %eq3A_2049 = arith.cmpi eq, %or3A_1945, %min3A_2016 : vector<16xi32>
        %jit3A_2050 = arith.constant 3.40282347E+38 : f32
        %broadcast_in_dim3A_2051 = vector.broadcast %jit3A_2050 : f32 to vector<16xf32>
        %select_n3A_2052 = arith.select %eq3A_2049, %broadcast_in_dim3A_2051, %select_n3A_1829 : vector<16xi1>, vector<16xf32>
        %eq3A_2053 = arith.cmpi eq, %or3A_1953, %min3A_2016 : vector<16xi32>
        %jit3A_2054 = arith.constant 3.40282347E+38 : f32
        %broadcast_in_dim3A_2055 = vector.broadcast %jit3A_2054 : f32 to vector<16xf32>
        %select_n3A_2056 = arith.select %eq3A_2053, %broadcast_in_dim3A_2055, %select_n3A_1833 : vector<16xi1>, vector<16xf32>
        %eq3A_2057 = arith.cmpi eq, %or3A_1961, %min3A_2016 : vector<16xi32>
        %jit3A_2058 = arith.constant 3.40282347E+38 : f32
        %broadcast_in_dim3A_2059 = vector.broadcast %jit3A_2058 : f32 to vector<16xf32>
        %select_n3A_2060 = arith.select %eq3A_2057, %broadcast_in_dim3A_2059, %select_n3A_1837 : vector<16xi1>, vector<16xf32>
        %eq3A_2061 = arith.cmpi eq, %or3A_1969, %min3A_2016 : vector<16xi32>
        %jit3A_2062 = arith.constant 3.40282347E+38 : f32
        %broadcast_in_dim3A_2063 = vector.broadcast %jit3A_2062 : f32 to vector<16xf32>
        %select_n3A_2064 = arith.select %eq3A_2061, %broadcast_in_dim3A_2063, %select_n3A_1841 : vector<16xi1>, vector<16xf32>
        %eq3A_2065 = arith.cmpi eq, %or3A_1977, %min3A_2016 : vector<16xi32>
        %jit3A_2066 = arith.constant 3.40282347E+38 : f32
        %broadcast_in_dim3A_2067 = vector.broadcast %jit3A_2066 : f32 to vector<16xf32>
        %select_n3A_2068 = arith.select %eq3A_2065, %broadcast_in_dim3A_2067, %select_n3A_1845 : vector<16xi1>, vector<16xf32>
        %eq3A_2069 = arith.cmpi eq, %or3A_1985, %min3A_2016 : vector<16xi32>
        %jit3A_2070 = arith.constant 3.40282347E+38 : f32
        %broadcast_in_dim3A_2071 = vector.broadcast %jit3A_2070 : f32 to vector<16xf32>
        %select_n3A_2072 = arith.select %eq3A_2069, %broadcast_in_dim3A_2071, %select_n3A_1849 : vector<16xi1>, vector<16xf32>
        %eq3A_2073 = arith.cmpi eq, %or3A_1993, %min3A_2016 : vector<16xi32>
        %jit3A_2074 = arith.constant 3.40282347E+38 : f32
        %broadcast_in_dim3A_2075 = vector.broadcast %jit3A_2074 : f32 to vector<16xf32>
        %select_n3A_2076 = arith.select %eq3A_2073, %broadcast_in_dim3A_2075, %select_n3A_1853 : vector<16xi1>, vector<16xf32>
        %eq3A_2077 = arith.cmpi eq, %or3A_2001, %min3A_2016 : vector<16xi32>
        %jit3A_2078 = arith.constant 3.40282347E+38 : f32
        %broadcast_in_dim3A_2079 = vector.broadcast %jit3A_2078 : f32 to vector<16xf32>
        %select_n3A_2080 = arith.select %eq3A_2077, %broadcast_in_dim3A_2079, %select_n3A_1857 : vector<16xi1>, vector<16xf32>
        %and3A_2081 = arith.constant 2147483632 : i32
        %and3A_2082 = vector.broadcast %and3A_2081 : i32 to vector<16xi32>
        %and3A_2083 = arith.andi %min3A_2016, %and3A_2082 : vector<16xi32>
        %bitcast_convert_type3A_2084 = tpu.bitcast %and3A_2083 : vector<16xi32> -> vector<16xf32>
        %ne3A_2085 = arith.constant -1.000000e+03 : f32
        %ne3A_2086 = vector.broadcast %ne3A_2085 : f32 to vector<16xf32>
        %ne3A_2087 = arith.cmpf one, %gather3A_1873, %ne3A_2086 : vector<16xf32>
        %mul3A_2088 = arith.mulf %bitcast_convert_type3A_2084, %bitcast_convert_type3A_2084 : vector<16xf32>
        %jit3A_2089 = arith.constant 0.000000e+00 : f32
        %broadcast_in_dim3A_2090 = vector.broadcast %jit3A_2089 : f32 to vector<16xf32>
        %select_n3A_2091 = arith.select %ne3A_2087, %mul3A_2088, %broadcast_in_dim3A_2090 : vector<16xi1>, vector<16xf32>
        %add3A_2092 = arith.addf %add3A_1869, %select_n3A_2091 : vector<16xf32>
        %add3A_2093 = arith.constant 9 : i32
        %add3A_2094 = vector.broadcast %add3A_2093 : i32 to vector<16xi32>
        %add3A_2095 = arith.addi %add3A_31, %add3A_2094 : vector<16xi32>
        %gather3A_2096 = tpu.vector_load_idx %arg6[%add3A_2095] : memref<32768xf32, #tpu.memory_space<vmem>>[vector<16xi32>], vector<16xf32>,
        %sub3A_2097 = arith.subf %select_n3A_2020, %gather3A_2096 : vector<16xf32>
        %bitcast_convert_type3A_2098 = tpu.bitcast %sub3A_2097 : vector<16xf32> -> vector<16xi32>
        %and3A_2099 = arith.constant 2147483632 : i32
        %and3A_2100 = vector.broadcast %and3A_2099 : i32 to vector<16xi32>
        %and3A_2101 = arith.andi %bitcast_convert_type3A_2098, %and3A_2100 : vector<16xi32>
        %or3A_2102 = arith.constant 0 : i32
        %or3A_2103 = vector.broadcast %or3A_2102 : i32 to vector<16xi32>
        %or3A_2104 = arith.ori %and3A_2101, %or3A_2103 : vector<16xi32>
        %sub3A_2105 = arith.subf %select_n3A_2024, %gather3A_2096 : vector<16xf32>
        %bitcast_convert_type3A_2106 = tpu.bitcast %sub3A_2105 : vector<16xf32> -> vector<16xi32>
        %and3A_2107 = arith.constant 2147483632 : i32
        %and3A_2108 = vector.broadcast %and3A_2107 : i32 to vector<16xi32>
        %and3A_2109 = arith.andi %bitcast_convert_type3A_2106, %and3A_2108 : vector<16xi32>
        %or3A_2110 = arith.constant 1 : i32
        %or3A_2111 = vector.broadcast %or3A_2110 : i32 to vector<16xi32>
        %or3A_2112 = arith.ori %and3A_2109, %or3A_2111 : vector<16xi32>
        %sub3A_2113 = arith.subf %select_n3A_2028, %gather3A_2096 : vector<16xf32>
        %bitcast_convert_type3A_2114 = tpu.bitcast %sub3A_2113 : vector<16xf32> -> vector<16xi32>
        %and3A_2115 = arith.constant 2147483632 : i32
        %and3A_2116 = vector.broadcast %and3A_2115 : i32 to vector<16xi32>
        %and3A_2117 = arith.andi %bitcast_convert_type3A_2114, %and3A_2116 : vector<16xi32>
        %or3A_2118 = arith.constant 2 : i32
        %or3A_2119 = vector.broadcast %or3A_2118 : i32 to vector<16xi32>
        %or3A_2120 = arith.ori %and3A_2117, %or3A_2119 : vector<16xi32>
        %sub3A_2121 = arith.subf %select_n3A_2032, %gather3A_2096 : vector<16xf32>
        %bitcast_convert_type3A_2122 = tpu.bitcast %sub3A_2121 : vector<16xf32> -> vector<16xi32>
        %and3A_2123 = arith.constant 2147483632 : i32
        %and3A_2124 = vector.broadcast %and3A_2123 : i32 to vector<16xi32>
        %and3A_2125 = arith.andi %bitcast_convert_type3A_2122, %and3A_2124 : vector<16xi32>
        %or3A_2126 = arith.constant 3 : i32
        %or3A_2127 = vector.broadcast %or3A_2126 : i32 to vector<16xi32>
        %or3A_2128 = arith.ori %and3A_2125, %or3A_2127 : vector<16xi32>
        %sub3A_2129 = arith.subf %select_n3A_2036, %gather3A_2096 : vector<16xf32>
        %bitcast_convert_type3A_2130 = tpu.bitcast %sub3A_2129 : vector<16xf32> -> vector<16xi32>
        %and3A_2131 = arith.constant 2147483632 : i32
        %and3A_2132 = vector.broadcast %and3A_2131 : i32 to vector<16xi32>
        %and3A_2133 = arith.andi %bitcast_convert_type3A_2130, %and3A_2132 : vector<16xi32>
        %or3A_2134 = arith.constant 4 : i32
        %or3A_2135 = vector.broadcast %or3A_2134 : i32 to vector<16xi32>
        %or3A_2136 = arith.ori %and3A_2133, %or3A_2135 : vector<16xi32>
        %sub3A_2137 = arith.subf %select_n3A_2040, %gather3A_2096 : vector<16xf32>
        %bitcast_convert_type3A_2138 = tpu.bitcast %sub3A_2137 : vector<16xf32> -> vector<16xi32>
        %and3A_2139 = arith.constant 2147483632 : i32
        %and3A_2140 = vector.broadcast %and3A_2139 : i32 to vector<16xi32>
        %and3A_2141 = arith.andi %bitcast_convert_type3A_2138, %and3A_2140 : vector<16xi32>
        %or3A_2142 = arith.constant 5 : i32
        %or3A_2143 = vector.broadcast %or3A_2142 : i32 to vector<16xi32>
        %or3A_2144 = arith.ori %and3A_2141, %or3A_2143 : vector<16xi32>
        %sub3A_2145 = arith.subf %select_n3A_2044, %gather3A_2096 : vector<16xf32>
        %bitcast_convert_type3A_2146 = tpu.bitcast %sub3A_2145 : vector<16xf32> -> vector<16xi32>
        %and3A_2147 = arith.constant 2147483632 : i32
        %and3A_2148 = vector.broadcast %and3A_2147 : i32 to vector<16xi32>
        %and3A_2149 = arith.andi %bitcast_convert_type3A_2146, %and3A_2148 : vector<16xi32>
        %or3A_2150 = arith.constant 6 : i32
        %or3A_2151 = vector.broadcast %or3A_2150 : i32 to vector<16xi32>
        %or3A_2152 = arith.ori %and3A_2149, %or3A_2151 : vector<16xi32>
        %sub3A_2153 = arith.subf %select_n3A_2048, %gather3A_2096 : vector<16xf32>
        %bitcast_convert_type3A_2154 = tpu.bitcast %sub3A_2153 : vector<16xf32> -> vector<16xi32>
        %and3A_2155 = arith.constant 2147483632 : i32
        %and3A_2156 = vector.broadcast %and3A_2155 : i32 to vector<16xi32>
        %and3A_2157 = arith.andi %bitcast_convert_type3A_2154, %and3A_2156 : vector<16xi32>
        %or3A_2158 = arith.constant 7 : i32
        %or3A_2159 = vector.broadcast %or3A_2158 : i32 to vector<16xi32>
        %or3A_2160 = arith.ori %and3A_2157, %or3A_2159 : vector<16xi32>
        %sub3A_2161 = arith.subf %select_n3A_2052, %gather3A_2096 : vector<16xf32>
        %bitcast_convert_type3A_2162 = tpu.bitcast %sub3A_2161 : vector<16xf32> -> vector<16xi32>
        %and3A_2163 = arith.constant 2147483632 : i32
        %and3A_2164 = vector.broadcast %and3A_2163 : i32 to vector<16xi32>
        %and3A_2165 = arith.andi %bitcast_convert_type3A_2162, %and3A_2164 : vector<16xi32>
        %or3A_2166 = arith.constant 8 : i32
        %or3A_2167 = vector.broadcast %or3A_2166 : i32 to vector<16xi32>
        %or3A_2168 = arith.ori %and3A_2165, %or3A_2167 : vector<16xi32>
        %sub3A_2169 = arith.subf %select_n3A_2056, %gather3A_2096 : vector<16xf32>
        %bitcast_convert_type3A_2170 = tpu.bitcast %sub3A_2169 : vector<16xf32> -> vector<16xi32>
        %and3A_2171 = arith.constant 2147483632 : i32
        %and3A_2172 = vector.broadcast %and3A_2171 : i32 to vector<16xi32>
        %and3A_2173 = arith.andi %bitcast_convert_type3A_2170, %and3A_2172 : vector<16xi32>
        %or3A_2174 = arith.constant 9 : i32
        %or3A_2175 = vector.broadcast %or3A_2174 : i32 to vector<16xi32>
        %or3A_2176 = arith.ori %and3A_2173, %or3A_2175 : vector<16xi32>
        %sub3A_2177 = arith.subf %select_n3A_2060, %gather3A_2096 : vector<16xf32>
        %bitcast_convert_type3A_2178 = tpu.bitcast %sub3A_2177 : vector<16xf32> -> vector<16xi32>
        %and3A_2179 = arith.constant 2147483632 : i32
        %and3A_2180 = vector.broadcast %and3A_2179 : i32 to vector<16xi32>
        %and3A_2181 = arith.andi %bitcast_convert_type3A_2178, %and3A_2180 : vector<16xi32>
        %or3A_2182 = arith.constant 10 : i32
        %or3A_2183 = vector.broadcast %or3A_2182 : i32 to vector<16xi32>
        %or3A_2184 = arith.ori %and3A_2181, %or3A_2183 : vector<16xi32>
        %sub3A_2185 = arith.subf %select_n3A_2064, %gather3A_2096 : vector<16xf32>
        %bitcast_convert_type3A_2186 = tpu.bitcast %sub3A_2185 : vector<16xf32> -> vector<16xi32>
        %and3A_2187 = arith.constant 2147483632 : i32
        %and3A_2188 = vector.broadcast %and3A_2187 : i32 to vector<16xi32>
        %and3A_2189 = arith.andi %bitcast_convert_type3A_2186, %and3A_2188 : vector<16xi32>
        %or3A_2190 = arith.constant 11 : i32
        %or3A_2191 = vector.broadcast %or3A_2190 : i32 to vector<16xi32>
        %or3A_2192 = arith.ori %and3A_2189, %or3A_2191 : vector<16xi32>
        %sub3A_2193 = arith.subf %select_n3A_2068, %gather3A_2096 : vector<16xf32>
        %bitcast_convert_type3A_2194 = tpu.bitcast %sub3A_2193 : vector<16xf32> -> vector<16xi32>
        %and3A_2195 = arith.constant 2147483632 : i32
        %and3A_2196 = vector.broadcast %and3A_2195 : i32 to vector<16xi32>
        %and3A_2197 = arith.andi %bitcast_convert_type3A_2194, %and3A_2196 : vector<16xi32>
        %or3A_2198 = arith.constant 12 : i32
        %or3A_2199 = vector.broadcast %or3A_2198 : i32 to vector<16xi32>
        %or3A_2200 = arith.ori %and3A_2197, %or3A_2199 : vector<16xi32>
        %sub3A_2201 = arith.subf %select_n3A_2072, %gather3A_2096 : vector<16xf32>
        %bitcast_convert_type3A_2202 = tpu.bitcast %sub3A_2201 : vector<16xf32> -> vector<16xi32>
        %and3A_2203 = arith.constant 2147483632 : i32
        %and3A_2204 = vector.broadcast %and3A_2203 : i32 to vector<16xi32>
        %and3A_2205 = arith.andi %bitcast_convert_type3A_2202, %and3A_2204 : vector<16xi32>
        %or3A_2206 = arith.constant 13 : i32
        %or3A_2207 = vector.broadcast %or3A_2206 : i32 to vector<16xi32>
        %or3A_2208 = arith.ori %and3A_2205, %or3A_2207 : vector<16xi32>
        %sub3A_2209 = arith.subf %select_n3A_2076, %gather3A_2096 : vector<16xf32>
        %bitcast_convert_type3A_2210 = tpu.bitcast %sub3A_2209 : vector<16xf32> -> vector<16xi32>
        %and3A_2211 = arith.constant 2147483632 : i32
        %and3A_2212 = vector.broadcast %and3A_2211 : i32 to vector<16xi32>
        %and3A_2213 = arith.andi %bitcast_convert_type3A_2210, %and3A_2212 : vector<16xi32>
        %or3A_2214 = arith.constant 14 : i32
        %or3A_2215 = vector.broadcast %or3A_2214 : i32 to vector<16xi32>
        %or3A_2216 = arith.ori %and3A_2213, %or3A_2215 : vector<16xi32>
        %sub3A_2217 = arith.subf %select_n3A_2080, %gather3A_2096 : vector<16xf32>
        %bitcast_convert_type3A_2218 = tpu.bitcast %sub3A_2217 : vector<16xf32> -> vector<16xi32>
        %and3A_2219 = arith.constant 2147483632 : i32
        %and3A_2220 = vector.broadcast %and3A_2219 : i32 to vector<16xi32>
        %and3A_2221 = arith.andi %bitcast_convert_type3A_2218, %and3A_2220 : vector<16xi32>
        %or3A_2222 = arith.constant 15 : i32
        %or3A_2223 = vector.broadcast %or3A_2222 : i32 to vector<16xi32>
        %or3A_2224 = arith.ori %and3A_2221, %or3A_2223 : vector<16xi32>
        %min3A_2225 = arith.minui %or3A_2104, %or3A_2112 : vector<16xi32>
        %min3A_2226 = arith.minui %or3A_2120, %or3A_2128 : vector<16xi32>
        %min3A_2227 = arith.minui %or3A_2136, %or3A_2144 : vector<16xi32>
        %min3A_2228 = arith.minui %or3A_2152, %or3A_2160 : vector<16xi32>
        %min3A_2229 = arith.minui %or3A_2168, %or3A_2176 : vector<16xi32>
        %min3A_2230 = arith.minui %or3A_2184, %or3A_2192 : vector<16xi32>
        %min3A_2231 = arith.minui %or3A_2200, %or3A_2208 : vector<16xi32>
        %min3A_2232 = arith.minui %or3A_2216, %or3A_2224 : vector<16xi32>
        %min3A_2233 = arith.minui %min3A_2225, %min3A_2226 : vector<16xi32>
        %min3A_2234 = arith.minui %min3A_2227, %min3A_2228 : vector<16xi32>
        %min3A_2235 = arith.minui %min3A_2229, %min3A_2230 : vector<16xi32>
        %min3A_2236 = arith.minui %min3A_2231, %min3A_2232 : vector<16xi32>
        %min3A_2237 = arith.minui %min3A_2233, %min3A_2234 : vector<16xi32>
        %min3A_2238 = arith.minui %min3A_2235, %min3A_2236 : vector<16xi32>
        %min3A_2239 = arith.minui %min3A_2237, %min3A_2238 : vector<16xi32>
        %eq3A_2240 = arith.cmpi eq, %or3A_2104, %min3A_2239 : vector<16xi32>
        %jit3A_2241 = arith.constant 3.40282347E+38 : f32
        %broadcast_in_dim3A_2242 = vector.broadcast %jit3A_2241 : f32 to vector<16xf32>
        %select_n3A_2243 = arith.select %eq3A_2240, %broadcast_in_dim3A_2242, %select_n3A_2020 : vector<16xi1>, vector<16xf32>
        %eq3A_2244 = arith.cmpi eq, %or3A_2112, %min3A_2239 : vector<16xi32>
        %jit3A_2245 = arith.constant 3.40282347E+38 : f32
        %broadcast_in_dim3A_2246 = vector.broadcast %jit3A_2245 : f32 to vector<16xf32>
        %select_n3A_2247 = arith.select %eq3A_2244, %broadcast_in_dim3A_2246, %select_n3A_2024 : vector<16xi1>, vector<16xf32>
        %eq3A_2248 = arith.cmpi eq, %or3A_2120, %min3A_2239 : vector<16xi32>
        %jit3A_2249 = arith.constant 3.40282347E+38 : f32
        %broadcast_in_dim3A_2250 = vector.broadcast %jit3A_2249 : f32 to vector<16xf32>
        %select_n3A_2251 = arith.select %eq3A_2248, %broadcast_in_dim3A_2250, %select_n3A_2028 : vector<16xi1>, vector<16xf32>
        %eq3A_2252 = arith.cmpi eq, %or3A_2128, %min3A_2239 : vector<16xi32>
        %jit3A_2253 = arith.constant 3.40282347E+38 : f32
        %broadcast_in_dim3A_2254 = vector.broadcast %jit3A_2253 : f32 to vector<16xf32>
        %select_n3A_2255 = arith.select %eq3A_2252, %broadcast_in_dim3A_2254, %select_n3A_2032 : vector<16xi1>, vector<16xf32>
        %eq3A_2256 = arith.cmpi eq, %or3A_2136, %min3A_2239 : vector<16xi32>
        %jit3A_2257 = arith.constant 3.40282347E+38 : f32
        %broadcast_in_dim3A_2258 = vector.broadcast %jit3A_2257 : f32 to vector<16xf32>
        %select_n3A_2259 = arith.select %eq3A_2256, %broadcast_in_dim3A_2258, %select_n3A_2036 : vector<16xi1>, vector<16xf32>
        %eq3A_2260 = arith.cmpi eq, %or3A_2144, %min3A_2239 : vector<16xi32>
        %jit3A_2261 = arith.constant 3.40282347E+38 : f32
        %broadcast_in_dim3A_2262 = vector.broadcast %jit3A_2261 : f32 to vector<16xf32>
        %select_n3A_2263 = arith.select %eq3A_2260, %broadcast_in_dim3A_2262, %select_n3A_2040 : vector<16xi1>, vector<16xf32>
        %eq3A_2264 = arith.cmpi eq, %or3A_2152, %min3A_2239 : vector<16xi32>
        %jit3A_2265 = arith.constant 3.40282347E+38 : f32
        %broadcast_in_dim3A_2266 = vector.broadcast %jit3A_2265 : f32 to vector<16xf32>
        %select_n3A_2267 = arith.select %eq3A_2264, %broadcast_in_dim3A_2266, %select_n3A_2044 : vector<16xi1>, vector<16xf32>
        %eq3A_2268 = arith.cmpi eq, %or3A_2160, %min3A_2239 : vector<16xi32>
        %jit3A_2269 = arith.constant 3.40282347E+38 : f32
        %broadcast_in_dim3A_2270 = vector.broadcast %jit3A_2269 : f32 to vector<16xf32>
        %select_n3A_2271 = arith.select %eq3A_2268, %broadcast_in_dim3A_2270, %select_n3A_2048 : vector<16xi1>, vector<16xf32>
        %eq3A_2272 = arith.cmpi eq, %or3A_2168, %min3A_2239 : vector<16xi32>
        %jit3A_2273 = arith.constant 3.40282347E+38 : f32
        %broadcast_in_dim3A_2274 = vector.broadcast %jit3A_2273 : f32 to vector<16xf32>
        %select_n3A_2275 = arith.select %eq3A_2272, %broadcast_in_dim3A_2274, %select_n3A_2052 : vector<16xi1>, vector<16xf32>
        %eq3A_2276 = arith.cmpi eq, %or3A_2176, %min3A_2239 : vector<16xi32>
        %jit3A_2277 = arith.constant 3.40282347E+38 : f32
        %broadcast_in_dim3A_2278 = vector.broadcast %jit3A_2277 : f32 to vector<16xf32>
        %select_n3A_2279 = arith.select %eq3A_2276, %broadcast_in_dim3A_2278, %select_n3A_2056 : vector<16xi1>, vector<16xf32>
        %eq3A_2280 = arith.cmpi eq, %or3A_2184, %min3A_2239 : vector<16xi32>
        %jit3A_2281 = arith.constant 3.40282347E+38 : f32
        %broadcast_in_dim3A_2282 = vector.broadcast %jit3A_2281 : f32 to vector<16xf32>
        %select_n3A_2283 = arith.select %eq3A_2280, %broadcast_in_dim3A_2282, %select_n3A_2060 : vector<16xi1>, vector<16xf32>
        %eq3A_2284 = arith.cmpi eq, %or3A_2192, %min3A_2239 : vector<16xi32>
        %jit3A_2285 = arith.constant 3.40282347E+38 : f32
        %broadcast_in_dim3A_2286 = vector.broadcast %jit3A_2285 : f32 to vector<16xf32>
        %select_n3A_2287 = arith.select %eq3A_2284, %broadcast_in_dim3A_2286, %select_n3A_2064 : vector<16xi1>, vector<16xf32>
        %eq3A_2288 = arith.cmpi eq, %or3A_2200, %min3A_2239 : vector<16xi32>
        %jit3A_2289 = arith.constant 3.40282347E+38 : f32
        %broadcast_in_dim3A_2290 = vector.broadcast %jit3A_2289 : f32 to vector<16xf32>
        %select_n3A_2291 = arith.select %eq3A_2288, %broadcast_in_dim3A_2290, %select_n3A_2068 : vector<16xi1>, vector<16xf32>
        %eq3A_2292 = arith.cmpi eq, %or3A_2208, %min3A_2239 : vector<16xi32>
        %jit3A_2293 = arith.constant 3.40282347E+38 : f32
        %broadcast_in_dim3A_2294 = vector.broadcast %jit3A_2293 : f32 to vector<16xf32>
        %select_n3A_2295 = arith.select %eq3A_2292, %broadcast_in_dim3A_2294, %select_n3A_2072 : vector<16xi1>, vector<16xf32>
        %eq3A_2296 = arith.cmpi eq, %or3A_2216, %min3A_2239 : vector<16xi32>
        %jit3A_2297 = arith.constant 3.40282347E+38 : f32
        %broadcast_in_dim3A_2298 = vector.broadcast %jit3A_2297 : f32 to vector<16xf32>
        %select_n3A_2299 = arith.select %eq3A_2296, %broadcast_in_dim3A_2298, %select_n3A_2076 : vector<16xi1>, vector<16xf32>
        %eq3A_2300 = arith.cmpi eq, %or3A_2224, %min3A_2239 : vector<16xi32>
        %jit3A_2301 = arith.constant 3.40282347E+38 : f32
        %broadcast_in_dim3A_2302 = vector.broadcast %jit3A_2301 : f32 to vector<16xf32>
        %select_n3A_2303 = arith.select %eq3A_2300, %broadcast_in_dim3A_2302, %select_n3A_2080 : vector<16xi1>, vector<16xf32>
        %and3A_2304 = arith.constant 2147483632 : i32
        %and3A_2305 = vector.broadcast %and3A_2304 : i32 to vector<16xi32>
        %and3A_2306 = arith.andi %min3A_2239, %and3A_2305 : vector<16xi32>
        %bitcast_convert_type3A_2307 = tpu.bitcast %and3A_2306 : vector<16xi32> -> vector<16xf32>
        %ne3A_2308 = arith.constant -1.000000e+03 : f32
        %ne3A_2309 = vector.broadcast %ne3A_2308 : f32 to vector<16xf32>
        %ne3A_2310 = arith.cmpf one, %gather3A_2096, %ne3A_2309 : vector<16xf32>
        %mul3A_2311 = arith.mulf %bitcast_convert_type3A_2307, %bitcast_convert_type3A_2307 : vector<16xf32>
        %jit3A_2312 = arith.constant 0.000000e+00 : f32
        %broadcast_in_dim3A_2313 = vector.broadcast %jit3A_2312 : f32 to vector<16xf32>
        %select_n3A_2314 = arith.select %ne3A_2310, %mul3A_2311, %broadcast_in_dim3A_2313 : vector<16xi1>, vector<16xf32>
        %add3A_2315 = arith.addf %add3A_2092, %select_n3A_2314 : vector<16xf32>
        %add3A_2316 = arith.constant 10 : i32
        %add3A_2317 = vector.broadcast %add3A_2316 : i32 to vector<16xi32>
        %add3A_2318 = arith.addi %add3A_31, %add3A_2317 : vector<16xi32>
        %gather3A_2319 = tpu.vector_load_idx %arg6[%add3A_2318] : memref<32768xf32, #tpu.memory_space<vmem>>[vector<16xi32>], vector<16xf32>,
        %sub3A_2320 = arith.subf %select_n3A_2243, %gather3A_2319 : vector<16xf32>
        %bitcast_convert_type3A_2321 = tpu.bitcast %sub3A_2320 : vector<16xf32> -> vector<16xi32>
        %and3A_2322 = arith.constant 2147483632 : i32
        %and3A_2323 = vector.broadcast %and3A_2322 : i32 to vector<16xi32>
        %and3A_2324 = arith.andi %bitcast_convert_type3A_2321, %and3A_2323 : vector<16xi32>
        %or3A_2325 = arith.constant 0 : i32
        %or3A_2326 = vector.broadcast %or3A_2325 : i32 to vector<16xi32>
        %or3A_2327 = arith.ori %and3A_2324, %or3A_2326 : vector<16xi32>
        %sub3A_2328 = arith.subf %select_n3A_2247, %gather3A_2319 : vector<16xf32>
        %bitcast_convert_type3A_2329 = tpu.bitcast %sub3A_2328 : vector<16xf32> -> vector<16xi32>
        %and3A_2330 = arith.constant 2147483632 : i32
        %and3A_2331 = vector.broadcast %and3A_2330 : i32 to vector<16xi32>
        %and3A_2332 = arith.andi %bitcast_convert_type3A_2329, %and3A_2331 : vector<16xi32>
        %or3A_2333 = arith.constant 1 : i32
        %or3A_2334 = vector.broadcast %or3A_2333 : i32 to vector<16xi32>
        %or3A_2335 = arith.ori %and3A_2332, %or3A_2334 : vector<16xi32>
        %sub3A_2336 = arith.subf %select_n3A_2251, %gather3A_2319 : vector<16xf32>
        %bitcast_convert_type3A_2337 = tpu.bitcast %sub3A_2336 : vector<16xf32> -> vector<16xi32>
        %and3A_2338 = arith.constant 2147483632 : i32
        %and3A_2339 = vector.broadcast %and3A_2338 : i32 to vector<16xi32>
        %and3A_2340 = arith.andi %bitcast_convert_type3A_2337, %and3A_2339 : vector<16xi32>
        %or3A_2341 = arith.constant 2 : i32
        %or3A_2342 = vector.broadcast %or3A_2341 : i32 to vector<16xi32>
        %or3A_2343 = arith.ori %and3A_2340, %or3A_2342 : vector<16xi32>
        %sub3A_2344 = arith.subf %select_n3A_2255, %gather3A_2319 : vector<16xf32>
        %bitcast_convert_type3A_2345 = tpu.bitcast %sub3A_2344 : vector<16xf32> -> vector<16xi32>
        %and3A_2346 = arith.constant 2147483632 : i32
        %and3A_2347 = vector.broadcast %and3A_2346 : i32 to vector<16xi32>
        %and3A_2348 = arith.andi %bitcast_convert_type3A_2345, %and3A_2347 : vector<16xi32>
        %or3A_2349 = arith.constant 3 : i32
        %or3A_2350 = vector.broadcast %or3A_2349 : i32 to vector<16xi32>
        %or3A_2351 = arith.ori %and3A_2348, %or3A_2350 : vector<16xi32>
        %sub3A_2352 = arith.subf %select_n3A_2259, %gather3A_2319 : vector<16xf32>
        %bitcast_convert_type3A_2353 = tpu.bitcast %sub3A_2352 : vector<16xf32> -> vector<16xi32>
        %and3A_2354 = arith.constant 2147483632 : i32
        %and3A_2355 = vector.broadcast %and3A_2354 : i32 to vector<16xi32>
        %and3A_2356 = arith.andi %bitcast_convert_type3A_2353, %and3A_2355 : vector<16xi32>
        %or3A_2357 = arith.constant 4 : i32
        %or3A_2358 = vector.broadcast %or3A_2357 : i32 to vector<16xi32>
        %or3A_2359 = arith.ori %and3A_2356, %or3A_2358 : vector<16xi32>
        %sub3A_2360 = arith.subf %select_n3A_2263, %gather3A_2319 : vector<16xf32>
        %bitcast_convert_type3A_2361 = tpu.bitcast %sub3A_2360 : vector<16xf32> -> vector<16xi32>
        %and3A_2362 = arith.constant 2147483632 : i32
        %and3A_2363 = vector.broadcast %and3A_2362 : i32 to vector<16xi32>
        %and3A_2364 = arith.andi %bitcast_convert_type3A_2361, %and3A_2363 : vector<16xi32>
        %or3A_2365 = arith.constant 5 : i32
        %or3A_2366 = vector.broadcast %or3A_2365 : i32 to vector<16xi32>
        %or3A_2367 = arith.ori %and3A_2364, %or3A_2366 : vector<16xi32>
        %sub3A_2368 = arith.subf %select_n3A_2267, %gather3A_2319 : vector<16xf32>
        %bitcast_convert_type3A_2369 = tpu.bitcast %sub3A_2368 : vector<16xf32> -> vector<16xi32>
        %and3A_2370 = arith.constant 2147483632 : i32
        %and3A_2371 = vector.broadcast %and3A_2370 : i32 to vector<16xi32>
        %and3A_2372 = arith.andi %bitcast_convert_type3A_2369, %and3A_2371 : vector<16xi32>
        %or3A_2373 = arith.constant 6 : i32
        %or3A_2374 = vector.broadcast %or3A_2373 : i32 to vector<16xi32>
        %or3A_2375 = arith.ori %and3A_2372, %or3A_2374 : vector<16xi32>
        %sub3A_2376 = arith.subf %select_n3A_2271, %gather3A_2319 : vector<16xf32>
        %bitcast_convert_type3A_2377 = tpu.bitcast %sub3A_2376 : vector<16xf32> -> vector<16xi32>
        %and3A_2378 = arith.constant 2147483632 : i32
        %and3A_2379 = vector.broadcast %and3A_2378 : i32 to vector<16xi32>
        %and3A_2380 = arith.andi %bitcast_convert_type3A_2377, %and3A_2379 : vector<16xi32>
        %or3A_2381 = arith.constant 7 : i32
        %or3A_2382 = vector.broadcast %or3A_2381 : i32 to vector<16xi32>
        %or3A_2383 = arith.ori %and3A_2380, %or3A_2382 : vector<16xi32>
        %sub3A_2384 = arith.subf %select_n3A_2275, %gather3A_2319 : vector<16xf32>
        %bitcast_convert_type3A_2385 = tpu.bitcast %sub3A_2384 : vector<16xf32> -> vector<16xi32>
        %and3A_2386 = arith.constant 2147483632 : i32
        %and3A_2387 = vector.broadcast %and3A_2386 : i32 to vector<16xi32>
        %and3A_2388 = arith.andi %bitcast_convert_type3A_2385, %and3A_2387 : vector<16xi32>
        %or3A_2389 = arith.constant 8 : i32
        %or3A_2390 = vector.broadcast %or3A_2389 : i32 to vector<16xi32>
        %or3A_2391 = arith.ori %and3A_2388, %or3A_2390 : vector<16xi32>
        %sub3A_2392 = arith.subf %select_n3A_2279, %gather3A_2319 : vector<16xf32>
        %bitcast_convert_type3A_2393 = tpu.bitcast %sub3A_2392 : vector<16xf32> -> vector<16xi32>
        %and3A_2394 = arith.constant 2147483632 : i32
        %and3A_2395 = vector.broadcast %and3A_2394 : i32 to vector<16xi32>
        %and3A_2396 = arith.andi %bitcast_convert_type3A_2393, %and3A_2395 : vector<16xi32>
        %or3A_2397 = arith.constant 9 : i32
        %or3A_2398 = vector.broadcast %or3A_2397 : i32 to vector<16xi32>
        %or3A_2399 = arith.ori %and3A_2396, %or3A_2398 : vector<16xi32>
        %sub3A_2400 = arith.subf %select_n3A_2283, %gather3A_2319 : vector<16xf32>
        %bitcast_convert_type3A_2401 = tpu.bitcast %sub3A_2400 : vector<16xf32> -> vector<16xi32>
        %and3A_2402 = arith.constant 2147483632 : i32
        %and3A_2403 = vector.broadcast %and3A_2402 : i32 to vector<16xi32>
        %and3A_2404 = arith.andi %bitcast_convert_type3A_2401, %and3A_2403 : vector<16xi32>
        %or3A_2405 = arith.constant 10 : i32
        %or3A_2406 = vector.broadcast %or3A_2405 : i32 to vector<16xi32>
        %or3A_2407 = arith.ori %and3A_2404, %or3A_2406 : vector<16xi32>
        %sub3A_2408 = arith.subf %select_n3A_2287, %gather3A_2319 : vector<16xf32>
        %bitcast_convert_type3A_2409 = tpu.bitcast %sub3A_2408 : vector<16xf32> -> vector<16xi32>
        %and3A_2410 = arith.constant 2147483632 : i32
        %and3A_2411 = vector.broadcast %and3A_2410 : i32 to vector<16xi32>
        %and3A_2412 = arith.andi %bitcast_convert_type3A_2409, %and3A_2411 : vector<16xi32>
        %or3A_2413 = arith.constant 11 : i32
        %or3A_2414 = vector.broadcast %or3A_2413 : i32 to vector<16xi32>
        %or3A_2415 = arith.ori %and3A_2412, %or3A_2414 : vector<16xi32>
        %sub3A_2416 = arith.subf %select_n3A_2291, %gather3A_2319 : vector<16xf32>
        %bitcast_convert_type3A_2417 = tpu.bitcast %sub3A_2416 : vector<16xf32> -> vector<16xi32>
        %and3A_2418 = arith.constant 2147483632 : i32
        %and3A_2419 = vector.broadcast %and3A_2418 : i32 to vector<16xi32>
        %and3A_2420 = arith.andi %bitcast_convert_type3A_2417, %and3A_2419 : vector<16xi32>
        %or3A_2421 = arith.constant 12 : i32
        %or3A_2422 = vector.broadcast %or3A_2421 : i32 to vector<16xi32>
        %or3A_2423 = arith.ori %and3A_2420, %or3A_2422 : vector<16xi32>
        %sub3A_2424 = arith.subf %select_n3A_2295, %gather3A_2319 : vector<16xf32>
        %bitcast_convert_type3A_2425 = tpu.bitcast %sub3A_2424 : vector<16xf32> -> vector<16xi32>
        %and3A_2426 = arith.constant 2147483632 : i32
        %and3A_2427 = vector.broadcast %and3A_2426 : i32 to vector<16xi32>
        %and3A_2428 = arith.andi %bitcast_convert_type3A_2425, %and3A_2427 : vector<16xi32>
        %or3A_2429 = arith.constant 13 : i32
        %or3A_2430 = vector.broadcast %or3A_2429 : i32 to vector<16xi32>
        %or3A_2431 = arith.ori %and3A_2428, %or3A_2430 : vector<16xi32>
        %sub3A_2432 = arith.subf %select_n3A_2299, %gather3A_2319 : vector<16xf32>
        %bitcast_convert_type3A_2433 = tpu.bitcast %sub3A_2432 : vector<16xf32> -> vector<16xi32>
        %and3A_2434 = arith.constant 2147483632 : i32
        %and3A_2435 = vector.broadcast %and3A_2434 : i32 to vector<16xi32>
        %and3A_2436 = arith.andi %bitcast_convert_type3A_2433, %and3A_2435 : vector<16xi32>
        %or3A_2437 = arith.constant 14 : i32
        %or3A_2438 = vector.broadcast %or3A_2437 : i32 to vector<16xi32>
        %or3A_2439 = arith.ori %and3A_2436, %or3A_2438 : vector<16xi32>
        %sub3A_2440 = arith.subf %select_n3A_2303, %gather3A_2319 : vector<16xf32>
        %bitcast_convert_type3A_2441 = tpu.bitcast %sub3A_2440 : vector<16xf32> -> vector<16xi32>
        %and3A_2442 = arith.constant 2147483632 : i32
        %and3A_2443 = vector.broadcast %and3A_2442 : i32 to vector<16xi32>
        %and3A_2444 = arith.andi %bitcast_convert_type3A_2441, %and3A_2443 : vector<16xi32>
        %or3A_2445 = arith.constant 15 : i32
        %or3A_2446 = vector.broadcast %or3A_2445 : i32 to vector<16xi32>
        %or3A_2447 = arith.ori %and3A_2444, %or3A_2446 : vector<16xi32>
        %min3A_2448 = arith.minui %or3A_2327, %or3A_2335 : vector<16xi32>
        %min3A_2449 = arith.minui %or3A_2343, %or3A_2351 : vector<16xi32>
        %min3A_2450 = arith.minui %or3A_2359, %or3A_2367 : vector<16xi32>
        %min3A_2451 = arith.minui %or3A_2375, %or3A_2383 : vector<16xi32>
        %min3A_2452 = arith.minui %or3A_2391, %or3A_2399 : vector<16xi32>
        %min3A_2453 = arith.minui %or3A_2407, %or3A_2415 : vector<16xi32>
        %min3A_2454 = arith.minui %or3A_2423, %or3A_2431 : vector<16xi32>
        %min3A_2455 = arith.minui %or3A_2439, %or3A_2447 : vector<16xi32>
        %min3A_2456 = arith.minui %min3A_2448, %min3A_2449 : vector<16xi32>
        %min3A_2457 = arith.minui %min3A_2450, %min3A_2451 : vector<16xi32>
        %min3A_2458 = arith.minui %min3A_2452, %min3A_2453 : vector<16xi32>
        %min3A_2459 = arith.minui %min3A_2454, %min3A_2455 : vector<16xi32>
        %min3A_2460 = arith.minui %min3A_2456, %min3A_2457 : vector<16xi32>
        %min3A_2461 = arith.minui %min3A_2458, %min3A_2459 : vector<16xi32>
        %min3A_2462 = arith.minui %min3A_2460, %min3A_2461 : vector<16xi32>
        %eq3A_2463 = arith.cmpi eq, %or3A_2327, %min3A_2462 : vector<16xi32>
        %jit3A_2464 = arith.constant 3.40282347E+38 : f32
        %broadcast_in_dim3A_2465 = vector.broadcast %jit3A_2464 : f32 to vector<16xf32>
        %select_n3A_2466 = arith.select %eq3A_2463, %broadcast_in_dim3A_2465, %select_n3A_2243 : vector<16xi1>, vector<16xf32>
        %eq3A_2467 = arith.cmpi eq, %or3A_2335, %min3A_2462 : vector<16xi32>
        %jit3A_2468 = arith.constant 3.40282347E+38 : f32
        %broadcast_in_dim3A_2469 = vector.broadcast %jit3A_2468 : f32 to vector<16xf32>
        %select_n3A_2470 = arith.select %eq3A_2467, %broadcast_in_dim3A_2469, %select_n3A_2247 : vector<16xi1>, vector<16xf32>
        %eq3A_2471 = arith.cmpi eq, %or3A_2343, %min3A_2462 : vector<16xi32>
        %jit3A_2472 = arith.constant 3.40282347E+38 : f32
        %broadcast_in_dim3A_2473 = vector.broadcast %jit3A_2472 : f32 to vector<16xf32>
        %select_n3A_2474 = arith.select %eq3A_2471, %broadcast_in_dim3A_2473, %select_n3A_2251 : vector<16xi1>, vector<16xf32>
        %eq3A_2475 = arith.cmpi eq, %or3A_2351, %min3A_2462 : vector<16xi32>
        %jit3A_2476 = arith.constant 3.40282347E+38 : f32
        %broadcast_in_dim3A_2477 = vector.broadcast %jit3A_2476 : f32 to vector<16xf32>
        %select_n3A_2478 = arith.select %eq3A_2475, %broadcast_in_dim3A_2477, %select_n3A_2255 : vector<16xi1>, vector<16xf32>
        %eq3A_2479 = arith.cmpi eq, %or3A_2359, %min3A_2462 : vector<16xi32>
        %jit3A_2480 = arith.constant 3.40282347E+38 : f32
        %broadcast_in_dim3A_2481 = vector.broadcast %jit3A_2480 : f32 to vector<16xf32>
        %select_n3A_2482 = arith.select %eq3A_2479, %broadcast_in_dim3A_2481, %select_n3A_2259 : vector<16xi1>, vector<16xf32>
        %eq3A_2483 = arith.cmpi eq, %or3A_2367, %min3A_2462 : vector<16xi32>
        %jit3A_2484 = arith.constant 3.40282347E+38 : f32
        %broadcast_in_dim3A_2485 = vector.broadcast %jit3A_2484 : f32 to vector<16xf32>
        %select_n3A_2486 = arith.select %eq3A_2483, %broadcast_in_dim3A_2485, %select_n3A_2263 : vector<16xi1>, vector<16xf32>
        %eq3A_2487 = arith.cmpi eq, %or3A_2375, %min3A_2462 : vector<16xi32>
        %jit3A_2488 = arith.constant 3.40282347E+38 : f32
        %broadcast_in_dim3A_2489 = vector.broadcast %jit3A_2488 : f32 to vector<16xf32>
        %select_n3A_2490 = arith.select %eq3A_2487, %broadcast_in_dim3A_2489, %select_n3A_2267 : vector<16xi1>, vector<16xf32>
        %eq3A_2491 = arith.cmpi eq, %or3A_2383, %min3A_2462 : vector<16xi32>
        %jit3A_2492 = arith.constant 3.40282347E+38 : f32
        %broadcast_in_dim3A_2493 = vector.broadcast %jit3A_2492 : f32 to vector<16xf32>
        %select_n3A_2494 = arith.select %eq3A_2491, %broadcast_in_dim3A_2493, %select_n3A_2271 : vector<16xi1>, vector<16xf32>
        %eq3A_2495 = arith.cmpi eq, %or3A_2391, %min3A_2462 : vector<16xi32>
        %jit3A_2496 = arith.constant 3.40282347E+38 : f32
        %broadcast_in_dim3A_2497 = vector.broadcast %jit3A_2496 : f32 to vector<16xf32>
        %select_n3A_2498 = arith.select %eq3A_2495, %broadcast_in_dim3A_2497, %select_n3A_2275 : vector<16xi1>, vector<16xf32>
        %eq3A_2499 = arith.cmpi eq, %or3A_2399, %min3A_2462 : vector<16xi32>
        %jit3A_2500 = arith.constant 3.40282347E+38 : f32
        %broadcast_in_dim3A_2501 = vector.broadcast %jit3A_2500 : f32 to vector<16xf32>
        %select_n3A_2502 = arith.select %eq3A_2499, %broadcast_in_dim3A_2501, %select_n3A_2279 : vector<16xi1>, vector<16xf32>
        %eq3A_2503 = arith.cmpi eq, %or3A_2407, %min3A_2462 : vector<16xi32>
        %jit3A_2504 = arith.constant 3.40282347E+38 : f32
        %broadcast_in_dim3A_2505 = vector.broadcast %jit3A_2504 : f32 to vector<16xf32>
        %select_n3A_2506 = arith.select %eq3A_2503, %broadcast_in_dim3A_2505, %select_n3A_2283 : vector<16xi1>, vector<16xf32>
        %eq3A_2507 = arith.cmpi eq, %or3A_2415, %min3A_2462 : vector<16xi32>
        %jit3A_2508 = arith.constant 3.40282347E+38 : f32
        %broadcast_in_dim3A_2509 = vector.broadcast %jit3A_2508 : f32 to vector<16xf32>
        %select_n3A_2510 = arith.select %eq3A_2507, %broadcast_in_dim3A_2509, %select_n3A_2287 : vector<16xi1>, vector<16xf32>
        %eq3A_2511 = arith.cmpi eq, %or3A_2423, %min3A_2462 : vector<16xi32>
        %jit3A_2512 = arith.constant 3.40282347E+38 : f32
        %broadcast_in_dim3A_2513 = vector.broadcast %jit3A_2512 : f32 to vector<16xf32>
        %select_n3A_2514 = arith.select %eq3A_2511, %broadcast_in_dim3A_2513, %select_n3A_2291 : vector<16xi1>, vector<16xf32>
        %eq3A_2515 = arith.cmpi eq, %or3A_2431, %min3A_2462 : vector<16xi32>
        %jit3A_2516 = arith.constant 3.40282347E+38 : f32
        %broadcast_in_dim3A_2517 = vector.broadcast %jit3A_2516 : f32 to vector<16xf32>
        %select_n3A_2518 = arith.select %eq3A_2515, %broadcast_in_dim3A_2517, %select_n3A_2295 : vector<16xi1>, vector<16xf32>
        %eq3A_2519 = arith.cmpi eq, %or3A_2439, %min3A_2462 : vector<16xi32>
        %jit3A_2520 = arith.constant 3.40282347E+38 : f32
        %broadcast_in_dim3A_2521 = vector.broadcast %jit3A_2520 : f32 to vector<16xf32>
        %select_n3A_2522 = arith.select %eq3A_2519, %broadcast_in_dim3A_2521, %select_n3A_2299 : vector<16xi1>, vector<16xf32>
        %eq3A_2523 = arith.cmpi eq, %or3A_2447, %min3A_2462 : vector<16xi32>
        %jit3A_2524 = arith.constant 3.40282347E+38 : f32
        %broadcast_in_dim3A_2525 = vector.broadcast %jit3A_2524 : f32 to vector<16xf32>
        %select_n3A_2526 = arith.select %eq3A_2523, %broadcast_in_dim3A_2525, %select_n3A_2303 : vector<16xi1>, vector<16xf32>
        %and3A_2527 = arith.constant 2147483632 : i32
        %and3A_2528 = vector.broadcast %and3A_2527 : i32 to vector<16xi32>
        %and3A_2529 = arith.andi %min3A_2462, %and3A_2528 : vector<16xi32>
        %bitcast_convert_type3A_2530 = tpu.bitcast %and3A_2529 : vector<16xi32> -> vector<16xf32>
        %ne3A_2531 = arith.constant -1.000000e+03 : f32
        %ne3A_2532 = vector.broadcast %ne3A_2531 : f32 to vector<16xf32>
        %ne3A_2533 = arith.cmpf one, %gather3A_2319, %ne3A_2532 : vector<16xf32>
        %mul3A_2534 = arith.mulf %bitcast_convert_type3A_2530, %bitcast_convert_type3A_2530 : vector<16xf32>
        %jit3A_2535 = arith.constant 0.000000e+00 : f32
        %broadcast_in_dim3A_2536 = vector.broadcast %jit3A_2535 : f32 to vector<16xf32>
        %select_n3A_2537 = arith.select %ne3A_2533, %mul3A_2534, %broadcast_in_dim3A_2536 : vector<16xi1>, vector<16xf32>
        %add3A_2538 = arith.addf %add3A_2315, %select_n3A_2537 : vector<16xf32>
        %add3A_2539 = arith.constant 11 : i32
        %add3A_2540 = vector.broadcast %add3A_2539 : i32 to vector<16xi32>
        %add3A_2541 = arith.addi %add3A_31, %add3A_2540 : vector<16xi32>
        %gather3A_2542 = tpu.vector_load_idx %arg6[%add3A_2541] : memref<32768xf32, #tpu.memory_space<vmem>>[vector<16xi32>], vector<16xf32>,
        %sub3A_2543 = arith.subf %select_n3A_2466, %gather3A_2542 : vector<16xf32>
        %bitcast_convert_type3A_2544 = tpu.bitcast %sub3A_2543 : vector<16xf32> -> vector<16xi32>
        %and3A_2545 = arith.constant 2147483632 : i32
        %and3A_2546 = vector.broadcast %and3A_2545 : i32 to vector<16xi32>
        %and3A_2547 = arith.andi %bitcast_convert_type3A_2544, %and3A_2546 : vector<16xi32>
        %or3A_2548 = arith.constant 0 : i32
        %or3A_2549 = vector.broadcast %or3A_2548 : i32 to vector<16xi32>
        %or3A_2550 = arith.ori %and3A_2547, %or3A_2549 : vector<16xi32>
        %sub3A_2551 = arith.subf %select_n3A_2470, %gather3A_2542 : vector<16xf32>
        %bitcast_convert_type3A_2552 = tpu.bitcast %sub3A_2551 : vector<16xf32> -> vector<16xi32>
        %and3A_2553 = arith.constant 2147483632 : i32
        %and3A_2554 = vector.broadcast %and3A_2553 : i32 to vector<16xi32>
        %and3A_2555 = arith.andi %bitcast_convert_type3A_2552, %and3A_2554 : vector<16xi32>
        %or3A_2556 = arith.constant 1 : i32
        %or3A_2557 = vector.broadcast %or3A_2556 : i32 to vector<16xi32>
        %or3A_2558 = arith.ori %and3A_2555, %or3A_2557 : vector<16xi32>
        %sub3A_2559 = arith.subf %select_n3A_2474, %gather3A_2542 : vector<16xf32>
        %bitcast_convert_type3A_2560 = tpu.bitcast %sub3A_2559 : vector<16xf32> -> vector<16xi32>
        %and3A_2561 = arith.constant 2147483632 : i32
        %and3A_2562 = vector.broadcast %and3A_2561 : i32 to vector<16xi32>
        %and3A_2563 = arith.andi %bitcast_convert_type3A_2560, %and3A_2562 : vector<16xi32>
        %or3A_2564 = arith.constant 2 : i32
        %or3A_2565 = vector.broadcast %or3A_2564 : i32 to vector<16xi32>
        %or3A_2566 = arith.ori %and3A_2563, %or3A_2565 : vector<16xi32>
        %sub3A_2567 = arith.subf %select_n3A_2478, %gather3A_2542 : vector<16xf32>
        %bitcast_convert_type3A_2568 = tpu.bitcast %sub3A_2567 : vector<16xf32> -> vector<16xi32>
        %and3A_2569 = arith.constant 2147483632 : i32
        %and3A_2570 = vector.broadcast %and3A_2569 : i32 to vector<16xi32>
        %and3A_2571 = arith.andi %bitcast_convert_type3A_2568, %and3A_2570 : vector<16xi32>
        %or3A_2572 = arith.constant 3 : i32
        %or3A_2573 = vector.broadcast %or3A_2572 : i32 to vector<16xi32>
        %or3A_2574 = arith.ori %and3A_2571, %or3A_2573 : vector<16xi32>
        %sub3A_2575 = arith.subf %select_n3A_2482, %gather3A_2542 : vector<16xf32>
        %bitcast_convert_type3A_2576 = tpu.bitcast %sub3A_2575 : vector<16xf32> -> vector<16xi32>
        %and3A_2577 = arith.constant 2147483632 : i32
        %and3A_2578 = vector.broadcast %and3A_2577 : i32 to vector<16xi32>
        %and3A_2579 = arith.andi %bitcast_convert_type3A_2576, %and3A_2578 : vector<16xi32>
        %or3A_2580 = arith.constant 4 : i32
        %or3A_2581 = vector.broadcast %or3A_2580 : i32 to vector<16xi32>
        %or3A_2582 = arith.ori %and3A_2579, %or3A_2581 : vector<16xi32>
        %sub3A_2583 = arith.subf %select_n3A_2486, %gather3A_2542 : vector<16xf32>
        %bitcast_convert_type3A_2584 = tpu.bitcast %sub3A_2583 : vector<16xf32> -> vector<16xi32>
        %and3A_2585 = arith.constant 2147483632 : i32
        %and3A_2586 = vector.broadcast %and3A_2585 : i32 to vector<16xi32>
        %and3A_2587 = arith.andi %bitcast_convert_type3A_2584, %and3A_2586 : vector<16xi32>
        %or3A_2588 = arith.constant 5 : i32
        %or3A_2589 = vector.broadcast %or3A_2588 : i32 to vector<16xi32>
        %or3A_2590 = arith.ori %and3A_2587, %or3A_2589 : vector<16xi32>
        %sub3A_2591 = arith.subf %select_n3A_2490, %gather3A_2542 : vector<16xf32>
        %bitcast_convert_type3A_2592 = tpu.bitcast %sub3A_2591 : vector<16xf32> -> vector<16xi32>
        %and3A_2593 = arith.constant 2147483632 : i32
        %and3A_2594 = vector.broadcast %and3A_2593 : i32 to vector<16xi32>
        %and3A_2595 = arith.andi %bitcast_convert_type3A_2592, %and3A_2594 : vector<16xi32>
        %or3A_2596 = arith.constant 6 : i32
        %or3A_2597 = vector.broadcast %or3A_2596 : i32 to vector<16xi32>
        %or3A_2598 = arith.ori %and3A_2595, %or3A_2597 : vector<16xi32>
        %sub3A_2599 = arith.subf %select_n3A_2494, %gather3A_2542 : vector<16xf32>
        %bitcast_convert_type3A_2600 = tpu.bitcast %sub3A_2599 : vector<16xf32> -> vector<16xi32>
        %and3A_2601 = arith.constant 2147483632 : i32
        %and3A_2602 = vector.broadcast %and3A_2601 : i32 to vector<16xi32>
        %and3A_2603 = arith.andi %bitcast_convert_type3A_2600, %and3A_2602 : vector<16xi32>
        %or3A_2604 = arith.constant 7 : i32
        %or3A_2605 = vector.broadcast %or3A_2604 : i32 to vector<16xi32>
        %or3A_2606 = arith.ori %and3A_2603, %or3A_2605 : vector<16xi32>
        %sub3A_2607 = arith.subf %select_n3A_2498, %gather3A_2542 : vector<16xf32>
        %bitcast_convert_type3A_2608 = tpu.bitcast %sub3A_2607 : vector<16xf32> -> vector<16xi32>
        %and3A_2609 = arith.constant 2147483632 : i32
        %and3A_2610 = vector.broadcast %and3A_2609 : i32 to vector<16xi32>
        %and3A_2611 = arith.andi %bitcast_convert_type3A_2608, %and3A_2610 : vector<16xi32>
        %or3A_2612 = arith.constant 8 : i32
        %or3A_2613 = vector.broadcast %or3A_2612 : i32 to vector<16xi32>
        %or3A_2614 = arith.ori %and3A_2611, %or3A_2613 : vector<16xi32>
        %sub3A_2615 = arith.subf %select_n3A_2502, %gather3A_2542 : vector<16xf32>
        %bitcast_convert_type3A_2616 = tpu.bitcast %sub3A_2615 : vector<16xf32> -> vector<16xi32>
        %and3A_2617 = arith.constant 2147483632 : i32
        %and3A_2618 = vector.broadcast %and3A_2617 : i32 to vector<16xi32>
        %and3A_2619 = arith.andi %bitcast_convert_type3A_2616, %and3A_2618 : vector<16xi32>
        %or3A_2620 = arith.constant 9 : i32
        %or3A_2621 = vector.broadcast %or3A_2620 : i32 to vector<16xi32>
        %or3A_2622 = arith.ori %and3A_2619, %or3A_2621 : vector<16xi32>
        %sub3A_2623 = arith.subf %select_n3A_2506, %gather3A_2542 : vector<16xf32>
        %bitcast_convert_type3A_2624 = tpu.bitcast %sub3A_2623 : vector<16xf32> -> vector<16xi32>
        %and3A_2625 = arith.constant 2147483632 : i32
        %and3A_2626 = vector.broadcast %and3A_2625 : i32 to vector<16xi32>
        %and3A_2627 = arith.andi %bitcast_convert_type3A_2624, %and3A_2626 : vector<16xi32>
        %or3A_2628 = arith.constant 10 : i32
        %or3A_2629 = vector.broadcast %or3A_2628 : i32 to vector<16xi32>
        %or3A_2630 = arith.ori %and3A_2627, %or3A_2629 : vector<16xi32>
        %sub3A_2631 = arith.subf %select_n3A_2510, %gather3A_2542 : vector<16xf32>
        %bitcast_convert_type3A_2632 = tpu.bitcast %sub3A_2631 : vector<16xf32> -> vector<16xi32>
        %and3A_2633 = arith.constant 2147483632 : i32
        %and3A_2634 = vector.broadcast %and3A_2633 : i32 to vector<16xi32>
        %and3A_2635 = arith.andi %bitcast_convert_type3A_2632, %and3A_2634 : vector<16xi32>
        %or3A_2636 = arith.constant 11 : i32
        %or3A_2637 = vector.broadcast %or3A_2636 : i32 to vector<16xi32>
        %or3A_2638 = arith.ori %and3A_2635, %or3A_2637 : vector<16xi32>
        %sub3A_2639 = arith.subf %select_n3A_2514, %gather3A_2542 : vector<16xf32>
        %bitcast_convert_type3A_2640 = tpu.bitcast %sub3A_2639 : vector<16xf32> -> vector<16xi32>
        %and3A_2641 = arith.constant 2147483632 : i32
        %and3A_2642 = vector.broadcast %and3A_2641 : i32 to vector<16xi32>
        %and3A_2643 = arith.andi %bitcast_convert_type3A_2640, %and3A_2642 : vector<16xi32>
        %or3A_2644 = arith.constant 12 : i32
        %or3A_2645 = vector.broadcast %or3A_2644 : i32 to vector<16xi32>
        %or3A_2646 = arith.ori %and3A_2643, %or3A_2645 : vector<16xi32>
        %sub3A_2647 = arith.subf %select_n3A_2518, %gather3A_2542 : vector<16xf32>
        %bitcast_convert_type3A_2648 = tpu.bitcast %sub3A_2647 : vector<16xf32> -> vector<16xi32>
        %and3A_2649 = arith.constant 2147483632 : i32
        %and3A_2650 = vector.broadcast %and3A_2649 : i32 to vector<16xi32>
        %and3A_2651 = arith.andi %bitcast_convert_type3A_2648, %and3A_2650 : vector<16xi32>
        %or3A_2652 = arith.constant 13 : i32
        %or3A_2653 = vector.broadcast %or3A_2652 : i32 to vector<16xi32>
        %or3A_2654 = arith.ori %and3A_2651, %or3A_2653 : vector<16xi32>
        %sub3A_2655 = arith.subf %select_n3A_2522, %gather3A_2542 : vector<16xf32>
        %bitcast_convert_type3A_2656 = tpu.bitcast %sub3A_2655 : vector<16xf32> -> vector<16xi32>
        %and3A_2657 = arith.constant 2147483632 : i32
        %and3A_2658 = vector.broadcast %and3A_2657 : i32 to vector<16xi32>
        %and3A_2659 = arith.andi %bitcast_convert_type3A_2656, %and3A_2658 : vector<16xi32>
        %or3A_2660 = arith.constant 14 : i32
        %or3A_2661 = vector.broadcast %or3A_2660 : i32 to vector<16xi32>
        %or3A_2662 = arith.ori %and3A_2659, %or3A_2661 : vector<16xi32>
        %sub3A_2663 = arith.subf %select_n3A_2526, %gather3A_2542 : vector<16xf32>
        %bitcast_convert_type3A_2664 = tpu.bitcast %sub3A_2663 : vector<16xf32> -> vector<16xi32>
        %and3A_2665 = arith.constant 2147483632 : i32
        %and3A_2666 = vector.broadcast %and3A_2665 : i32 to vector<16xi32>
        %and3A_2667 = arith.andi %bitcast_convert_type3A_2664, %and3A_2666 : vector<16xi32>
        %or3A_2668 = arith.constant 15 : i32
        %or3A_2669 = vector.broadcast %or3A_2668 : i32 to vector<16xi32>
        %or3A_2670 = arith.ori %and3A_2667, %or3A_2669 : vector<16xi32>
        %min3A_2671 = arith.minui %or3A_2550, %or3A_2558 : vector<16xi32>
        %min3A_2672 = arith.minui %or3A_2566, %or3A_2574 : vector<16xi32>
        %min3A_2673 = arith.minui %or3A_2582, %or3A_2590 : vector<16xi32>
        %min3A_2674 = arith.minui %or3A_2598, %or3A_2606 : vector<16xi32>
        %min3A_2675 = arith.minui %or3A_2614, %or3A_2622 : vector<16xi32>
        %min3A_2676 = arith.minui %or3A_2630, %or3A_2638 : vector<16xi32>
        %min3A_2677 = arith.minui %or3A_2646, %or3A_2654 : vector<16xi32>
        %min3A_2678 = arith.minui %or3A_2662, %or3A_2670 : vector<16xi32>
        %min3A_2679 = arith.minui %min3A_2671, %min3A_2672 : vector<16xi32>
        %min3A_2680 = arith.minui %min3A_2673, %min3A_2674 : vector<16xi32>
        %min3A_2681 = arith.minui %min3A_2675, %min3A_2676 : vector<16xi32>
        %min3A_2682 = arith.minui %min3A_2677, %min3A_2678 : vector<16xi32>
        %min3A_2683 = arith.minui %min3A_2679, %min3A_2680 : vector<16xi32>
        %min3A_2684 = arith.minui %min3A_2681, %min3A_2682 : vector<16xi32>
        %min3A_2685 = arith.minui %min3A_2683, %min3A_2684 : vector<16xi32>
        %eq3A_2686 = arith.cmpi eq, %or3A_2550, %min3A_2685 : vector<16xi32>
        %jit3A_2687 = arith.constant 3.40282347E+38 : f32
        %broadcast_in_dim3A_2688 = vector.broadcast %jit3A_2687 : f32 to vector<16xf32>
        %select_n3A_2689 = arith.select %eq3A_2686, %broadcast_in_dim3A_2688, %select_n3A_2466 : vector<16xi1>, vector<16xf32>
        %eq3A_2690 = arith.cmpi eq, %or3A_2558, %min3A_2685 : vector<16xi32>
        %jit3A_2691 = arith.constant 3.40282347E+38 : f32
        %broadcast_in_dim3A_2692 = vector.broadcast %jit3A_2691 : f32 to vector<16xf32>
        %select_n3A_2693 = arith.select %eq3A_2690, %broadcast_in_dim3A_2692, %select_n3A_2470 : vector<16xi1>, vector<16xf32>
        %eq3A_2694 = arith.cmpi eq, %or3A_2566, %min3A_2685 : vector<16xi32>
        %jit3A_2695 = arith.constant 3.40282347E+38 : f32
        %broadcast_in_dim3A_2696 = vector.broadcast %jit3A_2695 : f32 to vector<16xf32>
        %select_n3A_2697 = arith.select %eq3A_2694, %broadcast_in_dim3A_2696, %select_n3A_2474 : vector<16xi1>, vector<16xf32>
        %eq3A_2698 = arith.cmpi eq, %or3A_2574, %min3A_2685 : vector<16xi32>
        %jit3A_2699 = arith.constant 3.40282347E+38 : f32
        %broadcast_in_dim3A_2700 = vector.broadcast %jit3A_2699 : f32 to vector<16xf32>
        %select_n3A_2701 = arith.select %eq3A_2698, %broadcast_in_dim3A_2700, %select_n3A_2478 : vector<16xi1>, vector<16xf32>
        %eq3A_2702 = arith.cmpi eq, %or3A_2582, %min3A_2685 : vector<16xi32>
        %jit3A_2703 = arith.constant 3.40282347E+38 : f32
        %broadcast_in_dim3A_2704 = vector.broadcast %jit3A_2703 : f32 to vector<16xf32>
        %select_n3A_2705 = arith.select %eq3A_2702, %broadcast_in_dim3A_2704, %select_n3A_2482 : vector<16xi1>, vector<16xf32>
        %eq3A_2706 = arith.cmpi eq, %or3A_2590, %min3A_2685 : vector<16xi32>
        %jit3A_2707 = arith.constant 3.40282347E+38 : f32
        %broadcast_in_dim3A_2708 = vector.broadcast %jit3A_2707 : f32 to vector<16xf32>
        %select_n3A_2709 = arith.select %eq3A_2706, %broadcast_in_dim3A_2708, %select_n3A_2486 : vector<16xi1>, vector<16xf32>
        %eq3A_2710 = arith.cmpi eq, %or3A_2598, %min3A_2685 : vector<16xi32>
        %jit3A_2711 = arith.constant 3.40282347E+38 : f32
        %broadcast_in_dim3A_2712 = vector.broadcast %jit3A_2711 : f32 to vector<16xf32>
        %select_n3A_2713 = arith.select %eq3A_2710, %broadcast_in_dim3A_2712, %select_n3A_2490 : vector<16xi1>, vector<16xf32>
        %eq3A_2714 = arith.cmpi eq, %or3A_2606, %min3A_2685 : vector<16xi32>
        %jit3A_2715 = arith.constant 3.40282347E+38 : f32
        %broadcast_in_dim3A_2716 = vector.broadcast %jit3A_2715 : f32 to vector<16xf32>
        %select_n3A_2717 = arith.select %eq3A_2714, %broadcast_in_dim3A_2716, %select_n3A_2494 : vector<16xi1>, vector<16xf32>
        %eq3A_2718 = arith.cmpi eq, %or3A_2614, %min3A_2685 : vector<16xi32>
        %jit3A_2719 = arith.constant 3.40282347E+38 : f32
        %broadcast_in_dim3A_2720 = vector.broadcast %jit3A_2719 : f32 to vector<16xf32>
        %select_n3A_2721 = arith.select %eq3A_2718, %broadcast_in_dim3A_2720, %select_n3A_2498 : vector<16xi1>, vector<16xf32>
        %eq3A_2722 = arith.cmpi eq, %or3A_2622, %min3A_2685 : vector<16xi32>
        %jit3A_2723 = arith.constant 3.40282347E+38 : f32
        %broadcast_in_dim3A_2724 = vector.broadcast %jit3A_2723 : f32 to vector<16xf32>
        %select_n3A_2725 = arith.select %eq3A_2722, %broadcast_in_dim3A_2724, %select_n3A_2502 : vector<16xi1>, vector<16xf32>
        %eq3A_2726 = arith.cmpi eq, %or3A_2630, %min3A_2685 : vector<16xi32>
        %jit3A_2727 = arith.constant 3.40282347E+38 : f32
        %broadcast_in_dim3A_2728 = vector.broadcast %jit3A_2727 : f32 to vector<16xf32>
        %select_n3A_2729 = arith.select %eq3A_2726, %broadcast_in_dim3A_2728, %select_n3A_2506 : vector<16xi1>, vector<16xf32>
        %eq3A_2730 = arith.cmpi eq, %or3A_2638, %min3A_2685 : vector<16xi32>
        %jit3A_2731 = arith.constant 3.40282347E+38 : f32
        %broadcast_in_dim3A_2732 = vector.broadcast %jit3A_2731 : f32 to vector<16xf32>
        %select_n3A_2733 = arith.select %eq3A_2730, %broadcast_in_dim3A_2732, %select_n3A_2510 : vector<16xi1>, vector<16xf32>
        %eq3A_2734 = arith.cmpi eq, %or3A_2646, %min3A_2685 : vector<16xi32>
        %jit3A_2735 = arith.constant 3.40282347E+38 : f32
        %broadcast_in_dim3A_2736 = vector.broadcast %jit3A_2735 : f32 to vector<16xf32>
        %select_n3A_2737 = arith.select %eq3A_2734, %broadcast_in_dim3A_2736, %select_n3A_2514 : vector<16xi1>, vector<16xf32>
        %eq3A_2738 = arith.cmpi eq, %or3A_2654, %min3A_2685 : vector<16xi32>
        %jit3A_2739 = arith.constant 3.40282347E+38 : f32
        %broadcast_in_dim3A_2740 = vector.broadcast %jit3A_2739 : f32 to vector<16xf32>
        %select_n3A_2741 = arith.select %eq3A_2738, %broadcast_in_dim3A_2740, %select_n3A_2518 : vector<16xi1>, vector<16xf32>
        %eq3A_2742 = arith.cmpi eq, %or3A_2662, %min3A_2685 : vector<16xi32>
        %jit3A_2743 = arith.constant 3.40282347E+38 : f32
        %broadcast_in_dim3A_2744 = vector.broadcast %jit3A_2743 : f32 to vector<16xf32>
        %select_n3A_2745 = arith.select %eq3A_2742, %broadcast_in_dim3A_2744, %select_n3A_2522 : vector<16xi1>, vector<16xf32>
        %eq3A_2746 = arith.cmpi eq, %or3A_2670, %min3A_2685 : vector<16xi32>
        %jit3A_2747 = arith.constant 3.40282347E+38 : f32
        %broadcast_in_dim3A_2748 = vector.broadcast %jit3A_2747 : f32 to vector<16xf32>
        %select_n3A_2749 = arith.select %eq3A_2746, %broadcast_in_dim3A_2748, %select_n3A_2526 : vector<16xi1>, vector<16xf32>
        %and3A_2750 = arith.constant 2147483632 : i32
        %and3A_2751 = vector.broadcast %and3A_2750 : i32 to vector<16xi32>
        %and3A_2752 = arith.andi %min3A_2685, %and3A_2751 : vector<16xi32>
        %bitcast_convert_type3A_2753 = tpu.bitcast %and3A_2752 : vector<16xi32> -> vector<16xf32>
        %ne3A_2754 = arith.constant -1.000000e+03 : f32
        %ne3A_2755 = vector.broadcast %ne3A_2754 : f32 to vector<16xf32>
        %ne3A_2756 = arith.cmpf one, %gather3A_2542, %ne3A_2755 : vector<16xf32>
        %mul3A_2757 = arith.mulf %bitcast_convert_type3A_2753, %bitcast_convert_type3A_2753 : vector<16xf32>
        %jit3A_2758 = arith.constant 0.000000e+00 : f32
        %broadcast_in_dim3A_2759 = vector.broadcast %jit3A_2758 : f32 to vector<16xf32>
        %select_n3A_2760 = arith.select %ne3A_2756, %mul3A_2757, %broadcast_in_dim3A_2759 : vector<16xi1>, vector<16xf32>
        %add3A_2761 = arith.addf %add3A_2538, %select_n3A_2760 : vector<16xf32>
        %add3A_2762 = arith.constant 12 : i32
        %add3A_2763 = vector.broadcast %add3A_2762 : i32 to vector<16xi32>
        %add3A_2764 = arith.addi %add3A_31, %add3A_2763 : vector<16xi32>
        %gather3A_2765 = tpu.vector_load_idx %arg6[%add3A_2764] : memref<32768xf32, #tpu.memory_space<vmem>>[vector<16xi32>], vector<16xf32>,
        %sub3A_2766 = arith.subf %select_n3A_2689, %gather3A_2765 : vector<16xf32>
        %bitcast_convert_type3A_2767 = tpu.bitcast %sub3A_2766 : vector<16xf32> -> vector<16xi32>
        %and3A_2768 = arith.constant 2147483632 : i32
        %and3A_2769 = vector.broadcast %and3A_2768 : i32 to vector<16xi32>
        %and3A_2770 = arith.andi %bitcast_convert_type3A_2767, %and3A_2769 : vector<16xi32>
        %or3A_2771 = arith.constant 0 : i32
        %or3A_2772 = vector.broadcast %or3A_2771 : i32 to vector<16xi32>
        %or3A_2773 = arith.ori %and3A_2770, %or3A_2772 : vector<16xi32>
        %sub3A_2774 = arith.subf %select_n3A_2693, %gather3A_2765 : vector<16xf32>
        %bitcast_convert_type3A_2775 = tpu.bitcast %sub3A_2774 : vector<16xf32> -> vector<16xi32>
        %and3A_2776 = arith.constant 2147483632 : i32
        %and3A_2777 = vector.broadcast %and3A_2776 : i32 to vector<16xi32>
        %and3A_2778 = arith.andi %bitcast_convert_type3A_2775, %and3A_2777 : vector<16xi32>
        %or3A_2779 = arith.constant 1 : i32
        %or3A_2780 = vector.broadcast %or3A_2779 : i32 to vector<16xi32>
        %or3A_2781 = arith.ori %and3A_2778, %or3A_2780 : vector<16xi32>
        %sub3A_2782 = arith.subf %select_n3A_2697, %gather3A_2765 : vector<16xf32>
        %bitcast_convert_type3A_2783 = tpu.bitcast %sub3A_2782 : vector<16xf32> -> vector<16xi32>
        %and3A_2784 = arith.constant 2147483632 : i32
        %and3A_2785 = vector.broadcast %and3A_2784 : i32 to vector<16xi32>
        %and3A_2786 = arith.andi %bitcast_convert_type3A_2783, %and3A_2785 : vector<16xi32>
        %or3A_2787 = arith.constant 2 : i32
        %or3A_2788 = vector.broadcast %or3A_2787 : i32 to vector<16xi32>
        %or3A_2789 = arith.ori %and3A_2786, %or3A_2788 : vector<16xi32>
        %sub3A_2790 = arith.subf %select_n3A_2701, %gather3A_2765 : vector<16xf32>
        %bitcast_convert_type3A_2791 = tpu.bitcast %sub3A_2790 : vector<16xf32> -> vector<16xi32>
        %and3A_2792 = arith.constant 2147483632 : i32
        %and3A_2793 = vector.broadcast %and3A_2792 : i32 to vector<16xi32>
        %and3A_2794 = arith.andi %bitcast_convert_type3A_2791, %and3A_2793 : vector<16xi32>
        %or3A_2795 = arith.constant 3 : i32
        %or3A_2796 = vector.broadcast %or3A_2795 : i32 to vector<16xi32>
        %or3A_2797 = arith.ori %and3A_2794, %or3A_2796 : vector<16xi32>
        %sub3A_2798 = arith.subf %select_n3A_2705, %gather3A_2765 : vector<16xf32>
        %bitcast_convert_type3A_2799 = tpu.bitcast %sub3A_2798 : vector<16xf32> -> vector<16xi32>
        %and3A_2800 = arith.constant 2147483632 : i32
        %and3A_2801 = vector.broadcast %and3A_2800 : i32 to vector<16xi32>
        %and3A_2802 = arith.andi %bitcast_convert_type3A_2799, %and3A_2801 : vector<16xi32>
        %or3A_2803 = arith.constant 4 : i32
        %or3A_2804 = vector.broadcast %or3A_2803 : i32 to vector<16xi32>
        %or3A_2805 = arith.ori %and3A_2802, %or3A_2804 : vector<16xi32>
        %sub3A_2806 = arith.subf %select_n3A_2709, %gather3A_2765 : vector<16xf32>
        %bitcast_convert_type3A_2807 = tpu.bitcast %sub3A_2806 : vector<16xf32> -> vector<16xi32>
        %and3A_2808 = arith.constant 2147483632 : i32
        %and3A_2809 = vector.broadcast %and3A_2808 : i32 to vector<16xi32>
        %and3A_2810 = arith.andi %bitcast_convert_type3A_2807, %and3A_2809 : vector<16xi32>
        %or3A_2811 = arith.constant 5 : i32
        %or3A_2812 = vector.broadcast %or3A_2811 : i32 to vector<16xi32>
        %or3A_2813 = arith.ori %and3A_2810, %or3A_2812 : vector<16xi32>
        %sub3A_2814 = arith.subf %select_n3A_2713, %gather3A_2765 : vector<16xf32>
        %bitcast_convert_type3A_2815 = tpu.bitcast %sub3A_2814 : vector<16xf32> -> vector<16xi32>
        %and3A_2816 = arith.constant 2147483632 : i32
        %and3A_2817 = vector.broadcast %and3A_2816 : i32 to vector<16xi32>
        %and3A_2818 = arith.andi %bitcast_convert_type3A_2815, %and3A_2817 : vector<16xi32>
        %or3A_2819 = arith.constant 6 : i32
        %or3A_2820 = vector.broadcast %or3A_2819 : i32 to vector<16xi32>
        %or3A_2821 = arith.ori %and3A_2818, %or3A_2820 : vector<16xi32>
        %sub3A_2822 = arith.subf %select_n3A_2717, %gather3A_2765 : vector<16xf32>
        %bitcast_convert_type3A_2823 = tpu.bitcast %sub3A_2822 : vector<16xf32> -> vector<16xi32>
        %and3A_2824 = arith.constant 2147483632 : i32
        %and3A_2825 = vector.broadcast %and3A_2824 : i32 to vector<16xi32>
        %and3A_2826 = arith.andi %bitcast_convert_type3A_2823, %and3A_2825 : vector<16xi32>
        %or3A_2827 = arith.constant 7 : i32
        %or3A_2828 = vector.broadcast %or3A_2827 : i32 to vector<16xi32>
        %or3A_2829 = arith.ori %and3A_2826, %or3A_2828 : vector<16xi32>
        %sub3A_2830 = arith.subf %select_n3A_2721, %gather3A_2765 : vector<16xf32>
        %bitcast_convert_type3A_2831 = tpu.bitcast %sub3A_2830 : vector<16xf32> -> vector<16xi32>
        %and3A_2832 = arith.constant 2147483632 : i32
        %and3A_2833 = vector.broadcast %and3A_2832 : i32 to vector<16xi32>
        %and3A_2834 = arith.andi %bitcast_convert_type3A_2831, %and3A_2833 : vector<16xi32>
        %or3A_2835 = arith.constant 8 : i32
        %or3A_2836 = vector.broadcast %or3A_2835 : i32 to vector<16xi32>
        %or3A_2837 = arith.ori %and3A_2834, %or3A_2836 : vector<16xi32>
        %sub3A_2838 = arith.subf %select_n3A_2725, %gather3A_2765 : vector<16xf32>
        %bitcast_convert_type3A_2839 = tpu.bitcast %sub3A_2838 : vector<16xf32> -> vector<16xi32>
        %and3A_2840 = arith.constant 2147483632 : i32
        %and3A_2841 = vector.broadcast %and3A_2840 : i32 to vector<16xi32>
        %and3A_2842 = arith.andi %bitcast_convert_type3A_2839, %and3A_2841 : vector<16xi32>
        %or3A_2843 = arith.constant 9 : i32
        %or3A_2844 = vector.broadcast %or3A_2843 : i32 to vector<16xi32>
        %or3A_2845 = arith.ori %and3A_2842, %or3A_2844 : vector<16xi32>
        %sub3A_2846 = arith.subf %select_n3A_2729, %gather3A_2765 : vector<16xf32>
        %bitcast_convert_type3A_2847 = tpu.bitcast %sub3A_2846 : vector<16xf32> -> vector<16xi32>
        %and3A_2848 = arith.constant 2147483632 : i32
        %and3A_2849 = vector.broadcast %and3A_2848 : i32 to vector<16xi32>
        %and3A_2850 = arith.andi %bitcast_convert_type3A_2847, %and3A_2849 : vector<16xi32>
        %or3A_2851 = arith.constant 10 : i32
        %or3A_2852 = vector.broadcast %or3A_2851 : i32 to vector<16xi32>
        %or3A_2853 = arith.ori %and3A_2850, %or3A_2852 : vector<16xi32>
        %sub3A_2854 = arith.subf %select_n3A_2733, %gather3A_2765 : vector<16xf32>
        %bitcast_convert_type3A_2855 = tpu.bitcast %sub3A_2854 : vector<16xf32> -> vector<16xi32>
        %and3A_2856 = arith.constant 2147483632 : i32
        %and3A_2857 = vector.broadcast %and3A_2856 : i32 to vector<16xi32>
        %and3A_2858 = arith.andi %bitcast_convert_type3A_2855, %and3A_2857 : vector<16xi32>
        %or3A_2859 = arith.constant 11 : i32
        %or3A_2860 = vector.broadcast %or3A_2859 : i32 to vector<16xi32>
        %or3A_2861 = arith.ori %and3A_2858, %or3A_2860 : vector<16xi32>
        %sub3A_2862 = arith.subf %select_n3A_2737, %gather3A_2765 : vector<16xf32>
        %bitcast_convert_type3A_2863 = tpu.bitcast %sub3A_2862 : vector<16xf32> -> vector<16xi32>
        %and3A_2864 = arith.constant 2147483632 : i32
        %and3A_2865 = vector.broadcast %and3A_2864 : i32 to vector<16xi32>
        %and3A_2866 = arith.andi %bitcast_convert_type3A_2863, %and3A_2865 : vector<16xi32>
        %or3A_2867 = arith.constant 12 : i32
        %or3A_2868 = vector.broadcast %or3A_2867 : i32 to vector<16xi32>
        %or3A_2869 = arith.ori %and3A_2866, %or3A_2868 : vector<16xi32>
        %sub3A_2870 = arith.subf %select_n3A_2741, %gather3A_2765 : vector<16xf32>
        %bitcast_convert_type3A_2871 = tpu.bitcast %sub3A_2870 : vector<16xf32> -> vector<16xi32>
        %and3A_2872 = arith.constant 2147483632 : i32
        %and3A_2873 = vector.broadcast %and3A_2872 : i32 to vector<16xi32>
        %and3A_2874 = arith.andi %bitcast_convert_type3A_2871, %and3A_2873 : vector<16xi32>
        %or3A_2875 = arith.constant 13 : i32
        %or3A_2876 = vector.broadcast %or3A_2875 : i32 to vector<16xi32>
        %or3A_2877 = arith.ori %and3A_2874, %or3A_2876 : vector<16xi32>
        %sub3A_2878 = arith.subf %select_n3A_2745, %gather3A_2765 : vector<16xf32>
        %bitcast_convert_type3A_2879 = tpu.bitcast %sub3A_2878 : vector<16xf32> -> vector<16xi32>
        %and3A_2880 = arith.constant 2147483632 : i32
        %and3A_2881 = vector.broadcast %and3A_2880 : i32 to vector<16xi32>
        %and3A_2882 = arith.andi %bitcast_convert_type3A_2879, %and3A_2881 : vector<16xi32>
        %or3A_2883 = arith.constant 14 : i32
        %or3A_2884 = vector.broadcast %or3A_2883 : i32 to vector<16xi32>
        %or3A_2885 = arith.ori %and3A_2882, %or3A_2884 : vector<16xi32>
        %sub3A_2886 = arith.subf %select_n3A_2749, %gather3A_2765 : vector<16xf32>
        %bitcast_convert_type3A_2887 = tpu.bitcast %sub3A_2886 : vector<16xf32> -> vector<16xi32>
        %and3A_2888 = arith.constant 2147483632 : i32
        %and3A_2889 = vector.broadcast %and3A_2888 : i32 to vector<16xi32>
        %and3A_2890 = arith.andi %bitcast_convert_type3A_2887, %and3A_2889 : vector<16xi32>
        %or3A_2891 = arith.constant 15 : i32
        %or3A_2892 = vector.broadcast %or3A_2891 : i32 to vector<16xi32>
        %or3A_2893 = arith.ori %and3A_2890, %or3A_2892 : vector<16xi32>
        %min3A_2894 = arith.minui %or3A_2773, %or3A_2781 : vector<16xi32>
        %min3A_2895 = arith.minui %or3A_2789, %or3A_2797 : vector<16xi32>
        %min3A_2896 = arith.minui %or3A_2805, %or3A_2813 : vector<16xi32>
        %min3A_2897 = arith.minui %or3A_2821, %or3A_2829 : vector<16xi32>
        %min3A_2898 = arith.minui %or3A_2837, %or3A_2845 : vector<16xi32>
        %min3A_2899 = arith.minui %or3A_2853, %or3A_2861 : vector<16xi32>
        %min3A_2900 = arith.minui %or3A_2869, %or3A_2877 : vector<16xi32>
        %min3A_2901 = arith.minui %or3A_2885, %or3A_2893 : vector<16xi32>
        %min3A_2902 = arith.minui %min3A_2894, %min3A_2895 : vector<16xi32>
        %min3A_2903 = arith.minui %min3A_2896, %min3A_2897 : vector<16xi32>
        %min3A_2904 = arith.minui %min3A_2898, %min3A_2899 : vector<16xi32>
        %min3A_2905 = arith.minui %min3A_2900, %min3A_2901 : vector<16xi32>
        %min3A_2906 = arith.minui %min3A_2902, %min3A_2903 : vector<16xi32>
        %min3A_2907 = arith.minui %min3A_2904, %min3A_2905 : vector<16xi32>
        %min3A_2908 = arith.minui %min3A_2906, %min3A_2907 : vector<16xi32>
        %eq3A_2909 = arith.cmpi eq, %or3A_2773, %min3A_2908 : vector<16xi32>
        %jit3A_2910 = arith.constant 3.40282347E+38 : f32
        %broadcast_in_dim3A_2911 = vector.broadcast %jit3A_2910 : f32 to vector<16xf32>
        %select_n3A_2912 = arith.select %eq3A_2909, %broadcast_in_dim3A_2911, %select_n3A_2689 : vector<16xi1>, vector<16xf32>
        %eq3A_2913 = arith.cmpi eq, %or3A_2781, %min3A_2908 : vector<16xi32>
        %jit3A_2914 = arith.constant 3.40282347E+38 : f32
        %broadcast_in_dim3A_2915 = vector.broadcast %jit3A_2914 : f32 to vector<16xf32>
        %select_n3A_2916 = arith.select %eq3A_2913, %broadcast_in_dim3A_2915, %select_n3A_2693 : vector<16xi1>, vector<16xf32>
        %eq3A_2917 = arith.cmpi eq, %or3A_2789, %min3A_2908 : vector<16xi32>
        %jit3A_2918 = arith.constant 3.40282347E+38 : f32
        %broadcast_in_dim3A_2919 = vector.broadcast %jit3A_2918 : f32 to vector<16xf32>
        %select_n3A_2920 = arith.select %eq3A_2917, %broadcast_in_dim3A_2919, %select_n3A_2697 : vector<16xi1>, vector<16xf32>
        %eq3A_2921 = arith.cmpi eq, %or3A_2797, %min3A_2908 : vector<16xi32>
        %jit3A_2922 = arith.constant 3.40282347E+38 : f32
        %broadcast_in_dim3A_2923 = vector.broadcast %jit3A_2922 : f32 to vector<16xf32>
        %select_n3A_2924 = arith.select %eq3A_2921, %broadcast_in_dim3A_2923, %select_n3A_2701 : vector<16xi1>, vector<16xf32>
        %eq3A_2925 = arith.cmpi eq, %or3A_2805, %min3A_2908 : vector<16xi32>
        %jit3A_2926 = arith.constant 3.40282347E+38 : f32
        %broadcast_in_dim3A_2927 = vector.broadcast %jit3A_2926 : f32 to vector<16xf32>
        %select_n3A_2928 = arith.select %eq3A_2925, %broadcast_in_dim3A_2927, %select_n3A_2705 : vector<16xi1>, vector<16xf32>
        %eq3A_2929 = arith.cmpi eq, %or3A_2813, %min3A_2908 : vector<16xi32>
        %jit3A_2930 = arith.constant 3.40282347E+38 : f32
        %broadcast_in_dim3A_2931 = vector.broadcast %jit3A_2930 : f32 to vector<16xf32>
        %select_n3A_2932 = arith.select %eq3A_2929, %broadcast_in_dim3A_2931, %select_n3A_2709 : vector<16xi1>, vector<16xf32>
        %eq3A_2933 = arith.cmpi eq, %or3A_2821, %min3A_2908 : vector<16xi32>
        %jit3A_2934 = arith.constant 3.40282347E+38 : f32
        %broadcast_in_dim3A_2935 = vector.broadcast %jit3A_2934 : f32 to vector<16xf32>
        %select_n3A_2936 = arith.select %eq3A_2933, %broadcast_in_dim3A_2935, %select_n3A_2713 : vector<16xi1>, vector<16xf32>
        %eq3A_2937 = arith.cmpi eq, %or3A_2829, %min3A_2908 : vector<16xi32>
        %jit3A_2938 = arith.constant 3.40282347E+38 : f32
        %broadcast_in_dim3A_2939 = vector.broadcast %jit3A_2938 : f32 to vector<16xf32>
        %select_n3A_2940 = arith.select %eq3A_2937, %broadcast_in_dim3A_2939, %select_n3A_2717 : vector<16xi1>, vector<16xf32>
        %eq3A_2941 = arith.cmpi eq, %or3A_2837, %min3A_2908 : vector<16xi32>
        %jit3A_2942 = arith.constant 3.40282347E+38 : f32
        %broadcast_in_dim3A_2943 = vector.broadcast %jit3A_2942 : f32 to vector<16xf32>
        %select_n3A_2944 = arith.select %eq3A_2941, %broadcast_in_dim3A_2943, %select_n3A_2721 : vector<16xi1>, vector<16xf32>
        %eq3A_2945 = arith.cmpi eq, %or3A_2845, %min3A_2908 : vector<16xi32>
        %jit3A_2946 = arith.constant 3.40282347E+38 : f32
        %broadcast_in_dim3A_2947 = vector.broadcast %jit3A_2946 : f32 to vector<16xf32>
        %select_n3A_2948 = arith.select %eq3A_2945, %broadcast_in_dim3A_2947, %select_n3A_2725 : vector<16xi1>, vector<16xf32>
        %eq3A_2949 = arith.cmpi eq, %or3A_2853, %min3A_2908 : vector<16xi32>
        %jit3A_2950 = arith.constant 3.40282347E+38 : f32
        %broadcast_in_dim3A_2951 = vector.broadcast %jit3A_2950 : f32 to vector<16xf32>
        %select_n3A_2952 = arith.select %eq3A_2949, %broadcast_in_dim3A_2951, %select_n3A_2729 : vector<16xi1>, vector<16xf32>
        %eq3A_2953 = arith.cmpi eq, %or3A_2861, %min3A_2908 : vector<16xi32>
        %jit3A_2954 = arith.constant 3.40282347E+38 : f32
        %broadcast_in_dim3A_2955 = vector.broadcast %jit3A_2954 : f32 to vector<16xf32>
        %select_n3A_2956 = arith.select %eq3A_2953, %broadcast_in_dim3A_2955, %select_n3A_2733 : vector<16xi1>, vector<16xf32>
        %eq3A_2957 = arith.cmpi eq, %or3A_2869, %min3A_2908 : vector<16xi32>
        %jit3A_2958 = arith.constant 3.40282347E+38 : f32
        %broadcast_in_dim3A_2959 = vector.broadcast %jit3A_2958 : f32 to vector<16xf32>
        %select_n3A_2960 = arith.select %eq3A_2957, %broadcast_in_dim3A_2959, %select_n3A_2737 : vector<16xi1>, vector<16xf32>
        %eq3A_2961 = arith.cmpi eq, %or3A_2877, %min3A_2908 : vector<16xi32>
        %jit3A_2962 = arith.constant 3.40282347E+38 : f32
        %broadcast_in_dim3A_2963 = vector.broadcast %jit3A_2962 : f32 to vector<16xf32>
        %select_n3A_2964 = arith.select %eq3A_2961, %broadcast_in_dim3A_2963, %select_n3A_2741 : vector<16xi1>, vector<16xf32>
        %eq3A_2965 = arith.cmpi eq, %or3A_2885, %min3A_2908 : vector<16xi32>
        %jit3A_2966 = arith.constant 3.40282347E+38 : f32
        %broadcast_in_dim3A_2967 = vector.broadcast %jit3A_2966 : f32 to vector<16xf32>
        %select_n3A_2968 = arith.select %eq3A_2965, %broadcast_in_dim3A_2967, %select_n3A_2745 : vector<16xi1>, vector<16xf32>
        %eq3A_2969 = arith.cmpi eq, %or3A_2893, %min3A_2908 : vector<16xi32>
        %jit3A_2970 = arith.constant 3.40282347E+38 : f32
        %broadcast_in_dim3A_2971 = vector.broadcast %jit3A_2970 : f32 to vector<16xf32>
        %select_n3A_2972 = arith.select %eq3A_2969, %broadcast_in_dim3A_2971, %select_n3A_2749 : vector<16xi1>, vector<16xf32>
        %and3A_2973 = arith.constant 2147483632 : i32
        %and3A_2974 = vector.broadcast %and3A_2973 : i32 to vector<16xi32>
        %and3A_2975 = arith.andi %min3A_2908, %and3A_2974 : vector<16xi32>
        %bitcast_convert_type3A_2976 = tpu.bitcast %and3A_2975 : vector<16xi32> -> vector<16xf32>
        %ne3A_2977 = arith.constant -1.000000e+03 : f32
        %ne3A_2978 = vector.broadcast %ne3A_2977 : f32 to vector<16xf32>
        %ne3A_2979 = arith.cmpf one, %gather3A_2765, %ne3A_2978 : vector<16xf32>
        %mul3A_2980 = arith.mulf %bitcast_convert_type3A_2976, %bitcast_convert_type3A_2976 : vector<16xf32>
        %jit3A_2981 = arith.constant 0.000000e+00 : f32
        %broadcast_in_dim3A_2982 = vector.broadcast %jit3A_2981 : f32 to vector<16xf32>
        %select_n3A_2983 = arith.select %ne3A_2979, %mul3A_2980, %broadcast_in_dim3A_2982 : vector<16xi1>, vector<16xf32>
        %add3A_2984 = arith.addf %add3A_2761, %select_n3A_2983 : vector<16xf32>
        %add3A_2985 = arith.constant 13 : i32
        %add3A_2986 = vector.broadcast %add3A_2985 : i32 to vector<16xi32>
        %add3A_2987 = arith.addi %add3A_31, %add3A_2986 : vector<16xi32>
        %gather3A_2988 = tpu.vector_load_idx %arg6[%add3A_2987] : memref<32768xf32, #tpu.memory_space<vmem>>[vector<16xi32>], vector<16xf32>,
        %sub3A_2989 = arith.subf %select_n3A_2912, %gather3A_2988 : vector<16xf32>
        %bitcast_convert_type3A_2990 = tpu.bitcast %sub3A_2989 : vector<16xf32> -> vector<16xi32>
        %and3A_2991 = arith.constant 2147483632 : i32
        %and3A_2992 = vector.broadcast %and3A_2991 : i32 to vector<16xi32>
        %and3A_2993 = arith.andi %bitcast_convert_type3A_2990, %and3A_2992 : vector<16xi32>
        %or3A_2994 = arith.constant 0 : i32
        %or3A_2995 = vector.broadcast %or3A_2994 : i32 to vector<16xi32>
        %or3A_2996 = arith.ori %and3A_2993, %or3A_2995 : vector<16xi32>
        %sub3A_2997 = arith.subf %select_n3A_2916, %gather3A_2988 : vector<16xf32>
        %bitcast_convert_type3A_2998 = tpu.bitcast %sub3A_2997 : vector<16xf32> -> vector<16xi32>
        %and3A_2999 = arith.constant 2147483632 : i32
        %and3A_3000 = vector.broadcast %and3A_2999 : i32 to vector<16xi32>
        %and3A_3001 = arith.andi %bitcast_convert_type3A_2998, %and3A_3000 : vector<16xi32>
        %or3A_3002 = arith.constant 1 : i32
        %or3A_3003 = vector.broadcast %or3A_3002 : i32 to vector<16xi32>
        %or3A_3004 = arith.ori %and3A_3001, %or3A_3003 : vector<16xi32>
        %sub3A_3005 = arith.subf %select_n3A_2920, %gather3A_2988 : vector<16xf32>
        %bitcast_convert_type3A_3006 = tpu.bitcast %sub3A_3005 : vector<16xf32> -> vector<16xi32>
        %and3A_3007 = arith.constant 2147483632 : i32
        %and3A_3008 = vector.broadcast %and3A_3007 : i32 to vector<16xi32>
        %and3A_3009 = arith.andi %bitcast_convert_type3A_3006, %and3A_3008 : vector<16xi32>
        %or3A_3010 = arith.constant 2 : i32
        %or3A_3011 = vector.broadcast %or3A_3010 : i32 to vector<16xi32>
        %or3A_3012 = arith.ori %and3A_3009, %or3A_3011 : vector<16xi32>
        %sub3A_3013 = arith.subf %select_n3A_2924, %gather3A_2988 : vector<16xf32>
        %bitcast_convert_type3A_3014 = tpu.bitcast %sub3A_3013 : vector<16xf32> -> vector<16xi32>
        %and3A_3015 = arith.constant 2147483632 : i32
        %and3A_3016 = vector.broadcast %and3A_3015 : i32 to vector<16xi32>
        %and3A_3017 = arith.andi %bitcast_convert_type3A_3014, %and3A_3016 : vector<16xi32>
        %or3A_3018 = arith.constant 3 : i32
        %or3A_3019 = vector.broadcast %or3A_3018 : i32 to vector<16xi32>
        %or3A_3020 = arith.ori %and3A_3017, %or3A_3019 : vector<16xi32>
        %sub3A_3021 = arith.subf %select_n3A_2928, %gather3A_2988 : vector<16xf32>
        %bitcast_convert_type3A_3022 = tpu.bitcast %sub3A_3021 : vector<16xf32> -> vector<16xi32>
        %and3A_3023 = arith.constant 2147483632 : i32
        %and3A_3024 = vector.broadcast %and3A_3023 : i32 to vector<16xi32>
        %and3A_3025 = arith.andi %bitcast_convert_type3A_3022, %and3A_3024 : vector<16xi32>
        %or3A_3026 = arith.constant 4 : i32
        %or3A_3027 = vector.broadcast %or3A_3026 : i32 to vector<16xi32>
        %or3A_3028 = arith.ori %and3A_3025, %or3A_3027 : vector<16xi32>
        %sub3A_3029 = arith.subf %select_n3A_2932, %gather3A_2988 : vector<16xf32>
        %bitcast_convert_type3A_3030 = tpu.bitcast %sub3A_3029 : vector<16xf32> -> vector<16xi32>
        %and3A_3031 = arith.constant 2147483632 : i32
        %and3A_3032 = vector.broadcast %and3A_3031 : i32 to vector<16xi32>
        %and3A_3033 = arith.andi %bitcast_convert_type3A_3030, %and3A_3032 : vector<16xi32>
        %or3A_3034 = arith.constant 5 : i32
        %or3A_3035 = vector.broadcast %or3A_3034 : i32 to vector<16xi32>
        %or3A_3036 = arith.ori %and3A_3033, %or3A_3035 : vector<16xi32>
        %sub3A_3037 = arith.subf %select_n3A_2936, %gather3A_2988 : vector<16xf32>
        %bitcast_convert_type3A_3038 = tpu.bitcast %sub3A_3037 : vector<16xf32> -> vector<16xi32>
        %and3A_3039 = arith.constant 2147483632 : i32
        %and3A_3040 = vector.broadcast %and3A_3039 : i32 to vector<16xi32>
        %and3A_3041 = arith.andi %bitcast_convert_type3A_3038, %and3A_3040 : vector<16xi32>
        %or3A_3042 = arith.constant 6 : i32
        %or3A_3043 = vector.broadcast %or3A_3042 : i32 to vector<16xi32>
        %or3A_3044 = arith.ori %and3A_3041, %or3A_3043 : vector<16xi32>
        %sub3A_3045 = arith.subf %select_n3A_2940, %gather3A_2988 : vector<16xf32>
        %bitcast_convert_type3A_3046 = tpu.bitcast %sub3A_3045 : vector<16xf32> -> vector<16xi32>
        %and3A_3047 = arith.constant 2147483632 : i32
        %and3A_3048 = vector.broadcast %and3A_3047 : i32 to vector<16xi32>
        %and3A_3049 = arith.andi %bitcast_convert_type3A_3046, %and3A_3048 : vector<16xi32>
        %or3A_3050 = arith.constant 7 : i32
        %or3A_3051 = vector.broadcast %or3A_3050 : i32 to vector<16xi32>
        %or3A_3052 = arith.ori %and3A_3049, %or3A_3051 : vector<16xi32>
        %sub3A_3053 = arith.subf %select_n3A_2944, %gather3A_2988 : vector<16xf32>
        %bitcast_convert_type3A_3054 = tpu.bitcast %sub3A_3053 : vector<16xf32> -> vector<16xi32>
        %and3A_3055 = arith.constant 2147483632 : i32
        %and3A_3056 = vector.broadcast %and3A_3055 : i32 to vector<16xi32>
        %and3A_3057 = arith.andi %bitcast_convert_type3A_3054, %and3A_3056 : vector<16xi32>
        %or3A_3058 = arith.constant 8 : i32
        %or3A_3059 = vector.broadcast %or3A_3058 : i32 to vector<16xi32>
        %or3A_3060 = arith.ori %and3A_3057, %or3A_3059 : vector<16xi32>
        %sub3A_3061 = arith.subf %select_n3A_2948, %gather3A_2988 : vector<16xf32>
        %bitcast_convert_type3A_3062 = tpu.bitcast %sub3A_3061 : vector<16xf32> -> vector<16xi32>
        %and3A_3063 = arith.constant 2147483632 : i32
        %and3A_3064 = vector.broadcast %and3A_3063 : i32 to vector<16xi32>
        %and3A_3065 = arith.andi %bitcast_convert_type3A_3062, %and3A_3064 : vector<16xi32>
        %or3A_3066 = arith.constant 9 : i32
        %or3A_3067 = vector.broadcast %or3A_3066 : i32 to vector<16xi32>
        %or3A_3068 = arith.ori %and3A_3065, %or3A_3067 : vector<16xi32>
        %sub3A_3069 = arith.subf %select_n3A_2952, %gather3A_2988 : vector<16xf32>
        %bitcast_convert_type3A_3070 = tpu.bitcast %sub3A_3069 : vector<16xf32> -> vector<16xi32>
        %and3A_3071 = arith.constant 2147483632 : i32
        %and3A_3072 = vector.broadcast %and3A_3071 : i32 to vector<16xi32>
        %and3A_3073 = arith.andi %bitcast_convert_type3A_3070, %and3A_3072 : vector<16xi32>
        %or3A_3074 = arith.constant 10 : i32
        %or3A_3075 = vector.broadcast %or3A_3074 : i32 to vector<16xi32>
        %or3A_3076 = arith.ori %and3A_3073, %or3A_3075 : vector<16xi32>
        %sub3A_3077 = arith.subf %select_n3A_2956, %gather3A_2988 : vector<16xf32>
        %bitcast_convert_type3A_3078 = tpu.bitcast %sub3A_3077 : vector<16xf32> -> vector<16xi32>
        %and3A_3079 = arith.constant 2147483632 : i32
        %and3A_3080 = vector.broadcast %and3A_3079 : i32 to vector<16xi32>
        %and3A_3081 = arith.andi %bitcast_convert_type3A_3078, %and3A_3080 : vector<16xi32>
        %or3A_3082 = arith.constant 11 : i32
        %or3A_3083 = vector.broadcast %or3A_3082 : i32 to vector<16xi32>
        %or3A_3084 = arith.ori %and3A_3081, %or3A_3083 : vector<16xi32>
        %sub3A_3085 = arith.subf %select_n3A_2960, %gather3A_2988 : vector<16xf32>
        %bitcast_convert_type3A_3086 = tpu.bitcast %sub3A_3085 : vector<16xf32> -> vector<16xi32>
        %and3A_3087 = arith.constant 2147483632 : i32
        %and3A_3088 = vector.broadcast %and3A_3087 : i32 to vector<16xi32>
        %and3A_3089 = arith.andi %bitcast_convert_type3A_3086, %and3A_3088 : vector<16xi32>
        %or3A_3090 = arith.constant 12 : i32
        %or3A_3091 = vector.broadcast %or3A_3090 : i32 to vector<16xi32>
        %or3A_3092 = arith.ori %and3A_3089, %or3A_3091 : vector<16xi32>
        %sub3A_3093 = arith.subf %select_n3A_2964, %gather3A_2988 : vector<16xf32>
        %bitcast_convert_type3A_3094 = tpu.bitcast %sub3A_3093 : vector<16xf32> -> vector<16xi32>
        %and3A_3095 = arith.constant 2147483632 : i32
        %and3A_3096 = vector.broadcast %and3A_3095 : i32 to vector<16xi32>
        %and3A_3097 = arith.andi %bitcast_convert_type3A_3094, %and3A_3096 : vector<16xi32>
        %or3A_3098 = arith.constant 13 : i32
        %or3A_3099 = vector.broadcast %or3A_3098 : i32 to vector<16xi32>
        %or3A_3100 = arith.ori %and3A_3097, %or3A_3099 : vector<16xi32>
        %sub3A_3101 = arith.subf %select_n3A_2968, %gather3A_2988 : vector<16xf32>
        %bitcast_convert_type3A_3102 = tpu.bitcast %sub3A_3101 : vector<16xf32> -> vector<16xi32>
        %and3A_3103 = arith.constant 2147483632 : i32
        %and3A_3104 = vector.broadcast %and3A_3103 : i32 to vector<16xi32>
        %and3A_3105 = arith.andi %bitcast_convert_type3A_3102, %and3A_3104 : vector<16xi32>
        %or3A_3106 = arith.constant 14 : i32
        %or3A_3107 = vector.broadcast %or3A_3106 : i32 to vector<16xi32>
        %or3A_3108 = arith.ori %and3A_3105, %or3A_3107 : vector<16xi32>
        %sub3A_3109 = arith.subf %select_n3A_2972, %gather3A_2988 : vector<16xf32>
        %bitcast_convert_type3A_3110 = tpu.bitcast %sub3A_3109 : vector<16xf32> -> vector<16xi32>
        %and3A_3111 = arith.constant 2147483632 : i32
        %and3A_3112 = vector.broadcast %and3A_3111 : i32 to vector<16xi32>
        %and3A_3113 = arith.andi %bitcast_convert_type3A_3110, %and3A_3112 : vector<16xi32>
        %or3A_3114 = arith.constant 15 : i32
        %or3A_3115 = vector.broadcast %or3A_3114 : i32 to vector<16xi32>
        %or3A_3116 = arith.ori %and3A_3113, %or3A_3115 : vector<16xi32>
        %min3A_3117 = arith.minui %or3A_2996, %or3A_3004 : vector<16xi32>
        %min3A_3118 = arith.minui %or3A_3012, %or3A_3020 : vector<16xi32>
        %min3A_3119 = arith.minui %or3A_3028, %or3A_3036 : vector<16xi32>
        %min3A_3120 = arith.minui %or3A_3044, %or3A_3052 : vector<16xi32>
        %min3A_3121 = arith.minui %or3A_3060, %or3A_3068 : vector<16xi32>
        %min3A_3122 = arith.minui %or3A_3076, %or3A_3084 : vector<16xi32>
        %min3A_3123 = arith.minui %or3A_3092, %or3A_3100 : vector<16xi32>
        %min3A_3124 = arith.minui %or3A_3108, %or3A_3116 : vector<16xi32>
        %min3A_3125 = arith.minui %min3A_3117, %min3A_3118 : vector<16xi32>
        %min3A_3126 = arith.minui %min3A_3119, %min3A_3120 : vector<16xi32>
        %min3A_3127 = arith.minui %min3A_3121, %min3A_3122 : vector<16xi32>
        %min3A_3128 = arith.minui %min3A_3123, %min3A_3124 : vector<16xi32>
        %min3A_3129 = arith.minui %min3A_3125, %min3A_3126 : vector<16xi32>
        %min3A_3130 = arith.minui %min3A_3127, %min3A_3128 : vector<16xi32>
        %min3A_3131 = arith.minui %min3A_3129, %min3A_3130 : vector<16xi32>
        %eq3A_3132 = arith.cmpi eq, %or3A_2996, %min3A_3131 : vector<16xi32>
        %jit3A_3133 = arith.constant 3.40282347E+38 : f32
        %broadcast_in_dim3A_3134 = vector.broadcast %jit3A_3133 : f32 to vector<16xf32>
        %select_n3A_3135 = arith.select %eq3A_3132, %broadcast_in_dim3A_3134, %select_n3A_2912 : vector<16xi1>, vector<16xf32>
        %eq3A_3136 = arith.cmpi eq, %or3A_3004, %min3A_3131 : vector<16xi32>
        %jit3A_3137 = arith.constant 3.40282347E+38 : f32
        %broadcast_in_dim3A_3138 = vector.broadcast %jit3A_3137 : f32 to vector<16xf32>
        %select_n3A_3139 = arith.select %eq3A_3136, %broadcast_in_dim3A_3138, %select_n3A_2916 : vector<16xi1>, vector<16xf32>
        %eq3A_3140 = arith.cmpi eq, %or3A_3012, %min3A_3131 : vector<16xi32>
        %jit3A_3141 = arith.constant 3.40282347E+38 : f32
        %broadcast_in_dim3A_3142 = vector.broadcast %jit3A_3141 : f32 to vector<16xf32>
        %select_n3A_3143 = arith.select %eq3A_3140, %broadcast_in_dim3A_3142, %select_n3A_2920 : vector<16xi1>, vector<16xf32>
        %eq3A_3144 = arith.cmpi eq, %or3A_3020, %min3A_3131 : vector<16xi32>
        %jit3A_3145 = arith.constant 3.40282347E+38 : f32
        %broadcast_in_dim3A_3146 = vector.broadcast %jit3A_3145 : f32 to vector<16xf32>
        %select_n3A_3147 = arith.select %eq3A_3144, %broadcast_in_dim3A_3146, %select_n3A_2924 : vector<16xi1>, vector<16xf32>
        %eq3A_3148 = arith.cmpi eq, %or3A_3028, %min3A_3131 : vector<16xi32>
        %jit3A_3149 = arith.constant 3.40282347E+38 : f32
        %broadcast_in_dim3A_3150 = vector.broadcast %jit3A_3149 : f32 to vector<16xf32>
        %select_n3A_3151 = arith.select %eq3A_3148, %broadcast_in_dim3A_3150, %select_n3A_2928 : vector<16xi1>, vector<16xf32>
        %eq3A_3152 = arith.cmpi eq, %or3A_3036, %min3A_3131 : vector<16xi32>
        %jit3A_3153 = arith.constant 3.40282347E+38 : f32
        %broadcast_in_dim3A_3154 = vector.broadcast %jit3A_3153 : f32 to vector<16xf32>
        %select_n3A_3155 = arith.select %eq3A_3152, %broadcast_in_dim3A_3154, %select_n3A_2932 : vector<16xi1>, vector<16xf32>
        %eq3A_3156 = arith.cmpi eq, %or3A_3044, %min3A_3131 : vector<16xi32>
        %jit3A_3157 = arith.constant 3.40282347E+38 : f32
        %broadcast_in_dim3A_3158 = vector.broadcast %jit3A_3157 : f32 to vector<16xf32>
        %select_n3A_3159 = arith.select %eq3A_3156, %broadcast_in_dim3A_3158, %select_n3A_2936 : vector<16xi1>, vector<16xf32>
        %eq3A_3160 = arith.cmpi eq, %or3A_3052, %min3A_3131 : vector<16xi32>
        %jit3A_3161 = arith.constant 3.40282347E+38 : f32
        %broadcast_in_dim3A_3162 = vector.broadcast %jit3A_3161 : f32 to vector<16xf32>
        %select_n3A_3163 = arith.select %eq3A_3160, %broadcast_in_dim3A_3162, %select_n3A_2940 : vector<16xi1>, vector<16xf32>
        %eq3A_3164 = arith.cmpi eq, %or3A_3060, %min3A_3131 : vector<16xi32>
        %jit3A_3165 = arith.constant 3.40282347E+38 : f32
        %broadcast_in_dim3A_3166 = vector.broadcast %jit3A_3165 : f32 to vector<16xf32>
        %select_n3A_3167 = arith.select %eq3A_3164, %broadcast_in_dim3A_3166, %select_n3A_2944 : vector<16xi1>, vector<16xf32>
        %eq3A_3168 = arith.cmpi eq, %or3A_3068, %min3A_3131 : vector<16xi32>
        %jit3A_3169 = arith.constant 3.40282347E+38 : f32
        %broadcast_in_dim3A_3170 = vector.broadcast %jit3A_3169 : f32 to vector<16xf32>
        %select_n3A_3171 = arith.select %eq3A_3168, %broadcast_in_dim3A_3170, %select_n3A_2948 : vector<16xi1>, vector<16xf32>
        %eq3A_3172 = arith.cmpi eq, %or3A_3076, %min3A_3131 : vector<16xi32>
        %jit3A_3173 = arith.constant 3.40282347E+38 : f32
        %broadcast_in_dim3A_3174 = vector.broadcast %jit3A_3173 : f32 to vector<16xf32>
        %select_n3A_3175 = arith.select %eq3A_3172, %broadcast_in_dim3A_3174, %select_n3A_2952 : vector<16xi1>, vector<16xf32>
        %eq3A_3176 = arith.cmpi eq, %or3A_3084, %min3A_3131 : vector<16xi32>
        %jit3A_3177 = arith.constant 3.40282347E+38 : f32
        %broadcast_in_dim3A_3178 = vector.broadcast %jit3A_3177 : f32 to vector<16xf32>
        %select_n3A_3179 = arith.select %eq3A_3176, %broadcast_in_dim3A_3178, %select_n3A_2956 : vector<16xi1>, vector<16xf32>
        %eq3A_3180 = arith.cmpi eq, %or3A_3092, %min3A_3131 : vector<16xi32>
        %jit3A_3181 = arith.constant 3.40282347E+38 : f32
        %broadcast_in_dim3A_3182 = vector.broadcast %jit3A_3181 : f32 to vector<16xf32>
        %select_n3A_3183 = arith.select %eq3A_3180, %broadcast_in_dim3A_3182, %select_n3A_2960 : vector<16xi1>, vector<16xf32>
        %eq3A_3184 = arith.cmpi eq, %or3A_3100, %min3A_3131 : vector<16xi32>
        %jit3A_3185 = arith.constant 3.40282347E+38 : f32
        %broadcast_in_dim3A_3186 = vector.broadcast %jit3A_3185 : f32 to vector<16xf32>
        %select_n3A_3187 = arith.select %eq3A_3184, %broadcast_in_dim3A_3186, %select_n3A_2964 : vector<16xi1>, vector<16xf32>
        %eq3A_3188 = arith.cmpi eq, %or3A_3108, %min3A_3131 : vector<16xi32>
        %jit3A_3189 = arith.constant 3.40282347E+38 : f32
        %broadcast_in_dim3A_3190 = vector.broadcast %jit3A_3189 : f32 to vector<16xf32>
        %select_n3A_3191 = arith.select %eq3A_3188, %broadcast_in_dim3A_3190, %select_n3A_2968 : vector<16xi1>, vector<16xf32>
        %eq3A_3192 = arith.cmpi eq, %or3A_3116, %min3A_3131 : vector<16xi32>
        %jit3A_3193 = arith.constant 3.40282347E+38 : f32
        %broadcast_in_dim3A_3194 = vector.broadcast %jit3A_3193 : f32 to vector<16xf32>
        %select_n3A_3195 = arith.select %eq3A_3192, %broadcast_in_dim3A_3194, %select_n3A_2972 : vector<16xi1>, vector<16xf32>
        %and3A_3196 = arith.constant 2147483632 : i32
        %and3A_3197 = vector.broadcast %and3A_3196 : i32 to vector<16xi32>
        %and3A_3198 = arith.andi %min3A_3131, %and3A_3197 : vector<16xi32>
        %bitcast_convert_type3A_3199 = tpu.bitcast %and3A_3198 : vector<16xi32> -> vector<16xf32>
        %ne3A_3200 = arith.constant -1.000000e+03 : f32
        %ne3A_3201 = vector.broadcast %ne3A_3200 : f32 to vector<16xf32>
        %ne3A_3202 = arith.cmpf one, %gather3A_2988, %ne3A_3201 : vector<16xf32>
        %mul3A_3203 = arith.mulf %bitcast_convert_type3A_3199, %bitcast_convert_type3A_3199 : vector<16xf32>
        %jit3A_3204 = arith.constant 0.000000e+00 : f32
        %broadcast_in_dim3A_3205 = vector.broadcast %jit3A_3204 : f32 to vector<16xf32>
        %select_n3A_3206 = arith.select %ne3A_3202, %mul3A_3203, %broadcast_in_dim3A_3205 : vector<16xi1>, vector<16xf32>
        %add3A_3207 = arith.addf %add3A_2984, %select_n3A_3206 : vector<16xf32>
        %add3A_3208 = arith.constant 14 : i32
        %add3A_3209 = vector.broadcast %add3A_3208 : i32 to vector<16xi32>
        %add3A_3210 = arith.addi %add3A_31, %add3A_3209 : vector<16xi32>
        %gather3A_3211 = tpu.vector_load_idx %arg6[%add3A_3210] : memref<32768xf32, #tpu.memory_space<vmem>>[vector<16xi32>], vector<16xf32>,
        %sub3A_3212 = arith.subf %select_n3A_3135, %gather3A_3211 : vector<16xf32>
        %bitcast_convert_type3A_3213 = tpu.bitcast %sub3A_3212 : vector<16xf32> -> vector<16xi32>
        %and3A_3214 = arith.constant 2147483632 : i32
        %and3A_3215 = vector.broadcast %and3A_3214 : i32 to vector<16xi32>
        %and3A_3216 = arith.andi %bitcast_convert_type3A_3213, %and3A_3215 : vector<16xi32>
        %or3A_3217 = arith.constant 0 : i32
        %or3A_3218 = vector.broadcast %or3A_3217 : i32 to vector<16xi32>
        %or3A_3219 = arith.ori %and3A_3216, %or3A_3218 : vector<16xi32>
        %sub3A_3220 = arith.subf %select_n3A_3139, %gather3A_3211 : vector<16xf32>
        %bitcast_convert_type3A_3221 = tpu.bitcast %sub3A_3220 : vector<16xf32> -> vector<16xi32>
        %and3A_3222 = arith.constant 2147483632 : i32
        %and3A_3223 = vector.broadcast %and3A_3222 : i32 to vector<16xi32>
        %and3A_3224 = arith.andi %bitcast_convert_type3A_3221, %and3A_3223 : vector<16xi32>
        %or3A_3225 = arith.constant 1 : i32
        %or3A_3226 = vector.broadcast %or3A_3225 : i32 to vector<16xi32>
        %or3A_3227 = arith.ori %and3A_3224, %or3A_3226 : vector<16xi32>
        %sub3A_3228 = arith.subf %select_n3A_3143, %gather3A_3211 : vector<16xf32>
        %bitcast_convert_type3A_3229 = tpu.bitcast %sub3A_3228 : vector<16xf32> -> vector<16xi32>
        %and3A_3230 = arith.constant 2147483632 : i32
        %and3A_3231 = vector.broadcast %and3A_3230 : i32 to vector<16xi32>
        %and3A_3232 = arith.andi %bitcast_convert_type3A_3229, %and3A_3231 : vector<16xi32>
        %or3A_3233 = arith.constant 2 : i32
        %or3A_3234 = vector.broadcast %or3A_3233 : i32 to vector<16xi32>
        %or3A_3235 = arith.ori %and3A_3232, %or3A_3234 : vector<16xi32>
        %sub3A_3236 = arith.subf %select_n3A_3147, %gather3A_3211 : vector<16xf32>
        %bitcast_convert_type3A_3237 = tpu.bitcast %sub3A_3236 : vector<16xf32> -> vector<16xi32>
        %and3A_3238 = arith.constant 2147483632 : i32
        %and3A_3239 = vector.broadcast %and3A_3238 : i32 to vector<16xi32>
        %and3A_3240 = arith.andi %bitcast_convert_type3A_3237, %and3A_3239 : vector<16xi32>
        %or3A_3241 = arith.constant 3 : i32
        %or3A_3242 = vector.broadcast %or3A_3241 : i32 to vector<16xi32>
        %or3A_3243 = arith.ori %and3A_3240, %or3A_3242 : vector<16xi32>
        %sub3A_3244 = arith.subf %select_n3A_3151, %gather3A_3211 : vector<16xf32>
        %bitcast_convert_type3A_3245 = tpu.bitcast %sub3A_3244 : vector<16xf32> -> vector<16xi32>
        %and3A_3246 = arith.constant 2147483632 : i32
        %and3A_3247 = vector.broadcast %and3A_3246 : i32 to vector<16xi32>
        %and3A_3248 = arith.andi %bitcast_convert_type3A_3245, %and3A_3247 : vector<16xi32>
        %or3A_3249 = arith.constant 4 : i32
        %or3A_3250 = vector.broadcast %or3A_3249 : i32 to vector<16xi32>
        %or3A_3251 = arith.ori %and3A_3248, %or3A_3250 : vector<16xi32>
        %sub3A_3252 = arith.subf %select_n3A_3155, %gather3A_3211 : vector<16xf32>
        %bitcast_convert_type3A_3253 = tpu.bitcast %sub3A_3252 : vector<16xf32> -> vector<16xi32>
        %and3A_3254 = arith.constant 2147483632 : i32
        %and3A_3255 = vector.broadcast %and3A_3254 : i32 to vector<16xi32>
        %and3A_3256 = arith.andi %bitcast_convert_type3A_3253, %and3A_3255 : vector<16xi32>
        %or3A_3257 = arith.constant 5 : i32
        %or3A_3258 = vector.broadcast %or3A_3257 : i32 to vector<16xi32>
        %or3A_3259 = arith.ori %and3A_3256, %or3A_3258 : vector<16xi32>
        %sub3A_3260 = arith.subf %select_n3A_3159, %gather3A_3211 : vector<16xf32>
        %bitcast_convert_type3A_3261 = tpu.bitcast %sub3A_3260 : vector<16xf32> -> vector<16xi32>
        %and3A_3262 = arith.constant 2147483632 : i32
        %and3A_3263 = vector.broadcast %and3A_3262 : i32 to vector<16xi32>
        %and3A_3264 = arith.andi %bitcast_convert_type3A_3261, %and3A_3263 : vector<16xi32>
        %or3A_3265 = arith.constant 6 : i32
        %or3A_3266 = vector.broadcast %or3A_3265 : i32 to vector<16xi32>
        %or3A_3267 = arith.ori %and3A_3264, %or3A_3266 : vector<16xi32>
        %sub3A_3268 = arith.subf %select_n3A_3163, %gather3A_3211 : vector<16xf32>
        %bitcast_convert_type3A_3269 = tpu.bitcast %sub3A_3268 : vector<16xf32> -> vector<16xi32>
        %and3A_3270 = arith.constant 2147483632 : i32
        %and3A_3271 = vector.broadcast %and3A_3270 : i32 to vector<16xi32>
        %and3A_3272 = arith.andi %bitcast_convert_type3A_3269, %and3A_3271 : vector<16xi32>
        %or3A_3273 = arith.constant 7 : i32
        %or3A_3274 = vector.broadcast %or3A_3273 : i32 to vector<16xi32>
        %or3A_3275 = arith.ori %and3A_3272, %or3A_3274 : vector<16xi32>
        %sub3A_3276 = arith.subf %select_n3A_3167, %gather3A_3211 : vector<16xf32>
        %bitcast_convert_type3A_3277 = tpu.bitcast %sub3A_3276 : vector<16xf32> -> vector<16xi32>
        %and3A_3278 = arith.constant 2147483632 : i32
        %and3A_3279 = vector.broadcast %and3A_3278 : i32 to vector<16xi32>
        %and3A_3280 = arith.andi %bitcast_convert_type3A_3277, %and3A_3279 : vector<16xi32>
        %or3A_3281 = arith.constant 8 : i32
        %or3A_3282 = vector.broadcast %or3A_3281 : i32 to vector<16xi32>
        %or3A_3283 = arith.ori %and3A_3280, %or3A_3282 : vector<16xi32>
        %sub3A_3284 = arith.subf %select_n3A_3171, %gather3A_3211 : vector<16xf32>
        %bitcast_convert_type3A_3285 = tpu.bitcast %sub3A_3284 : vector<16xf32> -> vector<16xi32>
        %and3A_3286 = arith.constant 2147483632 : i32
        %and3A_3287 = vector.broadcast %and3A_3286 : i32 to vector<16xi32>
        %and3A_3288 = arith.andi %bitcast_convert_type3A_3285, %and3A_3287 : vector<16xi32>
        %or3A_3289 = arith.constant 9 : i32
        %or3A_3290 = vector.broadcast %or3A_3289 : i32 to vector<16xi32>
        %or3A_3291 = arith.ori %and3A_3288, %or3A_3290 : vector<16xi32>
        %sub3A_3292 = arith.subf %select_n3A_3175, %gather3A_3211 : vector<16xf32>
        %bitcast_convert_type3A_3293 = tpu.bitcast %sub3A_3292 : vector<16xf32> -> vector<16xi32>
        %and3A_3294 = arith.constant 2147483632 : i32
        %and3A_3295 = vector.broadcast %and3A_3294 : i32 to vector<16xi32>
        %and3A_3296 = arith.andi %bitcast_convert_type3A_3293, %and3A_3295 : vector<16xi32>
        %or3A_3297 = arith.constant 10 : i32
        %or3A_3298 = vector.broadcast %or3A_3297 : i32 to vector<16xi32>
        %or3A_3299 = arith.ori %and3A_3296, %or3A_3298 : vector<16xi32>
        %sub3A_3300 = arith.subf %select_n3A_3179, %gather3A_3211 : vector<16xf32>
        %bitcast_convert_type3A_3301 = tpu.bitcast %sub3A_3300 : vector<16xf32> -> vector<16xi32>
        %and3A_3302 = arith.constant 2147483632 : i32
        %and3A_3303 = vector.broadcast %and3A_3302 : i32 to vector<16xi32>
        %and3A_3304 = arith.andi %bitcast_convert_type3A_3301, %and3A_3303 : vector<16xi32>
        %or3A_3305 = arith.constant 11 : i32
        %or3A_3306 = vector.broadcast %or3A_3305 : i32 to vector<16xi32>
        %or3A_3307 = arith.ori %and3A_3304, %or3A_3306 : vector<16xi32>
        %sub3A_3308 = arith.subf %select_n3A_3183, %gather3A_3211 : vector<16xf32>
        %bitcast_convert_type3A_3309 = tpu.bitcast %sub3A_3308 : vector<16xf32> -> vector<16xi32>
        %and3A_3310 = arith.constant 2147483632 : i32
        %and3A_3311 = vector.broadcast %and3A_3310 : i32 to vector<16xi32>
        %and3A_3312 = arith.andi %bitcast_convert_type3A_3309, %and3A_3311 : vector<16xi32>
        %or3A_3313 = arith.constant 12 : i32
        %or3A_3314 = vector.broadcast %or3A_3313 : i32 to vector<16xi32>
        %or3A_3315 = arith.ori %and3A_3312, %or3A_3314 : vector<16xi32>
        %sub3A_3316 = arith.subf %select_n3A_3187, %gather3A_3211 : vector<16xf32>
        %bitcast_convert_type3A_3317 = tpu.bitcast %sub3A_3316 : vector<16xf32> -> vector<16xi32>
        %and3A_3318 = arith.constant 2147483632 : i32
        %and3A_3319 = vector.broadcast %and3A_3318 : i32 to vector<16xi32>
        %and3A_3320 = arith.andi %bitcast_convert_type3A_3317, %and3A_3319 : vector<16xi32>
        %or3A_3321 = arith.constant 13 : i32
        %or3A_3322 = vector.broadcast %or3A_3321 : i32 to vector<16xi32>
        %or3A_3323 = arith.ori %and3A_3320, %or3A_3322 : vector<16xi32>
        %sub3A_3324 = arith.subf %select_n3A_3191, %gather3A_3211 : vector<16xf32>
        %bitcast_convert_type3A_3325 = tpu.bitcast %sub3A_3324 : vector<16xf32> -> vector<16xi32>
        %and3A_3326 = arith.constant 2147483632 : i32
        %and3A_3327 = vector.broadcast %and3A_3326 : i32 to vector<16xi32>
        %and3A_3328 = arith.andi %bitcast_convert_type3A_3325, %and3A_3327 : vector<16xi32>
        %or3A_3329 = arith.constant 14 : i32
        %or3A_3330 = vector.broadcast %or3A_3329 : i32 to vector<16xi32>
        %or3A_3331 = arith.ori %and3A_3328, %or3A_3330 : vector<16xi32>
        %sub3A_3332 = arith.subf %select_n3A_3195, %gather3A_3211 : vector<16xf32>
        %bitcast_convert_type3A_3333 = tpu.bitcast %sub3A_3332 : vector<16xf32> -> vector<16xi32>
        %and3A_3334 = arith.constant 2147483632 : i32
        %and3A_3335 = vector.broadcast %and3A_3334 : i32 to vector<16xi32>
        %and3A_3336 = arith.andi %bitcast_convert_type3A_3333, %and3A_3335 : vector<16xi32>
        %or3A_3337 = arith.constant 15 : i32
        %or3A_3338 = vector.broadcast %or3A_3337 : i32 to vector<16xi32>
        %or3A_3339 = arith.ori %and3A_3336, %or3A_3338 : vector<16xi32>
        %min3A_3340 = arith.minui %or3A_3219, %or3A_3227 : vector<16xi32>
        %min3A_3341 = arith.minui %or3A_3235, %or3A_3243 : vector<16xi32>
        %min3A_3342 = arith.minui %or3A_3251, %or3A_3259 : vector<16xi32>
        %min3A_3343 = arith.minui %or3A_3267, %or3A_3275 : vector<16xi32>
        %min3A_3344 = arith.minui %or3A_3283, %or3A_3291 : vector<16xi32>
        %min3A_3345 = arith.minui %or3A_3299, %or3A_3307 : vector<16xi32>
        %min3A_3346 = arith.minui %or3A_3315, %or3A_3323 : vector<16xi32>
        %min3A_3347 = arith.minui %or3A_3331, %or3A_3339 : vector<16xi32>
        %min3A_3348 = arith.minui %min3A_3340, %min3A_3341 : vector<16xi32>
        %min3A_3349 = arith.minui %min3A_3342, %min3A_3343 : vector<16xi32>
        %min3A_3350 = arith.minui %min3A_3344, %min3A_3345 : vector<16xi32>
        %min3A_3351 = arith.minui %min3A_3346, %min3A_3347 : vector<16xi32>
        %min3A_3352 = arith.minui %min3A_3348, %min3A_3349 : vector<16xi32>
        %min3A_3353 = arith.minui %min3A_3350, %min3A_3351 : vector<16xi32>
        %min3A_3354 = arith.minui %min3A_3352, %min3A_3353 : vector<16xi32>
        %eq3A_3355 = arith.cmpi eq, %or3A_3219, %min3A_3354 : vector<16xi32>
        %jit3A_3356 = arith.constant 3.40282347E+38 : f32
        %broadcast_in_dim3A_3357 = vector.broadcast %jit3A_3356 : f32 to vector<16xf32>
        %select_n3A_3358 = arith.select %eq3A_3355, %broadcast_in_dim3A_3357, %select_n3A_3135 : vector<16xi1>, vector<16xf32>
        %eq3A_3359 = arith.cmpi eq, %or3A_3227, %min3A_3354 : vector<16xi32>
        %jit3A_3360 = arith.constant 3.40282347E+38 : f32
        %broadcast_in_dim3A_3361 = vector.broadcast %jit3A_3360 : f32 to vector<16xf32>
        %select_n3A_3362 = arith.select %eq3A_3359, %broadcast_in_dim3A_3361, %select_n3A_3139 : vector<16xi1>, vector<16xf32>
        %eq3A_3363 = arith.cmpi eq, %or3A_3235, %min3A_3354 : vector<16xi32>
        %jit3A_3364 = arith.constant 3.40282347E+38 : f32
        %broadcast_in_dim3A_3365 = vector.broadcast %jit3A_3364 : f32 to vector<16xf32>
        %select_n3A_3366 = arith.select %eq3A_3363, %broadcast_in_dim3A_3365, %select_n3A_3143 : vector<16xi1>, vector<16xf32>
        %eq3A_3367 = arith.cmpi eq, %or3A_3243, %min3A_3354 : vector<16xi32>
        %jit3A_3368 = arith.constant 3.40282347E+38 : f32
        %broadcast_in_dim3A_3369 = vector.broadcast %jit3A_3368 : f32 to vector<16xf32>
        %select_n3A_3370 = arith.select %eq3A_3367, %broadcast_in_dim3A_3369, %select_n3A_3147 : vector<16xi1>, vector<16xf32>
        %eq3A_3371 = arith.cmpi eq, %or3A_3251, %min3A_3354 : vector<16xi32>
        %jit3A_3372 = arith.constant 3.40282347E+38 : f32
        %broadcast_in_dim3A_3373 = vector.broadcast %jit3A_3372 : f32 to vector<16xf32>
        %select_n3A_3374 = arith.select %eq3A_3371, %broadcast_in_dim3A_3373, %select_n3A_3151 : vector<16xi1>, vector<16xf32>
        %eq3A_3375 = arith.cmpi eq, %or3A_3259, %min3A_3354 : vector<16xi32>
        %jit3A_3376 = arith.constant 3.40282347E+38 : f32
        %broadcast_in_dim3A_3377 = vector.broadcast %jit3A_3376 : f32 to vector<16xf32>
        %select_n3A_3378 = arith.select %eq3A_3375, %broadcast_in_dim3A_3377, %select_n3A_3155 : vector<16xi1>, vector<16xf32>
        %eq3A_3379 = arith.cmpi eq, %or3A_3267, %min3A_3354 : vector<16xi32>
        %jit3A_3380 = arith.constant 3.40282347E+38 : f32
        %broadcast_in_dim3A_3381 = vector.broadcast %jit3A_3380 : f32 to vector<16xf32>
        %select_n3A_3382 = arith.select %eq3A_3379, %broadcast_in_dim3A_3381, %select_n3A_3159 : vector<16xi1>, vector<16xf32>
        %eq3A_3383 = arith.cmpi eq, %or3A_3275, %min3A_3354 : vector<16xi32>
        %jit3A_3384 = arith.constant 3.40282347E+38 : f32
        %broadcast_in_dim3A_3385 = vector.broadcast %jit3A_3384 : f32 to vector<16xf32>
        %select_n3A_3386 = arith.select %eq3A_3383, %broadcast_in_dim3A_3385, %select_n3A_3163 : vector<16xi1>, vector<16xf32>
        %eq3A_3387 = arith.cmpi eq, %or3A_3283, %min3A_3354 : vector<16xi32>
        %jit3A_3388 = arith.constant 3.40282347E+38 : f32
        %broadcast_in_dim3A_3389 = vector.broadcast %jit3A_3388 : f32 to vector<16xf32>
        %select_n3A_3390 = arith.select %eq3A_3387, %broadcast_in_dim3A_3389, %select_n3A_3167 : vector<16xi1>, vector<16xf32>
        %eq3A_3391 = arith.cmpi eq, %or3A_3291, %min3A_3354 : vector<16xi32>
        %jit3A_3392 = arith.constant 3.40282347E+38 : f32
        %broadcast_in_dim3A_3393 = vector.broadcast %jit3A_3392 : f32 to vector<16xf32>
        %select_n3A_3394 = arith.select %eq3A_3391, %broadcast_in_dim3A_3393, %select_n3A_3171 : vector<16xi1>, vector<16xf32>
        %eq3A_3395 = arith.cmpi eq, %or3A_3299, %min3A_3354 : vector<16xi32>
        %jit3A_3396 = arith.constant 3.40282347E+38 : f32
        %broadcast_in_dim3A_3397 = vector.broadcast %jit3A_3396 : f32 to vector<16xf32>
        %select_n3A_3398 = arith.select %eq3A_3395, %broadcast_in_dim3A_3397, %select_n3A_3175 : vector<16xi1>, vector<16xf32>
        %eq3A_3399 = arith.cmpi eq, %or3A_3307, %min3A_3354 : vector<16xi32>
        %jit3A_3400 = arith.constant 3.40282347E+38 : f32
        %broadcast_in_dim3A_3401 = vector.broadcast %jit3A_3400 : f32 to vector<16xf32>
        %select_n3A_3402 = arith.select %eq3A_3399, %broadcast_in_dim3A_3401, %select_n3A_3179 : vector<16xi1>, vector<16xf32>
        %eq3A_3403 = arith.cmpi eq, %or3A_3315, %min3A_3354 : vector<16xi32>
        %jit3A_3404 = arith.constant 3.40282347E+38 : f32
        %broadcast_in_dim3A_3405 = vector.broadcast %jit3A_3404 : f32 to vector<16xf32>
        %select_n3A_3406 = arith.select %eq3A_3403, %broadcast_in_dim3A_3405, %select_n3A_3183 : vector<16xi1>, vector<16xf32>
        %eq3A_3407 = arith.cmpi eq, %or3A_3323, %min3A_3354 : vector<16xi32>
        %jit3A_3408 = arith.constant 3.40282347E+38 : f32
        %broadcast_in_dim3A_3409 = vector.broadcast %jit3A_3408 : f32 to vector<16xf32>
        %select_n3A_3410 = arith.select %eq3A_3407, %broadcast_in_dim3A_3409, %select_n3A_3187 : vector<16xi1>, vector<16xf32>
        %eq3A_3411 = arith.cmpi eq, %or3A_3331, %min3A_3354 : vector<16xi32>
        %jit3A_3412 = arith.constant 3.40282347E+38 : f32
        %broadcast_in_dim3A_3413 = vector.broadcast %jit3A_3412 : f32 to vector<16xf32>
        %select_n3A_3414 = arith.select %eq3A_3411, %broadcast_in_dim3A_3413, %select_n3A_3191 : vector<16xi1>, vector<16xf32>
        %eq3A_3415 = arith.cmpi eq, %or3A_3339, %min3A_3354 : vector<16xi32>
        %jit3A_3416 = arith.constant 3.40282347E+38 : f32
        %broadcast_in_dim3A_3417 = vector.broadcast %jit3A_3416 : f32 to vector<16xf32>
        %select_n3A_3418 = arith.select %eq3A_3415, %broadcast_in_dim3A_3417, %select_n3A_3195 : vector<16xi1>, vector<16xf32>
        %and3A_3419 = arith.constant 2147483632 : i32
        %and3A_3420 = vector.broadcast %and3A_3419 : i32 to vector<16xi32>
        %and3A_3421 = arith.andi %min3A_3354, %and3A_3420 : vector<16xi32>
        %bitcast_convert_type3A_3422 = tpu.bitcast %and3A_3421 : vector<16xi32> -> vector<16xf32>
        %ne3A_3423 = arith.constant -1.000000e+03 : f32
        %ne3A_3424 = vector.broadcast %ne3A_3423 : f32 to vector<16xf32>
        %ne3A_3425 = arith.cmpf one, %gather3A_3211, %ne3A_3424 : vector<16xf32>
        %mul3A_3426 = arith.mulf %bitcast_convert_type3A_3422, %bitcast_convert_type3A_3422 : vector<16xf32>
        %jit3A_3427 = arith.constant 0.000000e+00 : f32
        %broadcast_in_dim3A_3428 = vector.broadcast %jit3A_3427 : f32 to vector<16xf32>
        %select_n3A_3429 = arith.select %ne3A_3425, %mul3A_3426, %broadcast_in_dim3A_3428 : vector<16xi1>, vector<16xf32>
        %add3A_3430 = arith.addf %add3A_3207, %select_n3A_3429 : vector<16xf32>
        %add3A_3431 = arith.constant 15 : i32
        %add3A_3432 = vector.broadcast %add3A_3431 : i32 to vector<16xi32>
        %add3A_3433 = arith.addi %add3A_31, %add3A_3432 : vector<16xi32>
        %gather3A_3434 = tpu.vector_load_idx %arg6[%add3A_3433] : memref<32768xf32, #tpu.memory_space<vmem>>[vector<16xi32>], vector<16xf32>,
        %sub3A_3435 = arith.subf %select_n3A_3358, %gather3A_3434 : vector<16xf32>
        %bitcast_convert_type3A_3436 = tpu.bitcast %sub3A_3435 : vector<16xf32> -> vector<16xi32>
        %and3A_3437 = arith.constant 2147483632 : i32
        %and3A_3438 = vector.broadcast %and3A_3437 : i32 to vector<16xi32>
        %and3A_3439 = arith.andi %bitcast_convert_type3A_3436, %and3A_3438 : vector<16xi32>
        %or3A_3440 = arith.constant 0 : i32
        %or3A_3441 = vector.broadcast %or3A_3440 : i32 to vector<16xi32>
        %or3A_3442 = arith.ori %and3A_3439, %or3A_3441 : vector<16xi32>
        %sub3A_3443 = arith.subf %select_n3A_3362, %gather3A_3434 : vector<16xf32>
        %bitcast_convert_type3A_3444 = tpu.bitcast %sub3A_3443 : vector<16xf32> -> vector<16xi32>
        %and3A_3445 = arith.constant 2147483632 : i32
        %and3A_3446 = vector.broadcast %and3A_3445 : i32 to vector<16xi32>
        %and3A_3447 = arith.andi %bitcast_convert_type3A_3444, %and3A_3446 : vector<16xi32>
        %or3A_3448 = arith.constant 1 : i32
        %or3A_3449 = vector.broadcast %or3A_3448 : i32 to vector<16xi32>
        %or3A_3450 = arith.ori %and3A_3447, %or3A_3449 : vector<16xi32>
        %sub3A_3451 = arith.subf %select_n3A_3366, %gather3A_3434 : vector<16xf32>
        %bitcast_convert_type3A_3452 = tpu.bitcast %sub3A_3451 : vector<16xf32> -> vector<16xi32>
        %and3A_3453 = arith.constant 2147483632 : i32
        %and3A_3454 = vector.broadcast %and3A_3453 : i32 to vector<16xi32>
        %and3A_3455 = arith.andi %bitcast_convert_type3A_3452, %and3A_3454 : vector<16xi32>
        %or3A_3456 = arith.constant 2 : i32
        %or3A_3457 = vector.broadcast %or3A_3456 : i32 to vector<16xi32>
        %or3A_3458 = arith.ori %and3A_3455, %or3A_3457 : vector<16xi32>
        %sub3A_3459 = arith.subf %select_n3A_3370, %gather3A_3434 : vector<16xf32>
        %bitcast_convert_type3A_3460 = tpu.bitcast %sub3A_3459 : vector<16xf32> -> vector<16xi32>
        %and3A_3461 = arith.constant 2147483632 : i32
        %and3A_3462 = vector.broadcast %and3A_3461 : i32 to vector<16xi32>
        %and3A_3463 = arith.andi %bitcast_convert_type3A_3460, %and3A_3462 : vector<16xi32>
        %or3A_3464 = arith.constant 3 : i32
        %or3A_3465 = vector.broadcast %or3A_3464 : i32 to vector<16xi32>
        %or3A_3466 = arith.ori %and3A_3463, %or3A_3465 : vector<16xi32>
        %sub3A_3467 = arith.subf %select_n3A_3374, %gather3A_3434 : vector<16xf32>
        %bitcast_convert_type3A_3468 = tpu.bitcast %sub3A_3467 : vector<16xf32> -> vector<16xi32>
        %and3A_3469 = arith.constant 2147483632 : i32
        %and3A_3470 = vector.broadcast %and3A_3469 : i32 to vector<16xi32>
        %and3A_3471 = arith.andi %bitcast_convert_type3A_3468, %and3A_3470 : vector<16xi32>
        %or3A_3472 = arith.constant 4 : i32
        %or3A_3473 = vector.broadcast %or3A_3472 : i32 to vector<16xi32>
        %or3A_3474 = arith.ori %and3A_3471, %or3A_3473 : vector<16xi32>
        %sub3A_3475 = arith.subf %select_n3A_3378, %gather3A_3434 : vector<16xf32>
        %bitcast_convert_type3A_3476 = tpu.bitcast %sub3A_3475 : vector<16xf32> -> vector<16xi32>
        %and3A_3477 = arith.constant 2147483632 : i32
        %and3A_3478 = vector.broadcast %and3A_3477 : i32 to vector<16xi32>
        %and3A_3479 = arith.andi %bitcast_convert_type3A_3476, %and3A_3478 : vector<16xi32>
        %or3A_3480 = arith.constant 5 : i32
        %or3A_3481 = vector.broadcast %or3A_3480 : i32 to vector<16xi32>
        %or3A_3482 = arith.ori %and3A_3479, %or3A_3481 : vector<16xi32>
        %sub3A_3483 = arith.subf %select_n3A_3382, %gather3A_3434 : vector<16xf32>
        %bitcast_convert_type3A_3484 = tpu.bitcast %sub3A_3483 : vector<16xf32> -> vector<16xi32>
        %and3A_3485 = arith.constant 2147483632 : i32
        %and3A_3486 = vector.broadcast %and3A_3485 : i32 to vector<16xi32>
        %and3A_3487 = arith.andi %bitcast_convert_type3A_3484, %and3A_3486 : vector<16xi32>
        %or3A_3488 = arith.constant 6 : i32
        %or3A_3489 = vector.broadcast %or3A_3488 : i32 to vector<16xi32>
        %or3A_3490 = arith.ori %and3A_3487, %or3A_3489 : vector<16xi32>
        %sub3A_3491 = arith.subf %select_n3A_3386, %gather3A_3434 : vector<16xf32>
        %bitcast_convert_type3A_3492 = tpu.bitcast %sub3A_3491 : vector<16xf32> -> vector<16xi32>
        %and3A_3493 = arith.constant 2147483632 : i32
        %and3A_3494 = vector.broadcast %and3A_3493 : i32 to vector<16xi32>
        %and3A_3495 = arith.andi %bitcast_convert_type3A_3492, %and3A_3494 : vector<16xi32>
        %or3A_3496 = arith.constant 7 : i32
        %or3A_3497 = vector.broadcast %or3A_3496 : i32 to vector<16xi32>
        %or3A_3498 = arith.ori %and3A_3495, %or3A_3497 : vector<16xi32>
        %sub3A_3499 = arith.subf %select_n3A_3390, %gather3A_3434 : vector<16xf32>
        %bitcast_convert_type3A_3500 = tpu.bitcast %sub3A_3499 : vector<16xf32> -> vector<16xi32>
        %and3A_3501 = arith.constant 2147483632 : i32
        %and3A_3502 = vector.broadcast %and3A_3501 : i32 to vector<16xi32>
        %and3A_3503 = arith.andi %bitcast_convert_type3A_3500, %and3A_3502 : vector<16xi32>
        %or3A_3504 = arith.constant 8 : i32
        %or3A_3505 = vector.broadcast %or3A_3504 : i32 to vector<16xi32>
        %or3A_3506 = arith.ori %and3A_3503, %or3A_3505 : vector<16xi32>
        %sub3A_3507 = arith.subf %select_n3A_3394, %gather3A_3434 : vector<16xf32>
        %bitcast_convert_type3A_3508 = tpu.bitcast %sub3A_3507 : vector<16xf32> -> vector<16xi32>
        %and3A_3509 = arith.constant 2147483632 : i32
        %and3A_3510 = vector.broadcast %and3A_3509 : i32 to vector<16xi32>
        %and3A_3511 = arith.andi %bitcast_convert_type3A_3508, %and3A_3510 : vector<16xi32>
        %or3A_3512 = arith.constant 9 : i32
        %or3A_3513 = vector.broadcast %or3A_3512 : i32 to vector<16xi32>
        %or3A_3514 = arith.ori %and3A_3511, %or3A_3513 : vector<16xi32>
        %sub3A_3515 = arith.subf %select_n3A_3398, %gather3A_3434 : vector<16xf32>
        %bitcast_convert_type3A_3516 = tpu.bitcast %sub3A_3515 : vector<16xf32> -> vector<16xi32>
        %and3A_3517 = arith.constant 2147483632 : i32
        %and3A_3518 = vector.broadcast %and3A_3517 : i32 to vector<16xi32>
        %and3A_3519 = arith.andi %bitcast_convert_type3A_3516, %and3A_3518 : vector<16xi32>
        %or3A_3520 = arith.constant 10 : i32
        %or3A_3521 = vector.broadcast %or3A_3520 : i32 to vector<16xi32>
        %or3A_3522 = arith.ori %and3A_3519, %or3A_3521 : vector<16xi32>
        %sub3A_3523 = arith.subf %select_n3A_3402, %gather3A_3434 : vector<16xf32>
        %bitcast_convert_type3A_3524 = tpu.bitcast %sub3A_3523 : vector<16xf32> -> vector<16xi32>
        %and3A_3525 = arith.constant 2147483632 : i32
        %and3A_3526 = vector.broadcast %and3A_3525 : i32 to vector<16xi32>
        %and3A_3527 = arith.andi %bitcast_convert_type3A_3524, %and3A_3526 : vector<16xi32>
        %or3A_3528 = arith.constant 11 : i32
        %or3A_3529 = vector.broadcast %or3A_3528 : i32 to vector<16xi32>
        %or3A_3530 = arith.ori %and3A_3527, %or3A_3529 : vector<16xi32>
        %sub3A_3531 = arith.subf %select_n3A_3406, %gather3A_3434 : vector<16xf32>
        %bitcast_convert_type3A_3532 = tpu.bitcast %sub3A_3531 : vector<16xf32> -> vector<16xi32>
        %and3A_3533 = arith.constant 2147483632 : i32
        %and3A_3534 = vector.broadcast %and3A_3533 : i32 to vector<16xi32>
        %and3A_3535 = arith.andi %bitcast_convert_type3A_3532, %and3A_3534 : vector<16xi32>
        %or3A_3536 = arith.constant 12 : i32
        %or3A_3537 = vector.broadcast %or3A_3536 : i32 to vector<16xi32>
        %or3A_3538 = arith.ori %and3A_3535, %or3A_3537 : vector<16xi32>
        %sub3A_3539 = arith.subf %select_n3A_3410, %gather3A_3434 : vector<16xf32>
        %bitcast_convert_type3A_3540 = tpu.bitcast %sub3A_3539 : vector<16xf32> -> vector<16xi32>
        %and3A_3541 = arith.constant 2147483632 : i32
        %and3A_3542 = vector.broadcast %and3A_3541 : i32 to vector<16xi32>
        %and3A_3543 = arith.andi %bitcast_convert_type3A_3540, %and3A_3542 : vector<16xi32>
        %or3A_3544 = arith.constant 13 : i32
        %or3A_3545 = vector.broadcast %or3A_3544 : i32 to vector<16xi32>
        %or3A_3546 = arith.ori %and3A_3543, %or3A_3545 : vector<16xi32>
        %sub3A_3547 = arith.subf %select_n3A_3414, %gather3A_3434 : vector<16xf32>
        %bitcast_convert_type3A_3548 = tpu.bitcast %sub3A_3547 : vector<16xf32> -> vector<16xi32>
        %and3A_3549 = arith.constant 2147483632 : i32
        %and3A_3550 = vector.broadcast %and3A_3549 : i32 to vector<16xi32>
        %and3A_3551 = arith.andi %bitcast_convert_type3A_3548, %and3A_3550 : vector<16xi32>
        %or3A_3552 = arith.constant 14 : i32
        %or3A_3553 = vector.broadcast %or3A_3552 : i32 to vector<16xi32>
        %or3A_3554 = arith.ori %and3A_3551, %or3A_3553 : vector<16xi32>
        %sub3A_3555 = arith.subf %select_n3A_3418, %gather3A_3434 : vector<16xf32>
        %bitcast_convert_type3A_3556 = tpu.bitcast %sub3A_3555 : vector<16xf32> -> vector<16xi32>
        %and3A_3557 = arith.constant 2147483632 : i32
        %and3A_3558 = vector.broadcast %and3A_3557 : i32 to vector<16xi32>
        %and3A_3559 = arith.andi %bitcast_convert_type3A_3556, %and3A_3558 : vector<16xi32>
        %or3A_3560 = arith.constant 15 : i32
        %or3A_3561 = vector.broadcast %or3A_3560 : i32 to vector<16xi32>
        %or3A_3562 = arith.ori %and3A_3559, %or3A_3561 : vector<16xi32>
        %min3A_3563 = arith.minui %or3A_3442, %or3A_3450 : vector<16xi32>
        %min3A_3564 = arith.minui %or3A_3458, %or3A_3466 : vector<16xi32>
        %min3A_3565 = arith.minui %or3A_3474, %or3A_3482 : vector<16xi32>
        %min3A_3566 = arith.minui %or3A_3490, %or3A_3498 : vector<16xi32>
        %min3A_3567 = arith.minui %or3A_3506, %or3A_3514 : vector<16xi32>
        %min3A_3568 = arith.minui %or3A_3522, %or3A_3530 : vector<16xi32>
        %min3A_3569 = arith.minui %or3A_3538, %or3A_3546 : vector<16xi32>
        %min3A_3570 = arith.minui %or3A_3554, %or3A_3562 : vector<16xi32>
        %min3A_3571 = arith.minui %min3A_3563, %min3A_3564 : vector<16xi32>
        %min3A_3572 = arith.minui %min3A_3565, %min3A_3566 : vector<16xi32>
        %min3A_3573 = arith.minui %min3A_3567, %min3A_3568 : vector<16xi32>
        %min3A_3574 = arith.minui %min3A_3569, %min3A_3570 : vector<16xi32>
        %min3A_3575 = arith.minui %min3A_3571, %min3A_3572 : vector<16xi32>
        %min3A_3576 = arith.minui %min3A_3573, %min3A_3574 : vector<16xi32>
        %min3A_3577 = arith.minui %min3A_3575, %min3A_3576 : vector<16xi32>
        %eq3A_3578 = arith.cmpi eq, %or3A_3442, %min3A_3577 : vector<16xi32>
        %jit3A_3579 = arith.constant 3.40282347E+38 : f32
        %broadcast_in_dim3A_3580 = vector.broadcast %jit3A_3579 : f32 to vector<16xf32>
        %select_n3A_3581 = arith.select %eq3A_3578, %broadcast_in_dim3A_3580, %select_n3A_3358 : vector<16xi1>, vector<16xf32>
        %eq3A_3582 = arith.cmpi eq, %or3A_3450, %min3A_3577 : vector<16xi32>
        %jit3A_3583 = arith.constant 3.40282347E+38 : f32
        %broadcast_in_dim3A_3584 = vector.broadcast %jit3A_3583 : f32 to vector<16xf32>
        %select_n3A_3585 = arith.select %eq3A_3582, %broadcast_in_dim3A_3584, %select_n3A_3362 : vector<16xi1>, vector<16xf32>
        %eq3A_3586 = arith.cmpi eq, %or3A_3458, %min3A_3577 : vector<16xi32>
        %jit3A_3587 = arith.constant 3.40282347E+38 : f32
        %broadcast_in_dim3A_3588 = vector.broadcast %jit3A_3587 : f32 to vector<16xf32>
        %select_n3A_3589 = arith.select %eq3A_3586, %broadcast_in_dim3A_3588, %select_n3A_3366 : vector<16xi1>, vector<16xf32>
        %eq3A_3590 = arith.cmpi eq, %or3A_3466, %min3A_3577 : vector<16xi32>
        %jit3A_3591 = arith.constant 3.40282347E+38 : f32
        %broadcast_in_dim3A_3592 = vector.broadcast %jit3A_3591 : f32 to vector<16xf32>
        %select_n3A_3593 = arith.select %eq3A_3590, %broadcast_in_dim3A_3592, %select_n3A_3370 : vector<16xi1>, vector<16xf32>
        %eq3A_3594 = arith.cmpi eq, %or3A_3474, %min3A_3577 : vector<16xi32>
        %jit3A_3595 = arith.constant 3.40282347E+38 : f32
        %broadcast_in_dim3A_3596 = vector.broadcast %jit3A_3595 : f32 to vector<16xf32>
        %select_n3A_3597 = arith.select %eq3A_3594, %broadcast_in_dim3A_3596, %select_n3A_3374 : vector<16xi1>, vector<16xf32>
        %eq3A_3598 = arith.cmpi eq, %or3A_3482, %min3A_3577 : vector<16xi32>
        %jit3A_3599 = arith.constant 3.40282347E+38 : f32
        %broadcast_in_dim3A_3600 = vector.broadcast %jit3A_3599 : f32 to vector<16xf32>
        %select_n3A_3601 = arith.select %eq3A_3598, %broadcast_in_dim3A_3600, %select_n3A_3378 : vector<16xi1>, vector<16xf32>
        %eq3A_3602 = arith.cmpi eq, %or3A_3490, %min3A_3577 : vector<16xi32>
        %jit3A_3603 = arith.constant 3.40282347E+38 : f32
        %broadcast_in_dim3A_3604 = vector.broadcast %jit3A_3603 : f32 to vector<16xf32>
        %select_n3A_3605 = arith.select %eq3A_3602, %broadcast_in_dim3A_3604, %select_n3A_3382 : vector<16xi1>, vector<16xf32>
        %eq3A_3606 = arith.cmpi eq, %or3A_3498, %min3A_3577 : vector<16xi32>
        %jit3A_3607 = arith.constant 3.40282347E+38 : f32
        %broadcast_in_dim3A_3608 = vector.broadcast %jit3A_3607 : f32 to vector<16xf32>
        %select_n3A_3609 = arith.select %eq3A_3606, %broadcast_in_dim3A_3608, %select_n3A_3386 : vector<16xi1>, vector<16xf32>
        %eq3A_3610 = arith.cmpi eq, %or3A_3506, %min3A_3577 : vector<16xi32>
        %jit3A_3611 = arith.constant 3.40282347E+38 : f32
        %broadcast_in_dim3A_3612 = vector.broadcast %jit3A_3611 : f32 to vector<16xf32>
        %select_n3A_3613 = arith.select %eq3A_3610, %broadcast_in_dim3A_3612, %select_n3A_3390 : vector<16xi1>, vector<16xf32>
        %eq3A_3614 = arith.cmpi eq, %or3A_3514, %min3A_3577 : vector<16xi32>
        %jit3A_3615 = arith.constant 3.40282347E+38 : f32
        %broadcast_in_dim3A_3616 = vector.broadcast %jit3A_3615 : f32 to vector<16xf32>
        %select_n3A_3617 = arith.select %eq3A_3614, %broadcast_in_dim3A_3616, %select_n3A_3394 : vector<16xi1>, vector<16xf32>
        %eq3A_3618 = arith.cmpi eq, %or3A_3522, %min3A_3577 : vector<16xi32>
        %jit3A_3619 = arith.constant 3.40282347E+38 : f32
        %broadcast_in_dim3A_3620 = vector.broadcast %jit3A_3619 : f32 to vector<16xf32>
        %select_n3A_3621 = arith.select %eq3A_3618, %broadcast_in_dim3A_3620, %select_n3A_3398 : vector<16xi1>, vector<16xf32>
        %eq3A_3622 = arith.cmpi eq, %or3A_3530, %min3A_3577 : vector<16xi32>
        %jit3A_3623 = arith.constant 3.40282347E+38 : f32
        %broadcast_in_dim3A_3624 = vector.broadcast %jit3A_3623 : f32 to vector<16xf32>
        %select_n3A_3625 = arith.select %eq3A_3622, %broadcast_in_dim3A_3624, %select_n3A_3402 : vector<16xi1>, vector<16xf32>
        %eq3A_3626 = arith.cmpi eq, %or3A_3538, %min3A_3577 : vector<16xi32>
        %jit3A_3627 = arith.constant 3.40282347E+38 : f32
        %broadcast_in_dim3A_3628 = vector.broadcast %jit3A_3627 : f32 to vector<16xf32>
        %select_n3A_3629 = arith.select %eq3A_3626, %broadcast_in_dim3A_3628, %select_n3A_3406 : vector<16xi1>, vector<16xf32>
        %eq3A_3630 = arith.cmpi eq, %or3A_3546, %min3A_3577 : vector<16xi32>
        %jit3A_3631 = arith.constant 3.40282347E+38 : f32
        %broadcast_in_dim3A_3632 = vector.broadcast %jit3A_3631 : f32 to vector<16xf32>
        %select_n3A_3633 = arith.select %eq3A_3630, %broadcast_in_dim3A_3632, %select_n3A_3410 : vector<16xi1>, vector<16xf32>
        %eq3A_3634 = arith.cmpi eq, %or3A_3554, %min3A_3577 : vector<16xi32>
        %jit3A_3635 = arith.constant 3.40282347E+38 : f32
        %broadcast_in_dim3A_3636 = vector.broadcast %jit3A_3635 : f32 to vector<16xf32>
        %select_n3A_3637 = arith.select %eq3A_3634, %broadcast_in_dim3A_3636, %select_n3A_3414 : vector<16xi1>, vector<16xf32>
        %eq3A_3638 = arith.cmpi eq, %or3A_3562, %min3A_3577 : vector<16xi32>
        %jit3A_3639 = arith.constant 3.40282347E+38 : f32
        %broadcast_in_dim3A_3640 = vector.broadcast %jit3A_3639 : f32 to vector<16xf32>
        %select_n3A_3641 = arith.select %eq3A_3638, %broadcast_in_dim3A_3640, %select_n3A_3418 : vector<16xi1>, vector<16xf32>
        %and3A_3642 = arith.constant 2147483632 : i32
        %and3A_3643 = vector.broadcast %and3A_3642 : i32 to vector<16xi32>
        %and3A_3644 = arith.andi %min3A_3577, %and3A_3643 : vector<16xi32>
        %bitcast_convert_type3A_3645 = tpu.bitcast %and3A_3644 : vector<16xi32> -> vector<16xf32>
        %ne3A_3646 = arith.constant -1.000000e+03 : f32
        %ne3A_3647 = vector.broadcast %ne3A_3646 : f32 to vector<16xf32>
        %ne3A_3648 = arith.cmpf one, %gather3A_3434, %ne3A_3647 : vector<16xf32>
        %mul3A_3649 = arith.mulf %bitcast_convert_type3A_3645, %bitcast_convert_type3A_3645 : vector<16xf32>
        %jit3A_3650 = arith.constant 0.000000e+00 : f32
        %broadcast_in_dim3A_3651 = vector.broadcast %jit3A_3650 : f32 to vector<16xf32>
        %select_n3A_3652 = arith.select %ne3A_3648, %mul3A_3649, %broadcast_in_dim3A_3651 : vector<16xi1>, vector<16xf32>
        %add3A_3653 = arith.addf %add3A_3430, %select_n3A_3652 : vector<16xf32>
        scf.yield %add3A_3653 : vector<16xf32>
      }
      %scan3A_22 = arith.constant 128 : i32
      scf.yield %scan3A_21 : vector<16xf32>
    }
    %scan3A_8 = arith.constant 8 : i32
    %swap3A = arith.constant 0 : index
    %swap3A_9 = tpu.vector_load %arg7[%swap3A] {strides = array<i32>} : memref<16xf32, #tpu.memory_space<vmem>>, vector<16xf32>,
    tpu.vector_store %arg7[%swap3A], %scan3A_7 {strides = array<i32>} : memref<16xf32, #tpu.memory_space<vmem>>, vector<16xf32>,
    "tpu.region"() ({
      %run_scoped3A = tpu.sem_alloc : memref<!tpu.dma_semaphore, #tpu.memory_space<semaphore_mem>>
      %dma_start3A = arith.constant 0 : i32
      %dma_start3A_10 = tpu.memref_slice %arg4[%add3A, %dma_start3A] : memref<32x16xf32, #tpu.memory_space<hbm>> -> memref<1x16xf32, #tpu.memory_space<hbm>>
      %dma_start3A_11 = tpu.memref_squeeze %dma_start3A_10 : memref<1x16xf32, #tpu.memory_space<hbm>> -> memref<16xf32, #tpu.memory_space<hbm>>
      %dma_start3A_12 = arith.constant 0 : i32
      %dma_start3A_13 = tpu.memref_slice %arg4[%add3A, %dma_start3A_12] : memref<32x16xf32, #tpu.memory_space<hbm>> -> memref<1x16xf32, #tpu.memory_space<hbm>>
      %dma_start3A_14 = tpu.memref_squeeze %dma_start3A_13 : memref<1x16xf32, #tpu.memory_space<hbm>> -> memref<16xf32, #tpu.memory_space<hbm>>
      tpu.enqueue_dma source(%arg7 : memref<16xf32, #tpu.memory_space<vmem>>) target(%dma_start3A_14 : memref<16xf32, #tpu.memory_space<hbm>>) target_semaphore(%run_scoped3A : memref<!tpu.dma_semaphore, #tpu.memory_space<semaphore_mem>>)
      %dma_wait3A = arith.constant 0 : i32
      %dma_wait3A_15 = tpu.memref_slice %arg4[%add3A, %dma_wait3A] : memref<32x16xf32, #tpu.memory_space<hbm>> -> memref<1x16xf32, #tpu.memory_space<hbm>>
      %dma_wait3A_16 = tpu.memref_squeeze %dma_wait3A_15 : memref<1x16xf32, #tpu.memory_space<hbm>> -> memref<16xf32, #tpu.memory_space<hbm>>
      %dma_wait3A_17 = arith.constant 0 : i32
      %dma_wait3A_18 = tpu.memref_slice %arg4[%add3A, %dma_wait3A_17] : memref<32x16xf32, #tpu.memory_space<hbm>> -> memref<1x16xf32, #tpu.memory_space<hbm>>
      %dma_wait3A_19 = tpu.memref_squeeze %dma_wait3A_18 : memref<1x16xf32, #tpu.memory_space<hbm>> -> memref<16xf32, #tpu.memory_space<hbm>>
      tpu.wait_dma2 semaphore(%run_scoped3A : memref<!tpu.dma_semaphore, #tpu.memory_space<semaphore_mem>>) src(%arg7 : memref<16xf32, #tpu.memory_space<vmem>>) dst(%dma_wait3A_19 : memref<16xf32, #tpu.memory_space<hbm>>)
      tpu.yield
    }) : () -> ()
    return
  }
}

</mosaic_0001>

<sc_bundles>
// kernel: kernel.3.cloned.1.call-start
scs
__scs_entry_jumppad:
0x0: {  	(pc) =	sbr.rel $0x88, $3  }
0x1: {  	(tag) =	ssettag $0x0;
	lr =	simm.s32 $0x1  }
0x2: {  	[smem:$0x3F9F] =	sst lr;
	_ =	strace $0xD0000000  }
0x3: {  	_ = 	snop  }
0x4: {  	_ = 	snop  }
0x5: {  	_ = 	snop  }
0x6: {  	_ = 	snop  }
0x7: {  	_ = 	snop  }
__scs_overlays_trampoline_lowered:
0x8: {  	[smem:$0x3FAE] =	sst s0  }
0x9: {  	[smem:$0x3FAF] =	sst s1  }
0xa: {  	[smem:$0x3FB0] =	sst s2  }
0xb: {  	[smem:$0x3FB1] =	sst s3  }
0xc: {  	[smem:$0x3FB2] =	sst s4  }
0xd: {  	[smem:$0x3FB3] =	sst s5  }
0xe: {  	[smem:$0x3FB4] =	sst s6  }
0xf: {  	[smem:$0x3FB5] =	sst s7  }
0x10: {  	[smem:$0x3FB6] =	sst s8  }
0x11: {  	[smem:$0x3FB7] =	sst s9;
	s0 =	simm.s32 @!p0 $0x0  }
0x12: {  	s1 =	sld [smem:$0x3F9D];
	s0 =	simm.s32 @p0 $0x1  }
0x13: {  	[smem:$0x3FB8] =	sst s0;
	s0 =	simm.s32 @!p1 $0x0  }
0x14: {  	s2 =	sld [smem:$0x3F9C];
	s0 =	simm.s32 @p1 $0x1  }
0x15: {  	[smem:$0x3FB9] =	sst s0;
	s0 =	simm.s32 @!p2 $0x0  }
0x16: {  	s3 =	sld [smem:$0x3FDB];
	s0 =	simm.s32 @p2 $0x1  }
0x17: {  	s4 =	simm.s32 $0x1BF5;
	[smem:$0x3FBB] =	sst s0  }
0x18: {  	s0 =	sld [smem:$0x3F9E];
	_ =	swait.ge [sflag:s4], $0x0  }
0x19: {  	s7 =	sld [smem:$0x3F9F]  }
0x1a: {  	s8 =	sadd.s32 $0xFFFFE003, lr  }
0x1b: {  	s9 =	sadd.s32 $0xFFFFFEF7, lr;
	s5 =	simm.s32 $0xFFFFFFFF;
	p2 =	slt.u32 s8, $0xFFFFF086  }
0x1c: {  	p1 =	slt.u32 s9, $0xF7A;
	s5 =	simm.s32 @!p2 $0x0  }
0x1d: {  	s5 =	simm.s32 @p1 $0x1;
	p0 =	seq.s32 s7, s2  }
0x1e: {  	s7 =	smul.u32 @!p0 $0xF7A, s2;
	p2 =	seq.s32 @!p0 s5, $0x0  }
0x1f: {  	s9 =	smul.u32 $0xF7A, s1;
	s8 =	simm.s32 @!p0 $0x1BF5;
	p2 =	por !p2, p0  }
0x20: {  	[sflag:s8] =	ssyncset.s32 @!p0 $0xFFFFF086;
	s6 =	sadd.s32 @!p0 s3, s7;
	s7 =	simm.s32 @!p0 $0x108  }
0x21: {  	s3 =	sadd.s32 s3, s9;
	s6 =	sadd.s32 @!p0 $0x88, s6;
	s7 =	simm.s32 @p2 $0x1082  }
0x22: {  	[simem:s7], [sflag:s8] =	dma.local @!p0 [hbm:s6], $0xF7A  }
0x23: {  	s9 =	sor.u32 $0xD0000000, s2;
	s6 =	simm.s32 $0x108;
	_ =	swait.ge @!p0 [sflag:s8], $0x0  }
0x24: {  	s3 =	sadd.s32 $0x88, s3;
	s6 =	simm.s32 @!p1 $0x1082;
	[sflag:s4] =	ssyncset.s32 $0xFFFFF086  }
0x25: {  	[simem:s6], [sflag:s4] =	dma.local [hbm:s3], $0xF7A  }
0x26: {  	[smem:$0x3F9F] =	sst s1;
	(tag) =	ssettag s2;
	_ =	strace s9  }
0x27: {  	s1 =	sld [smem:$0x3FAF]  }
0x28: {  	s2 =	sld [smem:$0x3FB0]  }
0x29: {  	s4 =	sld [smem:$0x3FB2]  }
0x2a: {  	p0 =	seq.s32 s5, $0x0;
	s5 =	sld [smem:$0x3FB3]  }
0x2b: {  	s6 =	sld [smem:$0x3FB4]  }
0x2c: {  	s7 =	sld [smem:$0x3FB5]  }
0x2d: {  	s3 =	simm.s32 $0x108;
	s8 =	sld [smem:$0x3FB6]  }
0x2e: {  	s3 =	simm.s32 @!p0 $0x1082;
	s9 =	sld [smem:$0x3FB7]  }
0x2f: {  	lr =	sadd.s32 s0, s3;
	s0 =	sld [smem:$0x3FAE]  }
0x30: {  	s3 =	sld [smem:$0x3FB1]  }
0x31: {  	[smem:$0x3FBA] =	sst s10  }
0x32: {  	s10 =	sld [smem:$0x3FB8];
	_ =	sdelay $0x3  }
0x33: {  	p0 =	seq.s32 s10, $0x1;
	s10 =	sld [smem:$0x3FBA];
	_ =	sdelay $0x3  }
0x34: {  	[smem:$0x3FBA] =	sst s10  }
0x35: {  	s10 =	sld [smem:$0x3FB9];
	_ =	sdelay $0x3  }
0x36: {  	p1 =	seq.s32 s10, $0x1;
	s10 =	sld [smem:$0x3FBA];
	_ =	sdelay $0x3  }
0x37: {  	[smem:$0x3FBA] =	sst s10  }
0x38: {  	s10 =	sld [smem:$0x3FBB]  }
0x39: {  	_ = 	snop;
	(pc) =	sbr.ind lr, $3  }
0x3a: {  	_ = 	snop  }
0x3b: {  	_ = 	snop  }
0x3c: {  	p2 =	seq.s32 s10, $0x1;
	s10 =	sld [smem:$0x3FBA]  }
0x3d: {  	_ =	shalt  }
0x3e: {  	_ =	shalt  }
0x3f: {  	_ =	shalt  }
0x40: {  	_ =	shalt  }
0x41: {  	_ =	shalt  }
0x42: {  	_ =	shalt  }
0x43: {  	_ =	shalt  }
0x44: {  	_ =	shalt  }
0x45: {  	_ =	shalt  }
0x46: {  	_ =	shalt  }
0x47: {  	_ =	shalt  }
0x48: {  	_ =	shalt  }
0x49: {  	_ =	shalt  }
0x4a: {  	_ =	shalt  }
0x4b: {  	_ =	shalt  }
0x4c: {  	_ =	shalt  }
0x4d: {  	_ =	shalt  }
0x4e: {  	_ =	shalt  }
0x4f: {  	_ =	shalt  }
0x50: {  	_ =	shalt  }
0x51: {  	_ =	shalt  }
0x52: {  	_ =	shalt  }
0x53: {  	_ =	shalt  }
0x54: {  	_ =	shalt  }
0x55: {  	_ =	shalt  }
0x56: {  	_ =	shalt  }
0x57: {  	_ =	shalt  }
0x58: {  	_ =	shalt  }
0x59: {  	_ =	shalt  }
0x5a: {  	_ =	shalt  }
0x5b: {  	_ =	shalt  }
0x5c: {  	_ =	shalt  }
0x5d: {  	_ =	shalt  }
0x5e: {  	_ =	shalt  }
0x5f: {  	_ =	shalt  }
0x60: {  	_ =	shalt  }
0x61: {  	_ =	shalt  }
0x62: {  	_ =	shalt  }
0x63: {  	_ =	shalt  }
0x64: {  	_ =	shalt  }
0x65: {  	_ =	shalt  }
0x66: {  	_ =	shalt  }
0x67: {  	_ =	shalt  }
0x68: {  	_ =	shalt  }
0x69: {  	_ =	shalt  }
0x6a: {  	_ =	shalt  }
0x6b: {  	_ =	shalt  }
0x6c: {  	_ =	shalt  }
0x6d: {  	_ =	shalt  }
0x6e: {  	_ =	shalt  }
0x6f: {  	_ =	shalt  }
0x70: {  	_ =	shalt  }
0x71: {  	_ =	shalt  }
0x72: {  	_ =	shalt  }
0x73: {  	_ =	shalt  }
0x74: {  	_ =	shalt  }
0x75: {  	_ =	shalt  }
0x76: {  	_ =	shalt  }
0x77: {  	_ =	shalt  }
0x78: {  	_ =	shalt  }
0x79: {  	_ =	shalt  }
0x7a: {  	_ =	shalt  }
0x7b: {  	_ =	shalt  }
0x7c: {  	_ =	shalt  }
0x7d: {  	_ =	shalt  }
0x7e: {  	_ =	shalt  }
0x7f: {  	_ =	shalt  }
0x80: {  	_ =	shalt  }
0x81: {  	_ =	shalt  }
0x82: {  	_ =	shalt  }
0x83: {  	_ =	shalt  }
0x84: {  	_ =	shalt  }
0x85: {  	_ =	shalt  }
0x86: {  	_ =	shalt  }
0x87: {  	_ =	shalt  }
.Lfunc_end0:
.L_simem_size_0:
called_computation_lowered:
.L_overlay_start_0:
0x88: {  	s2 =	sld [smem:$0x3FD9]  }
0x89: {  	s3 =	sld [smem:$0x3FFE];
	_ =	sdelay $0x1  }
0x8a: {  	s1 =	srdreg.scid  }
0x8b: {  	s0 =	sand.u32 $0x1, s1  }
0x8c: {  	s16 =	sshll.u32 s0, $0xA;
	s2 =	sadd.s32 s3, s2  }
0x8d: {  	s2 =	sadd.s32 s2, s16  }
0x8e: {  	[smem:$0x3FC6] =	sst s2  }
0x8f: {  	_ = 	snop  }
0x90: {  	(tm) =	ssettm $0x1  }
0x91: {  	s17 =	sld [smem:$0x3FFB];
	_ =	sdelay $0x3  }
0x92: {  	_ =	strace s17  }
0x93: {  	s2 =	sld [smem:$0x3FFC];
	_ =	sdelay $0x3  }
0x94: {  	_ =	strace s2  }
0x95: {  	s2 =	sld [smem:$0x3FFD];
	_ =	sdelay $0x3  }
0x96: {  	_ =	strace s2  }
0x97: {  	_ =	strace $0x8FFFFFFF  }
0x98: {  	s18 =	sld [smem:$0x3FDB];
	_ =	sdelay $0x1  }
0x99: {  	s19 =	simm.s32 $_scs_section_size  }
0x9a: {  	s4 =	simm.s32 $_size__tile_overlayer_lowered;
	s5 =	simm.s32 $_tile_overlayer_lowered  }
0x9b: {  	s22 =	simm.s32 $0x1BFF;
	s21 =	sshll.u32 s5, $0x1;
	s2 =	sadd.s32 s19, s18  }
0x9c: {  	s6 =	simm.s32 $0x0;
	s20 =	sshll.u32 s4, $0x1;
	s4 =	sadd.s32 s21, s2  }
0x9d: {  	[timem:s6], [sflag:s22] =	dma.local [hbm:s4], s20  }
0x9e: {  	_ =	swait.ge [sflag:s22], s20  }
0x9f: {  	s3 =	ssub.s32 $0x0, s20;
	[sflag:s22] =	ssyncset.done $0x0  }
0xa0: {  	[sflag:s22] =	ssyncadd.s32 s3;
	_ =	sdelay $0x1  }
0xa1: {  	s23 =	simm.s32 $0x1B8B  }
0xa2: {  	_ =	swait.ge [sflag:s23], $0x1  }
0xa3: {  	[sflag:s23] =	ssyncset.done $0x0  }
0xa4: {  	s25 =	simm.s32 $0x1B8E;
	s24 =	sld [smem:$0x3FFE];
	[sflag:s23] =	ssyncadd.s32 $0xFFFFFFFF  }
0xa5: {  	s26 =	simm.s32 $execute0_lowered;
	[smem:$0x3FD2] =	sst s25  }
0xa6: {  	s4 =	sshll.u32 s26, $0x1;
	_ =	strace $0x80000046;
	[dreg:$0x1] =	wrdreg $0xFFFFFFFF  }
0xa7: {  	s28 =	simm.s32 $_size_execute0_lowered;
	s2 =	sadd.s32 s2, s4;
	[dreg:$0x0] =	wrdreg $0x0  }
0xa8: {  	s4 =	sshll.u32 s28, $0x1;
	[dreg:$0x2] =	wrdreg s2  }
0xa9: {  	[dreg:$0x3] =	wrdreg s4  }
0xaa: {  	[dreg:$0x4] =	wrdreg $0xC0  }
0xab: {  	_ =	task [dreg:s6], $0x5FFFF  }
0xac: {  	[dreg:$0x1] =	wrdreg $0xFFFFFFFF  }
0xad: {  	[dreg:$0x0] =	wrdreg $0x60  }
0xae: {  	[dreg:$0x2] =	wrdreg s24  }
0xaf: {  	[dreg:$0x3] =	wrdreg $0x9  }
0xb0: {  	_ =	task.clear_ibuf [dreg:s6], $0x4FFFF;
	_ =	strace $0x90000046  }
0xb1: {  	s29 =	simm.s32 $0x9;
	_ =	strace $0x80000048  }
0xb2: {  	_ =	swait.ge [sflag:s29], $0x1  }
0xb3: {  	[sflag:s29] =	ssyncadd.s32 $0xFFFFFFFF  }
0xb4: {  	_ =	strace $0x90000048  }
0xb5: {  	_ =	sfence  }
0xb6: {  	s30 =	sld [smem:$0x0];
	_ =	sdelay $0x2  }
0xb7: {  	s31 =	sshll.u32 s1, $0xD;
	s1 =	sshrl.u32 s1, $0x2  }
0xb8: {  	s3 =	sand.u32 $0x4000, s31;
	s1 =	sadd.s32 s1, s30  }
0xb9: {  	s0 =	sor.u32 s3, s0;
	s1 =	sshll.u32 s1, $0x11  }
0xba: {  	s0 =	sor.u32 s1, s0  }
0xbb: {  	s0 =	sadd.s32 $0x8F2B, s0  }
0xbc: {  	[sflag:s0] =	ssyncadd.remote.s32 $0x1  }
0xbd: {  	_ =	sfence.sel $0xFFFF  }
0xbe: {  	[dreg:$0x0] =	wrdreg $0xFFFFFFFF;
	(pc) =	sbr.abs _section_cstart, $3  }
0xbf: {  	[dreg:$0x1] =	wrdreg $0xFFFFFFFF  }
0xc0: {  	_ =	task.clear_ibuf [dreg:s6], $0x2FFFF;
	_ =	strace $0x9FFFFFFF  }
0xc1: {  	(tm) =	ssettm $0x7FFFFFFF  }
tec
execute0_lowered:
.L_overlay_start_1:
0x0: {  	(tag) =	ssettag $0x1  }
0x1: {  	v0 =	vlaneseq.u32  }
0x2: {  	s6 =	rddreg [dreg:$0x0];
	s1 =	simm.s32 $0x0;
	v1 =	vand.u32 $0x7, v0;
	v0 =	vmul.u32 $0x10, v0  }
0x3: {  	[smem:$0x7FF] =	sst s1  }
0x4: {  	s0 =	rddreg [dreg:$0x1];
	_ =	strace $0x80000047;
	v4 =	vor.u32 $0x1, v0;
	[tilespmem:$0x1FF70] =	vst v0  }
0x5: {  	v6 =	vor.u32 $0x2, v0;
	[tilespmem:$0x1FF90] =	vst v4  }
0x6: {  	v8 =	vor.u32 $0x3, v0;
	[tilespmem:$0x1FFA0] =	vst v6  }
0x7: {  	s3 =	srdreg.scid;
	s2 =	stileid.u32;
	s10 =	simm.s32 $0x10000;
	v10 =	vor.u32 $0x4, v0;
	[tilespmem:$0x1FFB0] =	vst v8  }
0x8: {  	s11 =	simm.s32 $0x0;
	s5 =	sand.u32 $0x1, s3;
	s8 =	sshll.u32 s2, $0x1;
	v12 =	vor.u32 $0x5, v0;
	[tilespmem:$0x1FFC0] =	vst v10  }
0x9: {  	s3 =	sadd.s32 $0x800000, s6;
	v1 =	vmul.u32 $0x10, v1;
	s7 =	ssub.s32 $0x2, s5;
	s8 =	sor.u32 s5, s8;
	v14 =	vor.u32 $0x6, v0;
	v9 =	vor.u32 $0x7, v0;
	[tilespmem:$0x1FFD0] =	vst v12  }
0xa: {  	s9 =	sshrl.u32 s7, $0x1;
	s5 =	sshll.u32 s8, $0xF;
	s8 =	sshll.u32 s8, $0x4;
	v2 =	vor.u32 $0x8, v0;
	v3 =	vor.u32 $0x9, v0;
	v16 =	vor.u32 $0xF, v0;
	[tilespmem:$0x1FFE0] =	vst v14  }
0xb: {  	s4 =	sadd.s32 $0x900000, s6;
	v5 =	vor.u32 $0xA, v0;
	v7 =	vor.u32 $0xB, v0;
	v1 =	vor.u32 $0xFFFFFF80, v1;
	s7 =	ssub.s32 s7, s9;
	s6 =	sadd.s32 s6, s8;
	[tilespmem:$0x1FFF0] =	vst v16  }
0xc: {  	v11 =	vor.u32 $0xC, v0;
	v13 =	vor.u32 $0xD, v0;
	v15 =	vor.u32 $0xE, v0;
	s8 =	simm.s32 $0x1;
	s9 =	simm.s32 $0x8000;
	s7 =	smax.u32 s7, $0x1;
	[tilespmem:$0x1FF80] =	vst v1  }
.LBB2_1:
0xd: {  	v30 =	vimm.f32 $0.0e+00;
	s12 =	simm.s32 $0x0  }
.LBB2_2:
0xe: {  	s13 =	sshll.u32 s12, $0xC  }
0xf: {  	s14 =	sadd.s32 s5, s13  }
0x10: {  	s13 =	simm.s32 $0x0;
	s15 =	sadd.s32 s3, s14  }
0x11: {  	[tilespmem:s13], [sflag:$0x1] =	stream.linear.gather [hbm4b:s15+s13], $0x8000, $0x38;
	[tilespmem:$0x10080] =	vst v63  }
0x12: {  	_ =	swait.ge [sflag:s8], $0x8000  }
0x13: {  	[sflag:s8] =	ssyncset.done $0x0  }
0x14: {  	s14 =	sadd.s32 s4, s14;
	[sflag:s8] =	ssyncadd.s32 $0xFFFF8000  }
0x15: {  	[tilespmem:s9], [sflag:$0x1] =	stream.linear.gather [hbm4b:s14+s13], $0x8000, $0x38;
	[tilespmem:$0x10080] =	vst v63  }
0x16: {  	_ =	swait.ge [sflag:s8], $0x8000  }
0x17: {  	[sflag:s8] =	ssyncset.done $0x0  }
0x18: {  	[sflag:s8] =	ssyncadd.s32 $0xFFFF8000  }
.LBB2_3:
0x19: {  	v25 =	vor.u32 s13, v9  }
0x1a: {  	v24 =	vor.u32 s13, v2  }
0x1b: {  	v23 =	vor.u32 s13, v3  }
0x1c: {  	v22 =	vor.u32 s13, v5  }
0x1d: {  	v32 =	vor.u32 s13, v4  }
0x1e: {  	v31 =	vor.u32 s13, v6;
	v41 =	vld.idx.msk [tilespmem:v25+s1+$0x0], $0xffff  }
0x1f: {  	v17 =	vor.u32 s13, v0;
	v29 =	vor.u32 s13, v8;
	v43 =	vld.idx.msk [tilespmem:v24+s1+$0x0], $0xffff  }
0x20: {  	v17 =	vand.u32 v1, v17;
	v45 =	vld.idx.msk [tilespmem:v23+s1+$0x0], $0xffff  }
0x21: {  	v48 =	vld.idx.msk [tilespmem:v22+s1+$0x0], $0xffff  }
0x22: {  	v28 =	vor.u32 s13, v10;
	v34 =	vld.idx.msk [tilespmem:v32+s1+$0x0], $0xffff  }
0x23: {  	v27 =	vor.u32 s13, v12;
	v35 =	vld.idx.msk [tilespmem:v31+s1+$0x0], $0xffff  }
0x24: {  	v26 =	vor.u32 s13, v14;
	v37 =	vld.idx.msk [tilespmem:v29+s1+$0x0], $0xffff  }
0x25: {  	v21 =	vor.u32 s13, v7;
	v33 =	vld.idx.msk [tilespmem:v17+s1+$0x0], $0xffff  }
0x26: {  	v20 =	vor.u32 s13, v11;
	v36 =	vld.idx.msk [tilespmem:v17+s9+$0x0], $0xffff  }
0x27: {  	v19 =	vor.u32 s13, v13;
	v38 =	vld.idx.msk [tilespmem:v28+s1+$0x0], $0xffff  }
0x28: {  	v18 =	vor.u32 s13, v15;
	v39 =	vld.idx.msk [tilespmem:v27+s1+$0x0], $0xffff  }
0x29: {  	v40 =	vld.idx.msk [tilespmem:v26+s1+$0x0], $0xffff  }
0x2a: {  	v50 =	vld.idx.msk [tilespmem:v21+s1+$0x0], $0xffff  }
0x2b: {  	v52 =	vld.idx.msk [tilespmem:v20+s1+$0x0], $0xffff;
	v42 =	vsub.f32 v34, v36;
	v44 =	vsub.f32 v33, v36  }
0x2c: {  	v53 =	vld.idx.msk [tilespmem:v19+s1+$0x0], $0xffff;
	v46 =	vsub.f32 v35, v36;
	v47 =	vsub.f32 v37, v36  }
0x2d: {  	v56 =	vld.idx.msk [tilespmem:v18+s1+$0x0], $0xffff;
	v49 =	vsub.f32 v38, v36;
	v51 =	vsub.f32 v39, v36  }
0x2e: {  	v54 =	vsub.f32 v40, v36;
	v55 =	vsub.f32 v41, v36  }
0x2f: {  	v57 =	vsub.f32 v43, v36;
	v59 =	vsub.f32 v45, v36  }
0x30: {  	v60 =	vsub.f32 v48, v36;
	v61 =	vsub.f32 v50, v36  }
0x31: {  	v17 =	vor.u32 s13, v16;
	v62 =	vsub.f32 v52, v36;
	v63 =	vsub.f32 v53, v36  }
0x32: {  	v0 =	vsub.f32 v56, v36;
	v42 =	vand.u32 $0x7FFFFFF0, v42;
	v44 =	vand.u32 $0x7FFFFFF0, v44  }
0x33: {  	v46 =	vand.u32 $0x7FFFFFF0, v46;
	v47 =	vand.u32 $0x7FFFFFF0, v47;
	v49 =	vand.u32 $0x7FFFFFF0, v49  }
0x34: {  	v51 =	vand.u32 $0x7FFFFFF0, v51;
	v54 =	vand.u32 $0x7FFFFFF0, v54;
	v55 =	vand.u32 $0x7FFFFFF0, v55  }
0x35: {  	v57 =	vand.u32 $0x7FFFFFF0, v57;
	v59 =	vand.u32 $0x7FFFFFF0, v59;
	v60 =	vand.u32 $0x7FFFFFF0, v60  }
0x36: {  	v58 =	vld.idx.msk [tilespmem:v17+s1+$0x0], $0xffff;
	v61 =	vand.u32 $0x7FFFFFF0, v61;
	v62 =	vand.u32 $0x7FFFFFF0, v62;
	v63 =	vand.u32 $0x7FFFFFF0, v63  }
0x37: {  	v0 =	vand.u32 $0x7FFFFFF0, v0;
	v42 =	vor.u32 $0x1, v42;
	v46 =	vor.u32 $0x2, v46  }
0x38: {  	v47 =	vor.u32 $0x3, v47;
	v49 =	vor.u32 $0x4, v49;
	v51 =	vor.u32 $0x5, v51  }
0x39: {  	v54 =	vor.u32 $0x6, v54;
	v55 =	vor.u32 $0x7, v55;
	v57 =	vor.u32 $0x8, v57  }
0x3a: {  	v59 =	vor.u32 $0x9, v59;
	v60 =	vor.u32 $0xA, v60;
	v61 =	vor.u32 $0xB, v61  }
0x3b: {  	v62 =	vor.u32 $0xC, v62;
	v63 =	vor.u32 $0xD, v63;
	v1 =	vsub.f32 v58, v36  }
0x3c: {  	v14 =	vmovc v2;
	v12 =	vmovc v3;
	v0 =	vor.u32 $0xE, v0;
	v2 =	vmin.u32 v44, v42;
	v3 =	vmin.u32 v46, v47  }
0x3d: {  	v10 =	vmovc v5;
	v4 =	vmin.u32 v49, v51;
	v5 =	vmin.u32 v54, v55;
	v1 =	vand.u32 $0x7FFFFFF0, v1  }
0x3e: {  	v16 =	vmovc v9;
	v9 =	vmovc v7;
	v6 =	vmin.u32 v57, v59;
	v7 =	vmin.u32 v60, v61;
	v1 =	vor.u32 $0xF, v1  }
0x3f: {  	v8 =	vmin.u32 v62, v63;
	v2 =	vmin.u32 v2, v3;
	v3 =	vmin.u32 v0, v1  }
0x40: {  	v4 =	vmin.u32 v4, v5;
	v5 =	vmin.u32 v6, v7;
	v3 =	vmin.u32 v8, v3  }
0x41: {  	v2 =	vmin.u32 v2, v4;
	v3 =	vmin.u32 v5, v3  }
0x42: {  	v2 =	vmin.u32 v2, v3  }
0x43: {  	vm0 =	veq.s32 v44, v2;
	vm7 =	veq.s32 v42, v2  }
0x44: {  	vm1 =	veq.s32 v46, v2;
	vm8 =	veq.s32 v47, v2;
	vm9 =	veq.s32 v49, v2  }
0x45: {  	vm10 =	veq.s32 v51, v2;
	vm11 =	veq.s32 v54, v2;
	vm12 =	veq.s32 v55, v2  }
0x46: {  	vm13 =	veq.s32 v57, v2;
	vm14 =	veq.s32 v59, v2;
	vm15 =	veq.s32 v60, v2  }
0x47: {  	v32 =	vld.idx.msk [tilespmem:v32+s9+$0x0], $0xffff;
	vm4 =	veq.s32 v61, v2;
	vm5 =	veq.s32 v62, v2;
	vm6 =	veq.s32 v63, v2  }
0x48: {  	v3 =	vsel vm0, $0x7F7FFFFF, v33;
	v4 =	vsel vm7, $0x7F7FFFFF, v34;
	v5 =	vsel vm1, $0x7F7FFFFF, v35  }
0x49: {  	v6 =	vsel vm8, $0x7F7FFFFF, v37;
	v7 =	vsel vm9, $0x7F7FFFFF, v38;
	v8 =	vsel vm10, $0x7F7FFFFF, v39  }
0x4a: {  	v33 =	vsel vm11, $0x7F7FFFFF, v40;
	v34 =	vsel vm12, $0x7F7FFFFF, v41;
	v35 =	vsel vm13, $0x7F7FFFFF, v43  }
0x4b: {  	v37 =	vsel vm14, $0x7F7FFFFF, v45;
	v38 =	vsel vm15, $0x7F7FFFFF, v48;
	v39 =	vsel vm4, $0x7F7FFFFF, v50  }
0x4c: {  	v40 =	vsel vm5, $0x7F7FFFFF, v52;
	vm7 =	veq.s32 v0, v2;
	v48 =	vsub.f32 v3, v32  }
0x4d: {  	v0 =	vsel vm6, $0x7F7FFFFF, v53;
	v49 =	vsub.f32 v4, v32;
	v50 =	vsub.f32 v5, v32  }
0x4e: {  	vm8 =	veq.s32 v1, v2;
	v51 =	vsub.f32 v6, v32;
	v52 =	vsub.f32 v7, v32  }
0x4f: {  	vm9 =	vlt.f32 v36, $-1.000000000e+03;
	v53 =	vsub.f32 v8, v32;
	v54 =	vsub.f32 v33, v32  }
0x50: {  	v41 =	vsel vm7, $0x7F7FFFFF, v56;
	v55 =	vsub.f32 v34, v32;
	v56 =	vsub.f32 v35, v32  }
0x51: {  	v1 =	vsel vm8, $0x7F7FFFFF, v58;
	v57 =	vsub.f32 v37, v32;
	v58 =	vsub.f32 v38, v32  }
0x52: {  	vm10 =	vgt.f32 v36, $-1.000000000e+03;
	v59 =	vsub.f32 v39, v32;
	v60 =	vsub.f32 v40, v32  }
0x53: {  	v2 =	vand.u32 $0x7FFFFFF0, v2;
	v61 =	vsub.f32 v0, v32;
	v62 =	vsub.f32 v41, v32  }
0x54: {  	v63 =	vsub.f32 v1, v32;
	v42 =	vand.u32 $0x7FFFFFF0, v48;
	v43 =	vand.u32 $0x7FFFFFF0, v49  }
0x55: {  	v36 =	vand.u32 $0x7FFFFFF0, v50;
	v44 =	vand.u32 $0x7FFFFFF0, v51;
	v45 =	vand.u32 $0x7FFFFFF0, v52  }
0x56: {  	v46 =	vand.u32 $0x7FFFFFF0, v53;
	v47 =	vand.u32 $0x7FFFFFF0, v54;
	v48 =	vand.u32 $0x7FFFFFF0, v55  }
0x57: {  	v49 =	vand.u32 $0x7FFFFFF0, v56;
	v50 =	vand.u32 $0x7FFFFFF0, v57;
	v51 =	vand.u32 $0x7FFFFFF0, v58  }
0x58: {  	v52 =	vand.u32 $0x7FFFFFF0, v59;
	v53 =	vand.u32 $0x7FFFFFF0, v60;
	v54 =	vand.u32 $0x7FFFFFF0, v61  }
0x59: {  	v43 =	vor.u32 $0x1, v43;
	v36 =	vor.u32 $0x2, v36;
	v44 =	vor.u32 $0x3, v44  }
0x5a: {  	v45 =	vor.u32 $0x4, v45;
	v46 =	vor.u32 $0x5, v46;
	v47 =	vor.u32 $0x6, v47  }
0x5b: {  	v48 =	vor.u32 $0x7, v48;
	v49 =	vor.u32 $0x8, v49;
	v50 =	vor.u32 $0x9, v50  }
0x5c: {  	v51 =	vor.u32 $0xA, v51;
	v52 =	vor.u32 $0xB, v52;
	v53 =	vor.u32 $0xC, v53  }
0x5d: {  	v54 =	vor.u32 $0xD, v54;
	v55 =	vand.u32 $0x7FFFFFF0, v62;
	v56 =	vand.u32 $0x7FFFFFF0, v63  }
0x5e: {  	v55 =	vor.u32 $0xE, v55;
	v56 =	vor.u32 $0xF, v56;
	v57 =	vmin.u32 v42, v43  }
0x5f: {  	v58 =	vmin.u32 v36, v44;
	v59 =	vmin.u32 v45, v46;
	v60 =	vmin.u32 v47, v48  }
0x60: {  	v61 =	vmin.u32 v49, v50;
	v62 =	vmin.u32 v51, v52;
	v57 =	vmin.u32 v57, v58  }
0x61: {  	v58 =	vmin.u32 v53, v54;
	v59 =	vmin.u32 v59, v60;
	v60 =	vmin.u32 v55, v56  }
0x62: {  	v2 =	vmul.f32 v2, v2;
	v61 =	vmin.u32 v61, v62;
	v58 =	vmin.u32 v58, v60  }
0x63: {  	vm0 =	vmor vm10, vm9;
	v57 =	vmin.u32 v57, v59;
	v58 =	vmin.u32 v61, v58  }
0x64: {  	v2 =	vnsel vm0, $0x0, v2;
	v57 =	vmin.u32 v57, v58  }
0x65: {  	v2 =	vadd.f32 v2, v30;
	vm11 =	veq.s32 v42, v57;
	vm12 =	veq.s32 v43, v57  }
0x66: {  	vm13 =	veq.s32 v36, v57;
	vm2 =	veq.s32 v44, v57;
	vm14 =	veq.s32 v45, v57  }
0x67: {  	vm15 =	veq.s32 v46, v57;
	vm4 =	veq.s32 v47, v57;
	vm5 =	veq.s32 v48, v57  }
0x68: {  	vm6 =	veq.s32 v49, v57;
	vm7 =	veq.s32 v50, v57;
	vm8 =	veq.s32 v51, v57  }
0x69: {  	v31 =	vld.idx.msk [tilespmem:v31+s9+$0x0], $0xffff;
	vm9 =	veq.s32 v52, v57;
	vm10 =	veq.s32 v53, v57;
	v30 =	vand.u32 $0x7FFFFFF0, v57  }
0x6a: {  	v3 =	vsel vm11, $0x7F7FFFFF, v3;
	v4 =	vsel vm12, $0x7F7FFFFF, v4;
	v5 =	vsel vm13, $0x7F7FFFFF, v5  }
0x6b: {  	v6 =	vsel vm2, $0x7F7FFFFF, v6;
	v7 =	vsel vm14, $0x7F7FFFFF, v7;
	v8 =	vsel vm15, $0x7F7FFFFF, v8  }
0x6c: {  	v33 =	vsel vm4, $0x7F7FFFFF, v33;
	v34 =	vsel vm5, $0x7F7FFFFF, v34;
	v35 =	vsel vm6, $0x7F7FFFFF, v35  }
0x6d: {  	v36 =	vsel vm7, $0x7F7FFFFF, v37;
	v37 =	vsel vm8, $0x7F7FFFFF, v38;
	v38 =	vsel vm9, $0x7F7FFFFF, v39  }
0x6e: {  	v39 =	vsel vm10, $0x7F7FFFFF, v40;
	vm11 =	veq.s32 v54, v57;
	v48 =	vsub.f32 v3, v31  }
0x6f: {  	vm12 =	veq.s32 v55, v57;
	v49 =	vsub.f32 v4, v31;
	v50 =	vsub.f32 v5, v31  }
0x70: {  	vm13 =	veq.s32 v56, v57;
	v51 =	vsub.f32 v6, v31;
	v52 =	vsub.f32 v7, v31  }
0x71: {  	vm14 =	vlt.f32 v32, $-1.000000000e+03;
	v53 =	vsub.f32 v8, v31;
	v54 =	vsub.f32 v33, v31  }
0x72: {  	vm15 =	vgt.f32 v32, $-1.000000000e+03;
	v55 =	vsub.f32 v34, v31;
	v56 =	vsub.f32 v35, v31  }
0x73: {  	v0 =	vsel vm11, $0x7F7FFFFF, v0;
	v57 =	vsub.f32 v36, v31;
	v58 =	vsub.f32 v37, v31  }
0x74: {  	v40 =	vsel vm12, $0x7F7FFFFF, v41;
	v59 =	vsub.f32 v38, v31;
	v60 =	vsub.f32 v39, v31  }
0x75: {  	v1 =	vsel vm13, $0x7F7FFFFF, v1;
	v61 =	vsub.f32 v0, v31;
	v62 =	vsub.f32 v40, v31  }
0x76: {  	v63 =	vsub.f32 v1, v31;
	v41 =	vand.u32 $0x7FFFFFF0, v48;
	v42 =	vand.u32 $0x7FFFFFF0, v49  }
0x77: {  	v32 =	vand.u32 $0x7FFFFFF0, v50;
	v43 =	vand.u32 $0x7FFFFFF0, v51;
	v44 =	vand.u32 $0x7FFFFFF0, v52  }
0x78: {  	v45 =	vand.u32 $0x7FFFFFF0, v53;
	v46 =	vand.u32 $0x7FFFFFF0, v54;
	v47 =	vand.u32 $0x7FFFFFF0, v55  }
0x79: {  	v48 =	vand.u32 $0x7FFFFFF0, v56;
	v49 =	vand.u32 $0x7FFFFFF0, v57;
	v50 =	vand.u32 $0x7FFFFFF0, v58  }
0x7a: {  	v51 =	vand.u32 $0x7FFFFFF0, v59;
	v52 =	vand.u32 $0x7FFFFFF0, v60;
	v42 =	vor.u32 $0x1, v42  }
0x7b: {  	v32 =	vor.u32 $0x2, v32;
	v43 =	vor.u32 $0x3, v43;
	v44 =	vor.u32 $0x4, v44  }
0x7c: {  	v45 =	vor.u32 $0x5, v45;
	v46 =	vor.u32 $0x6, v46;
	v47 =	vor.u32 $0x7, v47  }
0x7d: {  	v48 =	vor.u32 $0x8, v48;
	v49 =	vor.u32 $0x9, v49;
	v50 =	vor.u32 $0xA, v50  }
0x7e: {  	v51 =	vor.u32 $0xB, v51;
	v52 =	vor.u32 $0xC, v52;
	v53 =	vand.u32 $0x7FFFFFF0, v61  }
0x7f: {  	v54 =	vand.u32 $0x7FFFFFF0, v62;
	v55 =	vand.u32 $0x7FFFFFF0, v63;
	v53 =	vor.u32 $0xD, v53  }
0x80: {  	v54 =	vor.u32 $0xE, v54;
	v55 =	vor.u32 $0xF, v55;
	v56 =	vmin.u32 v41, v42  }
0x81: {  	v57 =	vmin.u32 v32, v43;
	v58 =	vmin.u32 v44, v45;
	v59 =	vmin.u32 v46, v47  }
0x82: {  	v60 =	vmin.u32 v48, v49;
	v61 =	vmin.u32 v50, v51;
	v56 =	vmin.u32 v56, v57  }
0x83: {  	v57 =	vmin.u32 v52, v53;
	v58 =	vmin.u32 v58, v59;
	v59 =	vmin.u32 v54, v55  }
0x84: {  	v30 =	vmul.f32 v30, v30;
	v60 =	vmin.u32 v60, v61;
	v57 =	vmin.u32 v57, v59  }
0x85: {  	vm0 =	vmor vm15, vm14;
	v56 =	vmin.u32 v56, v58;
	v57 =	vmin.u32 v60, v57  }
0x86: {  	v30 =	vnsel vm0, $0x0, v30;
	v56 =	vmin.u32 v56, v57  }
0x87: {  	v30 =	vadd.f32 v30, v2;
	vm4 =	veq.s32 v41, v56  }
0x88: {  	vm5 =	veq.s32 v42, v56;
	vm6 =	veq.s32 v32, v56;
	vm7 =	veq.s32 v43, v56  }
0x89: {  	vm8 =	veq.s32 v44, v56;
	vm9 =	veq.s32 v45, v56;
	vm10 =	veq.s32 v46, v56  }
0x8a: {  	vm11 =	veq.s32 v47, v56;
	vm12 =	veq.s32 v48, v56;
	vm13 =	veq.s32 v49, v56  }
0x8b: {  	vm14 =	veq.s32 v50, v56;
	vm15 =	veq.s32 v51, v56;
	v2 =	vsel vm4, $0x7F7FFFFF, v3  }
0x8c: {  	v29 =	vld.idx.msk [tilespmem:v29+s9+$0x0], $0xffff;
	v3 =	vsel vm5, $0x7F7FFFFF, v4;
	v4 =	vsel vm6, $0x7F7FFFFF, v5;
	v5 =	vsel vm7, $0x7F7FFFFF, v6  }
0x8d: {  	v6 =	vsel vm8, $0x7F7FFFFF, v7;
	v7 =	vsel vm9, $0x7F7FFFFF, v8;
	v8 =	vsel vm10, $0x7F7FFFFF, v33  }
0x8e: {  	v32 =	vsel vm11, $0x7F7FFFFF, v34;
	v33 =	vsel vm12, $0x7F7FFFFF, v35;
	v34 =	vsel vm13, $0x7F7FFFFF, v36  }
0x8f: {  	v35 =	vsel vm14, $0x7F7FFFFF, v37;
	v36 =	vsel vm15, $0x7F7FFFFF, v38;
	vm4 =	veq.s32 v52, v56  }
0x90: {  	vm5 =	veq.s32 v53, v56;
	vm6 =	veq.s32 v54, v56;
	vm7 =	veq.s32 v55, v56  }
0x91: {  	vm8 =	vlt.f32 v31, $-1.000000000e+03;
	v50 =	vsub.f32 v2, v29;
	v51 =	vsub.f32 v3, v29  }
0x92: {  	vm9 =	vgt.f32 v31, $-1.000000000e+03;
	v52 =	vsub.f32 v4, v29;
	v53 =	vsub.f32 v5, v29  }
0x93: {  	v37 =	vsel vm4, $0x7F7FFFFF, v39;
	v54 =	vsub.f32 v6, v29;
	v55 =	vsub.f32 v7, v29  }
0x94: {  	v0 =	vsel vm5, $0x7F7FFFFF, v0;
	v57 =	vsub.f32 v8, v29;
	v58 =	vsub.f32 v32, v29  }
0x95: {  	v40 =	vsel vm6, $0x7F7FFFFF, v40;
	v59 =	vsub.f32 v33, v29;
	v60 =	vsub.f32 v34, v29  }
0x96: {  	v1 =	vsel vm7, $0x7F7FFFFF, v1;
	v61 =	vsub.f32 v35, v29;
	v62 =	vsub.f32 v36, v29  }
0x97: {  	v63 =	vsub.f32 v37, v29;
	v38 =	vand.u32 $0x7FFFFFF0, v50;
	v39 =	vand.u32 $0x7FFFFFF0, v51  }
0x98: {  	v41 =	vand.u32 $0x7FFFFFF0, v52;
	v42 =	vand.u32 $0x7FFFFFF0, v53;
	v43 =	vand.u32 $0x7FFFFFF0, v54  }
0x99: {  	v44 =	vand.u32 $0x7FFFFFF0, v55;
	v45 =	vand.u32 $0x7FFFFFF0, v57;
	v46 =	vand.u32 $0x7FFFFFF0, v58  }
0x9a: {  	v47 =	vand.u32 $0x7FFFFFF0, v59;
	v48 =	vand.u32 $0x7FFFFFF0, v60;
	v49 =	vand.u32 $0x7FFFFFF0, v61  }
0x9b: {  	v50 =	vand.u32 $0x7FFFFFF0, v62;
	v57 =	vsub.f32 v0, v29;
	v58 =	vsub.f32 v40, v29  }
0x9c: {  	v59 =	vsub.f32 v1, v29;
	v39 =	vor.u32 $0x1, v39;
	v41 =	vor.u32 $0x2, v41  }
0x9d: {  	v42 =	vor.u32 $0x3, v42;
	v43 =	vor.u32 $0x4, v43;
	v44 =	vor.u32 $0x5, v44  }
0x9e: {  	v45 =	vor.u32 $0x6, v45;
	v46 =	vor.u32 $0x7, v46;
	v47 =	vor.u32 $0x8, v47  }
0x9f: {  	v48 =	vor.u32 $0x9, v48;
	v49 =	vor.u32 $0xA, v49;
	v51 =	vand.u32 $0x7FFFFFF0, v63  }
0xa0: {  	v50 =	vor.u32 $0xB, v50;
	v51 =	vor.u32 $0xC, v51;
	v52 =	vand.u32 $0x7FFFFFF0, v57  }
0xa1: {  	v53 =	vand.u32 $0x7FFFFFF0, v58;
	v54 =	vand.u32 $0x7FFFFFF0, v59;
	v55 =	vmin.u32 v38, v39  }
0xa2: {  	v57 =	vmin.u32 v41, v42;
	v58 =	vmin.u32 v43, v44;
	v59 =	vmin.u32 v45, v46  }
0xa3: {  	v60 =	vmin.u32 v47, v48;
	v61 =	vmin.u32 v49, v50;
	v52 =	vor.u32 $0xD, v52  }
0xa4: {  	v53 =	vor.u32 $0xE, v53;
	v54 =	vor.u32 $0xF, v54;
	v55 =	vmin.u32 v55, v57  }
0xa5: {  	v58 =	vmin.u32 v58, v59;
	v57 =	vmin.u32 v51, v52;
	v59 =	vmin.u32 v53, v54  }
0xa6: {  	v56 =	vand.u32 $0x7FFFFFF0, v56;
	v60 =	vmin.u32 v60, v61;
	v57 =	vmin.u32 v57, v59  }
0xa7: {  	v31 =	vmin.u32 v55, v58;
	v55 =	vmul.f32 v56, v56;
	v60 =	vmin.u32 v60, v57  }
0xa8: {  	vm0 =	vmor vm9, vm8;
	v31 =	vmin.u32 v31, v60  }
0xa9: {  	v55 =	vnsel vm0, $0x0, v55;
	vm10 =	veq.s32 v38, v31  }
0xaa: {  	vm11 =	veq.s32 v39, v31;
	vm12 =	veq.s32 v41, v31;
	vm13 =	veq.s32 v42, v31  }
0xab: {  	vm14 =	veq.s32 v43, v31;
	vm15 =	veq.s32 v44, v31;
	vm4 =	veq.s32 v45, v31  }
0xac: {  	vm5 =	veq.s32 v46, v31;
	vm6 =	veq.s32 v47, v31;
	vm7 =	veq.s32 v48, v31  }
0xad: {  	v38 =	vld.idx.msk [tilespmem:v28+s9+$0x0], $0xffff;
	vm8 =	veq.s32 v49, v31;
	vm9 =	veq.s32 v50, v31;
	v2 =	vsel vm10, $0x7F7FFFFF, v2  }
0xae: {  	v3 =	vsel vm11, $0x7F7FFFFF, v3;
	v4 =	vsel vm12, $0x7F7FFFFF, v4;
	v5 =	vsel vm13, $0x7F7FFFFF, v5  }
0xaf: {  	v6 =	vsel vm14, $0x7F7FFFFF, v6;
	v7 =	vsel vm15, $0x7F7FFFFF, v7;
	v8 =	vsel vm4, $0x7F7FFFFF, v8  }
0xb0: {  	v32 =	vsel vm5, $0x7F7FFFFF, v32;
	v28 =	vsel vm6, $0x7F7FFFFF, v33;
	v33 =	vsel vm7, $0x7F7FFFFF, v34  }
0xb1: {  	v34 =	vsel vm8, $0x7F7FFFFF, v35;
	v35 =	vsel vm9, $0x7F7FFFFF, v36;
	vm10 =	veq.s32 v51, v31  }
0xb2: {  	vm11 =	veq.s32 v52, v31;
	vm12 =	veq.s32 v53, v31;
	v61 =	vsub.f32 v3, v38  }
0xb3: {  	vm13 =	veq.s32 v54, v31;
	v62 =	vsub.f32 v2, v38;
	v63 =	vsub.f32 v4, v38  }
0xb4: {  	vm14 =	vlt.f32 v29, $-1.000000000e+03;
	v45 =	vsub.f32 v5, v38;
	v48 =	vsub.f32 v6, v38  }
0xb5: {  	vm15 =	vgt.f32 v29, $-1.000000000e+03;
	v49 =	vsub.f32 v7, v38;
	v50 =	vsub.f32 v8, v38  }
0xb6: {  	v36 =	vsel vm10, $0x7F7FFFFF, v37;
	v51 =	vsub.f32 v32, v38;
	v52 =	vsub.f32 v28, v38  }
0xb7: {  	v0 =	vsel vm11, $0x7F7FFFFF, v0;
	v53 =	vsub.f32 v33, v38;
	v54 =	vsub.f32 v34, v38  }
0xb8: {  	v37 =	vsel vm12, $0x7F7FFFFF, v40;
	v56 =	vsub.f32 v35, v38;
	v57 =	vsub.f32 v36, v38  }
0xb9: {  	v1 =	vsel vm13, $0x7F7FFFFF, v1;
	v58 =	vsub.f32 v0, v38;
	v59 =	vsub.f32 v37, v38  }
0xba: {  	v60 =	vsub.f32 v1, v38;
	v39 =	vand.u32 $0x7FFFFFF0, v61;
	v29 =	vand.u32 $0x7FFFFFF0, v62  }
0xbb: {  	v46 =	vand.u32 $0x7FFFFFF0, v63;
	v47 =	vand.u32 $0x7FFFFFF0, v45;
	v42 =	vand.u32 $0x7FFFFFF0, v48  }
0xbc: {  	v43 =	vand.u32 $0x7FFFFFF0, v49;
	v44 =	vand.u32 $0x7FFFFFF0, v50;
	v45 =	vand.u32 $0x7FFFFFF0, v51  }
0xbd: {  	v48 =	vand.u32 $0x7FFFFFF0, v54;
	v49 =	vand.u32 $0x7FFFFFF0, v56;
	v50 =	vand.u32 $0x7FFFFFF0, v57  }
0xbe: {  	v51 =	vand.u32 $0x7FFFFFF0, v58;
	v39 =	vor.u32 $0x1, v39;
	v40 =	vor.u32 $0x2, v46  }
0xbf: {  	v41 =	vor.u32 $0x3, v47;
	v42 =	vor.u32 $0x4, v42;
	v43 =	vor.u32 $0x5, v43  }
0xc0: {  	v46 =	vand.u32 $0x7FFFFFF0, v52;
	v44 =	vor.u32 $0x6, v44;
	v45 =	vor.u32 $0x7, v45  }
0xc1: {  	v47 =	vand.u32 $0x7FFFFFF0, v53;
	v48 =	vor.u32 $0xA, v48;
	v49 =	vor.u32 $0xB, v49  }
0xc2: {  	v50 =	vor.u32 $0xC, v50;
	v52 =	vand.u32 $0x7FFFFFF0, v59;
	v51 =	vor.u32 $0xD, v51  }
0xc3: {  	v53 =	vand.u32 $0x7FFFFFF0, v60;
	v46 =	vor.u32 $0x8, v46;
	v47 =	vor.u32 $0x9, v47  }
0xc4: {  	v52 =	vor.u32 $0xE, v52;
	v53 =	vor.u32 $0xF, v53;
	v54 =	vmin.u32 v29, v39  }
0xc5: {  	v61 =	vmin.u32 v40, v41;
	v62 =	vmin.u32 v42, v43;
	v63 =	vmin.u32 v44, v45  }
0xc6: {  	v60 =	vmin.u32 v46, v47;
	v54 =	vmin.u32 v54, v61;
	v61 =	vmin.u32 v48, v49  }
0xc7: {  	v57 =	vmin.u32 v62, v63;
	v62 =	vmin.u32 v50, v51;
	v63 =	vmin.u32 v52, v53  }
0xc8: {  	v31 =	vand.u32 $0x7FFFFFF0, v31;
	v56 =	vmin.u32 v60, v61;
	v58 =	vmin.u32 v62, v63  }
0xc9: {  	v31 =	vmul.f32 v31, v31;
	v54 =	vmin.u32 v54, v57;
	v56 =	vmin.u32 v56, v58  }
0xca: {  	v30 =	vadd.f32 v55, v30;
	vm4 =	vmor vm15, vm14;
	v54 =	vmin.u32 v54, v56  }
0xcb: {  	v31 =	vnsel vm4, $0x0, v31;
	vm5 =	veq.s32 v29, v54  }
0xcc: {  	v29 =	vadd.f32 v31, v30;
	vm6 =	veq.s32 v39, v54;
	vm7 =	veq.s32 v40, v54  }
0xcd: {  	vm8 =	veq.s32 v41, v54;
	vm9 =	veq.s32 v42, v54;
	vm10 =	veq.s32 v43, v54  }
0xce: {  	vm11 =	veq.s32 v44, v54;
	vm12 =	veq.s32 v45, v54;
	vm13 =	veq.s32 v46, v54  }
0xcf: {  	vm14 =	veq.s32 v47, v54;
	vm15 =	veq.s32 v48, v54;
	vm4 =	veq.s32 v49, v54  }
0xd0: {  	v2 =	vsel vm5, $0x7F7FFFFF, v2;
	v3 =	vsel vm6, $0x7F7FFFFF, v3;
	v31 =	vsel vm13, $0x7F7FFFFF, v28;
	v28 =	vld.idx.msk [tilespmem:v27+s9+$0x0], $0xffff  }
0xd1: {  	v4 =	vsel vm7, $0x7F7FFFFF, v4;
	v5 =	vsel vm8, $0x7F7FFFFF, v5;
	v6 =	vsel vm9, $0x7F7FFFFF, v6  }
0xd2: {  	v7 =	vsel vm10, $0x7F7FFFFF, v7;
	v8 =	vsel vm11, $0x7F7FFFFF, v8;
	v30 =	vsel vm12, $0x7F7FFFFF, v32  }
0xd3: {  	v32 =	vsel vm14, $0x7F7FFFFF, v33;
	vm5 =	veq.s32 v50, v54;
	v33 =	vsel vm15, $0x7F7FFFFF, v34  }
0xd4: {  	v34 =	vsel vm4, $0x7F7FFFFF, v35;
	vm6 =	veq.s32 v51, v54;
	vm7 =	veq.s32 v52, v54  }
0xd5: {  	vm8 =	veq.s32 v53, v54;
	v27 =	vand.u32 $0x7FFFFFF0, v54;
	v46 =	vsub.f32 v2, v28  }
0xd6: {  	vm9 =	vlt.f32 v38, $-1.000000000e+03;
	v47 =	vsub.f32 v3, v28;
	v48 =	vsub.f32 v4, v28  }
0xd7: {  	vm10 =	vgt.f32 v38, $-1.000000000e+03;
	v49 =	vsub.f32 v5, v28;
	v50 =	vsub.f32 v6, v28  }
0xd8: {  	v35 =	vsel vm5, $0x7F7FFFFF, v36;
	v51 =	vsub.f32 v7, v28;
	v52 =	vsub.f32 v8, v28  }
0xd9: {  	v0 =	vsel vm6, $0x7F7FFFFF, v0;
	v53 =	vsub.f32 v30, v28;
	v54 =	vsub.f32 v31, v28  }
0xda: {  	v36 =	vsel vm7, $0x7F7FFFFF, v37;
	v55 =	vsub.f32 v32, v28;
	v56 =	vsub.f32 v33, v28  }
0xdb: {  	v1 =	vsel vm8, $0x7F7FFFFF, v1;
	v57 =	vsub.f32 v34, v28;
	v58 =	vsub.f32 v35, v28  }
0xdc: {  	v27 =	vmul.f32 v27, v27;
	v59 =	vsub.f32 v0, v28;
	v60 =	vsub.f32 v36, v28  }
0xdd: {  	v61 =	vsub.f32 v1, v28;
	v37 =	vand.u32 $0x7FFFFFF0, v46;
	v39 =	vand.u32 $0x7FFFFFF0, v47  }
0xde: {  	v38 =	vand.u32 $0x7FFFFFF0, v48;
	v40 =	vand.u32 $0x7FFFFFF0, v49;
	v41 =	vand.u32 $0x7FFFFFF0, v50  }
0xdf: {  	v42 =	vand.u32 $0x7FFFFFF0, v51;
	v43 =	vand.u32 $0x7FFFFFF0, v52;
	v44 =	vand.u32 $0x7FFFFFF0, v53  }
0xe0: {  	v45 =	vand.u32 $0x7FFFFFF0, v54;
	v46 =	vand.u32 $0x7FFFFFF0, v55;
	v47 =	vand.u32 $0x7FFFFFF0, v56  }
0xe1: {  	v48 =	vand.u32 $0x7FFFFFF0, v57;
	v49 =	vand.u32 $0x7FFFFFF0, v58;
	v50 =	vand.u32 $0x7FFFFFF0, v59  }
0xe2: {  	v51 =	vand.u32 $0x7FFFFFF0, v60;
	v52 =	vand.u32 $0x7FFFFFF0, v61;
	v39 =	vor.u32 $0x1, v39  }
0xe3: {  	v38 =	vor.u32 $0x2, v38;
	v40 =	vor.u32 $0x3, v40;
	v41 =	vor.u32 $0x4, v41  }
0xe4: {  	v42 =	vor.u32 $0x5, v42;
	v43 =	vor.u32 $0x6, v43;
	v44 =	vor.u32 $0x7, v44  }
0xe5: {  	v45 =	vor.u32 $0x8, v45;
	v46 =	vor.u32 $0x9, v46;
	v47 =	vor.u32 $0xA, v47  }
0xe6: {  	v48 =	vor.u32 $0xB, v48;
	v49 =	vor.u32 $0xC, v49;
	v50 =	vor.u32 $0xD, v50  }
0xe7: {  	v51 =	vor.u32 $0xE, v51;
	v52 =	vor.u32 $0xF, v52;
	v53 =	vmin.u32 v37, v39  }
0xe8: {  	v62 =	vmin.u32 v38, v40;
	v55 =	vmin.u32 v41, v42;
	v63 =	vmin.u32 v43, v44  }
0xe9: {  	v60 =	vmin.u32 v45, v46;
	v61 =	vmin.u32 v47, v48;
	v53 =	vmin.u32 v53, v62  }
0xea: {  	v62 =	vmin.u32 v49, v50;
	v55 =	vmin.u32 v55, v63;
	v63 =	vmin.u32 v51, v52  }
0xeb: {  	vm0 =	vmor vm10, vm9;
	v57 =	vmin.u32 v60, v61;
	v54 =	vmin.u32 v62, v63  }
0xec: {  	v27 =	vnsel vm0, $0x0, v27;
	v53 =	vmin.u32 v53, v55;
	v54 =	vmin.u32 v57, v54  }
0xed: {  	v27 =	vadd.f32 v27, v29;
	v53 =	vmin.u32 v53, v54  }
0xee: {  	vm11 =	veq.s32 v37, v53;
	vm12 =	veq.s32 v39, v53;
	vm13 =	veq.s32 v38, v53  }
0xef: {  	vm14 =	veq.s32 v40, v53;
	vm15 =	veq.s32 v41, v53;
	vm4 =	veq.s32 v42, v53  }
0xf0: {  	vm5 =	veq.s32 v43, v53;
	vm6 =	veq.s32 v44, v53;
	vm7 =	veq.s32 v45, v53  }
0xf1: {  	vm8 =	veq.s32 v46, v53;
	vm9 =	veq.s32 v47, v53;
	vm10 =	veq.s32 v48, v53  }
0xf2: {  	v26 =	vld.idx.msk [tilespmem:v26+s9+$0x0], $0xffff;
	v2 =	vsel vm11, $0x7F7FFFFF, v2;
	v3 =	vsel vm12, $0x7F7FFFFF, v3;
	v4 =	vsel vm13, $0x7F7FFFFF, v4  }
0xf3: {  	v5 =	vsel vm14, $0x7F7FFFFF, v5;
	v6 =	vsel vm15, $0x7F7FFFFF, v6;
	v7 =	vsel vm4, $0x7F7FFFFF, v7  }
0xf4: {  	v8 =	vsel vm5, $0x7F7FFFFF, v8;
	v29 =	vsel vm6, $0x7F7FFFFF, v30;
	v30 =	vsel vm7, $0x7F7FFFFF, v31  }
0xf5: {  	v31 =	vsel vm8, $0x7F7FFFFF, v32;
	v32 =	vsel vm9, $0x7F7FFFFF, v33;
	v33 =	vsel vm10, $0x7F7FFFFF, v34  }
0xf6: {  	vm11 =	veq.s32 v49, v53;
	vm12 =	veq.s32 v50, v53;
	vm13 =	veq.s32 v51, v53  }
0xf7: {  	vm14 =	veq.s32 v52, v53;
	v44 =	vsub.f32 v2, v26;
	v45 =	vsub.f32 v3, v26  }
0xf8: {  	vm15 =	vlt.f32 v28, $-1.000000000e+03;
	v46 =	vsub.f32 v4, v26;
	v47 =	vsub.f32 v5, v26  }
0xf9: {  	vm4 =	vgt.f32 v28, $-1.000000000e+03;
	v48 =	vsub.f32 v6, v26;
	v49 =	vsub.f32 v7, v26  }
0xfa: {  	v34 =	vsel vm11, $0x7F7FFFFF, v35;
	v50 =	vsub.f32 v8, v26;
	v51 =	vsub.f32 v29, v26  }
0xfb: {  	v0 =	vsel vm12, $0x7F7FFFFF, v0;
	v52 =	vsub.f32 v30, v26;
	v54 =	vsub.f32 v31, v26  }
0xfc: {  	v36 =	vsel vm13, $0x7F7FFFFF, v36;
	v55 =	vsub.f32 v32, v26;
	v56 =	vsub.f32 v33, v26  }
0xfd: {  	v1 =	vsel vm14, $0x7F7FFFFF, v1;
	v57 =	vsub.f32 v34, v26;
	v58 =	vsub.f32 v0, v26  }
0xfe: {  	v53 =	vand.u32 $0x7FFFFFF0, v53;
	v59 =	vsub.f32 v36, v26;
	v60 =	vsub.f32 v1, v26  }
0xff: {  	v35 =	vand.u32 $0x7FFFFFF0, v44;
	v37 =	vand.u32 $0x7FFFFFF0, v45;
	v38 =	vand.u32 $0x7FFFFFF0, v46  }
0x100: {  	v39 =	vand.u32 $0x7FFFFFF0, v47;
	v40 =	vand.u32 $0x7FFFFFF0, v48;
	v41 =	vand.u32 $0x7FFFFFF0, v49  }
0x101: {  	v42 =	vand.u32 $0x7FFFFFF0, v50;
	v43 =	vand.u32 $0x7FFFFFF0, v51;
	v44 =	vand.u32 $0x7FFFFFF0, v52  }
0x102: {  	v45 =	vand.u32 $0x7FFFFFF0, v54;
	v46 =	vand.u32 $0x7FFFFFF0, v55;
	v47 =	vand.u32 $0x7FFFFFF0, v56  }
0x103: {  	v37 =	vor.u32 $0x1, v37;
	v38 =	vor.u32 $0x2, v38;
	v39 =	vor.u32 $0x3, v39  }
0x104: {  	v40 =	vor.u32 $0x4, v40;
	v41 =	vor.u32 $0x5, v41;
	v42 =	vor.u32 $0x6, v42  }
0x105: {  	v43 =	vor.u32 $0x7, v43;
	v44 =	vor.u32 $0x8, v44;
	v45 =	vor.u32 $0x9, v45  }
0x106: {  	v46 =	vor.u32 $0xA, v46;
	v48 =	vand.u32 $0x7FFFFFF0, v57;
	v47 =	vor.u32 $0xB, v47  }
0x107: {  	v49 =	vand.u32 $0x7FFFFFF0, v58;
	v50 =	vand.u32 $0x7FFFFFF0, v59;
	v51 =	vand.u32 $0x7FFFFFF0, v60  }
0x108: {  	v48 =	vor.u32 $0xC, v48;
	v49 =	vor.u32 $0xD, v49;
	v50 =	vor.u32 $0xE, v50  }
0x109: {  	v51 =	vor.u32 $0xF, v51;
	v52 =	vmin.u32 v35, v37;
	v61 =	vmin.u32 v38, v39  }
0x10a: {  	v55 =	vmin.u32 v40, v41;
	v62 =	vmin.u32 v42, v43;
	v63 =	vmin.u32 v44, v45  }
0x10b: {  	v60 =	vmin.u32 v46, v47;
	v52 =	vmin.u32 v52, v61;
	v61 =	vmin.u32 v48, v49  }
0x10c: {  	v55 =	vmin.u32 v55, v62;
	v62 =	vmin.u32 v50, v51;
	v57 =	vmin.u32 v63, v60  }
0x10d: {  	v54 =	vmin.u32 v61, v62;
	v28 =	vmin.u32 v52, v55;
	v52 =	vmul.f32 v53, v53  }
0x10e: {  	vm0 =	vmor vm4, vm15;
	v63 =	vmin.u32 v57, v54  }
0x10f: {  	v28 =	vmin.u32 v28, v63;
	v52 =	vnsel vm0, $0x0, v52  }
0x110: {  	vm5 =	veq.s32 v35, v28;
	vm6 =	veq.s32 v37, v28;
	vm7 =	veq.s32 v38, v28  }
0x111: {  	vm8 =	veq.s32 v39, v28;
	vm9 =	veq.s32 v40, v28;
	vm10 =	veq.s32 v41, v28  }
0x112: {  	vm11 =	veq.s32 v42, v28;
	vm12 =	veq.s32 v43, v28;
	vm13 =	veq.s32 v44, v28  }
0x113: {  	vm14 =	veq.s32 v45, v28;
	vm15 =	veq.s32 v46, v28;
	vm4 =	veq.s32 v47, v28  }
0x114: {  	v35 =	vld.idx.msk [tilespmem:v25+s9+$0x0], $0xffff;
	v27 =	vadd.f32 v52, v27;
	v2 =	vsel vm5, $0x7F7FFFFF, v2;
	v3 =	vsel vm6, $0x7F7FFFFF, v3  }
0x115: {  	v4 =	vsel vm7, $0x7F7FFFFF, v4;
	v5 =	vsel vm8, $0x7F7FFFFF, v5;
	v6 =	vsel vm9, $0x7F7FFFFF, v6  }
0x116: {  	v7 =	vsel vm10, $0x7F7FFFFF, v7;
	v8 =	vsel vm11, $0x7F7FFFFF, v8;
	v29 =	vsel vm12, $0x7F7FFFFF, v29  }
0x117: {  	v25 =	vsel vm13, $0x7F7FFFFF, v30;
	v30 =	vsel vm14, $0x7F7FFFFF, v31;
	v31 =	vsel vm15, $0x7F7FFFFF, v32  }
0x118: {  	v32 =	vsel vm4, $0x7F7FFFFF, v33;
	vm5 =	veq.s32 v48, v28;
	vm6 =	veq.s32 v49, v28  }
0x119: {  	vm7 =	veq.s32 v50, v28;
	vm8 =	veq.s32 v51, v28;
	v42 =	vsub.f32 v3, v35  }
0x11a: {  	vm9 =	vlt.f32 v26, $-1.000000000e+03;
	v43 =	vsub.f32 v2, v35;
	v44 =	vsub.f32 v4, v35  }
0x11b: {  	vm10 =	vgt.f32 v26, $-1.000000000e+03;
	v45 =	vsub.f32 v5, v35;
	v48 =	vsub.f32 v6, v35  }
0x11c: {  	v28 =	vand.u32 $0x7FFFFFF0, v28;
	v49 =	vsub.f32 v7, v35;
	v50 =	vsub.f32 v8, v35  }
0x11d: {  	v33 =	vsel vm5, $0x7F7FFFFF, v34;
	v51 =	vsub.f32 v29, v35;
	v53 =	vsub.f32 v25, v35  }
0x11e: {  	v0 =	vsel vm6, $0x7F7FFFFF, v0;
	v54 =	vsub.f32 v30, v35;
	v55 =	vsub.f32 v31, v35  }
0x11f: {  	v34 =	vsel vm7, $0x7F7FFFFF, v36;
	v56 =	vsub.f32 v32, v35;
	v57 =	vsub.f32 v33, v35  }
0x120: {  	v1 =	vsel vm8, $0x7F7FFFFF, v1;
	v58 =	vsub.f32 v0, v35;
	v59 =	vsub.f32 v34, v35  }
0x121: {  	v60 =	vsub.f32 v1, v35;
	v36 =	vand.u32 $0x7FFFFFF0, v42;
	v26 =	vand.u32 $0x7FFFFFF0, v43  }
0x122: {  	v46 =	vand.u32 $0x7FFFFFF0, v44;
	v47 =	vand.u32 $0x7FFFFFF0, v45;
	v39 =	vand.u32 $0x7FFFFFF0, v48  }
0x123: {  	v40 =	vand.u32 $0x7FFFFFF0, v49;
	v41 =	vand.u32 $0x7FFFFFF0, v50;
	v42 =	vand.u32 $0x7FFFFFF0, v51  }
0x124: {  	v43 =	vand.u32 $0x7FFFFFF0, v53;
	v44 =	vand.u32 $0x7FFFFFF0, v54;
	v45 =	vand.u32 $0x7FFFFFF0, v55  }
0x125: {  	v48 =	vand.u32 $0x7FFFFFF0, v58;
	v49 =	vand.u32 $0x7FFFFFF0, v59;
	v50 =	vand.u32 $0x7FFFFFF0, v60  }
0x126: {  	v36 =	vor.u32 $0x1, v36;
	v37 =	vor.u32 $0x2, v46;
	v38 =	vor.u32 $0x3, v47  }
0x127: {  	v39 =	vor.u32 $0x4, v39;
	v40 =	vor.u32 $0x5, v40;
	v41 =	vor.u32 $0x6, v41  }
0x128: {  	v42 =	vor.u32 $0x7, v42;
	v43 =	vor.u32 $0x8, v43;
	v44 =	vor.u32 $0x9, v44  }
0x129: {  	v45 =	vor.u32 $0xA, v45;
	v46 =	vand.u32 $0x7FFFFFF0, v56;
	v47 =	vand.u32 $0x7FFFFFF0, v57  }
0x12a: {  	v48 =	vor.u32 $0xD, v48;
	v49 =	vor.u32 $0xE, v49;
	v50 =	vor.u32 $0xF, v50  }
0x12b: {  	v46 =	vor.u32 $0xB, v46;
	v47 =	vor.u32 $0xC, v47;
	v51 =	vmin.u32 v26, v36  }
0x12c: {  	v61 =	vmin.u32 v37, v38;
	v62 =	vmin.u32 v39, v40;
	v63 =	vmin.u32 v41, v42  }
0x12d: {  	v60 =	vmin.u32 v43, v44;
	v51 =	vmin.u32 v51, v61;
	v61 =	vmin.u32 v45, v46  }
0x12e: {  	v54 =	vmin.u32 v62, v63;
	v62 =	vmin.u32 v47, v48;
	v63 =	vmin.u32 v49, v50  }
0x12f: {  	v28 =	vmul.f32 v28, v28;
	v53 =	vmin.u32 v60, v61;
	v55 =	vmin.u32 v62, v63  }
0x130: {  	vm11 =	vmor vm10, vm9;
	v51 =	vmin.u32 v51, v54;
	v53 =	vmin.u32 v53, v55  }
0x131: {  	v28 =	vnsel vm11, $0x0, v28;
	v51 =	vmin.u32 v51, v53  }
0x132: {  	vm12 =	veq.s32 v26, v51;
	v26 =	vadd.f32 v28, v27;
	vm13 =	veq.s32 v36, v51  }
0x133: {  	vm14 =	veq.s32 v37, v51;
	vm15 =	veq.s32 v38, v51;
	vm4 =	veq.s32 v39, v51  }
0x134: {  	vm5 =	veq.s32 v40, v51;
	vm6 =	veq.s32 v41, v51;
	vm7 =	veq.s32 v42, v51  }
0x135: {  	vm8 =	veq.s32 v43, v51;
	vm9 =	veq.s32 v44, v51;
	vm10 =	veq.s32 v45, v51  }
0x136: {  	vm11 =	veq.s32 v46, v51;
	v2 =	vsel vm12, $0x7F7FFFFF, v2;
	v3 =	vsel vm13, $0x7F7FFFFF, v3  }
0x137: {  	v4 =	vsel vm14, $0x7F7FFFFF, v4;
	v5 =	vsel vm15, $0x7F7FFFFF, v5;
	v28 =	vsel vm8, $0x7F7FFFFF, v25;
	v25 =	vld.idx.msk [tilespmem:v24+s9+$0x0], $0xffff  }
0x138: {  	v6 =	vsel vm4, $0x7F7FFFFF, v6;
	v7 =	vsel vm5, $0x7F7FFFFF, v7;
	v8 =	vsel vm6, $0x7F7FFFFF, v8  }
0x139: {  	v27 =	vsel vm7, $0x7F7FFFFF, v29;
	v29 =	vsel vm9, $0x7F7FFFFF, v30;
	vm12 =	veq.s32 v47, v51  }
0x13a: {  	v30 =	vsel vm10, $0x7F7FFFFF, v31;
	v31 =	vsel vm11, $0x7F7FFFFF, v32;
	vm13 =	veq.s32 v48, v51  }
0x13b: {  	vm14 =	veq.s32 v49, v51;
	vm15 =	veq.s32 v50, v51;
	v24 =	vand.u32 $0x7FFFFFF0, v51  }
0x13c: {  	vm4 =	vlt.f32 v35, $-1.000000000e+03;
	v47 =	vsub.f32 v2, v25;
	v48 =	vsub.f32 v3, v25  }
0x13d: {  	vm5 =	vgt.f32 v35, $-1.000000000e+03;
	v49 =	vsub.f32 v4, v25;
	v50 =	vsub.f32 v5, v25  }
0x13e: {  	v32 =	vsel vm12, $0x7F7FFFFF, v33;
	v51 =	vsub.f32 v6, v25;
	v52 =	vsub.f32 v7, v25  }
0x13f: {  	v0 =	vsel vm13, $0x7F7FFFFF, v0;
	v53 =	vsub.f32 v8, v25;
	v54 =	vsub.f32 v27, v25  }
0x140: {  	v33 =	vsel vm14, $0x7F7FFFFF, v34;
	v55 =	vsub.f32 v28, v25;
	v56 =	vsub.f32 v29, v25  }
0x141: {  	v1 =	vsel vm15, $0x7F7FFFFF, v1;
	v57 =	vsub.f32 v30, v25;
	v58 =	vsub.f32 v31, v25  }
0x142: {  	v24 =	vmul.f32 v24, v24;
	v59 =	vsub.f32 v32, v25;
	v60 =	vsub.f32 v0, v25  }
0x143: {  	v61 =	vsub.f32 v33, v25;
	v62 =	vsub.f32 v1, v25;
	v34 =	vand.u32 $0x7FFFFFF0, v47  }
0x144: {  	v36 =	vand.u32 $0x7FFFFFF0, v48;
	v35 =	vand.u32 $0x7FFFFFF0, v49;
	v37 =	vand.u32 $0x7FFFFFF0, v50  }
0x145: {  	v38 =	vand.u32 $0x7FFFFFF0, v51;
	v39 =	vand.u32 $0x7FFFFFF0, v52;
	v40 =	vand.u32 $0x7FFFFFF0, v53  }
0x146: {  	v41 =	vand.u32 $0x7FFFFFF0, v54;
	v42 =	vand.u32 $0x7FFFFFF0, v55;
	v43 =	vand.u32 $0x7FFFFFF0, v56  }
0x147: {  	v44 =	vand.u32 $0x7FFFFFF0, v57;
	v45 =	vand.u32 $0x7FFFFFF0, v58;
	v46 =	vand.u32 $0x7FFFFFF0, v59  }
0x148: {  	v47 =	vand.u32 $0x7FFFFFF0, v60;
	v48 =	vand.u32 $0x7FFFFFF0, v61;
	v49 =	vand.u32 $0x7FFFFFF0, v62  }
0x149: {  	v36 =	vor.u32 $0x1, v36;
	v35 =	vor.u32 $0x2, v35;
	v37 =	vor.u32 $0x3, v37  }
0x14a: {  	v38 =	vor.u32 $0x4, v38;
	v39 =	vor.u32 $0x5, v39;
	v40 =	vor.u32 $0x6, v40  }
0x14b: {  	v41 =	vor.u32 $0x7, v41;
	v42 =	vor.u32 $0x8, v42;
	v43 =	vor.u32 $0x9, v43  }
0x14c: {  	v44 =	vor.u32 $0xA, v44;
	v45 =	vor.u32 $0xB, v45;
	v46 =	vor.u32 $0xC, v46  }
0x14d: {  	v47 =	vor.u32 $0xD, v47;
	v48 =	vor.u32 $0xE, v48;
	v49 =	vor.u32 $0xF, v49  }
0x14e: {  	v63 =	vmin.u32 v34, v36;
	v57 =	vmin.u32 v35, v37;
	v58 =	vmin.u32 v38, v39  }
0x14f: {  	v59 =	vmin.u32 v40, v41;
	v60 =	vmin.u32 v42, v43;
	v61 =	vmin.u32 v44, v45  }
0x150: {  	v62 =	vmin.u32 v46, v47;
	v50 =	vmin.u32 v63, v57;
	v63 =	vmin.u32 v48, v49  }
0x151: {  	v52 =	vmin.u32 v58, v59;
	v54 =	vmin.u32 v60, v61;
	v51 =	vmin.u32 v62, v63  }
0x152: {  	vm0 =	vmor vm5, vm4;
	v50 =	vmin.u32 v50, v52;
	v51 =	vmin.u32 v54, v51  }
0x153: {  	v24 =	vnsel vm0, $0x0, v24;
	v50 =	vmin.u32 v50, v51  }
0x154: {  	v24 =	vadd.f32 v24, v26;
	vm6 =	veq.s32 v34, v50  }
0x155: {  	vm7 =	veq.s32 v36, v50;
	vm8 =	veq.s32 v35, v50;
	vm9 =	veq.s32 v37, v50  }
0x156: {  	vm10 =	veq.s32 v38, v50;
	vm11 =	veq.s32 v39, v50;
	vm12 =	veq.s32 v40, v50  }
0x157: {  	vm13 =	veq.s32 v41, v50;
	vm14 =	veq.s32 v42, v50;
	vm15 =	veq.s32 v43, v50  }
0x158: {  	vm4 =	veq.s32 v44, v50;
	vm5 =	veq.s32 v45, v50;
	v2 =	vsel vm6, $0x7F7FFFFF, v2  }
0x159: {  	v23 =	vld.idx.msk [tilespmem:v23+s9+$0x0], $0xffff;
	v3 =	vsel vm7, $0x7F7FFFFF, v3;
	v4 =	vsel vm8, $0x7F7FFFFF, v4;
	v5 =	vsel vm9, $0x7F7FFFFF, v5  }
0x15a: {  	v6 =	vsel vm10, $0x7F7FFFFF, v6;
	v7 =	vsel vm11, $0x7F7FFFFF, v7;
	v8 =	vsel vm12, $0x7F7FFFFF, v8  }
0x15b: {  	v26 =	vsel vm13, $0x7F7FFFFF, v27;
	v27 =	vsel vm14, $0x7F7FFFFF, v28;
	v28 =	vsel vm15, $0x7F7FFFFF, v29  }
0x15c: {  	v29 =	vsel vm4, $0x7F7FFFFF, v30;
	v30 =	vsel vm5, $0x7F7FFFFF, v31;
	vm6 =	veq.s32 v46, v50  }
0x15d: {  	vm7 =	veq.s32 v47, v50;
	vm8 =	veq.s32 v48, v50;
	vm9 =	veq.s32 v49, v50  }
0x15e: {  	vm10 =	vlt.f32 v25, $-1.000000000e+03;
	v41 =	vsub.f32 v2, v23;
	v42 =	vsub.f32 v3, v23  }
0x15f: {  	vm11 =	vgt.f32 v25, $-1.000000000e+03;
	v43 =	vsub.f32 v4, v23;
	v44 =	vsub.f32 v5, v23  }
0x160: {  	v50 =	vand.u32 $0x7FFFFFF0, v50;
	v45 =	vsub.f32 v6, v23;
	v46 =	vsub.f32 v7, v23  }
0x161: {  	v31 =	vsel vm6, $0x7F7FFFFF, v32;
	v47 =	vsub.f32 v8, v23;
	v48 =	vsub.f32 v26, v23  }
0x162: {  	v0 =	vsel vm7, $0x7F7FFFFF, v0;
	v49 =	vsub.f32 v27, v23;
	v51 =	vsub.f32 v28, v23  }
0x163: {  	v33 =	vsel vm8, $0x7F7FFFFF, v33;
	v52 =	vsub.f32 v29, v23;
	v53 =	vsub.f32 v30, v23  }
0x164: {  	v1 =	vsel vm9, $0x7F7FFFFF, v1;
	v54 =	vsub.f32 v31, v23;
	v55 =	vsub.f32 v0, v23  }
0x165: {  	v56 =	vsub.f32 v33, v23;
	v57 =	vsub.f32 v1, v23;
	v32 =	vand.u32 $0x7FFFFFF0, v41  }
0x166: {  	v34 =	vand.u32 $0x7FFFFFF0, v42;
	v35 =	vand.u32 $0x7FFFFFF0, v43;
	v36 =	vand.u32 $0x7FFFFFF0, v44  }
0x167: {  	v37 =	vand.u32 $0x7FFFFFF0, v45;
	v38 =	vand.u32 $0x7FFFFFF0, v46;
	v39 =	vand.u32 $0x7FFFFFF0, v47  }
0x168: {  	v40 =	vand.u32 $0x7FFFFFF0, v48;
	v41 =	vand.u32 $0x7FFFFFF0, v49;
	v42 =	vand.u32 $0x7FFFFFF0, v51  }
0x169: {  	v43 =	vand.u32 $0x7FFFFFF0, v52;
	v44 =	vand.u32 $0x7FFFFFF0, v53;
	v34 =	vor.u32 $0x1, v34  }
0x16a: {  	v35 =	vor.u32 $0x2, v35;
	v36 =	vor.u32 $0x3, v36;
	v37 =	vor.u32 $0x4, v37  }
0x16b: {  	v38 =	vor.u32 $0x5, v38;
	v39 =	vor.u32 $0x6, v39;
	v40 =	vor.u32 $0x7, v40  }
0x16c: {  	v41 =	vor.u32 $0x8, v41;
	v42 =	vor.u32 $0x9, v42;
	v43 =	vor.u32 $0xA, v43  }
0x16d: {  	v45 =	vand.u32 $0x7FFFFFF0, v54;
	v44 =	vor.u32 $0xB, v44;
	v46 =	vand.u32 $0x7FFFFFF0, v55  }
0x16e: {  	v47 =	vand.u32 $0x7FFFFFF0, v56;
	v48 =	vand.u32 $0x7FFFFFF0, v57;
	v45 =	vor.u32 $0xC, v45  }
0x16f: {  	v46 =	vor.u32 $0xD, v46;
	v47 =	vor.u32 $0xE, v47;
	v48 =	vor.u32 $0xF, v48  }
0x170: {  	v58 =	vmin.u32 v32, v34;
	v59 =	vmin.u32 v35, v36;
	v60 =	vmin.u32 v37, v38  }
0x171: {  	v61 =	vmin.u32 v39, v40;
	v62 =	vmin.u32 v41, v42;
	v63 =	vmin.u32 v43, v44  }
0x172: {  	v49 =	vmin.u32 v58, v59;
	v57 =	vmin.u32 v45, v46;
	v58 =	vmin.u32 v47, v48  }
0x173: {  	v52 =	vmin.u32 v60, v61;
	v54 =	vmin.u32 v62, v63;
	v51 =	vmin.u32 v57, v58  }
0x174: {  	v59 =	vmin.u32 v49, v52;
	v49 =	vmul.f32 v50, v50;
	v60 =	vmin.u32 v54, v51  }
0x175: {  	vm0 =	vmor vm11, vm10;
	v25 =	vmin.u32 v59, v60  }
0x176: {  	v49 =	vnsel vm0, $0x0, v49;
	vm12 =	veq.s32 v32, v25  }
0x177: {  	vm13 =	veq.s32 v34, v25;
	vm14 =	veq.s32 v35, v25;
	vm15 =	veq.s32 v36, v25  }
0x178: {  	vm4 =	veq.s32 v37, v25;
	vm5 =	veq.s32 v38, v25;
	vm6 =	veq.s32 v39, v25  }
0x179: {  	vm7 =	veq.s32 v40, v25;
	vm8 =	veq.s32 v41, v25;
	vm9 =	veq.s32 v42, v25  }
0x17a: {  	vm10 =	veq.s32 v43, v25;
	vm11 =	veq.s32 v44, v25;
	v2 =	vsel vm12, $0x7F7FFFFF, v2  }
0x17b: {  	v32 =	vld.idx.msk [tilespmem:v22+s9+$0x0], $0xffff;
	v3 =	vsel vm13, $0x7F7FFFFF, v3;
	v4 =	vsel vm14, $0x7F7FFFFF, v4;
	v5 =	vsel vm15, $0x7F7FFFFF, v5  }
0x17c: {  	v6 =	vsel vm4, $0x7F7FFFFF, v6;
	v7 =	vsel vm5, $0x7F7FFFFF, v7;
	v8 =	vsel vm6, $0x7F7FFFFF, v8  }
0x17d: {  	v26 =	vsel vm7, $0x7F7FFFFF, v26;
	v22 =	vsel vm8, $0x7F7FFFFF, v27;
	v27 =	vsel vm9, $0x7F7FFFFF, v28  }
0x17e: {  	v28 =	vsel vm10, $0x7F7FFFFF, v29;
	v29 =	vsel vm11, $0x7F7FFFFF, v30;
	vm12 =	veq.s32 v45, v25  }
0x17f: {  	vm13 =	veq.s32 v46, v25;
	vm14 =	veq.s32 v47, v25;
	vm15 =	veq.s32 v48, v25  }
0x180: {  	vm4 =	vlt.f32 v23, $-1.000000000e+03;
	v61 =	vsub.f32 v3, v32;
	v62 =	vsub.f32 v2, v32  }
0x181: {  	vm5 =	vgt.f32 v23, $-1.000000000e+03;
	v63 =	vsub.f32 v4, v32;
	v40 =	vsub.f32 v5, v32  }
0x182: {  	v25 =	vand.u32 $0x7FFFFFF0, v25;
	v43 =	vsub.f32 v6, v32;
	v44 =	vsub.f32 v7, v32  }
0x183: {  	v30 =	vsel vm12, $0x7F7FFFFF, v31;
	v45 =	vsub.f32 v8, v32;
	v46 =	vsub.f32 v26, v32  }
0x184: {  	v0 =	vsel vm13, $0x7F7FFFFF, v0;
	v47 =	vsub.f32 v22, v32;
	v48 =	vsub.f32 v27, v32  }
0x185: {  	v31 =	vsel vm14, $0x7F7FFFFF, v33;
	v50 =	vsub.f32 v28, v32;
	v51 =	vsub.f32 v29, v32  }
0x186: {  	v1 =	vsel vm15, $0x7F7FFFFF, v1;
	v52 =	vsub.f32 v30, v32;
	v53 =	vsub.f32 v0, v32  }
0x187: {  	v54 =	vsub.f32 v31, v32;
	v55 =	vsub.f32 v1, v32;
	v33 =	vand.u32 $0x7FFFFFF0, v61  }
0x188: {  	v23 =	vand.u32 $0x7FFFFFF0, v62;
	v41 =	vand.u32 $0x7FFFFFF0, v63;
	v42 =	vand.u32 $0x7FFFFFF0, v40  }
0x189: {  	v36 =	vand.u32 $0x7FFFFFF0, v43;
	v37 =	vand.u32 $0x7FFFFFF0, v44;
	v38 =	vand.u32 $0x7FFFFFF0, v45  }
0x18a: {  	v39 =	vand.u32 $0x7FFFFFF0, v46;
	v40 =	vand.u32 $0x7FFFFFF0, v47;
	v43 =	vand.u32 $0x7FFFFFF0, v51  }
0x18b: {  	v44 =	vand.u32 $0x7FFFFFF0, v52;
	v45 =	vand.u32 $0x7FFFFFF0, v53;
	v46 =	vand.u32 $0x7FFFFFF0, v54  }
0x18c: {  	v47 =	vand.u32 $0x7FFFFFF0, v55;
	v33 =	vor.u32 $0x1, v33;
	v34 =	vor.u32 $0x2, v41  }
0x18d: {  	v35 =	vor.u32 $0x3, v42;
	v36 =	vor.u32 $0x4, v36;
	v37 =	vor.u32 $0x5, v37  }
0x18e: {  	v38 =	vor.u32 $0x6, v38;
	v39 =	vor.u32 $0x7, v39;
	v40 =	vor.u32 $0x8, v40  }
0x18f: {  	v41 =	vand.u32 $0x7FFFFFF0, v48;
	v42 =	vand.u32 $0x7FFFFFF0, v50;
	v43 =	vor.u32 $0xB, v43  }
0x190: {  	v44 =	vor.u32 $0xC, v44;
	v45 =	vor.u32 $0xD, v45;
	v46 =	vor.u32 $0xE, v46  }
0x191: {  	v47 =	vor.u32 $0xF, v47;
	v41 =	vor.u32 $0x9, v41;
	v42 =	vor.u32 $0xA, v42  }
0x192: {  	v56 =	vmin.u32 v23, v33;
	v57 =	vmin.u32 v34, v35;
	v58 =	vmin.u32 v36, v37  }
0x193: {  	v59 =	vmin.u32 v38, v39;
	v62 =	vmin.u32 v44, v45;
	v63 =	vmin.u32 v46, v47  }
0x194: {  	v60 =	vmin.u32 v40, v41;
	v48 =	vmin.u32 v56, v57;
	v61 =	vmin.u32 v42, v43  }
0x195: {  	v51 =	vmin.u32 v58, v59;
	v52 =	vmin.u32 v62, v63;
	v50 =	vmin.u32 v60, v61  }
0x196: {  	v25 =	vmul.f32 v25, v25;
	v48 =	vmin.u32 v48, v51;
	v50 =	vmin.u32 v50, v52  }
0x197: {  	v24 =	vadd.f32 v49, v24;
	vm6 =	vmor vm5, vm4;
	v48 =	vmin.u32 v48, v50  }
0x198: {  	v25 =	vnsel vm6, $0x0, v25;
	vm7 =	veq.s32 v23, v48  }
0x199: {  	v23 =	vadd.f32 v25, v24;
	vm8 =	veq.s32 v33, v48;
	vm9 =	veq.s32 v34, v48  }
0x19a: {  	vm10 =	veq.s32 v35, v48;
	vm11 =	veq.s32 v36, v48;
	vm12 =	veq.s32 v37, v48  }
0x19b: {  	vm13 =	veq.s32 v38, v48;
	vm14 =	veq.s32 v39, v48;
	vm15 =	veq.s32 v40, v48  }
0x19c: {  	vm4 =	veq.s32 v41, v48;
	vm5 =	veq.s32 v42, v48;
	vm6 =	veq.s32 v43, v48  }
0x19d: {  	v2 =	vsel vm7, $0x7F7FFFFF, v2;
	v3 =	vsel vm8, $0x7F7FFFFF, v3;
	v4 =	vsel vm9, $0x7F7FFFFF, v4  }
0x19e: {  	v5 =	vsel vm10, $0x7F7FFFFF, v5;
	v6 =	vsel vm11, $0x7F7FFFFF, v6;
	v25 =	vsel vm15, $0x7F7FFFFF, v22;
	v22 =	vld.idx.msk [tilespmem:v21+s9+$0x0], $0xffff  }
0x19f: {  	v7 =	vsel vm12, $0x7F7FFFFF, v7;
	v8 =	vsel vm13, $0x7F7FFFFF, v8;
	v24 =	vsel vm14, $0x7F7FFFFF, v26  }
0x1a0: {  	v26 =	vsel vm4, $0x7F7FFFFF, v27;
	vm7 =	veq.s32 v44, v48;
	v27 =	vsel vm5, $0x7F7FFFFF, v28  }
0x1a1: {  	v28 =	vsel vm6, $0x7F7FFFFF, v29;
	vm8 =	veq.s32 v45, v48;
	vm9 =	veq.s32 v46, v48  }
0x1a2: {  	vm10 =	veq.s32 v47, v48;
	v21 =	vand.u32 $0x7FFFFFF0, v48;
	v29 =	vsel vm7, $0x7F7FFFFF, v30  }
0x1a3: {  	v30 =	vsel vm9, $0x7F7FFFFF, v31;
	v31 =	vsub.f32 v2, v22;
	v41 =	vsub.f32 v3, v22  }
0x1a4: {  	vm11 =	vlt.f32 v32, $-1.000000000e+03;
	v42 =	vsub.f32 v4, v22;
	v43 =	vsub.f32 v5, v22  }
0x1a5: {  	vm12 =	vgt.f32 v32, $-1.000000000e+03;
	v44 =	vsub.f32 v6, v22;
	v45 =	vsub.f32 v7, v22  }
0x1a6: {  	v0 =	vsel vm8, $0x7F7FFFFF, v0;
	v46 =	vsub.f32 v8, v22;
	v47 =	vsub.f32 v24, v22  }
0x1a7: {  	v1 =	vsel vm10, $0x7F7FFFFF, v1;
	v48 =	vsub.f32 v25, v22;
	v49 =	vsub.f32 v26, v22  }
0x1a8: {  	v21 =	vmul.f32 v21, v21;
	v50 =	vsub.f32 v27, v22;
	v51 =	vsub.f32 v28, v22  }
0x1a9: {  	vm0 =	vmor vm12, vm11;
	v52 =	vsub.f32 v29, v22;
	v53 =	vsub.f32 v0, v22  }
0x1aa: {  	v54 =	vsub.f32 v30, v22;
	v55 =	vsub.f32 v1, v22;
	v31 =	vand.u32 $0x7FFFFFF0, v31  }
0x1ab: {  	v33 =	vand.u32 $0x7FFFFFF0, v41;
	v32 =	vand.u32 $0x7FFFFFF0, v42;
	v34 =	vand.u32 $0x7FFFFFF0, v43  }
0x1ac: {  	v35 =	vand.u32 $0x7FFFFFF0, v44;
	v36 =	vand.u32 $0x7FFFFFF0, v45;
	v37 =	vand.u32 $0x7FFFFFF0, v46  }
0x1ad: {  	v38 =	vand.u32 $0x7FFFFFF0, v47;
	v39 =	vand.u32 $0x7FFFFFF0, v48;
	v40 =	vand.u32 $0x7FFFFFF0, v49  }
0x1ae: {  	v41 =	vand.u32 $0x7FFFFFF0, v50;
	v42 =	vand.u32 $0x7FFFFFF0, v51;
	v43 =	vand.u32 $0x7FFFFFF0, v52  }
0x1af: {  	v44 =	vand.u32 $0x7FFFFFF0, v53;
	v45 =	vand.u32 $0x7FFFFFF0, v54;
	v46 =	vand.u32 $0x7FFFFFF0, v55  }
0x1b0: {  	v33 =	vor.u32 $0x1, v33;
	v32 =	vor.u32 $0x2, v32;
	v34 =	vor.u32 $0x3, v34  }
0x1b1: {  	v35 =	vor.u32 $0x4, v35;
	v36 =	vor.u32 $0x5, v36;
	v37 =	vor.u32 $0x6, v37  }
0x1b2: {  	v38 =	vor.u32 $0x7, v38;
	v39 =	vor.u32 $0x8, v39;
	v40 =	vor.u32 $0x9, v40  }
0x1b3: {  	v41 =	vor.u32 $0xA, v41;
	v42 =	vor.u32 $0xB, v42;
	v43 =	vor.u32 $0xC, v43  }
0x1b4: {  	v44 =	vor.u32 $0xD, v44;
	v45 =	vor.u32 $0xE, v45;
	v46 =	vor.u32 $0xF, v46  }
0x1b5: {  	v56 =	vmin.u32 v31, v33;
	v57 =	vmin.u32 v32, v34;
	v58 =	vmin.u32 v35, v36  }
0x1b6: {  	v59 =	vmin.u32 v37, v38;
	v60 =	vmin.u32 v39, v40;
	v61 =	vmin.u32 v41, v42  }
0x1b7: {  	v62 =	vmin.u32 v43, v44;
	v63 =	vmin.u32 v45, v46;
	v47 =	vmin.u32 v56, v57  }
0x1b8: {  	v49 =	vmin.u32 v58, v59;
	v51 =	vmin.u32 v60, v61;
	v48 =	vmin.u32 v62, v63  }
0x1b9: {  	v21 =	vnsel vm0, $0x0, v21;
	v47 =	vmin.u32 v47, v49;
	v48 =	vmin.u32 v51, v48  }
0x1ba: {  	v21 =	vadd.f32 v21, v23;
	v47 =	vmin.u32 v47, v48  }
0x1bb: {  	vm13 =	veq.s32 v31, v47;
	vm14 =	veq.s32 v33, v47;
	vm15 =	veq.s32 v32, v47  }
0x1bc: {  	vm4 =	veq.s32 v34, v47;
	vm5 =	veq.s32 v35, v47;
	vm6 =	veq.s32 v36, v47  }
0x1bd: {  	vm7 =	veq.s32 v37, v47;
	vm8 =	veq.s32 v38, v47;
	vm9 =	veq.s32 v39, v47  }
0x1be: {  	vm10 =	veq.s32 v40, v47;
	vm11 =	veq.s32 v41, v47;
	vm12 =	veq.s32 v42, v47  }
0x1bf: {  	v20 =	vld.idx.msk [tilespmem:v20+s9+$0x0], $0xffff;
	v2 =	vsel vm13, $0x7F7FFFFF, v2;
	v3 =	vsel vm14, $0x7F7FFFFF, v3;
	v4 =	vsel vm15, $0x7F7FFFFF, v4  }
0x1c0: {  	v5 =	vsel vm4, $0x7F7FFFFF, v5;
	v6 =	vsel vm5, $0x7F7FFFFF, v6;
	v7 =	vsel vm6, $0x7F7FFFFF, v7  }
0x1c1: {  	v8 =	vsel vm7, $0x7F7FFFFF, v8;
	v23 =	vsel vm8, $0x7F7FFFFF, v24;
	v24 =	vsel vm9, $0x7F7FFFFF, v25  }
0x1c2: {  	v25 =	vsel vm10, $0x7F7FFFFF, v26;
	v26 =	vsel vm11, $0x7F7FFFFF, v27;
	v27 =	vsel vm12, $0x7F7FFFFF, v28  }
0x1c3: {  	vm13 =	veq.s32 v43, v47;
	vm14 =	veq.s32 v44, v47;
	vm15 =	veq.s32 v45, v47  }
0x1c4: {  	v28 =	vsel vm13, $0x7F7FFFFF, v29;
	v29 =	vsub.f32 v2, v20;
	v31 =	vsub.f32 v3, v20  }
0x1c5: {  	vm4 =	veq.s32 v46, v47;
	v44 =	vsub.f32 v4, v20;
	v45 =	vsub.f32 v5, v20  }
0x1c6: {  	vm5 =	vlt.f32 v22, $-1.000000000e+03;
	v46 =	vsub.f32 v6, v20;
	v48 =	vsub.f32 v7, v20  }
0x1c7: {  	vm6 =	vgt.f32 v22, $-1.000000000e+03;
	v49 =	vsub.f32 v8, v20;
	v50 =	vsub.f32 v23, v20  }
0x1c8: {  	v0 =	vsel vm14, $0x7F7FFFFF, v0;
	v51 =	vsub.f32 v24, v20;
	v52 =	vsub.f32 v25, v20  }
0x1c9: {  	v30 =	vsel vm15, $0x7F7FFFFF, v30;
	v53 =	vsub.f32 v26, v20;
	v54 =	vsub.f32 v27, v20  }
0x1ca: {  	v1 =	vsel vm4, $0x7F7FFFFF, v1;
	v55 =	vsub.f32 v28, v20;
	v56 =	vsub.f32 v0, v20  }
0x1cb: {  	v47 =	vand.u32 $0x7FFFFFF0, v47;
	v57 =	vsub.f32 v30, v20;
	v58 =	vsub.f32 v1, v20  }
0x1cc: {  	v29 =	vand.u32 $0x7FFFFFF0, v29;
	v31 =	vand.u32 $0x7FFFFFF0, v31;
	v32 =	vand.u32 $0x7FFFFFF0, v44  }
0x1cd: {  	v33 =	vand.u32 $0x7FFFFFF0, v45;
	v34 =	vand.u32 $0x7FFFFFF0, v46;
	v35 =	vand.u32 $0x7FFFFFF0, v48  }
0x1ce: {  	v36 =	vand.u32 $0x7FFFFFF0, v49;
	v37 =	vand.u32 $0x7FFFFFF0, v50;
	v38 =	vand.u32 $0x7FFFFFF0, v51  }
0x1cf: {  	v39 =	vand.u32 $0x7FFFFFF0, v52;
	v40 =	vand.u32 $0x7FFFFFF0, v53;
	v41 =	vand.u32 $0x7FFFFFF0, v54  }
0x1d0: {  	v31 =	vor.u32 $0x1, v31;
	v32 =	vor.u32 $0x2, v32;
	v33 =	vor.u32 $0x3, v33  }
0x1d1: {  	v34 =	vor.u32 $0x4, v34;
	v35 =	vor.u32 $0x5, v35;
	v36 =	vor.u32 $0x6, v36  }
0x1d2: {  	v37 =	vor.u32 $0x7, v37;
	v38 =	vor.u32 $0x8, v38;
	v39 =	vor.u32 $0x9, v39  }
0x1d3: {  	v40 =	vor.u32 $0xA, v40;
	v42 =	vand.u32 $0x7FFFFFF0, v55;
	v41 =	vor.u32 $0xB, v41  }
0x1d4: {  	v43 =	vand.u32 $0x7FFFFFF0, v56;
	v44 =	vand.u32 $0x7FFFFFF0, v57;
	v45 =	vand.u32 $0x7FFFFFF0, v58  }
0x1d5: {  	v42 =	vor.u32 $0xC, v42;
	v43 =	vor.u32 $0xD, v43;
	v44 =	vor.u32 $0xE, v44  }
0x1d6: {  	v45 =	vor.u32 $0xF, v45;
	v59 =	vmin.u32 v29, v31;
	v60 =	vmin.u32 v32, v33  }
0x1d7: {  	v61 =	vmin.u32 v34, v35;
	v62 =	vmin.u32 v36, v37;
	v63 =	vmin.u32 v38, v39  }
0x1d8: {  	v56 =	vmin.u32 v40, v41;
	v46 =	vmin.u32 v59, v60;
	v57 =	vmin.u32 v42, v43  }
0x1d9: {  	v49 =	vmin.u32 v61, v62;
	v58 =	vmin.u32 v44, v45;
	v51 =	vmin.u32 v63, v56  }
0x1da: {  	v48 =	vmin.u32 v57, v58;
	v59 =	vmin.u32 v46, v49;
	v46 =	vmul.f32 v47, v47  }
0x1db: {  	vm0 =	vmor vm6, vm5;
	v60 =	vmin.u32 v51, v48  }
0x1dc: {  	v22 =	vmin.u32 v59, v60;
	v46 =	vnsel vm0, $0x0, v46  }
0x1dd: {  	vm7 =	veq.s32 v29, v22;
	vm8 =	veq.s32 v31, v22;
	vm9 =	veq.s32 v32, v22  }
0x1de: {  	vm10 =	veq.s32 v33, v22;
	vm11 =	veq.s32 v34, v22;
	vm12 =	veq.s32 v35, v22  }
0x1df: {  	vm13 =	veq.s32 v36, v22;
	vm14 =	veq.s32 v37, v22;
	vm15 =	veq.s32 v38, v22  }
0x1e0: {  	vm4 =	veq.s32 v39, v22;
	vm5 =	veq.s32 v40, v22;
	vm6 =	veq.s32 v41, v22  }
0x1e1: {  	v21 =	vadd.f32 v46, v21;
	v2 =	vsel vm7, $0x7F7FFFFF, v2;
	v3 =	vsel vm8, $0x7F7FFFFF, v3  }
0x1e2: {  	v29 =	vld.idx.msk [tilespmem:v19+s9+$0x0], $0xffff;
	v4 =	vsel vm9, $0x7F7FFFFF, v4;
	v5 =	vsel vm10, $0x7F7FFFFF, v5;
	v6 =	vsel vm11, $0x7F7FFFFF, v6  }
0x1e3: {  	v7 =	vsel vm12, $0x7F7FFFFF, v7;
	v8 =	vsel vm13, $0x7F7FFFFF, v8;
	v23 =	vsel vm14, $0x7F7FFFFF, v23  }
0x1e4: {  	v19 =	vsel vm15, $0x7F7FFFFF, v24;
	v24 =	vsel vm4, $0x7F7FFFFF, v25;
	v25 =	vsel vm5, $0x7F7FFFFF, v26  }
0x1e5: {  	v26 =	vsel vm6, $0x7F7FFFFF, v27;
	vm7 =	veq.s32 v42, v22;
	vm8 =	veq.s32 v43, v22  }
0x1e6: {  	vm9 =	veq.s32 v44, v22;
	vm10 =	veq.s32 v45, v22;
	v27 =	vsel vm7, $0x7F7FFFFF, v28  }
0x1e7: {  	v28 =	vsel vm9, $0x7F7FFFFF, v30;
	v30 =	vsub.f32 v3, v29;
	v31 =	vsub.f32 v2, v29  }
0x1e8: {  	vm11 =	vlt.f32 v20, $-1.000000000e+03;
	v61 =	vsub.f32 v4, v29;
	v62 =	vsub.f32 v5, v29  }
0x1e9: {  	vm12 =	vgt.f32 v20, $-1.000000000e+03;
	v42 =	vsub.f32 v6, v29;
	v43 =	vsub.f32 v7, v29  }
0x1ea: {  	v22 =	vand.u32 $0x7FFFFFF0, v22;
	v44 =	vsub.f32 v8, v29;
	v45 =	vsub.f32 v23, v29  }
0x1eb: {  	v0 =	vsel vm8, $0x7F7FFFFF, v0;
	v47 =	vsub.f32 v19, v29;
	v48 =	vsub.f32 v24, v29  }
0x1ec: {  	v1 =	vsel vm10, $0x7F7FFFFF, v1;
	v49 =	vsub.f32 v25, v29;
	v50 =	vsub.f32 v26, v29  }
0x1ed: {  	v22 =	vmul.f32 v22, v22;
	v51 =	vsub.f32 v27, v29;
	v52 =	vsub.f32 v0, v29  }
0x1ee: {  	v53 =	vsub.f32 v28, v29;
	v54 =	vsub.f32 v1, v29;
	v30 =	vand.u32 $0x7FFFFFF0, v30  }
0x1ef: {  	v63 =	vand.u32 $0x7FFFFFF0, v31;
	v31 =	vand.u32 $0x7FFFFFF0, v61;
	v41 =	vand.u32 $0x7FFFFFF0, v62  }
0x1f0: {  	v33 =	vand.u32 $0x7FFFFFF0, v42;
	v34 =	vand.u32 $0x7FFFFFF0, v43;
	v35 =	vand.u32 $0x7FFFFFF0, v44  }
0x1f1: {  	v36 =	vand.u32 $0x7FFFFFF0, v45;
	v37 =	vand.u32 $0x7FFFFFF0, v47;
	v38 =	vand.u32 $0x7FFFFFF0, v48  }
0x1f2: {  	v39 =	vand.u32 $0x7FFFFFF0, v49;
	v40 =	vand.u32 $0x7FFFFFF0, v50;
	v42 =	vand.u32 $0x7FFFFFF0, v52  }
0x1f3: {  	v43 =	vand.u32 $0x7FFFFFF0, v53;
	v44 =	vand.u32 $0x7FFFFFF0, v54;
	v30 =	vor.u32 $0x1, v30  }
0x1f4: {  	v31 =	vor.u32 $0x2, v31;
	v32 =	vor.u32 $0x3, v41;
	v33 =	vor.u32 $0x4, v33  }
0x1f5: {  	v34 =	vor.u32 $0x5, v34;
	v35 =	vor.u32 $0x6, v35;
	v36 =	vor.u32 $0x7, v36  }
0x1f6: {  	v37 =	vor.u32 $0x8, v37;
	v38 =	vor.u32 $0x9, v38;
	v39 =	vor.u32 $0xA, v39  }
0x1f7: {  	v40 =	vor.u32 $0xB, v40;
	v41 =	vand.u32 $0x7FFFFFF0, v51;
	v42 =	vor.u32 $0xD, v42  }
0x1f8: {  	v43 =	vor.u32 $0xE, v43;
	v44 =	vor.u32 $0xF, v44;
	v41 =	vor.u32 $0xC, v41  }
0x1f9: {  	v55 =	vmin.u32 v63, v30;
	v56 =	vmin.u32 v31, v32;
	v57 =	vmin.u32 v33, v34  }
0x1fa: {  	v58 =	vmin.u32 v35, v36;
	v59 =	vmin.u32 v37, v38;
	v60 =	vmin.u32 v39, v40  }
0x1fb: {  	v62 =	vmin.u32 v43, v44;
	v45 =	vmin.u32 v55, v56;
	v61 =	vmin.u32 v41, v42  }
0x1fc: {  	v48 =	vmin.u32 v57, v58;
	v47 =	vmin.u32 v59, v60;
	v49 =	vmin.u32 v61, v62  }
0x1fd: {  	vm13 =	vmor vm12, vm11;
	v45 =	vmin.u32 v45, v48;
	v47 =	vmin.u32 v47, v49  }
0x1fe: {  	v22 =	vnsel vm13, $0x0, v22;
	v45 =	vmin.u32 v45, v47  }
0x1ff: {  	v46 =	vadd.f32 v22, v21;
	vm14 =	veq.s32 v63, v45;
	vm15 =	veq.s32 v30, v45  }
0x200: {  	vm4 =	veq.s32 v31, v45;
	vm5 =	veq.s32 v32, v45;
	vm6 =	veq.s32 v33, v45  }
0x201: {  	vm7 =	veq.s32 v34, v45;
	vm8 =	veq.s32 v35, v45;
	vm9 =	veq.s32 v36, v45  }
0x202: {  	vm10 =	veq.s32 v37, v45;
	vm11 =	veq.s32 v38, v45;
	vm12 =	veq.s32 v39, v45  }
0x203: {  	vm13 =	veq.s32 v40, v45;
	v2 =	vsel vm14, $0x7F7FFFFF, v2;
	v3 =	vsel vm15, $0x7F7FFFFF, v3  }
0x204: {  	v32 =	vld.idx.msk [tilespmem:v18+s9+$0x0], $0xffff;
	v4 =	vsel vm4, $0x7F7FFFFF, v4;
	v5 =	vsel vm5, $0x7F7FFFFF, v5;
	v6 =	vsel vm6, $0x7F7FFFFF, v6  }
0x205: {  	v7 =	vsel vm7, $0x7F7FFFFF, v7;
	v8 =	vsel vm8, $0x7F7FFFFF, v8;
	v30 =	vsel vm9, $0x7F7FFFFF, v23  }
0x206: {  	v31 =	vsel vm10, $0x7F7FFFFF, v19;
	v24 =	vsel vm11, $0x7F7FFFFF, v24;
	vm14 =	veq.s32 v41, v45  }
0x207: {  	v18 =	vsel vm12, $0x7F7FFFFF, v25;
	vm15 =	veq.s32 v42, v45;
	vm4 =	veq.s32 v43, v45  }
0x208: {  	vm5 =	veq.s32 v44, v45;
	vm6 =	vlt.f32 v29, $-1.000000000e+03;
	vm7 =	vgt.f32 v29, $-1.000000000e+03  }
0x209: {  	v63 =	vsel vm5, $0x7F7FFFFF, v1;
	v1 =	vsub.f32 v2, v32;
	v41 =	vsub.f32 v3, v32  }
0x20a: {  	v23 =	vsel vm15, $0x7F7FFFFF, v0;
	v42 =	vsub.f32 v4, v32;
	v43 =	vsub.f32 v5, v32  }
0x20b: {  	v21 =	vsel vm4, $0x7F7FFFFF, v28;
	v28 =	vsub.f32 v6, v32;
	v29 =	vsub.f32 v7, v32  }
0x20c: {  	v0 =	vand.u32 $0x7FFFFFF0, v45;
	v44 =	vsub.f32 v8, v32;
	v45 =	vsub.f32 v30, v32  }
0x20d: {  	v19 =	vsel vm13, $0x7F7FFFFF, v26;
	v47 =	vsub.f32 v31, v32;
	v48 =	vsub.f32 v24, v32  }
0x20e: {  	v20 =	vsel vm14, $0x7F7FFFFF, v27;
	v49 =	vsub.f32 v18, v32;
	v50 =	vsub.f32 v19, v32  }
0x20f: {  	v0 =	vmul.f32 v0, v0;
	v51 =	vsub.f32 v20, v32;
	v52 =	vsub.f32 v23, v32  }
0x210: {  	v53 =	vsub.f32 v21, v32;
	v54 =	vsub.f32 v63, v32;
	v1 =	vand.u32 $0x7FFFFFF0, v1  }
0x211: {  	v25 =	vand.u32 $0x7FFFFFF0, v41;
	v26 =	vand.u32 $0x7FFFFFF0, v42;
	v27 =	vand.u32 $0x7FFFFFF0, v43  }
0x212: {  	v28 =	vand.u32 $0x7FFFFFF0, v28;
	v29 =	vand.u32 $0x7FFFFFF0, v29;
	v33 =	vand.u32 $0x7FFFFFF0, v44  }
0x213: {  	v34 =	vand.u32 $0x7FFFFFF0, v45;
	v35 =	vand.u32 $0x7FFFFFF0, v47;
	v36 =	vand.u32 $0x7FFFFFF0, v48  }
0x214: {  	v37 =	vand.u32 $0x7FFFFFF0, v49;
	v38 =	vand.u32 $0x7FFFFFF0, v50;
	v39 =	vand.u32 $0x7FFFFFF0, v51  }
0x215: {  	v40 =	vand.u32 $0x7FFFFFF0, v52;
	v41 =	vand.u32 $0x7FFFFFF0, v53;
	v42 =	vand.u32 $0x7FFFFFF0, v54  }
0x216: {  	v25 =	vor.u32 $0x1, v25;
	v26 =	vor.u32 $0x2, v26;
	v27 =	vor.u32 $0x3, v27  }
0x217: {  	v28 =	vor.u32 $0x4, v28;
	v29 =	vor.u32 $0x5, v29;
	v33 =	vor.u32 $0x6, v33  }
0x218: {  	v34 =	vor.u32 $0x7, v34;
	v35 =	vor.u32 $0x8, v35;
	v36 =	vor.u32 $0x9, v36  }
0x219: {  	v37 =	vor.u32 $0xA, v37;
	v38 =	vor.u32 $0xB, v38;
	v39 =	vor.u32 $0xC, v39  }
0x21a: {  	v40 =	vor.u32 $0xD, v40;
	v41 =	vor.u32 $0xE, v41;
	v42 =	vor.u32 $0xF, v42  }
0x21b: {  	v55 =	vmin.u32 v1, v25;
	v56 =	vmin.u32 v26, v27;
	v57 =	vmin.u32 v28, v29  }
0x21c: {  	v58 =	vmin.u32 v33, v34;
	v59 =	vmin.u32 v35, v36;
	v60 =	vmin.u32 v37, v38  }
0x21d: {  	v61 =	vmin.u32 v39, v40;
	v62 =	vmin.u32 v41, v42;
	v43 =	vmin.u32 v55, v56  }
0x21e: {  	v45 =	vmin.u32 v57, v58;
	v48 =	vmin.u32 v59, v60;
	v44 =	vmin.u32 v61, v62  }
0x21f: {  	vm0 =	vmor vm7, vm6;
	v43 =	vmin.u32 v43, v45;
	v44 =	vmin.u32 v48, v44  }
0x220: {  	v0 =	vnsel vm0, $0x0, v0;
	v43 =	vmin.u32 v43, v44  }
0x221: {  	v0 =	vadd.f32 v0, v46;
	vm0 =	veq.s32 v1, v43  }
0x222: {  	vm1 =	veq.s32 v25, v43;
	vm8 =	veq.s32 v26, v43;
	vm9 =	veq.s32 v27, v43  }
0x223: {  	vm10 =	veq.s32 v28, v43;
	vm11 =	veq.s32 v29, v43;
	vm12 =	veq.s32 v33, v43  }
0x224: {  	v1 =	vld.idx.msk [tilespmem:v17+s9+$0x0], $0xffff;
	vm13 =	veq.s32 v34, v43;
	vm14 =	veq.s32 v35, v43;
	vm15 =	veq.s32 v36, v43  }
0x225: {  	vm4 =	veq.s32 v37, v43;
	vm5 =	veq.s32 v38, v43;
	vm6 =	veq.s32 v39, v43  }
0x226: {  	vm7 =	veq.s32 v40, v43;
	vm2 =	veq.s32 v41, v43;
	vm3 =	veq.s32 v42, v43  }
0x227: {  	v2 =	vsel vm0, $0x7F7FFFFF, v2;
	v3 =	vsel vm1, $0x7F7FFFFF, v3;
	v4 =	vsel vm8, $0x7F7FFFFF, v4  }
0x228: {  	v5 =	vsel vm9, $0x7F7FFFFF, v5;
	vm8 =	vlt.f32 v32, $-1.000000000e+03;
	vm9 =	vgt.f32 v32, $-1.000000000e+03  }
0x229: {  	v17 =	vsel vm15, $0x7F7FFFFF, v24;
	v2 =	vsub.f32 v2, v1;
	v3 =	vsub.f32 v3, v1  }
0x22a: {  	v63 =	vsel vm3, $0x7F7FFFFF, v63;
	v4 =	vsub.f32 v4, v1;
	v5 =	vsub.f32 v5, v1  }
0x22b: {  	v17 =	vsub.f32 v17, v1;
	v2 =	vand.u32 $0x7FFFFFF0, v2;
	v3 =	vand.u32 $0x7FFFFFF0, v3  }
0x22c: {  	v2 =	vmin.u32 v2, v3;
	v3 =	vand.u32 $0x7FFFFFF0, v4;
	v4 =	vand.u32 $0x7FFFFFF0, v5  }
0x22d: {  	v5 =	vsel vm11, $0x7F7FFFFF, v7;
	v3 =	vmin.u32 v3, v4;
	v4 =	vsel vm10, $0x7F7FFFFF, v6  }
0x22e: {  	v6 =	vsel vm12, $0x7F7FFFFF, v8;
	v5 =	vsub.f32 v5, v1;
	v4 =	vsub.f32 v4, v1  }
0x22f: {  	v7 =	vsel vm13, $0x7F7FFFFF, v30;
	v8 =	vsel vm14, $0x7F7FFFFF, v31;
	v6 =	vsub.f32 v6, v1  }
0x230: {  	v7 =	vsub.f32 v7, v1;
	v5 =	vand.u32 $0x7FFFFFF0, v5;
	v4 =	vand.u32 $0x7FFFFFF0, v4  }
0x231: {  	v8 =	vsub.f32 v8, v1;
	v4 =	vmin.u32 v4, v5;
	v5 =	vand.u32 $0x7FFFFFF0, v6  }
0x232: {  	v6 =	vand.u32 $0x7FFFFFF0, v7;
	v7 =	vand.u32 $0x7FFFFFF0, v17;
	v17 =	vsel vm6, $0x7F7FFFFF, v20  }
0x233: {  	v20 =	vsub.f32 v63, v1;
	v5 =	vmin.u32 v5, v6;
	v6 =	vand.u32 $0x7FFFFFF0, v8  }
0x234: {  	v8 =	vsel vm5, $0x7F7FFFFF, v19;
	v6 =	vmin.u32 v6, v7;
	v7 =	vsel vm4, $0x7F7FFFFF, v18  }
0x235: {  	v18 =	vsel vm7, $0x7F7FFFFF, v23;
	v8 =	vsub.f32 v8, v1;
	v7 =	vsub.f32 v7, v1  }
0x236: {  	v19 =	vsel vm2, $0x7F7FFFFF, v21;
	v17 =	vsub.f32 v17, v1;
	v18 =	vsub.f32 v18, v1  }
0x237: {  	v19 =	vsub.f32 v19, v1;
	v8 =	vand.u32 $0x7FFFFFF0, v8;
	v7 =	vand.u32 $0x7FFFFFF0, v7  }
0x238: {  	v7 =	vmin.u32 v7, v8;
	v8 =	vand.u32 $0x7FFFFFF0, v17;
	v17 =	vand.u32 $0x7FFFFFF0, v18  }
0x239: {  	v18 =	vand.u32 $0x7FFFFFF0, v20;
	v8 =	vmin.u32 v8, v17;
	v17 =	vand.u32 $0x7FFFFFF0, v19  }
0x23a: {  	v2 =	vmin.u32 v2, v3;
	v3 =	vmin.u32 v4, v5;
	v17 =	vmin.u32 v17, v18  }
0x23b: {  	v4 =	vmin.u32 v6, v7;
	v6 =	vand.u32 $0x7FFFFFF0, v43;
	v7 =	vmovc v9;
	v5 =	vmin.u32 v8, v17;
	v9 =	vmovc v16;
	v16 =	vld [tilespmem:$0x1FFF0]  }
0x23c: {  	v2 =	vmin.u32 v2, v3;
	v8 =	vld [tilespmem:$0x1FFB0];
	v3 =	vmin.u32 v4, v5;
	v4 =	vmul.f32 v6, v6  }
0x23d: {  	vm0 =	vmor vm9, vm8;
	vm13 =	vlt.f32 v1, $-1.000000000e+03;
	v6 =	vld [tilespmem:$0x1FFA0];
	v2 =	vmin.u32 v2, v3  }
0x23e: {  	p0 =	sne.s32 s13, $0x7F00;
	vm14 =	vgt.f32 v1, $-1.000000000e+03;
	v5 =	vmovc v10;
	v1 =	vnsel vm0, $0x0, v4;
	v2 =	vmul.f32 v2, v2;
	v10 =	vld [tilespmem:$0x1FFC0]  }
.Ltmp0:
0x23f: {  	vm15 =	vmor vm14, vm13;
	v4 =	vld [tilespmem:$0x1FF90];
	v0 =	vadd.f32 v1, v0;
	(pc) =	sbr.rel @p0 .LBB2_3-.Ltmp0, $4  }
0x240: {  	v3 =	vmov v12;
	v12 =	vld [tilespmem:$0x1FFD0];
	v1 =	vnsel vm15, $0x0, v2  }
0x241: {  	v30 =	vadd.f32 v1, v0;
	v1 =	vld [tilespmem:$0x1FF80]  }
0x242: {  	v0 =	vld [tilespmem:$0x1FF70]  }
0x243: {  	s13 =	sadd.s32 $0x100, s13;
	v2 =	vmov v14;
	v14 =	vld [tilespmem:$0x1FFE0]  }
0x244: {  	s12 =	sadd.s32 $0x1, s12  }
0x245: {  	p0 =	sne.s32 s12, $0x8  }
.Ltmp1:
0x246: {  	_ = 	snop;
	(pc) =	sbr.rel @p0 .LBB2_2-.Ltmp1, $1  }
0x247: {  	_ =	sdelay $0x3  }
0x248: {  	s11 =	sadd.s32 $0x1, s11  }
0x249: {  	p0 =	sne.s32 s11, s7  }
.Ltmp2:
0x24a: {  	[tilespmem:$0x10000] =	vst v30;
	(pc) =	sbr.rel @p0 .LBB2_1-.Ltmp2, $4  }
0x24b: {  	[hbm4b:s6+s1] =	stream.linear.scatter [tilespmem:s10], [sflag:$0x1], $0x80, $0x38;
	[tilespmem:$0x10080] =	vst v63  }
0x24c: {  	_ =	swait.ge [sflag:s8], $0x80  }
0x24d: {  	[sflag:s8] =	ssyncset.done $0x0  }
0x24e: {  	[sflag:s8] =	ssyncadd.s32 $0xFFFFFF80  }
0x24f: {  	_ =	sfence.sel $0x180000  }
0x250: {  	[bflag:$0x0] =	sbarrier.arrive $0xFFFF  }
0x251: {  	p0 =	sne.s32 s2, $0x0;
	_ =	strace $0x90000047  }
0x252: {  	s0 =	sadd.s32 @!p0 $0x100000, s0;
	[bflag:$0x2] =	sbarrier.arrive $0xFFFF  }
0x253: {  	[sflag:s0] =	ssyncadd.tile.s32 @!p0 $0x1;
	_ =	shalt  }
.Lfunc_end2:
_tile_overlayer_lowered:
.L_overlay_start_2:
0x254: {  	(tag) =	ssettag $0x2  }
0x255: {  	s0 =	rddreg [dreg:$0x0];
	s2 =	stileid.u32  }
0x256: {  	s1 =	rddreg [dreg:$0x1];
	p0 =	sne.s32 s2, $0x0  }
0x257: {  	s3 =	rddreg [dreg:$0x2];
	[bflag:$0x3] =	sbarrier.arrive $0xFFFF;
	s2 =	simm.s32 @!p0 $0x1C01  }
0x258: {  	[timem:s3], [sflag:s2] =	dma.local @!p0 [hbm:s0], s1  }
0x259: {  	s0 =	simm.s32 @!p0 $0x1  }
0x25a: {  	_ =	swait.ge @!p0 [sflag:s0], s1  }
0x25b: {  	s1 =	ssub.s32 @!p0 $0x0, s1;
	[sflag:s0] =	ssyncset.done @!p0 $0x0  }
0x25c: {  	[sflag:s0] =	ssyncadd.s32 @!p0 s1  }
0x25d: {  	[bflag:$0x3] =	sbarrier.arrive $0xFFFF  }
0x25e: {  	_ =	shalt  }

</sc_bundles>
